<compile_context>
chip_gen: v7x
topology: tpu7x:2x2x1
jax: 0.10.2.dev20260603
libtpu: 0.0.44.dev20260713+nightly
codegen_flags: <defaults>
</compile_context>

<pallas_src>
import functools

import jax
import jax.numpy as jnp
from jax import lax
from jax.experimental import pallas as pl
from jax.experimental.pallas import tpu as pltpu
from jax.experimental.pallas import tpu_sc as plsc

NUM_FIELDS = 26
VOCAB = 100000
EMB_DIM = 16
EPS = 1e-5
NGRP_F = 4
D_PAD = NGRP_F * 128



_TCHUNK = 16384


def _transpose_body(g, x_ref, o_ref):
    x = x_ref[...]
    if g == NGRP_F - 1:
        row = lax.broadcasted_iota(jnp.int32, x.shape, 0)
        x = jnp.where(row < (NUM_FIELDS * EMB_DIM - 128 * g), x, 0.0)
    o_ref[...] = jnp.transpose(x)


def _table_group(t416, g):
    ncol = (VOCAB + _TCHUNK - 1) // _TCHUNK
    return pl.pallas_call(
        functools.partial(_transpose_body, g),
        grid=(ncol,),
        in_specs=[pl.BlockSpec((128, _TCHUNK), lambda c: (g, c))],
        out_specs=pl.BlockSpec((_TCHUNK, 128), lambda c: (c, 0)),
        out_shape=jax.ShapeDtypeStruct((VOCAB, 128), jnp.float32),
    )(t416)



def _make_sc_gather(total_rows: int):
    num_cores, num_subcores = 2, 16
    nw = num_cores * num_subcores
    rows_per_w = total_rows // nw
    n_idx_rows = rows_per_w // 128
    GPER = 8
    NGRP = n_idx_rows // GPER
    GROWS = GPER * 128

    mesh = plsc.VectorSubcoreMesh(core_axis_name="c", subcore_axis_name="s",
                                  num_cores=num_cores,
                                  num_subcores=num_subcores)

    @functools.partial(
        pl.kernel,
        mesh=mesh,
        out_type=jax.ShapeDtypeStruct((total_rows, EMB_DIM), jnp.float32),
        scratch_types=[
            pltpu.VMEM((n_idx_rows, 128), jnp.int32),
            pltpu.VMEM((GROWS, EMB_DIM), jnp.float32),
            pltpu.SemaphoreType.DMA,
        ],
        compiler_params=pltpu.CompilerParams(use_tc_tiling_on_sc=False),
    )
    def gather_kernel(table_hbm, idx_hbm, out_hbm, idx_v, rows_v, sem):
        wid = lax.axis_index("s") * num_cores + lax.axis_index("c")
        idx_base = wid * n_idx_rows
        out_base = wid * rows_per_w
        pltpu.sync_copy(idx_hbm.at[pl.ds(idx_base, n_idx_rows)], idx_v)

        def group(g):
            handles = []
            for j in range(GPER):
                handles.append(pltpu.async_copy(
                    table_hbm.at[idx_v.at[g * GPER + j]],
                    rows_v.at[pl.ds(j * 128, 128)],
                    sem))
            for h in handles:
                h.wait()
            pltpu.sync_copy(rows_v, out_hbm.at[pl.ds(out_base + g * GROWS, GROWS)])

        lax.fori_loop(0, NGRP, lambda g, _: (group(g), 0)[1], 0)

    return gather_kernel



def _stats_body(nb, x0_ref, x1_ref, x2_ref, x3_ref, o_ref, acc):
    i = pl.program_id(0)

    @pl.when(i == 0)
    def _():
        acc[...] = jnp.zeros_like(acc)

    x = jnp.concatenate(
        [x0_ref[...], x1_ref[...], x2_ref[...], x3_ref[...]], axis=1)
    s = jnp.sum(x, axis=0, keepdims=True)
    q = jnp.sum(x * x, axis=0, keepdims=True)
    acc[...] += jnp.concatenate([s, q], axis=0)

    @pl.when(i == nb - 1)
    def _():
        o_ref[...] = acc[...]


def _column_stats4(xs, blk):
    b = xs[0].shape[0]
    nb = b // blk
    return pl.pallas_call(
        functools.partial(_stats_body, nb),
        grid=(nb,),
        in_specs=[pl.BlockSpec((blk, 128), lambda i: (i, 0))] * NGRP_F,
        out_specs=pl.BlockSpec((2, D_PAD), lambda i: (0, 0)),
        out_shape=jax.ShapeDtypeStruct((2, D_PAD), jnp.float32),
        scratch_shapes=[pltpu.VMEM((2, D_PAD), jnp.float32)],
    )(*xs)


def _layer1_body(nb, inv_b, x0_ref, x1_ref, x2_ref, x3_ref, st_ref, g_ref,
                 b_ref, w_ref, bias_ref, h_ref, ost_ref, acc):
    i = pl.program_id(0)
    mu = st_ref[0:1, :] * inv_b
    var = st_ref[1:2, :] * inv_b - mu * mu
    s = g_ref[...] * lax.rsqrt(var + EPS)
    t = b_ref[...] - mu * s
    x = jnp.concatenate(
        [x0_ref[...], x1_ref[...], x2_ref[...], x3_ref[...]], axis=1)
    xn = x * s + t
    h = jnp.dot(xn, w_ref[...], preferred_element_type=jnp.float32)
    h = jnp.maximum(h + bias_ref[...], 0.0)
    h_ref[...] = h

    @pl.when(i == 0)
    def _():
        acc[...] = jnp.zeros_like(acc)

    hs = jnp.sum(h, axis=0, keepdims=True)
    hq = jnp.sum(h * h, axis=0, keepdims=True)
    acc[...] += jnp.concatenate([hs, hq], axis=0)

    @pl.when(i == nb - 1)
    def _():
        ost_ref[...] = acc[...]


def _layer1(xs, stats, g, b, w, bias, blk):
    bsz = xs[0].shape[0]
    dout = w.shape[1]
    nb = bsz // blk
    return pl.pallas_call(
        functools.partial(_layer1_body, nb, 1.0 / bsz),
        grid=(nb,),
        in_specs=[pl.BlockSpec((blk, 128), lambda i: (i, 0))] * NGRP_F + [
            pl.BlockSpec((2, D_PAD), lambda i: (0, 0)),
            pl.BlockSpec((1, D_PAD), lambda i: (0, 0)),
            pl.BlockSpec((1, D_PAD), lambda i: (0, 0)),
            pl.BlockSpec((D_PAD, dout), lambda i: (0, 0)),
            pl.BlockSpec((1, dout), lambda i: (0, 0)),
        ],
        out_specs=[
            pl.BlockSpec((blk, dout), lambda i: (i, 0)),
            pl.BlockSpec((2, dout), lambda i: (0, 0)),
        ],
        out_shape=[
            jax.ShapeDtypeStruct((bsz, dout), jnp.float32),
            jax.ShapeDtypeStruct((2, dout), jnp.float32),
        ],
        scratch_shapes=[pltpu.VMEM((2, dout), jnp.float32)],
    )(*xs, stats, g, b, w, bias)


def _layer_body(nb, inv_b, x_ref, st_ref, g_ref, b_ref, w_ref, bias_ref,
                h_ref, ost_ref, acc):
    i = pl.program_id(0)
    mu = st_ref[0:1, :] * inv_b
    var = st_ref[1:2, :] * inv_b - mu * mu
    s = g_ref[...] * lax.rsqrt(var + EPS)
    t = b_ref[...] - mu * s
    xn = x_ref[...] * s + t
    h = jnp.dot(xn, w_ref[...], preferred_element_type=jnp.float32)
    h = jnp.maximum(h + bias_ref[...], 0.0)
    h_ref[...] = h

    @pl.when(i == 0)
    def _():
        acc[...] = jnp.zeros_like(acc)

    hs = jnp.sum(h, axis=0, keepdims=True)
    hq = jnp.sum(h * h, axis=0, keepdims=True)
    acc[...] += jnp.concatenate([hs, hq], axis=0)

    @pl.when(i == nb - 1)
    def _():
        ost_ref[...] = acc[...]


def _norm_layer(x, stats, g, b, w, bias, blk):
    bsz, din = x.shape
    dout = w.shape[1]
    nb = bsz // blk
    return pl.pallas_call(
        functools.partial(_layer_body, nb, 1.0 / bsz),
        grid=(nb,),
        in_specs=[
            pl.BlockSpec((blk, din), lambda i: (i, 0)),
            pl.BlockSpec((2, din), lambda i: (0, 0)),
            pl.BlockSpec((1, din), lambda i: (0, 0)),
            pl.BlockSpec((1, din), lambda i: (0, 0)),
            pl.BlockSpec((din, dout), lambda i: (0, 0)),
            pl.BlockSpec((1, dout), lambda i: (0, 0)),
        ],
        out_specs=[
            pl.BlockSpec((blk, dout), lambda i: (i, 0)),
            pl.BlockSpec((2, dout), lambda i: (0, 0)),
        ],
        out_shape=[
            jax.ShapeDtypeStruct((bsz, dout), jnp.float32),
            jax.ShapeDtypeStruct((2, dout), jnp.float32),
        ],
        scratch_shapes=[pltpu.VMEM((2, dout), jnp.float32)],
    )(x, stats, g.reshape(1, din), b.reshape(1, din), w, bias.reshape(1, dout))


def _final_body(inv_b, x_ref, st_ref, g_ref, b_ref, w_ref, bias_ref, o_ref):
    mu = st_ref[0:1, :] * inv_b
    var = st_ref[1:2, :] * inv_b - mu * mu
    s = g_ref[...] * lax.rsqrt(var + EPS)
    t = b_ref[...] - mu * s
    xn = x_ref[...] * s + t
    z = jnp.sum(xn * w_ref[...], axis=1, keepdims=True) + bias_ref[0, 0]
    o_ref[...] = jax.nn.sigmoid(z)


def _final_layer(x, stats, g, b, w3, b3, blk):
    bsz, din = x.shape
    nb = bsz // blk
    return pl.pallas_call(
        functools.partial(_final_body, 1.0 / bsz),
        grid=(nb,),
        in_specs=[
            pl.BlockSpec((blk, din), lambda i: (i, 0)),
            pl.BlockSpec((2, din), lambda i: (0, 0)),
            pl.BlockSpec((1, din), lambda i: (0, 0)),
            pl.BlockSpec((1, din), lambda i: (0, 0)),
            pl.BlockSpec((1, din), lambda i: (0, 0)),
            pl.BlockSpec((1, 1), lambda i: (0, 0)),
        ],
        out_specs=pl.BlockSpec((blk, 1), lambda i: (i, 0)),
        out_shape=jax.ShapeDtypeStruct((bsz, 1), jnp.float32),
    )(x, stats, g.reshape(1, din), b.reshape(1, din),
      w3.reshape(1, din), b3.reshape(1, 1))



def kernel(x_cat, tables, W1, b1, W2, b2, W3, b3,
           bn0_g, bn0_b, bn1_g, bn1_b, bn2_g, bn2_b):
    bsz = x_cat.shape[0]

    t416 = tables.transpose(0, 2, 1).reshape(NUM_FIELDS * EMB_DIM, VOCAB)

    xc = x_cat.astype(jnp.int32)
    ndum = NGRP_F * 8 - NUM_FIELDS
    dum = jnp.broadcast_to(
        (jnp.arange(bsz, dtype=jnp.int32) * 7919) % VOCAB, (ndum, bsz)).T
    xc_pad = jnp.concatenate([xc, dum], axis=1)
    fl = jnp.arange(NGRP_F * 8, dtype=jnp.int32)[None, :] % 8
    idx_all = xc_pad * 8 + fl

    gather = _make_sc_gather(bsz * 8)
    xs = []
    for g in range(NGRP_F):
        tg = _table_group(t416, g).reshape(VOCAB * 8, EMB_DIM)
        idx_g = idx_all[:, 8 * g:8 * (g + 1)].reshape(bsz * 8 // 128, 128)
        rows = gather(tg, idx_g)
        xs.append(rows.reshape(bsz, 128))

    dpadc = D_PAD - NUM_FIELDS * EMB_DIM
    g0 = jnp.concatenate([bn0_g, jnp.zeros((dpadc,), jnp.float32)])
    b0 = jnp.concatenate([bn0_b, jnp.zeros((dpadc,), jnp.float32)])
    w1 = jnp.concatenate(
        [W1, jnp.zeros((dpadc, W1.shape[1]), jnp.float32)], axis=0)

    blk = 4096
    st0 = _column_stats4(xs, blk)
    h1, st1 = _layer1(xs, st0, g0.reshape(1, D_PAD), b0.reshape(1, D_PAD),
                      w1, b1.reshape(1, -1), blk)
    h2, st2 = _norm_layer(h1, st1, bn1_g, bn1_b, W2, b2, blk)
    out = _final_layer(h2, st2, bn2_g, bn2_b, W3, b3, blk)
    return out.reshape(bsz)

# --- scband reference (transcript-rebuilt; emitter-appended) ---
"""Pipeline reference for scband-ctrnet-44796508897907 (READ-ONLY COPY).

The authoritative reference and input builder live on the scoring server;
editing this copy changes nothing except your own understanding.
"""

import jax, jax.numpy as jnp
import numpy as np

NUM_FIELDS = 26
VOCAB = 100000
EMB_DIM = 16
BATCH = 16384
EPS = 1e-5


def _batchnorm(x, g, b):
    mu = jnp.mean(x, axis=0)
    var = jnp.var(x, axis=0)
    return (x - mu) / jnp.sqrt(var + EPS) * g + b


def setup_inputs(seed: int = 0) -> dict:
    key = jax.random.key(seed)
    ks = jax.random.split(key, 12)
    x_cat = jax.random.randint(ks[0], (BATCH, NUM_FIELDS), 0, VOCAB, dtype=jnp.int64 if jax.config.jax_enable_x64 else jnp.int32)
    D_in = NUM_FIELDS * EMB_DIM  # 416
    tables = jax.random.normal(ks[1], (NUM_FIELDS, VOCAB, EMB_DIM), dtype=jnp.float32)
    W1 = jax.random.normal(ks[2], (D_in, 256), dtype=jnp.float32) * (1.0 / np.sqrt(D_in))
    b1 = jnp.zeros((256,), dtype=jnp.float32)
    W2 = jax.random.normal(ks[3], (256, 128), dtype=jnp.float32) * (1.0 / np.sqrt(256))
    b2 = jnp.zeros((128,), dtype=jnp.float32)
    W3 = jax.random.normal(ks[4], (128, 1), dtype=jnp.float32) * (1.0 / np.sqrt(128))
    b3 = jnp.zeros((1,), dtype=jnp.float32)
    bn0_g = jnp.ones((D_in,), dtype=jnp.float32)
    bn0_b = jnp.zeros((D_in,), dtype=jnp.float32)
    bn1_g = jnp.ones((256,), dtype=jnp.float32)
    bn1_b = jnp.zeros((256,), dtype=jnp.float32)
    bn2_g = jnp.ones((128,), dtype=jnp.float32)
    bn2_b = jnp.zeros((128,), dtype=jnp.float32)
    return {"x_cat": x_cat, "tables": tables, "W1": W1, "b1": b1, "W2": W2, "b2": b2,
            "W3": W3, "b3": b3, "bn0_g": bn0_g, "bn0_b": bn0_b, "bn1_g": bn1_g,
            "bn1_b": bn1_b, "bn2_g": bn2_g, "bn2_b": bn2_b}


def reference(x_cat, tables, W1, b1, W2, b2, W3, b3,
              bn0_g, bn0_b, bn1_g, bn1_b, bn2_g, bn2_b):
    # per-field embedding lookup: tables[f][x_cat[:, f]] for each field, concatenated
    field_idx = jnp.arange(NUM_FIELDS)[None, :]  # [1, F]
    embs = tables[field_idx, x_cat]              # [B, F, D] gather
    x = embs.reshape(x_cat.shape[0], NUM_FIELDS * EMB_DIM)
    x = _batchnorm(x, bn0_g, bn0_b)
    x = jnp.maximum(x @ W1 + b1, 0.0)
    x = _batchnorm(x, bn1_g, bn1_b)
    # dropout is identity in eval / deterministic reference
    x = jnp.maximum(x @ W2 + b2, 0.0)
    x = _batchnorm(x, bn2_g, bn2_b)
    x = jax.nn.sigmoid(x @ W3 + b3)
    return jnp.squeeze(x, axis=-1)

if __name__ == "__main__":
    import jax
    _d = setup_inputs()
    print(jax.jit(kernel)(*tuple(_d.values())))

</pallas_src>

<mosaic_0001>
#map = affine_map<(d0, d1) -> (0, 0)>
module attributes {stable_mosaic.version = 14 : i64} {
  func.func @gather_kernel(%arg0: i32, %arg1: i32, %arg2: memref<800000x16xf32, #tpu.memory_space<hbm>>, %arg3: memref<1024x128xi32, #tpu.memory_space<hbm>>, %arg4: memref<131072x16xf32, #tpu.memory_space<hbm>>, %arg5: memref<32x128xi32, #tpu.memory_space<vmem>>, %arg6: memref<1024x16xf32, #tpu.memory_space<vmem>>, %arg7: memref<!tpu.dma_semaphore, #tpu.memory_space<semaphore_mem>>) attributes {dimension_semantics = [#tpu.dimension_semantics<core_parallel>, #tpu.dimension_semantics<subcore_parallel>], iteration_bounds = array<i64: 2, 16>, scalar_prefetch = 0 : i64, scratch_operands = 3 : i64, tpu.core_type = #tpu.core_type<sc_vector_subcore>, window_params = [{transform_indices = #map}, {transform_indices = #map}, {transform_indices = #map}]} {
    %mul3A = arith.constant 2 : i32
    %mul3A_0 = arith.muli %arg1, %mul3A : i32
    %add3A = arith.addi %mul3A_0, %arg0 : i32
    %mul3A_1 = arith.constant 32 : i32
    %mul3A_2 = arith.muli %add3A, %mul3A_1 : i32
    %mul3A_3 = arith.constant 4096 : i32
    %mul3A_4 = arith.muli %add3A, %mul3A_3 : i32
    "tpu.region"() ({
      %run_scoped3A = tpu.sem_alloc : memref<!tpu.dma_semaphore, #tpu.memory_space<semaphore_mem>>
      %dma_start3A = arith.constant 0 : i32
      %dma_start3A_11 = tpu.memref_slice %arg3[%mul3A_2, %dma_start3A] : memref<1024x128xi32, #tpu.memory_space<hbm>> -> memref<32x128xi32, #tpu.memory_space<hbm>>
      %dma_start3A_12 = arith.constant 0 : i32
      %dma_start3A_13 = tpu.memref_slice %arg3[%mul3A_2, %dma_start3A_12] : memref<1024x128xi32, #tpu.memory_space<hbm>> -> memref<32x128xi32, #tpu.memory_space<hbm>>
      tpu.enqueue_dma source(%dma_start3A_13 : memref<32x128xi32, #tpu.memory_space<hbm>>) target(%arg5 : memref<32x128xi32, #tpu.memory_space<vmem>>) target_semaphore(%run_scoped3A : memref<!tpu.dma_semaphore, #tpu.memory_space<semaphore_mem>>)
      %dma_wait3A = arith.constant 0 : i32
      %dma_wait3A_14 = tpu.memref_slice %arg3[%mul3A_2, %dma_wait3A] : memref<1024x128xi32, #tpu.memory_space<hbm>> -> memref<32x128xi32, #tpu.memory_space<hbm>>
      %dma_wait3A_15 = arith.constant 0 : i32
      %dma_wait3A_16 = tpu.memref_slice %arg3[%mul3A_2, %dma_wait3A_15] : memref<1024x128xi32, #tpu.memory_space<hbm>> -> memref<32x128xi32, #tpu.memory_space<hbm>>
      tpu.wait_dma2 semaphore(%run_scoped3A : memref<!tpu.dma_semaphore, #tpu.memory_space<semaphore_mem>>) src(%dma_wait3A_16 : memref<32x128xi32, #tpu.memory_space<hbm>>) dst(%arg5 : memref<32x128xi32, #tpu.memory_space<vmem>>)
      tpu.yield
    }) : () -> ()
    %scan3A = arith.constant 0 : i32
    %scan3A_5 = arith.constant 0 : i32
    %scan3A_6 = arith.constant 4 : i32
    %scan3A_7 = arith.addi %scan3A_5, %scan3A_6 : i32
    %scan3A_8 = arith.constant 1 : i32
    %scan3A_9 = scf.for %scan3A_11 = %scan3A_5 to %scan3A_7 step %scan3A_8 iter_args(%scan3A_12 = %scan3A) -> (i32)  : i32 {
      %mul3A_13 = arith.constant 8 : i32
      %mul3A_14 = arith.muli %scan3A_11, %mul3A_13 : i32
      %add3A_15 = arith.constant 0 : i32
      %add3A_16 = arith.addi %mul3A_14, %add3A_15 : i32
      %dma_start3A = arith.constant 0 : i32
      %dma_start3A_17 = arith.constant 0 : i32
      %dma_start3A_18 = tpu.memref_slice %arg6[%dma_start3A, %dma_start3A_17] : memref<1024x16xf32, #tpu.memory_space<vmem>> -> memref<128x16xf32, #tpu.memory_space<vmem>>
      %dma_start3A_19 = arith.constant 0 : i32
      %dma_start3A_20 = tpu.memref_slice %arg5[%add3A_16, %dma_start3A_19] : memref<32x128xi32, #tpu.memory_space<vmem>> -> memref<1x128xi32, #tpu.memory_space<vmem>>
      %dma_start3A_21 = tpu.memref_squeeze %dma_start3A_20 : memref<1x128xi32, #tpu.memory_space<vmem>> -> memref<128xi32, #tpu.memory_space<vmem>>
      %dma_start3A_22 = arith.constant 0 : i32
      %dma_start3A_23 = arith.constant 0 : i32
      %dma_start3A_24 = tpu.memref_slice %arg2[%dma_start3A_22, %dma_start3A_23] : memref<800000x16xf32, #tpu.memory_space<hbm>> -> memref<800000x16xf32, #tpu.memory_space<hbm>>
      tpu.enqueue_indirect_dma source(%dma_start3A_24 : memref<800000x16xf32, #tpu.memory_space<hbm>>) target(%dma_start3A_18 : memref<128x16xf32, #tpu.memory_space<vmem>>) offsets(%dma_start3A_21 : memref<128xi32, #tpu.memory_space<vmem>>) semaphore(%arg7 : memref<!tpu.dma_semaphore, #tpu.memory_space<semaphore_mem>>)
      %mul3A_25 = arith.constant 8 : i32
      %mul3A_26 = arith.muli %scan3A_11, %mul3A_25 : i32
      %add3A_27 = arith.constant 1 : i32
      %add3A_28 = arith.addi %mul3A_26, %add3A_27 : i32
      %dma_start3A_29 = arith.constant 128 : i32
      %dma_start3A_30 = arith.constant 0 : i32
      %dma_start3A_31 = tpu.memref_slice %arg6[%dma_start3A_29, %dma_start3A_30] : memref<1024x16xf32, #tpu.memory_space<vmem>> -> memref<128x16xf32, #tpu.memory_space<vmem>>
      %dma_start3A_32 = arith.constant 0 : i32
      %dma_start3A_33 = tpu.memref_slice %arg5[%add3A_28, %dma_start3A_32] : memref<32x128xi32, #tpu.memory_space<vmem>> -> memref<1x128xi32, #tpu.memory_space<vmem>>
      %dma_start3A_34 = tpu.memref_squeeze %dma_start3A_33 : memref<1x128xi32, #tpu.memory_space<vmem>> -> memref<128xi32, #tpu.memory_space<vmem>>
      %dma_start3A_35 = arith.constant 0 : i32
      %dma_start3A_36 = arith.constant 0 : i32
      %dma_start3A_37 = tpu.memref_slice %arg2[%dma_start3A_35, %dma_start3A_36] : memref<800000x16xf32, #tpu.memory_space<hbm>> -> memref<800000x16xf32, #tpu.memory_space<hbm>>
      tpu.enqueue_indirect_dma source(%dma_start3A_37 : memref<800000x16xf32, #tpu.memory_space<hbm>>) target(%dma_start3A_31 : memref<128x16xf32, #tpu.memory_space<vmem>>) offsets(%dma_start3A_34 : memref<128xi32, #tpu.memory_space<vmem>>) semaphore(%arg7 : memref<!tpu.dma_semaphore, #tpu.memory_space<semaphore_mem>>)
      %mul3A_38 = arith.constant 8 : i32
      %mul3A_39 = arith.muli %scan3A_11, %mul3A_38 : i32
      %add3A_40 = arith.constant 2 : i32
      %add3A_41 = arith.addi %mul3A_39, %add3A_40 : i32
      %dma_start3A_42 = arith.constant 256 : i32
      %dma_start3A_43 = arith.constant 0 : i32
      %dma_start3A_44 = tpu.memref_slice %arg6[%dma_start3A_42, %dma_start3A_43] : memref<1024x16xf32, #tpu.memory_space<vmem>> -> memref<128x16xf32, #tpu.memory_space<vmem>>
      %dma_start3A_45 = arith.constant 0 : i32
      %dma_start3A_46 = tpu.memref_slice %arg5[%add3A_41, %dma_start3A_45] : memref<32x128xi32, #tpu.memory_space<vmem>> -> memref<1x128xi32, #tpu.memory_space<vmem>>
      %dma_start3A_47 = tpu.memref_squeeze %dma_start3A_46 : memref<1x128xi32, #tpu.memory_space<vmem>> -> memref<128xi32, #tpu.memory_space<vmem>>
      %dma_start3A_48 = arith.constant 0 : i32
      %dma_start3A_49 = arith.constant 0 : i32
      %dma_start3A_50 = tpu.memref_slice %arg2[%dma_start3A_48, %dma_start3A_49] : memref<800000x16xf32, #tpu.memory_space<hbm>> -> memref<800000x16xf32, #tpu.memory_space<hbm>>
      tpu.enqueue_indirect_dma source(%dma_start3A_50 : memref<800000x16xf32, #tpu.memory_space<hbm>>) target(%dma_start3A_44 : memref<128x16xf32, #tpu.memory_space<vmem>>) offsets(%dma_start3A_47 : memref<128xi32, #tpu.memory_space<vmem>>) semaphore(%arg7 : memref<!tpu.dma_semaphore, #tpu.memory_space<semaphore_mem>>)
      %mul3A_51 = arith.constant 8 : i32
      %mul3A_52 = arith.muli %scan3A_11, %mul3A_51 : i32
      %add3A_53 = arith.constant 3 : i32
      %add3A_54 = arith.addi %mul3A_52, %add3A_53 : i32
      %dma_start3A_55 = arith.constant 384 : i32
      %dma_start3A_56 = arith.constant 0 : i32
      %dma_start3A_57 = tpu.memref_slice %arg6[%dma_start3A_55, %dma_start3A_56] : memref<1024x16xf32, #tpu.memory_space<vmem>> -> memref<128x16xf32, #tpu.memory_space<vmem>>
      %dma_start3A_58 = arith.constant 0 : i32
      %dma_start3A_59 = tpu.memref_slice %arg5[%add3A_54, %dma_start3A_58] : memref<32x128xi32, #tpu.memory_space<vmem>> -> memref<1x128xi32, #tpu.memory_space<vmem>>
      %dma_start3A_60 = tpu.memref_squeeze %dma_start3A_59 : memref<1x128xi32, #tpu.memory_space<vmem>> -> memref<128xi32, #tpu.memory_space<vmem>>
      %dma_start3A_61 = arith.constant 0 : i32
      %dma_start3A_62 = arith.constant 0 : i32
      %dma_start3A_63 = tpu.memref_slice %arg2[%dma_start3A_61, %dma_start3A_62] : memref<800000x16xf32, #tpu.memory_space<hbm>> -> memref<800000x16xf32, #tpu.memory_space<hbm>>
      tpu.enqueue_indirect_dma source(%dma_start3A_63 : memref<800000x16xf32, #tpu.memory_space<hbm>>) target(%dma_start3A_57 : memref<128x16xf32, #tpu.memory_space<vmem>>) offsets(%dma_start3A_60 : memref<128xi32, #tpu.memory_space<vmem>>) semaphore(%arg7 : memref<!tpu.dma_semaphore, #tpu.memory_space<semaphore_mem>>)
      %mul3A_64 = arith.constant 8 : i32
      %mul3A_65 = arith.muli %scan3A_11, %mul3A_64 : i32
      %add3A_66 = arith.constant 4 : i32
      %add3A_67 = arith.addi %mul3A_65, %add3A_66 : i32
      %dma_start3A_68 = arith.constant 512 : i32
      %dma_start3A_69 = arith.constant 0 : i32
      %dma_start3A_70 = tpu.memref_slice %arg6[%dma_start3A_68, %dma_start3A_69] : memref<1024x16xf32, #tpu.memory_space<vmem>> -> memref<128x16xf32, #tpu.memory_space<vmem>>
      %dma_start3A_71 = arith.constant 0 : i32
      %dma_start3A_72 = tpu.memref_slice %arg5[%add3A_67, %dma_start3A_71] : memref<32x128xi32, #tpu.memory_space<vmem>> -> memref<1x128xi32, #tpu.memory_space<vmem>>
      %dma_start3A_73 = tpu.memref_squeeze %dma_start3A_72 : memref<1x128xi32, #tpu.memory_space<vmem>> -> memref<128xi32, #tpu.memory_space<vmem>>
      %dma_start3A_74 = arith.constant 0 : i32
      %dma_start3A_75 = arith.constant 0 : i32
      %dma_start3A_76 = tpu.memref_slice %arg2[%dma_start3A_74, %dma_start3A_75] : memref<800000x16xf32, #tpu.memory_space<hbm>> -> memref<800000x16xf32, #tpu.memory_space<hbm>>
      tpu.enqueue_indirect_dma source(%dma_start3A_76 : memref<800000x16xf32, #tpu.memory_space<hbm>>) target(%dma_start3A_70 : memref<128x16xf32, #tpu.memory_space<vmem>>) offsets(%dma_start3A_73 : memref<128xi32, #tpu.memory_space<vmem>>) semaphore(%arg7 : memref<!tpu.dma_semaphore, #tpu.memory_space<semaphore_mem>>)
      %mul3A_77 = arith.constant 8 : i32
      %mul3A_78 = arith.muli %scan3A_11, %mul3A_77 : i32
      %add3A_79 = arith.constant 5 : i32
      %add3A_80 = arith.addi %mul3A_78, %add3A_79 : i32
      %dma_start3A_81 = arith.constant 640 : i32
      %dma_start3A_82 = arith.constant 0 : i32
      %dma_start3A_83 = tpu.memref_slice %arg6[%dma_start3A_81, %dma_start3A_82] : memref<1024x16xf32, #tpu.memory_space<vmem>> -> memref<128x16xf32, #tpu.memory_space<vmem>>
      %dma_start3A_84 = arith.constant 0 : i32
      %dma_start3A_85 = tpu.memref_slice %arg5[%add3A_80, %dma_start3A_84] : memref<32x128xi32, #tpu.memory_space<vmem>> -> memref<1x128xi32, #tpu.memory_space<vmem>>
      %dma_start3A_86 = tpu.memref_squeeze %dma_start3A_85 : memref<1x128xi32, #tpu.memory_space<vmem>> -> memref<128xi32, #tpu.memory_space<vmem>>
      %dma_start3A_87 = arith.constant 0 : i32
      %dma_start3A_88 = arith.constant 0 : i32
      %dma_start3A_89 = tpu.memref_slice %arg2[%dma_start3A_87, %dma_start3A_88] : memref<800000x16xf32, #tpu.memory_space<hbm>> -> memref<800000x16xf32, #tpu.memory_space<hbm>>
      tpu.enqueue_indirect_dma source(%dma_start3A_89 : memref<800000x16xf32, #tpu.memory_space<hbm>>) target(%dma_start3A_83 : memref<128x16xf32, #tpu.memory_space<vmem>>) offsets(%dma_start3A_86 : memref<128xi32, #tpu.memory_space<vmem>>) semaphore(%arg7 : memref<!tpu.dma_semaphore, #tpu.memory_space<semaphore_mem>>)
      %mul3A_90 = arith.constant 8 : i32
      %mul3A_91 = arith.muli %scan3A_11, %mul3A_90 : i32
      %add3A_92 = arith.constant 6 : i32
      %add3A_93 = arith.addi %mul3A_91, %add3A_92 : i32
      %dma_start3A_94 = arith.constant 768 : i32
      %dma_start3A_95 = arith.constant 0 : i32
      %dma_start3A_96 = tpu.memref_slice %arg6[%dma_start3A_94, %dma_start3A_95] : memref<1024x16xf32, #tpu.memory_space<vmem>> -> memref<128x16xf32, #tpu.memory_space<vmem>>
      %dma_start3A_97 = arith.constant 0 : i32
      %dma_start3A_98 = tpu.memref_slice %arg5[%add3A_93, %dma_start3A_97] : memref<32x128xi32, #tpu.memory_space<vmem>> -> memref<1x128xi32, #tpu.memory_space<vmem>>
      %dma_start3A_99 = tpu.memref_squeeze %dma_start3A_98 : memref<1x128xi32, #tpu.memory_space<vmem>> -> memref<128xi32, #tpu.memory_space<vmem>>
      %dma_start3A_100 = arith.constant 0 : i32
      %dma_start3A_101 = arith.constant 0 : i32
      %dma_start3A_102 = tpu.memref_slice %arg2[%dma_start3A_100, %dma_start3A_101] : memref<800000x16xf32, #tpu.memory_space<hbm>> -> memref<800000x16xf32, #tpu.memory_space<hbm>>
      tpu.enqueue_indirect_dma source(%dma_start3A_102 : memref<800000x16xf32, #tpu.memory_space<hbm>>) target(%dma_start3A_96 : memref<128x16xf32, #tpu.memory_space<vmem>>) offsets(%dma_start3A_99 : memref<128xi32, #tpu.memory_space<vmem>>) semaphore(%arg7 : memref<!tpu.dma_semaphore, #tpu.memory_space<semaphore_mem>>)
      %mul3A_103 = arith.constant 8 : i32
      %mul3A_104 = arith.muli %scan3A_11, %mul3A_103 : i32
      %add3A_105 = arith.constant 7 : i32
      %add3A_106 = arith.addi %mul3A_104, %add3A_105 : i32
      %dma_start3A_107 = arith.constant 896 : i32
      %dma_start3A_108 = arith.constant 0 : i32
      %dma_start3A_109 = tpu.memref_slice %arg6[%dma_start3A_107, %dma_start3A_108] : memref<1024x16xf32, #tpu.memory_space<vmem>> -> memref<128x16xf32, #tpu.memory_space<vmem>>
      %dma_start3A_110 = arith.constant 0 : i32
      %dma_start3A_111 = tpu.memref_slice %arg5[%add3A_106, %dma_start3A_110] : memref<32x128xi32, #tpu.memory_space<vmem>> -> memref<1x128xi32, #tpu.memory_space<vmem>>
      %dma_start3A_112 = tpu.memref_squeeze %dma_start3A_111 : memref<1x128xi32, #tpu.memory_space<vmem>> -> memref<128xi32, #tpu.memory_space<vmem>>
      %dma_start3A_113 = arith.constant 0 : i32
      %dma_start3A_114 = arith.constant 0 : i32
      %dma_start3A_115 = tpu.memref_slice %arg2[%dma_start3A_113, %dma_start3A_114] : memref<800000x16xf32, #tpu.memory_space<hbm>> -> memref<800000x16xf32, #tpu.memory_space<hbm>>
      tpu.enqueue_indirect_dma source(%dma_start3A_115 : memref<800000x16xf32, #tpu.memory_space<hbm>>) target(%dma_start3A_109 : memref<128x16xf32, #tpu.memory_space<vmem>>) offsets(%dma_start3A_112 : memref<128xi32, #tpu.memory_space<vmem>>) semaphore(%arg7 : memref<!tpu.dma_semaphore, #tpu.memory_space<semaphore_mem>>)
      %dma_wait3A = arith.constant 0 : i32
      %dma_wait3A_116 = arith.constant 0 : i32
      %dma_wait3A_117 = tpu.memref_slice %arg6[%dma_wait3A, %dma_wait3A_116] : memref<1024x16xf32, #tpu.memory_space<vmem>> -> memref<128x16xf32, #tpu.memory_space<vmem>>
      %dma_wait3A_118 = arith.constant 0 : i32
      %dma_wait3A_119 = tpu.memref_slice %arg5[%add3A_16, %dma_wait3A_118] : memref<32x128xi32, #tpu.memory_space<vmem>> -> memref<1x128xi32, #tpu.memory_space<vmem>>
      %dma_wait3A_120 = tpu.memref_squeeze %dma_wait3A_119 : memref<1x128xi32, #tpu.memory_space<vmem>> -> memref<128xi32, #tpu.memory_space<vmem>>
      %dma_wait3A_121 = arith.constant 0 : i32
      %dma_wait3A_122 = arith.constant 0 : i32
      %dma_wait3A_123 = tpu.memref_slice %arg2[%dma_wait3A_121, %dma_wait3A_122] : memref<800000x16xf32, #tpu.memory_space<hbm>> -> memref<800000x16xf32, #tpu.memory_space<hbm>>
      tpu.wait_indirect_dma semaphore(%arg7 : memref<!tpu.dma_semaphore, #tpu.memory_space<semaphore_mem>>) src(%dma_wait3A_123 : memref<800000x16xf32, #tpu.memory_space<hbm>>) dst(%dma_wait3A_117 : memref<128x16xf32, #tpu.memory_space<vmem>>)
      %dma_wait3A_124 = arith.constant 128 : i32
      %dma_wait3A_125 = arith.constant 0 : i32
      %dma_wait3A_126 = tpu.memref_slice %arg6[%dma_wait3A_124, %dma_wait3A_125] : memref<1024x16xf32, #tpu.memory_space<vmem>> -> memref<128x16xf32, #tpu.memory_space<vmem>>
      %dma_wait3A_127 = arith.constant 0 : i32
      %dma_wait3A_128 = tpu.memref_slice %arg5[%add3A_28, %dma_wait3A_127] : memref<32x128xi32, #tpu.memory_space<vmem>> -> memref<1x128xi32, #tpu.memory_space<vmem>>
      %dma_wait3A_129 = tpu.memref_squeeze %dma_wait3A_128 : memref<1x128xi32, #tpu.memory_space<vmem>> -> memref<128xi32, #tpu.memory_space<vmem>>
      %dma_wait3A_130 = arith.constant 0 : i32
      %dma_wait3A_131 = arith.constant 0 : i32
      %dma_wait3A_132 = tpu.memref_slice %arg2[%dma_wait3A_130, %dma_wait3A_131] : memref<800000x16xf32, #tpu.memory_space<hbm>> -> memref<800000x16xf32, #tpu.memory_space<hbm>>
      tpu.wait_indirect_dma semaphore(%arg7 : memref<!tpu.dma_semaphore, #tpu.memory_space<semaphore_mem>>) src(%dma_wait3A_132 : memref<800000x16xf32, #tpu.memory_space<hbm>>) dst(%dma_wait3A_126 : memref<128x16xf32, #tpu.memory_space<vmem>>)
      %dma_wait3A_133 = arith.constant 256 : i32
      %dma_wait3A_134 = arith.constant 0 : i32
      %dma_wait3A_135 = tpu.memref_slice %arg6[%dma_wait3A_133, %dma_wait3A_134] : memref<1024x16xf32, #tpu.memory_space<vmem>> -> memref<128x16xf32, #tpu.memory_space<vmem>>
      %dma_wait3A_136 = arith.constant 0 : i32
      %dma_wait3A_137 = tpu.memref_slice %arg5[%add3A_41, %dma_wait3A_136] : memref<32x128xi32, #tpu.memory_space<vmem>> -> memref<1x128xi32, #tpu.memory_space<vmem>>
      %dma_wait3A_138 = tpu.memref_squeeze %dma_wait3A_137 : memref<1x128xi32, #tpu.memory_space<vmem>> -> memref<128xi32, #tpu.memory_space<vmem>>
      %dma_wait3A_139 = arith.constant 0 : i32
      %dma_wait3A_140 = arith.constant 0 : i32
      %dma_wait3A_141 = tpu.memref_slice %arg2[%dma_wait3A_139, %dma_wait3A_140] : memref<800000x16xf32, #tpu.memory_space<hbm>> -> memref<800000x16xf32, #tpu.memory_space<hbm>>
      tpu.wait_indirect_dma semaphore(%arg7 : memref<!tpu.dma_semaphore, #tpu.memory_space<semaphore_mem>>) src(%dma_wait3A_141 : memref<800000x16xf32, #tpu.memory_space<hbm>>) dst(%dma_wait3A_135 : memref<128x16xf32, #tpu.memory_space<vmem>>)
      %dma_wait3A_142 = arith.constant 384 : i32
      %dma_wait3A_143 = arith.constant 0 : i32
      %dma_wait3A_144 = tpu.memref_slice %arg6[%dma_wait3A_142, %dma_wait3A_143] : memref<1024x16xf32, #tpu.memory_space<vmem>> -> memref<128x16xf32, #tpu.memory_space<vmem>>
      %dma_wait3A_145 = arith.constant 0 : i32
      %dma_wait3A_146 = tpu.memref_slice %arg5[%add3A_54, %dma_wait3A_145] : memref<32x128xi32, #tpu.memory_space<vmem>> -> memref<1x128xi32, #tpu.memory_space<vmem>>
      %dma_wait3A_147 = tpu.memref_squeeze %dma_wait3A_146 : memref<1x128xi32, #tpu.memory_space<vmem>> -> memref<128xi32, #tpu.memory_space<vmem>>
      %dma_wait3A_148 = arith.constant 0 : i32
      %dma_wait3A_149 = arith.constant 0 : i32
      %dma_wait3A_150 = tpu.memref_slice %arg2[%dma_wait3A_148, %dma_wait3A_149] : memref<800000x16xf32, #tpu.memory_space<hbm>> -> memref<800000x16xf32, #tpu.memory_space<hbm>>
      tpu.wait_indirect_dma semaphore(%arg7 : memref<!tpu.dma_semaphore, #tpu.memory_space<semaphore_mem>>) src(%dma_wait3A_150 : memref<800000x16xf32, #tpu.memory_space<hbm>>) dst(%dma_wait3A_144 : memref<128x16xf32, #tpu.memory_space<vmem>>)
      %dma_wait3A_151 = arith.constant 512 : i32
      %dma_wait3A_152 = arith.constant 0 : i32
      %dma_wait3A_153 = tpu.memref_slice %arg6[%dma_wait3A_151, %dma_wait3A_152] : memref<1024x16xf32, #tpu.memory_space<vmem>> -> memref<128x16xf32, #tpu.memory_space<vmem>>
      %dma_wait3A_154 = arith.constant 0 : i32
      %dma_wait3A_155 = tpu.memref_slice %arg5[%add3A_67, %dma_wait3A_154] : memref<32x128xi32, #tpu.memory_space<vmem>> -> memref<1x128xi32, #tpu.memory_space<vmem>>
      %dma_wait3A_156 = tpu.memref_squeeze %dma_wait3A_155 : memref<1x128xi32, #tpu.memory_space<vmem>> -> memref<128xi32, #tpu.memory_space<vmem>>
      %dma_wait3A_157 = arith.constant 0 : i32
      %dma_wait3A_158 = arith.constant 0 : i32
      %dma_wait3A_159 = tpu.memref_slice %arg2[%dma_wait3A_157, %dma_wait3A_158] : memref<800000x16xf32, #tpu.memory_space<hbm>> -> memref<800000x16xf32, #tpu.memory_space<hbm>>
      tpu.wait_indirect_dma semaphore(%arg7 : memref<!tpu.dma_semaphore, #tpu.memory_space<semaphore_mem>>) src(%dma_wait3A_159 : memref<800000x16xf32, #tpu.memory_space<hbm>>) dst(%dma_wait3A_153 : memref<128x16xf32, #tpu.memory_space<vmem>>)
      %dma_wait3A_160 = arith.constant 640 : i32
      %dma_wait3A_161 = arith.constant 0 : i32
      %dma_wait3A_162 = tpu.memref_slice %arg6[%dma_wait3A_160, %dma_wait3A_161] : memref<1024x16xf32, #tpu.memory_space<vmem>> -> memref<128x16xf32, #tpu.memory_space<vmem>>
      %dma_wait3A_163 = arith.constant 0 : i32
      %dma_wait3A_164 = tpu.memref_slice %arg5[%add3A_80, %dma_wait3A_163] : memref<32x128xi32, #tpu.memory_space<vmem>> -> memref<1x128xi32, #tpu.memory_space<vmem>>
      %dma_wait3A_165 = tpu.memref_squeeze %dma_wait3A_164 : memref<1x128xi32, #tpu.memory_space<vmem>> -> memref<128xi32, #tpu.memory_space<vmem>>
      %dma_wait3A_166 = arith.constant 0 : i32
      %dma_wait3A_167 = arith.constant 0 : i32
      %dma_wait3A_168 = tpu.memref_slice %arg2[%dma_wait3A_166, %dma_wait3A_167] : memref<800000x16xf32, #tpu.memory_space<hbm>> -> memref<800000x16xf32, #tpu.memory_space<hbm>>
      tpu.wait_indirect_dma semaphore(%arg7 : memref<!tpu.dma_semaphore, #tpu.memory_space<semaphore_mem>>) src(%dma_wait3A_168 : memref<800000x16xf32, #tpu.memory_space<hbm>>) dst(%dma_wait3A_162 : memref<128x16xf32, #tpu.memory_space<vmem>>)
      %dma_wait3A_169 = arith.constant 768 : i32
      %dma_wait3A_170 = arith.constant 0 : i32
      %dma_wait3A_171 = tpu.memref_slice %arg6[%dma_wait3A_169, %dma_wait3A_170] : memref<1024x16xf32, #tpu.memory_space<vmem>> -> memref<128x16xf32, #tpu.memory_space<vmem>>
      %dma_wait3A_172 = arith.constant 0 : i32
      %dma_wait3A_173 = tpu.memref_slice %arg5[%add3A_93, %dma_wait3A_172] : memref<32x128xi32, #tpu.memory_space<vmem>> -> memref<1x128xi32, #tpu.memory_space<vmem>>
      %dma_wait3A_174 = tpu.memref_squeeze %dma_wait3A_173 : memref<1x128xi32, #tpu.memory_space<vmem>> -> memref<128xi32, #tpu.memory_space<vmem>>
      %dma_wait3A_175 = arith.constant 0 : i32
      %dma_wait3A_176 = arith.constant 0 : i32
      %dma_wait3A_177 = tpu.memref_slice %arg2[%dma_wait3A_175, %dma_wait3A_176] : memref<800000x16xf32, #tpu.memory_space<hbm>> -> memref<800000x16xf32, #tpu.memory_space<hbm>>
      tpu.wait_indirect_dma semaphore(%arg7 : memref<!tpu.dma_semaphore, #tpu.memory_space<semaphore_mem>>) src(%dma_wait3A_177 : memref<800000x16xf32, #tpu.memory_space<hbm>>) dst(%dma_wait3A_171 : memref<128x16xf32, #tpu.memory_space<vmem>>)
      %dma_wait3A_178 = arith.constant 896 : i32
      %dma_wait3A_179 = arith.constant 0 : i32
      %dma_wait3A_180 = tpu.memref_slice %arg6[%dma_wait3A_178, %dma_wait3A_179] : memref<1024x16xf32, #tpu.memory_space<vmem>> -> memref<128x16xf32, #tpu.memory_space<vmem>>
      %dma_wait3A_181 = arith.constant 0 : i32
      %dma_wait3A_182 = tpu.memref_slice %arg5[%add3A_106, %dma_wait3A_181] : memref<32x128xi32, #tpu.memory_space<vmem>> -> memref<1x128xi32, #tpu.memory_space<vmem>>
      %dma_wait3A_183 = tpu.memref_squeeze %dma_wait3A_182 : memref<1x128xi32, #tpu.memory_space<vmem>> -> memref<128xi32, #tpu.memory_space<vmem>>
      %dma_wait3A_184 = arith.constant 0 : i32
      %dma_wait3A_185 = arith.constant 0 : i32
      %dma_wait3A_186 = tpu.memref_slice %arg2[%dma_wait3A_184, %dma_wait3A_185] : memref<800000x16xf32, #tpu.memory_space<hbm>> -> memref<800000x16xf32, #tpu.memory_space<hbm>>
      tpu.wait_indirect_dma semaphore(%arg7 : memref<!tpu.dma_semaphore, #tpu.memory_space<semaphore_mem>>) src(%dma_wait3A_186 : memref<800000x16xf32, #tpu.memory_space<hbm>>) dst(%dma_wait3A_180 : memref<128x16xf32, #tpu.memory_space<vmem>>)
      %mul3A_187 = arith.constant 1024 : i32
      %mul3A_188 = arith.muli %scan3A_11, %mul3A_187 : i32
      %add3A_189 = arith.addi %mul3A_4, %mul3A_188 : i32
      "tpu.region"() ({
        %run_scoped3A = tpu.sem_alloc : memref<!tpu.dma_semaphore, #tpu.memory_space<semaphore_mem>>
        %dma_start3A_191 = arith.constant 0 : i32
        %dma_start3A_192 = tpu.memref_slice %arg4[%add3A_189, %dma_start3A_191] : memref<131072x16xf32, #tpu.memory_space<hbm>> -> memref<1024x16xf32, #tpu.memory_space<hbm>>
        %dma_start3A_193 = arith.constant 0 : i32
        %dma_start3A_194 = tpu.memref_slice %arg4[%add3A_189, %dma_start3A_193] : memref<131072x16xf32, #tpu.memory_space<hbm>> -> memref<1024x16xf32, #tpu.memory_space<hbm>>
        tpu.enqueue_dma source(%arg6 : memref<1024x16xf32, #tpu.memory_space<vmem>>) target(%dma_start3A_194 : memref<1024x16xf32, #tpu.memory_space<hbm>>) target_semaphore(%run_scoped3A : memref<!tpu.dma_semaphore, #tpu.memory_space<semaphore_mem>>)
        %dma_wait3A_195 = arith.constant 0 : i32
        %dma_wait3A_196 = tpu.memref_slice %arg4[%add3A_189, %dma_wait3A_195] : memref<131072x16xf32, #tpu.memory_space<hbm>> -> memref<1024x16xf32, #tpu.memory_space<hbm>>
        %dma_wait3A_197 = arith.constant 0 : i32
        %dma_wait3A_198 = tpu.memref_slice %arg4[%add3A_189, %dma_wait3A_197] : memref<131072x16xf32, #tpu.memory_space<hbm>> -> memref<1024x16xf32, #tpu.memory_space<hbm>>
        tpu.wait_dma2 semaphore(%run_scoped3A : memref<!tpu.dma_semaphore, #tpu.memory_space<semaphore_mem>>) src(%arg6 : memref<1024x16xf32, #tpu.memory_space<vmem>>) dst(%dma_wait3A_198 : memref<1024x16xf32, #tpu.memory_space<hbm>>)
        tpu.yield
      }) : () -> ()
      %scan3A_190 = arith.constant 0 : i32
      scf.yield %scan3A_190 : i32
    }
    %scan3A_10 = arith.constant 4 : i32
    return
  }
}

#map = affine_map<(d0, d1) -> (0, 0)>
module attributes {stable_mosaic.version = 14 : i64} {
  func.func @gather_kernel(%arg0: i32, %arg1: i32, %arg2: memref<800000x16xf32, #tpu.memory_space<hbm>>, %arg3: memref<1024x128xi32, #tpu.memory_space<hbm>>, %arg4: memref<131072x16xf32, #tpu.memory_space<hbm>>, %arg5: memref<32x128xi32, #tpu.memory_space<vmem>>, %arg6: memref<1024x16xf32, #tpu.memory_space<vmem>>, %arg7: memref<!tpu.dma_semaphore, #tpu.memory_space<semaphore_mem>>) attributes {dimension_semantics = [#tpu.dimension_semantics<core_parallel>, #tpu.dimension_semantics<subcore_parallel>], iteration_bounds = array<i64: 2, 16>, scalar_prefetch = 0 : i64, scratch_operands = 3 : i64, tpu.core_type = #tpu.core_type<sc_vector_subcore>, window_params = [{transform_indices = #map}, {transform_indices = #map}, {transform_indices = #map}]} {
    %mul3A = arith.constant 2 : i32
    %mul3A_0 = arith.muli %arg1, %mul3A : i32
    %add3A = arith.addi %mul3A_0, %arg0 : i32
    %mul3A_1 = arith.constant 32 : i32
    %mul3A_2 = arith.muli %add3A, %mul3A_1 : i32
    %mul3A_3 = arith.constant 4096 : i32
    %mul3A_4 = arith.muli %add3A, %mul3A_3 : i32
    "tpu.region"() ({
      %run_scoped3A = tpu.sem_alloc : memref<!tpu.dma_semaphore, #tpu.memory_space<semaphore_mem>>
      %dma_start3A = arith.constant 0 : i32
      %dma_start3A_11 = tpu.memref_slice %arg3[%mul3A_2, %dma_start3A] : memref<1024x128xi32, #tpu.memory_space<hbm>> -> memref<32x128xi32, #tpu.memory_space<hbm>>
      %dma_start3A_12 = arith.constant 0 : i32
      %dma_start3A_13 = tpu.memref_slice %arg3[%mul3A_2, %dma_start3A_12] : memref<1024x128xi32, #tpu.memory_space<hbm>> -> memref<32x128xi32, #tpu.memory_space<hbm>>
      tpu.enqueue_dma source(%dma_start3A_13 : memref<32x128xi32, #tpu.memory_space<hbm>>) target(%arg5 : memref<32x128xi32, #tpu.memory_space<vmem>>) target_semaphore(%run_scoped3A : memref<!tpu.dma_semaphore, #tpu.memory_space<semaphore_mem>>)
      %dma_wait3A = arith.constant 0 : i32
      %dma_wait3A_14 = tpu.memref_slice %arg3[%mul3A_2, %dma_wait3A] : memref<1024x128xi32, #tpu.memory_space<hbm>> -> memref<32x128xi32, #tpu.memory_space<hbm>>
      %dma_wait3A_15 = arith.constant 0 : i32
      %dma_wait3A_16 = tpu.memref_slice %arg3[%mul3A_2, %dma_wait3A_15] : memref<1024x128xi32, #tpu.memory_space<hbm>> -> memref<32x128xi32, #tpu.memory_space<hbm>>
      tpu.wait_dma2 semaphore(%run_scoped3A : memref<!tpu.dma_semaphore, #tpu.memory_space<semaphore_mem>>) src(%dma_wait3A_16 : memref<32x128xi32, #tpu.memory_space<hbm>>) dst(%arg5 : memref<32x128xi32, #tpu.memory_space<vmem>>)
      tpu.yield
    }) : () -> ()
    %scan3A = arith.constant 0 : i32
    %scan3A_5 = arith.constant 0 : i32
    %scan3A_6 = arith.constant 4 : i32
    %scan3A_7 = arith.addi %scan3A_5, %scan3A_6 : i32
    %scan3A_8 = arith.constant 1 : i32
    %scan3A_9 = scf.for %scan3A_11 = %scan3A_5 to %scan3A_7 step %scan3A_8 iter_args(%scan3A_12 = %scan3A) -> (i32)  : i32 {
      %mul3A_13 = arith.constant 8 : i32
      %mul3A_14 = arith.muli %scan3A_11, %mul3A_13 : i32
      %add3A_15 = arith.constant 0 : i32
      %add3A_16 = arith.addi %mul3A_14, %add3A_15 : i32
      %dma_start3A = arith.constant 0 : i32
      %dma_start3A_17 = arith.constant 0 : i32
      %dma_start3A_18 = tpu.memref_slice %arg6[%dma_start3A, %dma_start3A_17] : memref<1024x16xf32, #tpu.memory_space<vmem>> -> memref<128x16xf32, #tpu.memory_space<vmem>>
      %dma_start3A_19 = arith.constant 0 : i32
      %dma_start3A_20 = tpu.memref_slice %arg5[%add3A_16, %dma_start3A_19] : memref<32x128xi32, #tpu.memory_space<vmem>> -> memref<1x128xi32, #tpu.memory_space<vmem>>
      %dma_start3A_21 = tpu.memref_squeeze %dma_start3A_20 : memref<1x128xi32, #tpu.memory_space<vmem>> -> memref<128xi32, #tpu.memory_space<vmem>>
      %dma_start3A_22 = arith.constant 0 : i32
      %dma_start3A_23 = arith.constant 0 : i32
      %dma_start3A_24 = tpu.memref_slice %arg2[%dma_start3A_22, %dma_start3A_23] : memref<800000x16xf32, #tpu.memory_space<hbm>> -> memref<800000x16xf32, #tpu.memory_space<hbm>>
      tpu.enqueue_indirect_dma source(%dma_start3A_24 : memref<800000x16xf32, #tpu.memory_space<hbm>>) target(%dma_start3A_18 : memref<128x16xf32, #tpu.memory_space<vmem>>) offsets(%dma_start3A_21 : memref<128xi32, #tpu.memory_space<vmem>>) semaphore(%arg7 : memref<!tpu.dma_semaphore, #tpu.memory_space<semaphore_mem>>)
      %mul3A_25 = arith.constant 8 : i32
      %mul3A_26 = arith.muli %scan3A_11, %mul3A_25 : i32
      %add3A_27 = arith.constant 1 : i32
      %add3A_28 = arith.addi %mul3A_26, %add3A_27 : i32
      %dma_start3A_29 = arith.constant 128 : i32
      %dma_start3A_30 = arith.constant 0 : i32
      %dma_start3A_31 = tpu.memref_slice %arg6[%dma_start3A_29, %dma_start3A_30] : memref<1024x16xf32, #tpu.memory_space<vmem>> -> memref<128x16xf32, #tpu.memory_space<vmem>>
      %dma_start3A_32 = arith.constant 0 : i32
      %dma_start3A_33 = tpu.memref_slice %arg5[%add3A_28, %dma_start3A_32] : memref<32x128xi32, #tpu.memory_space<vmem>> -> memref<1x128xi32, #tpu.memory_space<vmem>>
      %dma_start3A_34 = tpu.memref_squeeze %dma_start3A_33 : memref<1x128xi32, #tpu.memory_space<vmem>> -> memref<128xi32, #tpu.memory_space<vmem>>
      %dma_start3A_35 = arith.constant 0 : i32
      %dma_start3A_36 = arith.constant 0 : i32
      %dma_start3A_37 = tpu.memref_slice %arg2[%dma_start3A_35, %dma_start3A_36] : memref<800000x16xf32, #tpu.memory_space<hbm>> -> memref<800000x16xf32, #tpu.memory_space<hbm>>
      tpu.enqueue_indirect_dma source(%dma_start3A_37 : memref<800000x16xf32, #tpu.memory_space<hbm>>) target(%dma_start3A_31 : memref<128x16xf32, #tpu.memory_space<vmem>>) offsets(%dma_start3A_34 : memref<128xi32, #tpu.memory_space<vmem>>) semaphore(%arg7 : memref<!tpu.dma_semaphore, #tpu.memory_space<semaphore_mem>>)
      %mul3A_38 = arith.constant 8 : i32
      %mul3A_39 = arith.muli %scan3A_11, %mul3A_38 : i32
      %add3A_40 = arith.constant 2 : i32
      %add3A_41 = arith.addi %mul3A_39, %add3A_40 : i32
      %dma_start3A_42 = arith.constant 256 : i32
      %dma_start3A_43 = arith.constant 0 : i32
      %dma_start3A_44 = tpu.memref_slice %arg6[%dma_start3A_42, %dma_start3A_43] : memref<1024x16xf32, #tpu.memory_space<vmem>> -> memref<128x16xf32, #tpu.memory_space<vmem>>
      %dma_start3A_45 = arith.constant 0 : i32
      %dma_start3A_46 = tpu.memref_slice %arg5[%add3A_41, %dma_start3A_45] : memref<32x128xi32, #tpu.memory_space<vmem>> -> memref<1x128xi32, #tpu.memory_space<vmem>>
      %dma_start3A_47 = tpu.memref_squeeze %dma_start3A_46 : memref<1x128xi32, #tpu.memory_space<vmem>> -> memref<128xi32, #tpu.memory_space<vmem>>
      %dma_start3A_48 = arith.constant 0 : i32
      %dma_start3A_49 = arith.constant 0 : i32
      %dma_start3A_50 = tpu.memref_slice %arg2[%dma_start3A_48, %dma_start3A_49] : memref<800000x16xf32, #tpu.memory_space<hbm>> -> memref<800000x16xf32, #tpu.memory_space<hbm>>
      tpu.enqueue_indirect_dma source(%dma_start3A_50 : memref<800000x16xf32, #tpu.memory_space<hbm>>) target(%dma_start3A_44 : memref<128x16xf32, #tpu.memory_space<vmem>>) offsets(%dma_start3A_47 : memref<128xi32, #tpu.memory_space<vmem>>) semaphore(%arg7 : memref<!tpu.dma_semaphore, #tpu.memory_space<semaphore_mem>>)
      %mul3A_51 = arith.constant 8 : i32
      %mul3A_52 = arith.muli %scan3A_11, %mul3A_51 : i32
      %add3A_53 = arith.constant 3 : i32
      %add3A_54 = arith.addi %mul3A_52, %add3A_53 : i32
      %dma_start3A_55 = arith.constant 384 : i32
      %dma_start3A_56 = arith.constant 0 : i32
      %dma_start3A_57 = tpu.memref_slice %arg6[%dma_start3A_55, %dma_start3A_56] : memref<1024x16xf32, #tpu.memory_space<vmem>> -> memref<128x16xf32, #tpu.memory_space<vmem>>
      %dma_start3A_58 = arith.constant 0 : i32
      %dma_start3A_59 = tpu.memref_slice %arg5[%add3A_54, %dma_start3A_58] : memref<32x128xi32, #tpu.memory_space<vmem>> -> memref<1x128xi32, #tpu.memory_space<vmem>>
      %dma_start3A_60 = tpu.memref_squeeze %dma_start3A_59 : memref<1x128xi32, #tpu.memory_space<vmem>> -> memref<128xi32, #tpu.memory_space<vmem>>
      %dma_start3A_61 = arith.constant 0 : i32
      %dma_start3A_62 = arith.constant 0 : i32
      %dma_start3A_63 = tpu.memref_slice %arg2[%dma_start3A_61, %dma_start3A_62] : memref<800000x16xf32, #tpu.memory_space<hbm>> -> memref<800000x16xf32, #tpu.memory_space<hbm>>
      tpu.enqueue_indirect_dma source(%dma_start3A_63 : memref<800000x16xf32, #tpu.memory_space<hbm>>) target(%dma_start3A_57 : memref<128x16xf32, #tpu.memory_space<vmem>>) offsets(%dma_start3A_60 : memref<128xi32, #tpu.memory_space<vmem>>) semaphore(%arg7 : memref<!tpu.dma_semaphore, #tpu.memory_space<semaphore_mem>>)
      %mul3A_64 = arith.constant 8 : i32
      %mul3A_65 = arith.muli %scan3A_11, %mul3A_64 : i32
      %add3A_66 = arith.constant 4 : i32
      %add3A_67 = arith.addi %mul3A_65, %add3A_66 : i32
      %dma_start3A_68 = arith.constant 512 : i32
      %dma_start3A_69 = arith.constant 0 : i32
      %dma_start3A_70 = tpu.memref_slice %arg6[%dma_start3A_68, %dma_start3A_69] : memref<1024x16xf32, #tpu.memory_space<vmem>> -> memref<128x16xf32, #tpu.memory_space<vmem>>
      %dma_start3A_71 = arith.constant 0 : i32
      %dma_start3A_72 = tpu.memref_slice %arg5[%add3A_67, %dma_start3A_71] : memref<32x128xi32, #tpu.memory_space<vmem>> -> memref<1x128xi32, #tpu.memory_space<vmem>>
      %dma_start3A_73 = tpu.memref_squeeze %dma_start3A_72 : memref<1x128xi32, #tpu.memory_space<vmem>> -> memref<128xi32, #tpu.memory_space<vmem>>
      %dma_start3A_74 = arith.constant 0 : i32
      %dma_start3A_75 = arith.constant 0 : i32
      %dma_start3A_76 = tpu.memref_slice %arg2[%dma_start3A_74, %dma_start3A_75] : memref<800000x16xf32, #tpu.memory_space<hbm>> -> memref<800000x16xf32, #tpu.memory_space<hbm>>
      tpu.enqueue_indirect_dma source(%dma_start3A_76 : memref<800000x16xf32, #tpu.memory_space<hbm>>) target(%dma_start3A_70 : memref<128x16xf32, #tpu.memory_space<vmem>>) offsets(%dma_start3A_73 : memref<128xi32, #tpu.memory_space<vmem>>) semaphore(%arg7 : memref<!tpu.dma_semaphore, #tpu.memory_space<semaphore_mem>>)
      %mul3A_77 = arith.constant 8 : i32
      %mul3A_78 = arith.muli %scan3A_11, %mul3A_77 : i32
      %add3A_79 = arith.constant 5 : i32
      %add3A_80 = arith.addi %mul3A_78, %add3A_79 : i32
      %dma_start3A_81 = arith.constant 640 : i32
      %dma_start3A_82 = arith.constant 0 : i32
      %dma_start3A_83 = tpu.memref_slice %arg6[%dma_start3A_81, %dma_start3A_82] : memref<1024x16xf32, #tpu.memory_space<vmem>> -> memref<128x16xf32, #tpu.memory_space<vmem>>
      %dma_start3A_84 = arith.constant 0 : i32
      %dma_start3A_85 = tpu.memref_slice %arg5[%add3A_80, %dma_start3A_84] : memref<32x128xi32, #tpu.memory_space<vmem>> -> memref<1x128xi32, #tpu.memory_space<vmem>>
      %dma_start3A_86 = tpu.memref_squeeze %dma_start3A_85 : memref<1x128xi32, #tpu.memory_space<vmem>> -> memref<128xi32, #tpu.memory_space<vmem>>
      %dma_start3A_87 = arith.constant 0 : i32
      %dma_start3A_88 = arith.constant 0 : i32
      %dma_start3A_89 = tpu.memref_slice %arg2[%dma_start3A_87, %dma_start3A_88] : memref<800000x16xf32, #tpu.memory_space<hbm>> -> memref<800000x16xf32, #tpu.memory_space<hbm>>
      tpu.enqueue_indirect_dma source(%dma_start3A_89 : memref<800000x16xf32, #tpu.memory_space<hbm>>) target(%dma_start3A_83 : memref<128x16xf32, #tpu.memory_space<vmem>>) offsets(%dma_start3A_86 : memref<128xi32, #tpu.memory_space<vmem>>) semaphore(%arg7 : memref<!tpu.dma_semaphore, #tpu.memory_space<semaphore_mem>>)
      %mul3A_90 = arith.constant 8 : i32
      %mul3A_91 = arith.muli %scan3A_11, %mul3A_90 : i32
      %add3A_92 = arith.constant 6 : i32
      %add3A_93 = arith.addi %mul3A_91, %add3A_92 : i32
      %dma_start3A_94 = arith.constant 768 : i32
      %dma_start3A_95 = arith.constant 0 : i32
      %dma_start3A_96 = tpu.memref_slice %arg6[%dma_start3A_94, %dma_start3A_95] : memref<1024x16xf32, #tpu.memory_space<vmem>> -> memref<128x16xf32, #tpu.memory_space<vmem>>
      %dma_start3A_97 = arith.constant 0 : i32
      %dma_start3A_98 = tpu.memref_slice %arg5[%add3A_93, %dma_start3A_97] : memref<32x128xi32, #tpu.memory_space<vmem>> -> memref<1x128xi32, #tpu.memory_space<vmem>>
      %dma_start3A_99 = tpu.memref_squeeze %dma_start3A_98 : memref<1x128xi32, #tpu.memory_space<vmem>> -> memref<128xi32, #tpu.memory_space<vmem>>
      %dma_start3A_100 = arith.constant 0 : i32
      %dma_start3A_101 = arith.constant 0 : i32
      %dma_start3A_102 = tpu.memref_slice %arg2[%dma_start3A_100, %dma_start3A_101] : memref<800000x16xf32, #tpu.memory_space<hbm>> -> memref<800000x16xf32, #tpu.memory_space<hbm>>
      tpu.enqueue_indirect_dma source(%dma_start3A_102 : memref<800000x16xf32, #tpu.memory_space<hbm>>) target(%dma_start3A_96 : memref<128x16xf32, #tpu.memory_space<vmem>>) offsets(%dma_start3A_99 : memref<128xi32, #tpu.memory_space<vmem>>) semaphore(%arg7 : memref<!tpu.dma_semaphore, #tpu.memory_space<semaphore_mem>>)
      %mul3A_103 = arith.constant 8 : i32
      %mul3A_104 = arith.muli %scan3A_11, %mul3A_103 : i32
      %add3A_105 = arith.constant 7 : i32
      %add3A_106 = arith.addi %mul3A_104, %add3A_105 : i32
      %dma_start3A_107 = arith.constant 896 : i32
      %dma_start3A_108 = arith.constant 0 : i32
      %dma_start3A_109 = tpu.memref_slice %arg6[%dma_start3A_107, %dma_start3A_108] : memref<1024x16xf32, #tpu.memory_space<vmem>> -> memref<128x16xf32, #tpu.memory_space<vmem>>
      %dma_start3A_110 = arith.constant 0 : i32
      %dma_start3A_111 = tpu.memref_slice %arg5[%add3A_106, %dma_start3A_110] : memref<32x128xi32, #tpu.memory_space<vmem>> -> memref<1x128xi32, #tpu.memory_space<vmem>>
      %dma_start3A_112 = tpu.memref_squeeze %dma_start3A_111 : memref<1x128xi32, #tpu.memory_space<vmem>> -> memref<128xi32, #tpu.memory_space<vmem>>
      %dma_start3A_113 = arith.constant 0 : i32
      %dma_start3A_114 = arith.constant 0 : i32
      %dma_start3A_115 = tpu.memref_slice %arg2[%dma_start3A_113, %dma_start3A_114] : memref<800000x16xf32, #tpu.memory_space<hbm>> -> memref<800000x16xf32, #tpu.memory_space<hbm>>
      tpu.enqueue_indirect_dma source(%dma_start3A_115 : memref<800000x16xf32, #tpu.memory_space<hbm>>) target(%dma_start3A_109 : memref<128x16xf32, #tpu.memory_space<vmem>>) offsets(%dma_start3A_112 : memref<128xi32, #tpu.memory_space<vmem>>) semaphore(%arg7 : memref<!tpu.dma_semaphore, #tpu.memory_space<semaphore_mem>>)
      %dma_wait3A = arith.constant 0 : i32
      %dma_wait3A_116 = arith.constant 0 : i32
      %dma_wait3A_117 = tpu.memref_slice %arg6[%dma_wait3A, %dma_wait3A_116] : memref<1024x16xf32, #tpu.memory_space<vmem>> -> memref<128x16xf32, #tpu.memory_space<vmem>>
      %dma_wait3A_118 = arith.constant 0 : i32
      %dma_wait3A_119 = tpu.memref_slice %arg5[%add3A_16, %dma_wait3A_118] : memref<32x128xi32, #tpu.memory_space<vmem>> -> memref<1x128xi32, #tpu.memory_space<vmem>>
      %dma_wait3A_120 = tpu.memref_squeeze %dma_wait3A_119 : memref<1x128xi32, #tpu.memory_space<vmem>> -> memref<128xi32, #tpu.memory_space<vmem>>
      %dma_wait3A_121 = arith.constant 0 : i32
      %dma_wait3A_122 = arith.constant 0 : i32
      %dma_wait3A_123 = tpu.memref_slice %arg2[%dma_wait3A_121, %dma_wait3A_122] : memref<800000x16xf32, #tpu.memory_space<hbm>> -> memref<800000x16xf32, #tpu.memory_space<hbm>>
      tpu.wait_indirect_dma semaphore(%arg7 : memref<!tpu.dma_semaphore, #tpu.memory_space<semaphore_mem>>) src(%dma_wait3A_123 : memref<800000x16xf32, #tpu.memory_space<hbm>>) dst(%dma_wait3A_117 : memref<128x16xf32, #tpu.memory_space<vmem>>)
      %dma_wait3A_124 = arith.constant 128 : i32
      %dma_wait3A_125 = arith.constant 0 : i32
      %dma_wait3A_126 = tpu.memref_slice %arg6[%dma_wait3A_124, %dma_wait3A_125] : memref<1024x16xf32, #tpu.memory_space<vmem>> -> memref<128x16xf32, #tpu.memory_space<vmem>>
      %dma_wait3A_127 = arith.constant 0 : i32
      %dma_wait3A_128 = tpu.memref_slice %arg5[%add3A_28, %dma_wait3A_127] : memref<32x128xi32, #tpu.memory_space<vmem>> -> memref<1x128xi32, #tpu.memory_space<vmem>>
      %dma_wait3A_129 = tpu.memref_squeeze %dma_wait3A_128 : memref<1x128xi32, #tpu.memory_space<vmem>> -> memref<128xi32, #tpu.memory_space<vmem>>
      %dma_wait3A_130 = arith.constant 0 : i32
      %dma_wait3A_131 = arith.constant 0 : i32
      %dma_wait3A_132 = tpu.memref_slice %arg2[%dma_wait3A_130, %dma_wait3A_131] : memref<800000x16xf32, #tpu.memory_space<hbm>> -> memref<800000x16xf32, #tpu.memory_space<hbm>>
      tpu.wait_indirect_dma semaphore(%arg7 : memref<!tpu.dma_semaphore, #tpu.memory_space<semaphore_mem>>) src(%dma_wait3A_132 : memref<800000x16xf32, #tpu.memory_space<hbm>>) dst(%dma_wait3A_126 : memref<128x16xf32, #tpu.memory_space<vmem>>)
      %dma_wait3A_133 = arith.constant 256 : i32
      %dma_wait3A_134 = arith.constant 0 : i32
      %dma_wait3A_135 = tpu.memref_slice %arg6[%dma_wait3A_133, %dma_wait3A_134] : memref<1024x16xf32, #tpu.memory_space<vmem>> -> memref<128x16xf32, #tpu.memory_space<vmem>>
      %dma_wait3A_136 = arith.constant 0 : i32
      %dma_wait3A_137 = tpu.memref_slice %arg5[%add3A_41, %dma_wait3A_136] : memref<32x128xi32, #tpu.memory_space<vmem>> -> memref<1x128xi32, #tpu.memory_space<vmem>>
      %dma_wait3A_138 = tpu.memref_squeeze %dma_wait3A_137 : memref<1x128xi32, #tpu.memory_space<vmem>> -> memref<128xi32, #tpu.memory_space<vmem>>
      %dma_wait3A_139 = arith.constant 0 : i32
      %dma_wait3A_140 = arith.constant 0 : i32
      %dma_wait3A_141 = tpu.memref_slice %arg2[%dma_wait3A_139, %dma_wait3A_140] : memref<800000x16xf32, #tpu.memory_space<hbm>> -> memref<800000x16xf32, #tpu.memory_space<hbm>>
      tpu.wait_indirect_dma semaphore(%arg7 : memref<!tpu.dma_semaphore, #tpu.memory_space<semaphore_mem>>) src(%dma_wait3A_141 : memref<800000x16xf32, #tpu.memory_space<hbm>>) dst(%dma_wait3A_135 : memref<128x16xf32, #tpu.memory_space<vmem>>)
      %dma_wait3A_142 = arith.constant 384 : i32
      %dma_wait3A_143 = arith.constant 0 : i32
      %dma_wait3A_144 = tpu.memref_slice %arg6[%dma_wait3A_142, %dma_wait3A_143] : memref<1024x16xf32, #tpu.memory_space<vmem>> -> memref<128x16xf32, #tpu.memory_space<vmem>>
      %dma_wait3A_145 = arith.constant 0 : i32
      %dma_wait3A_146 = tpu.memref_slice %arg5[%add3A_54, %dma_wait3A_145] : memref<32x128xi32, #tpu.memory_space<vmem>> -> memref<1x128xi32, #tpu.memory_space<vmem>>
      %dma_wait3A_147 = tpu.memref_squeeze %dma_wait3A_146 : memref<1x128xi32, #tpu.memory_space<vmem>> -> memref<128xi32, #tpu.memory_space<vmem>>
      %dma_wait3A_148 = arith.constant 0 : i32
      %dma_wait3A_149 = arith.constant 0 : i32
      %dma_wait3A_150 = tpu.memref_slice %arg2[%dma_wait3A_148, %dma_wait3A_149] : memref<800000x16xf32, #tpu.memory_space<hbm>> -> memref<800000x16xf32, #tpu.memory_space<hbm>>
      tpu.wait_indirect_dma semaphore(%arg7 : memref<!tpu.dma_semaphore, #tpu.memory_space<semaphore_mem>>) src(%dma_wait3A_150 : memref<800000x16xf32, #tpu.memory_space<hbm>>) dst(%dma_wait3A_144 : memref<128x16xf32, #tpu.memory_space<vmem>>)
      %dma_wait3A_151 = arith.constant 512 : i32
      %dma_wait3A_152 = arith.constant 0 : i32
      %dma_wait3A_153 = tpu.memref_slice %arg6[%dma_wait3A_151, %dma_wait3A_152] : memref<1024x16xf32, #tpu.memory_space<vmem>> -> memref<128x16xf32, #tpu.memory_space<vmem>>
      %dma_wait3A_154 = arith.constant 0 : i32
      %dma_wait3A_155 = tpu.memref_slice %arg5[%add3A_67, %dma_wait3A_154] : memref<32x128xi32, #tpu.memory_space<vmem>> -> memref<1x128xi32, #tpu.memory_space<vmem>>
      %dma_wait3A_156 = tpu.memref_squeeze %dma_wait3A_155 : memref<1x128xi32, #tpu.memory_space<vmem>> -> memref<128xi32, #tpu.memory_space<vmem>>
      %dma_wait3A_157 = arith.constant 0 : i32
      %dma_wait3A_158 = arith.constant 0 : i32
      %dma_wait3A_159 = tpu.memref_slice %arg2[%dma_wait3A_157, %dma_wait3A_158] : memref<800000x16xf32, #tpu.memory_space<hbm>> -> memref<800000x16xf32, #tpu.memory_space<hbm>>
      tpu.wait_indirect_dma semaphore(%arg7 : memref<!tpu.dma_semaphore, #tpu.memory_space<semaphore_mem>>) src(%dma_wait3A_159 : memref<800000x16xf32, #tpu.memory_space<hbm>>) dst(%dma_wait3A_153 : memref<128x16xf32, #tpu.memory_space<vmem>>)
      %dma_wait3A_160 = arith.constant 640 : i32
      %dma_wait3A_161 = arith.constant 0 : i32
      %dma_wait3A_162 = tpu.memref_slice %arg6[%dma_wait3A_160, %dma_wait3A_161] : memref<1024x16xf32, #tpu.memory_space<vmem>> -> memref<128x16xf32, #tpu.memory_space<vmem>>
      %dma_wait3A_163 = arith.constant 0 : i32
      %dma_wait3A_164 = tpu.memref_slice %arg5[%add3A_80, %dma_wait3A_163] : memref<32x128xi32, #tpu.memory_space<vmem>> -> memref<1x128xi32, #tpu.memory_space<vmem>>
      %dma_wait3A_165 = tpu.memref_squeeze %dma_wait3A_164 : memref<1x128xi32, #tpu.memory_space<vmem>> -> memref<128xi32, #tpu.memory_space<vmem>>
      %dma_wait3A_166 = arith.constant 0 : i32
      %dma_wait3A_167 = arith.constant 0 : i32
      %dma_wait3A_168 = tpu.memref_slice %arg2[%dma_wait3A_166, %dma_wait3A_167] : memref<800000x16xf32, #tpu.memory_space<hbm>> -> memref<800000x16xf32, #tpu.memory_space<hbm>>
      tpu.wait_indirect_dma semaphore(%arg7 : memref<!tpu.dma_semaphore, #tpu.memory_space<semaphore_mem>>) src(%dma_wait3A_168 : memref<800000x16xf32, #tpu.memory_space<hbm>>) dst(%dma_wait3A_162 : memref<128x16xf32, #tpu.memory_space<vmem>>)
      %dma_wait3A_169 = arith.constant 768 : i32
      %dma_wait3A_170 = arith.constant 0 : i32
      %dma_wait3A_171 = tpu.memref_slice %arg6[%dma_wait3A_169, %dma_wait3A_170] : memref<1024x16xf32, #tpu.memory_space<vmem>> -> memref<128x16xf32, #tpu.memory_space<vmem>>
      %dma_wait3A_172 = arith.constant 0 : i32
      %dma_wait3A_173 = tpu.memref_slice %arg5[%add3A_93, %dma_wait3A_172] : memref<32x128xi32, #tpu.memory_space<vmem>> -> memref<1x128xi32, #tpu.memory_space<vmem>>
      %dma_wait3A_174 = tpu.memref_squeeze %dma_wait3A_173 : memref<1x128xi32, #tpu.memory_space<vmem>> -> memref<128xi32, #tpu.memory_space<vmem>>
      %dma_wait3A_175 = arith.constant 0 : i32
      %dma_wait3A_176 = arith.constant 0 : i32
      %dma_wait3A_177 = tpu.memref_slice %arg2[%dma_wait3A_175, %dma_wait3A_176] : memref<800000x16xf32, #tpu.memory_space<hbm>> -> memref<800000x16xf32, #tpu.memory_space<hbm>>
      tpu.wait_indirect_dma semaphore(%arg7 : memref<!tpu.dma_semaphore, #tpu.memory_space<semaphore_mem>>) src(%dma_wait3A_177 : memref<800000x16xf32, #tpu.memory_space<hbm>>) dst(%dma_wait3A_171 : memref<128x16xf32, #tpu.memory_space<vmem>>)
      %dma_wait3A_178 = arith.constant 896 : i32
      %dma_wait3A_179 = arith.constant 0 : i32
      %dma_wait3A_180 = tpu.memref_slice %arg6[%dma_wait3A_178, %dma_wait3A_179] : memref<1024x16xf32, #tpu.memory_space<vmem>> -> memref<128x16xf32, #tpu.memory_space<vmem>>
      %dma_wait3A_181 = arith.constant 0 : i32
      %dma_wait3A_182 = tpu.memref_slice %arg5[%add3A_106, %dma_wait3A_181] : memref<32x128xi32, #tpu.memory_space<vmem>> -> memref<1x128xi32, #tpu.memory_space<vmem>>
      %dma_wait3A_183 = tpu.memref_squeeze %dma_wait3A_182 : memref<1x128xi32, #tpu.memory_space<vmem>> -> memref<128xi32, #tpu.memory_space<vmem>>
      %dma_wait3A_184 = arith.constant 0 : i32
      %dma_wait3A_185 = arith.constant 0 : i32
      %dma_wait3A_186 = tpu.memref_slice %arg2[%dma_wait3A_184, %dma_wait3A_185] : memref<800000x16xf32, #tpu.memory_space<hbm>> -> memref<800000x16xf32, #tpu.memory_space<hbm>>
      tpu.wait_indirect_dma semaphore(%arg7 : memref<!tpu.dma_semaphore, #tpu.memory_space<semaphore_mem>>) src(%dma_wait3A_186 : memref<800000x16xf32, #tpu.memory_space<hbm>>) dst(%dma_wait3A_180 : memref<128x16xf32, #tpu.memory_space<vmem>>)
      %mul3A_187 = arith.constant 1024 : i32
      %mul3A_188 = arith.muli %scan3A_11, %mul3A_187 : i32
      %add3A_189 = arith.addi %mul3A_4, %mul3A_188 : i32
      "tpu.region"() ({
        %run_scoped3A = tpu.sem_alloc : memref<!tpu.dma_semaphore, #tpu.memory_space<semaphore_mem>>
        %dma_start3A_191 = arith.constant 0 : i32
        %dma_start3A_192 = tpu.memref_slice %arg4[%add3A_189, %dma_start3A_191] : memref<131072x16xf32, #tpu.memory_space<hbm>> -> memref<1024x16xf32, #tpu.memory_space<hbm>>
        %dma_start3A_193 = arith.constant 0 : i32
        %dma_start3A_194 = tpu.memref_slice %arg4[%add3A_189, %dma_start3A_193] : memref<131072x16xf32, #tpu.memory_space<hbm>> -> memref<1024x16xf32, #tpu.memory_space<hbm>>
        tpu.enqueue_dma source(%arg6 : memref<1024x16xf32, #tpu.memory_space<vmem>>) target(%dma_start3A_194 : memref<1024x16xf32, #tpu.memory_space<hbm>>) target_semaphore(%run_scoped3A : memref<!tpu.dma_semaphore, #tpu.memory_space<semaphore_mem>>)
        %dma_wait3A_195 = arith.constant 0 : i32
        %dma_wait3A_196 = tpu.memref_slice %arg4[%add3A_189, %dma_wait3A_195] : memref<131072x16xf32, #tpu.memory_space<hbm>> -> memref<1024x16xf32, #tpu.memory_space<hbm>>
        %dma_wait3A_197 = arith.constant 0 : i32
        %dma_wait3A_198 = tpu.memref_slice %arg4[%add3A_189, %dma_wait3A_197] : memref<131072x16xf32, #tpu.memory_space<hbm>> -> memref<1024x16xf32, #tpu.memory_space<hbm>>
        tpu.wait_dma2 semaphore(%run_scoped3A : memref<!tpu.dma_semaphore, #tpu.memory_space<semaphore_mem>>) src(%arg6 : memref<1024x16xf32, #tpu.memory_space<vmem>>) dst(%dma_wait3A_198 : memref<1024x16xf32, #tpu.memory_space<hbm>>)
        tpu.yield
      }) : () -> ()
      %scan3A_190 = arith.constant 0 : i32
      scf.yield %scan3A_190 : i32
    }
    %scan3A_10 = arith.constant 4 : i32
    return
  }
}

#map = affine_map<(d0, d1) -> (0, 0)>
module attributes {stable_mosaic.version = 14 : i64} {
  func.func @gather_kernel(%arg0: i32, %arg1: i32, %arg2: memref<800000x16xf32, #tpu.memory_space<hbm>>, %arg3: memref<1024x128xi32, #tpu.memory_space<hbm>>, %arg4: memref<131072x16xf32, #tpu.memory_space<hbm>>, %arg5: memref<32x128xi32, #tpu.memory_space<vmem>>, %arg6: memref<1024x16xf32, #tpu.memory_space<vmem>>, %arg7: memref<!tpu.dma_semaphore, #tpu.memory_space<semaphore_mem>>) attributes {dimension_semantics = [#tpu.dimension_semantics<core_parallel>, #tpu.dimension_semantics<subcore_parallel>], iteration_bounds = array<i64: 2, 16>, scalar_prefetch = 0 : i64, scratch_operands = 3 : i64, tpu.core_type = #tpu.core_type<sc_vector_subcore>, window_params = [{transform_indices = #map}, {transform_indices = #map}, {transform_indices = #map}]} {
    %mul3A = arith.constant 2 : i32
    %mul3A_0 = arith.muli %arg1, %mul3A : i32
    %add3A = arith.addi %mul3A_0, %arg0 : i32
    %mul3A_1 = arith.constant 32 : i32
    %mul3A_2 = arith.muli %add3A, %mul3A_1 : i32
    %mul3A_3 = arith.constant 4096 : i32
    %mul3A_4 = arith.muli %add3A, %mul3A_3 : i32
    "tpu.region"() ({
      %run_scoped3A = tpu.sem_alloc : memref<!tpu.dma_semaphore, #tpu.memory_space<semaphore_mem>>
      %dma_start3A = arith.constant 0 : i32
      %dma_start3A_11 = tpu.memref_slice %arg3[%mul3A_2, %dma_start3A] : memref<1024x128xi32, #tpu.memory_space<hbm>> -> memref<32x128xi32, #tpu.memory_space<hbm>>
      %dma_start3A_12 = arith.constant 0 : i32
      %dma_start3A_13 = tpu.memref_slice %arg3[%mul3A_2, %dma_start3A_12] : memref<1024x128xi32, #tpu.memory_space<hbm>> -> memref<32x128xi32, #tpu.memory_space<hbm>>
      tpu.enqueue_dma source(%dma_start3A_13 : memref<32x128xi32, #tpu.memory_space<hbm>>) target(%arg5 : memref<32x128xi32, #tpu.memory_space<vmem>>) target_semaphore(%run_scoped3A : memref<!tpu.dma_semaphore, #tpu.memory_space<semaphore_mem>>)
      %dma_wait3A = arith.constant 0 : i32
      %dma_wait3A_14 = tpu.memref_slice %arg3[%mul3A_2, %dma_wait3A] : memref<1024x128xi32, #tpu.memory_space<hbm>> -> memref<32x128xi32, #tpu.memory_space<hbm>>
      %dma_wait3A_15 = arith.constant 0 : i32
      %dma_wait3A_16 = tpu.memref_slice %arg3[%mul3A_2, %dma_wait3A_15] : memref<1024x128xi32, #tpu.memory_space<hbm>> -> memref<32x128xi32, #tpu.memory_space<hbm>>
      tpu.wait_dma2 semaphore(%run_scoped3A : memref<!tpu.dma_semaphore, #tpu.memory_space<semaphore_mem>>) src(%dma_wait3A_16 : memref<32x128xi32, #tpu.memory_space<hbm>>) dst(%arg5 : memref<32x128xi32, #tpu.memory_space<vmem>>)
      tpu.yield
    }) : () -> ()
    %scan3A = arith.constant 0 : i32
    %scan3A_5 = arith.constant 0 : i32
    %scan3A_6 = arith.constant 4 : i32
    %scan3A_7 = arith.addi %scan3A_5, %scan3A_6 : i32
    %scan3A_8 = arith.constant 1 : i32
    %scan3A_9 = scf.for %scan3A_11 = %scan3A_5 to %scan3A_7 step %scan3A_8 iter_args(%scan3A_12 = %scan3A) -> (i32)  : i32 {
      %mul3A_13 = arith.constant 8 : i32
      %mul3A_14 = arith.muli %scan3A_11, %mul3A_13 : i32
      %add3A_15 = arith.constant 0 : i32
      %add3A_16 = arith.addi %mul3A_14, %add3A_15 : i32
      %dma_start3A = arith.constant 0 : i32
      %dma_start3A_17 = arith.constant 0 : i32
      %dma_start3A_18 = tpu.memref_slice %arg6[%dma_start3A, %dma_start3A_17] : memref<1024x16xf32, #tpu.memory_space<vmem>> -> memref<128x16xf32, #tpu.memory_space<vmem>>
      %dma_start3A_19 = arith.constant 0 : i32
      %dma_start3A_20 = tpu.memref_slice %arg5[%add3A_16, %dma_start3A_19] : memref<32x128xi32, #tpu.memory_space<vmem>> -> memref<1x128xi32, #tpu.memory_space<vmem>>
      %dma_start3A_21 = tpu.memref_squeeze %dma_start3A_20 : memref<1x128xi32, #tpu.memory_space<vmem>> -> memref<128xi32, #tpu.memory_space<vmem>>
      %dma_start3A_22 = arith.constant 0 : i32
      %dma_start3A_23 = arith.constant 0 : i32
      %dma_start3A_24 = tpu.memref_slice %arg2[%dma_start3A_22, %dma_start3A_23] : memref<800000x16xf32, #tpu.memory_space<hbm>> -> memref<800000x16xf32, #tpu.memory_space<hbm>>
      tpu.enqueue_indirect_dma source(%dma_start3A_24 : memref<800000x16xf32, #tpu.memory_space<hbm>>) target(%dma_start3A_18 : memref<128x16xf32, #tpu.memory_space<vmem>>) offsets(%dma_start3A_21 : memref<128xi32, #tpu.memory_space<vmem>>) semaphore(%arg7 : memref<!tpu.dma_semaphore, #tpu.memory_space<semaphore_mem>>)
      %mul3A_25 = arith.constant 8 : i32
      %mul3A_26 = arith.muli %scan3A_11, %mul3A_25 : i32
      %add3A_27 = arith.constant 1 : i32
      %add3A_28 = arith.addi %mul3A_26, %add3A_27 : i32
      %dma_start3A_29 = arith.constant 128 : i32
      %dma_start3A_30 = arith.constant 0 : i32
      %dma_start3A_31 = tpu.memref_slice %arg6[%dma_start3A_29, %dma_start3A_30] : memref<1024x16xf32, #tpu.memory_space<vmem>> -> memref<128x16xf32, #tpu.memory_space<vmem>>
      %dma_start3A_32 = arith.constant 0 : i32
      %dma_start3A_33 = tpu.memref_slice %arg5[%add3A_28, %dma_start3A_32] : memref<32x128xi32, #tpu.memory_space<vmem>> -> memref<1x128xi32, #tpu.memory_space<vmem>>
      %dma_start3A_34 = tpu.memref_squeeze %dma_start3A_33 : memref<1x128xi32, #tpu.memory_space<vmem>> -> memref<128xi32, #tpu.memory_space<vmem>>
      %dma_start3A_35 = arith.constant 0 : i32
      %dma_start3A_36 = arith.constant 0 : i32
      %dma_start3A_37 = tpu.memref_slice %arg2[%dma_start3A_35, %dma_start3A_36] : memref<800000x16xf32, #tpu.memory_space<hbm>> -> memref<800000x16xf32, #tpu.memory_space<hbm>>
      tpu.enqueue_indirect_dma source(%dma_start3A_37 : memref<800000x16xf32, #tpu.memory_space<hbm>>) target(%dma_start3A_31 : memref<128x16xf32, #tpu.memory_space<vmem>>) offsets(%dma_start3A_34 : memref<128xi32, #tpu.memory_space<vmem>>) semaphore(%arg7 : memref<!tpu.dma_semaphore, #tpu.memory_space<semaphore_mem>>)
      %mul3A_38 = arith.constant 8 : i32
      %mul3A_39 = arith.muli %scan3A_11, %mul3A_38 : i32
      %add3A_40 = arith.constant 2 : i32
      %add3A_41 = arith.addi %mul3A_39, %add3A_40 : i32
      %dma_start3A_42 = arith.constant 256 : i32
      %dma_start3A_43 = arith.constant 0 : i32
      %dma_start3A_44 = tpu.memref_slice %arg6[%dma_start3A_42, %dma_start3A_43] : memref<1024x16xf32, #tpu.memory_space<vmem>> -> memref<128x16xf32, #tpu.memory_space<vmem>>
      %dma_start3A_45 = arith.constant 0 : i32
      %dma_start3A_46 = tpu.memref_slice %arg5[%add3A_41, %dma_start3A_45] : memref<32x128xi32, #tpu.memory_space<vmem>> -> memref<1x128xi32, #tpu.memory_space<vmem>>
      %dma_start3A_47 = tpu.memref_squeeze %dma_start3A_46 : memref<1x128xi32, #tpu.memory_space<vmem>> -> memref<128xi32, #tpu.memory_space<vmem>>
      %dma_start3A_48 = arith.constant 0 : i32
      %dma_start3A_49 = arith.constant 0 : i32
      %dma_start3A_50 = tpu.memref_slice %arg2[%dma_start3A_48, %dma_start3A_49] : memref<800000x16xf32, #tpu.memory_space<hbm>> -> memref<800000x16xf32, #tpu.memory_space<hbm>>
      tpu.enqueue_indirect_dma source(%dma_start3A_50 : memref<800000x16xf32, #tpu.memory_space<hbm>>) target(%dma_start3A_44 : memref<128x16xf32, #tpu.memory_space<vmem>>) offsets(%dma_start3A_47 : memref<128xi32, #tpu.memory_space<vmem>>) semaphore(%arg7 : memref<!tpu.dma_semaphore, #tpu.memory_space<semaphore_mem>>)
      %mul3A_51 = arith.constant 8 : i32
      %mul3A_52 = arith.muli %scan3A_11, %mul3A_51 : i32
      %add3A_53 = arith.constant 3 : i32
      %add3A_54 = arith.addi %mul3A_52, %add3A_53 : i32
      %dma_start3A_55 = arith.constant 384 : i32
      %dma_start3A_56 = arith.constant 0 : i32
      %dma_start3A_57 = tpu.memref_slice %arg6[%dma_start3A_55, %dma_start3A_56] : memref<1024x16xf32, #tpu.memory_space<vmem>> -> memref<128x16xf32, #tpu.memory_space<vmem>>
      %dma_start3A_58 = arith.constant 0 : i32
      %dma_start3A_59 = tpu.memref_slice %arg5[%add3A_54, %dma_start3A_58] : memref<32x128xi32, #tpu.memory_space<vmem>> -> memref<1x128xi32, #tpu.memory_space<vmem>>
      %dma_start3A_60 = tpu.memref_squeeze %dma_start3A_59 : memref<1x128xi32, #tpu.memory_space<vmem>> -> memref<128xi32, #tpu.memory_space<vmem>>
      %dma_start3A_61 = arith.constant 0 : i32
      %dma_start3A_62 = arith.constant 0 : i32
      %dma_start3A_63 = tpu.memref_slice %arg2[%dma_start3A_61, %dma_start3A_62] : memref<800000x16xf32, #tpu.memory_space<hbm>> -> memref<800000x16xf32, #tpu.memory_space<hbm>>
      tpu.enqueue_indirect_dma source(%dma_start3A_63 : memref<800000x16xf32, #tpu.memory_space<hbm>>) target(%dma_start3A_57 : memref<128x16xf32, #tpu.memory_space<vmem>>) offsets(%dma_start3A_60 : memref<128xi32, #tpu.memory_space<vmem>>) semaphore(%arg7 : memref<!tpu.dma_semaphore, #tpu.memory_space<semaphore_mem>>)
      %mul3A_64 = arith.constant 8 : i32
      %mul3A_65 = arith.muli %scan3A_11, %mul3A_64 : i32
      %add3A_66 = arith.constant 4 : i32
      %add3A_67 = arith.addi %mul3A_65, %add3A_66 : i32
      %dma_start3A_68 = arith.constant 512 : i32
      %dma_start3A_69 = arith.constant 0 : i32
      %dma_start3A_70 = tpu.memref_slice %arg6[%dma_start3A_68, %dma_start3A_69] : memref<1024x16xf32, #tpu.memory_space<vmem>> -> memref<128x16xf32, #tpu.memory_space<vmem>>
      %dma_start3A_71 = arith.constant 0 : i32
      %dma_start3A_72 = tpu.memref_slice %arg5[%add3A_67, %dma_start3A_71] : memref<32x128xi32, #tpu.memory_space<vmem>> -> memref<1x128xi32, #tpu.memory_space<vmem>>
      %dma_start3A_73 = tpu.memref_squeeze %dma_start3A_72 : memref<1x128xi32, #tpu.memory_space<vmem>> -> memref<128xi32, #tpu.memory_space<vmem>>
      %dma_start3A_74 = arith.constant 0 : i32
      %dma_start3A_75 = arith.constant 0 : i32
      %dma_start3A_76 = tpu.memref_slice %arg2[%dma_start3A_74, %dma_start3A_75] : memref<800000x16xf32, #tpu.memory_space<hbm>> -> memref<800000x16xf32, #tpu.memory_space<hbm>>
      tpu.enqueue_indirect_dma source(%dma_start3A_76 : memref<800000x16xf32, #tpu.memory_space<hbm>>) target(%dma_start3A_70 : memref<128x16xf32, #tpu.memory_space<vmem>>) offsets(%dma_start3A_73 : memref<128xi32, #tpu.memory_space<vmem>>) semaphore(%arg7 : memref<!tpu.dma_semaphore, #tpu.memory_space<semaphore_mem>>)
      %mul3A_77 = arith.constant 8 : i32
      %mul3A_78 = arith.muli %scan3A_11, %mul3A_77 : i32
      %add3A_79 = arith.constant 5 : i32
      %add3A_80 = arith.addi %mul3A_78, %add3A_79 : i32
      %dma_start3A_81 = arith.constant 640 : i32
      %dma_start3A_82 = arith.constant 0 : i32
      %dma_start3A_83 = tpu.memref_slice %arg6[%dma_start3A_81, %dma_start3A_82] : memref<1024x16xf32, #tpu.memory_space<vmem>> -> memref<128x16xf32, #tpu.memory_space<vmem>>
      %dma_start3A_84 = arith.constant 0 : i32
      %dma_start3A_85 = tpu.memref_slice %arg5[%add3A_80, %dma_start3A_84] : memref<32x128xi32, #tpu.memory_space<vmem>> -> memref<1x128xi32, #tpu.memory_space<vmem>>
      %dma_start3A_86 = tpu.memref_squeeze %dma_start3A_85 : memref<1x128xi32, #tpu.memory_space<vmem>> -> memref<128xi32, #tpu.memory_space<vmem>>
      %dma_start3A_87 = arith.constant 0 : i32
      %dma_start3A_88 = arith.constant 0 : i32
      %dma_start3A_89 = tpu.memref_slice %arg2[%dma_start3A_87, %dma_start3A_88] : memref<800000x16xf32, #tpu.memory_space<hbm>> -> memref<800000x16xf32, #tpu.memory_space<hbm>>
      tpu.enqueue_indirect_dma source(%dma_start3A_89 : memref<800000x16xf32, #tpu.memory_space<hbm>>) target(%dma_start3A_83 : memref<128x16xf32, #tpu.memory_space<vmem>>) offsets(%dma_start3A_86 : memref<128xi32, #tpu.memory_space<vmem>>) semaphore(%arg7 : memref<!tpu.dma_semaphore, #tpu.memory_space<semaphore_mem>>)
      %mul3A_90 = arith.constant 8 : i32
      %mul3A_91 = arith.muli %scan3A_11, %mul3A_90 : i32
      %add3A_92 = arith.constant 6 : i32
      %add3A_93 = arith.addi %mul3A_91, %add3A_92 : i32
      %dma_start3A_94 = arith.constant 768 : i32
      %dma_start3A_95 = arith.constant 0 : i32
      %dma_start3A_96 = tpu.memref_slice %arg6[%dma_start3A_94, %dma_start3A_95] : memref<1024x16xf32, #tpu.memory_space<vmem>> -> memref<128x16xf32, #tpu.memory_space<vmem>>
      %dma_start3A_97 = arith.constant 0 : i32
      %dma_start3A_98 = tpu.memref_slice %arg5[%add3A_93, %dma_start3A_97] : memref<32x128xi32, #tpu.memory_space<vmem>> -> memref<1x128xi32, #tpu.memory_space<vmem>>
      %dma_start3A_99 = tpu.memref_squeeze %dma_start3A_98 : memref<1x128xi32, #tpu.memory_space<vmem>> -> memref<128xi32, #tpu.memory_space<vmem>>
      %dma_start3A_100 = arith.constant 0 : i32
      %dma_start3A_101 = arith.constant 0 : i32
      %dma_start3A_102 = tpu.memref_slice %arg2[%dma_start3A_100, %dma_start3A_101] : memref<800000x16xf32, #tpu.memory_space<hbm>> -> memref<800000x16xf32, #tpu.memory_space<hbm>>
      tpu.enqueue_indirect_dma source(%dma_start3A_102 : memref<800000x16xf32, #tpu.memory_space<hbm>>) target(%dma_start3A_96 : memref<128x16xf32, #tpu.memory_space<vmem>>) offsets(%dma_start3A_99 : memref<128xi32, #tpu.memory_space<vmem>>) semaphore(%arg7 : memref<!tpu.dma_semaphore, #tpu.memory_space<semaphore_mem>>)
      %mul3A_103 = arith.constant 8 : i32
      %mul3A_104 = arith.muli %scan3A_11, %mul3A_103 : i32
      %add3A_105 = arith.constant 7 : i32
      %add3A_106 = arith.addi %mul3A_104, %add3A_105 : i32
      %dma_start3A_107 = arith.constant 896 : i32
      %dma_start3A_108 = arith.constant 0 : i32
      %dma_start3A_109 = tpu.memref_slice %arg6[%dma_start3A_107, %dma_start3A_108] : memref<1024x16xf32, #tpu.memory_space<vmem>> -> memref<128x16xf32, #tpu.memory_space<vmem>>
      %dma_start3A_110 = arith.constant 0 : i32
      %dma_start3A_111 = tpu.memref_slice %arg5[%add3A_106, %dma_start3A_110] : memref<32x128xi32, #tpu.memory_space<vmem>> -> memref<1x128xi32, #tpu.memory_space<vmem>>
      %dma_start3A_112 = tpu.memref_squeeze %dma_start3A_111 : memref<1x128xi32, #tpu.memory_space<vmem>> -> memref<128xi32, #tpu.memory_space<vmem>>
      %dma_start3A_113 = arith.constant 0 : i32
      %dma_start3A_114 = arith.constant 0 : i32
      %dma_start3A_115 = tpu.memref_slice %arg2[%dma_start3A_113, %dma_start3A_114] : memref<800000x16xf32, #tpu.memory_space<hbm>> -> memref<800000x16xf32, #tpu.memory_space<hbm>>
      tpu.enqueue_indirect_dma source(%dma_start3A_115 : memref<800000x16xf32, #tpu.memory_space<hbm>>) target(%dma_start3A_109 : memref<128x16xf32, #tpu.memory_space<vmem>>) offsets(%dma_start3A_112 : memref<128xi32, #tpu.memory_space<vmem>>) semaphore(%arg7 : memref<!tpu.dma_semaphore, #tpu.memory_space<semaphore_mem>>)
      %dma_wait3A = arith.constant 0 : i32
      %dma_wait3A_116 = arith.constant 0 : i32
      %dma_wait3A_117 = tpu.memref_slice %arg6[%dma_wait3A, %dma_wait3A_116] : memref<1024x16xf32, #tpu.memory_space<vmem>> -> memref<128x16xf32, #tpu.memory_space<vmem>>
      %dma_wait3A_118 = arith.constant 0 : i32
      %dma_wait3A_119 = tpu.memref_slice %arg5[%add3A_16, %dma_wait3A_118] : memref<32x128xi32, #tpu.memory_space<vmem>> -> memref<1x128xi32, #tpu.memory_space<vmem>>
      %dma_wait3A_120 = tpu.memref_squeeze %dma_wait3A_119 : memref<1x128xi32, #tpu.memory_space<vmem>> -> memref<128xi32, #tpu.memory_space<vmem>>
      %dma_wait3A_121 = arith.constant 0 : i32
      %dma_wait3A_122 = arith.constant 0 : i32
      %dma_wait3A_123 = tpu.memref_slice %arg2[%dma_wait3A_121, %dma_wait3A_122] : memref<800000x16xf32, #tpu.memory_space<hbm>> -> memref<800000x16xf32, #tpu.memory_space<hbm>>
      tpu.wait_indirect_dma semaphore(%arg7 : memref<!tpu.dma_semaphore, #tpu.memory_space<semaphore_mem>>) src(%dma_wait3A_123 : memref<800000x16xf32, #tpu.memory_space<hbm>>) dst(%dma_wait3A_117 : memref<128x16xf32, #tpu.memory_space<vmem>>)
      %dma_wait3A_124 = arith.constant 128 : i32
      %dma_wait3A_125 = arith.constant 0 : i32
      %dma_wait3A_126 = tpu.memref_slice %arg6[%dma_wait3A_124, %dma_wait3A_125] : memref<1024x16xf32, #tpu.memory_space<vmem>> -> memref<128x16xf32, #tpu.memory_space<vmem>>
      %dma_wait3A_127 = arith.constant 0 : i32
      %dma_wait3A_128 = tpu.memref_slice %arg5[%add3A_28, %dma_wait3A_127] : memref<32x128xi32, #tpu.memory_space<vmem>> -> memref<1x128xi32, #tpu.memory_space<vmem>>
      %dma_wait3A_129 = tpu.memref_squeeze %dma_wait3A_128 : memref<1x128xi32, #tpu.memory_space<vmem>> -> memref<128xi32, #tpu.memory_space<vmem>>
      %dma_wait3A_130 = arith.constant 0 : i32
      %dma_wait3A_131 = arith.constant 0 : i32
      %dma_wait3A_132 = tpu.memref_slice %arg2[%dma_wait3A_130, %dma_wait3A_131] : memref<800000x16xf32, #tpu.memory_space<hbm>> -> memref<800000x16xf32, #tpu.memory_space<hbm>>
      tpu.wait_indirect_dma semaphore(%arg7 : memref<!tpu.dma_semaphore, #tpu.memory_space<semaphore_mem>>) src(%dma_wait3A_132 : memref<800000x16xf32, #tpu.memory_space<hbm>>) dst(%dma_wait3A_126 : memref<128x16xf32, #tpu.memory_space<vmem>>)
      %dma_wait3A_133 = arith.constant 256 : i32
      %dma_wait3A_134 = arith.constant 0 : i32
      %dma_wait3A_135 = tpu.memref_slice %arg6[%dma_wait3A_133, %dma_wait3A_134] : memref<1024x16xf32, #tpu.memory_space<vmem>> -> memref<128x16xf32, #tpu.memory_space<vmem>>
      %dma_wait3A_136 = arith.constant 0 : i32
      %dma_wait3A_137 = tpu.memref_slice %arg5[%add3A_41, %dma_wait3A_136] : memref<32x128xi32, #tpu.memory_space<vmem>> -> memref<1x128xi32, #tpu.memory_space<vmem>>
      %dma_wait3A_138 = tpu.memref_squeeze %dma_wait3A_137 : memref<1x128xi32, #tpu.memory_space<vmem>> -> memref<128xi32, #tpu.memory_space<vmem>>
      %dma_wait3A_139 = arith.constant 0 : i32
      %dma_wait3A_140 = arith.constant 0 : i32
      %dma_wait3A_141 = tpu.memref_slice %arg2[%dma_wait3A_139, %dma_wait3A_140] : memref<800000x16xf32, #tpu.memory_space<hbm>> -> memref<800000x16xf32, #tpu.memory_space<hbm>>
      tpu.wait_indirect_dma semaphore(%arg7 : memref<!tpu.dma_semaphore, #tpu.memory_space<semaphore_mem>>) src(%dma_wait3A_141 : memref<800000x16xf32, #tpu.memory_space<hbm>>) dst(%dma_wait3A_135 : memref<128x16xf32, #tpu.memory_space<vmem>>)
      %dma_wait3A_142 = arith.constant 384 : i32
      %dma_wait3A_143 = arith.constant 0 : i32
      %dma_wait3A_144 = tpu.memref_slice %arg6[%dma_wait3A_142, %dma_wait3A_143] : memref<1024x16xf32, #tpu.memory_space<vmem>> -> memref<128x16xf32, #tpu.memory_space<vmem>>
      %dma_wait3A_145 = arith.constant 0 : i32
      %dma_wait3A_146 = tpu.memref_slice %arg5[%add3A_54, %dma_wait3A_145] : memref<32x128xi32, #tpu.memory_space<vmem>> -> memref<1x128xi32, #tpu.memory_space<vmem>>
      %dma_wait3A_147 = tpu.memref_squeeze %dma_wait3A_146 : memref<1x128xi32, #tpu.memory_space<vmem>> -> memref<128xi32, #tpu.memory_space<vmem>>
      %dma_wait3A_148 = arith.constant 0 : i32
      %dma_wait3A_149 = arith.constant 0 : i32
      %dma_wait3A_150 = tpu.memref_slice %arg2[%dma_wait3A_148, %dma_wait3A_149] : memref<800000x16xf32, #tpu.memory_space<hbm>> -> memref<800000x16xf32, #tpu.memory_space<hbm>>
      tpu.wait_indirect_dma semaphore(%arg7 : memref<!tpu.dma_semaphore, #tpu.memory_space<semaphore_mem>>) src(%dma_wait3A_150 : memref<800000x16xf32, #tpu.memory_space<hbm>>) dst(%dma_wait3A_144 : memref<128x16xf32, #tpu.memory_space<vmem>>)
      %dma_wait3A_151 = arith.constant 512 : i32
      %dma_wait3A_152 = arith.constant 0 : i32
      %dma_wait3A_153 = tpu.memref_slice %arg6[%dma_wait3A_151, %dma_wait3A_152] : memref<1024x16xf32, #tpu.memory_space<vmem>> -> memref<128x16xf32, #tpu.memory_space<vmem>>
      %dma_wait3A_154 = arith.constant 0 : i32
      %dma_wait3A_155 = tpu.memref_slice %arg5[%add3A_67, %dma_wait3A_154] : memref<32x128xi32, #tpu.memory_space<vmem>> -> memref<1x128xi32, #tpu.memory_space<vmem>>
      %dma_wait3A_156 = tpu.memref_squeeze %dma_wait3A_155 : memref<1x128xi32, #tpu.memory_space<vmem>> -> memref<128xi32, #tpu.memory_space<vmem>>
      %dma_wait3A_157 = arith.constant 0 : i32
      %dma_wait3A_158 = arith.constant 0 : i32
      %dma_wait3A_159 = tpu.memref_slice %arg2[%dma_wait3A_157, %dma_wait3A_158] : memref<800000x16xf32, #tpu.memory_space<hbm>> -> memref<800000x16xf32, #tpu.memory_space<hbm>>
      tpu.wait_indirect_dma semaphore(%arg7 : memref<!tpu.dma_semaphore, #tpu.memory_space<semaphore_mem>>) src(%dma_wait3A_159 : memref<800000x16xf32, #tpu.memory_space<hbm>>) dst(%dma_wait3A_153 : memref<128x16xf32, #tpu.memory_space<vmem>>)
      %dma_wait3A_160 = arith.constant 640 : i32
      %dma_wait3A_161 = arith.constant 0 : i32
      %dma_wait3A_162 = tpu.memref_slice %arg6[%dma_wait3A_160, %dma_wait3A_161] : memref<1024x16xf32, #tpu.memory_space<vmem>> -> memref<128x16xf32, #tpu.memory_space<vmem>>
      %dma_wait3A_163 = arith.constant 0 : i32
      %dma_wait3A_164 = tpu.memref_slice %arg5[%add3A_80, %dma_wait3A_163] : memref<32x128xi32, #tpu.memory_space<vmem>> -> memref<1x128xi32, #tpu.memory_space<vmem>>
      %dma_wait3A_165 = tpu.memref_squeeze %dma_wait3A_164 : memref<1x128xi32, #tpu.memory_space<vmem>> -> memref<128xi32, #tpu.memory_space<vmem>>
      %dma_wait3A_166 = arith.constant 0 : i32
      %dma_wait3A_167 = arith.constant 0 : i32
      %dma_wait3A_168 = tpu.memref_slice %arg2[%dma_wait3A_166, %dma_wait3A_167] : memref<800000x16xf32, #tpu.memory_space<hbm>> -> memref<800000x16xf32, #tpu.memory_space<hbm>>
      tpu.wait_indirect_dma semaphore(%arg7 : memref<!tpu.dma_semaphore, #tpu.memory_space<semaphore_mem>>) src(%dma_wait3A_168 : memref<800000x16xf32, #tpu.memory_space<hbm>>) dst(%dma_wait3A_162 : memref<128x16xf32, #tpu.memory_space<vmem>>)
      %dma_wait3A_169 = arith.constant 768 : i32
      %dma_wait3A_170 = arith.constant 0 : i32
      %dma_wait3A_171 = tpu.memref_slice %arg6[%dma_wait3A_169, %dma_wait3A_170] : memref<1024x16xf32, #tpu.memory_space<vmem>> -> memref<128x16xf32, #tpu.memory_space<vmem>>
      %dma_wait3A_172 = arith.constant 0 : i32
      %dma_wait3A_173 = tpu.memref_slice %arg5[%add3A_93, %dma_wait3A_172] : memref<32x128xi32, #tpu.memory_space<vmem>> -> memref<1x128xi32, #tpu.memory_space<vmem>>
      %dma_wait3A_174 = tpu.memref_squeeze %dma_wait3A_173 : memref<1x128xi32, #tpu.memory_space<vmem>> -> memref<128xi32, #tpu.memory_space<vmem>>
      %dma_wait3A_175 = arith.constant 0 : i32
      %dma_wait3A_176 = arith.constant 0 : i32
      %dma_wait3A_177 = tpu.memref_slice %arg2[%dma_wait3A_175, %dma_wait3A_176] : memref<800000x16xf32, #tpu.memory_space<hbm>> -> memref<800000x16xf32, #tpu.memory_space<hbm>>
      tpu.wait_indirect_dma semaphore(%arg7 : memref<!tpu.dma_semaphore, #tpu.memory_space<semaphore_mem>>) src(%dma_wait3A_177 : memref<800000x16xf32, #tpu.memory_space<hbm>>) dst(%dma_wait3A_171 : memref<128x16xf32, #tpu.memory_space<vmem>>)
      %dma_wait3A_178 = arith.constant 896 : i32
      %dma_wait3A_179 = arith.constant 0 : i32
      %dma_wait3A_180 = tpu.memref_slice %arg6[%dma_wait3A_178, %dma_wait3A_179] : memref<1024x16xf32, #tpu.memory_space<vmem>> -> memref<128x16xf32, #tpu.memory_space<vmem>>
      %dma_wait3A_181 = arith.constant 0 : i32
      %dma_wait3A_182 = tpu.memref_slice %arg5[%add3A_106, %dma_wait3A_181] : memref<32x128xi32, #tpu.memory_space<vmem>> -> memref<1x128xi32, #tpu.memory_space<vmem>>
      %dma_wait3A_183 = tpu.memref_squeeze %dma_wait3A_182 : memref<1x128xi32, #tpu.memory_space<vmem>> -> memref<128xi32, #tpu.memory_space<vmem>>
      %dma_wait3A_184 = arith.constant 0 : i32
      %dma_wait3A_185 = arith.constant 0 : i32
      %dma_wait3A_186 = tpu.memref_slice %arg2[%dma_wait3A_184, %dma_wait3A_185] : memref<800000x16xf32, #tpu.memory_space<hbm>> -> memref<800000x16xf32, #tpu.memory_space<hbm>>
      tpu.wait_indirect_dma semaphore(%arg7 : memref<!tpu.dma_semaphore, #tpu.memory_space<semaphore_mem>>) src(%dma_wait3A_186 : memref<800000x16xf32, #tpu.memory_space<hbm>>) dst(%dma_wait3A_180 : memref<128x16xf32, #tpu.memory_space<vmem>>)
      %mul3A_187 = arith.constant 1024 : i32
      %mul3A_188 = arith.muli %scan3A_11, %mul3A_187 : i32
      %add3A_189 = arith.addi %mul3A_4, %mul3A_188 : i32
      "tpu.region"() ({
        %run_scoped3A = tpu.sem_alloc : memref<!tpu.dma_semaphore, #tpu.memory_space<semaphore_mem>>
        %dma_start3A_191 = arith.constant 0 : i32
        %dma_start3A_192 = tpu.memref_slice %arg4[%add3A_189, %dma_start3A_191] : memref<131072x16xf32, #tpu.memory_space<hbm>> -> memref<1024x16xf32, #tpu.memory_space<hbm>>
        %dma_start3A_193 = arith.constant 0 : i32
        %dma_start3A_194 = tpu.memref_slice %arg4[%add3A_189, %dma_start3A_193] : memref<131072x16xf32, #tpu.memory_space<hbm>> -> memref<1024x16xf32, #tpu.memory_space<hbm>>
        tpu.enqueue_dma source(%arg6 : memref<1024x16xf32, #tpu.memory_space<vmem>>) target(%dma_start3A_194 : memref<1024x16xf32, #tpu.memory_space<hbm>>) target_semaphore(%run_scoped3A : memref<!tpu.dma_semaphore, #tpu.memory_space<semaphore_mem>>)
        %dma_wait3A_195 = arith.constant 0 : i32
        %dma_wait3A_196 = tpu.memref_slice %arg4[%add3A_189, %dma_wait3A_195] : memref<131072x16xf32, #tpu.memory_space<hbm>> -> memref<1024x16xf32, #tpu.memory_space<hbm>>
        %dma_wait3A_197 = arith.constant 0 : i32
        %dma_wait3A_198 = tpu.memref_slice %arg4[%add3A_189, %dma_wait3A_197] : memref<131072x16xf32, #tpu.memory_space<hbm>> -> memref<1024x16xf32, #tpu.memory_space<hbm>>
        tpu.wait_dma2 semaphore(%run_scoped3A : memref<!tpu.dma_semaphore, #tpu.memory_space<semaphore_mem>>) src(%arg6 : memref<1024x16xf32, #tpu.memory_space<vmem>>) dst(%dma_wait3A_198 : memref<1024x16xf32, #tpu.memory_space<hbm>>)
        tpu.yield
      }) : () -> ()
      %scan3A_190 = arith.constant 0 : i32
      scf.yield %scan3A_190 : i32
    }
    %scan3A_10 = arith.constant 4 : i32
    return
  }
}

#map = affine_map<(d0, d1) -> (0, 0)>
module attributes {stable_mosaic.version = 14 : i64} {
  func.func @gather_kernel(%arg0: i32, %arg1: i32, %arg2: memref<800000x16xf32, #tpu.memory_space<hbm>>, %arg3: memref<1024x128xi32, #tpu.memory_space<hbm>>, %arg4: memref<131072x16xf32, #tpu.memory_space<hbm>>, %arg5: memref<32x128xi32, #tpu.memory_space<vmem>>, %arg6: memref<1024x16xf32, #tpu.memory_space<vmem>>, %arg7: memref<!tpu.dma_semaphore, #tpu.memory_space<semaphore_mem>>) attributes {dimension_semantics = [#tpu.dimension_semantics<core_parallel>, #tpu.dimension_semantics<subcore_parallel>], iteration_bounds = array<i64: 2, 16>, scalar_prefetch = 0 : i64, scratch_operands = 3 : i64, tpu.core_type = #tpu.core_type<sc_vector_subcore>, window_params = [{transform_indices = #map}, {transform_indices = #map}, {transform_indices = #map}]} {
    %mul3A = arith.constant 2 : i32
    %mul3A_0 = arith.muli %arg1, %mul3A : i32
    %add3A = arith.addi %mul3A_0, %arg0 : i32
    %mul3A_1 = arith.constant 32 : i32
    %mul3A_2 = arith.muli %add3A, %mul3A_1 : i32
    %mul3A_3 = arith.constant 4096 : i32
    %mul3A_4 = arith.muli %add3A, %mul3A_3 : i32
    "tpu.region"() ({
      %run_scoped3A = tpu.sem_alloc : memref<!tpu.dma_semaphore, #tpu.memory_space<semaphore_mem>>
      %dma_start3A = arith.constant 0 : i32
      %dma_start3A_11 = tpu.memref_slice %arg3[%mul3A_2, %dma_start3A] : memref<1024x128xi32, #tpu.memory_space<hbm>> -> memref<32x128xi32, #tpu.memory_space<hbm>>
      %dma_start3A_12 = arith.constant 0 : i32
      %dma_start3A_13 = tpu.memref_slice %arg3[%mul3A_2, %dma_start3A_12] : memref<1024x128xi32, #tpu.memory_space<hbm>> -> memref<32x128xi32, #tpu.memory_space<hbm>>
      tpu.enqueue_dma source(%dma_start3A_13 : memref<32x128xi32, #tpu.memory_space<hbm>>) target(%arg5 : memref<32x128xi32, #tpu.memory_space<vmem>>) target_semaphore(%run_scoped3A : memref<!tpu.dma_semaphore, #tpu.memory_space<semaphore_mem>>)
      %dma_wait3A = arith.constant 0 : i32
      %dma_wait3A_14 = tpu.memref_slice %arg3[%mul3A_2, %dma_wait3A] : memref<1024x128xi32, #tpu.memory_space<hbm>> -> memref<32x128xi32, #tpu.memory_space<hbm>>
      %dma_wait3A_15 = arith.constant 0 : i32
      %dma_wait3A_16 = tpu.memref_slice %arg3[%mul3A_2, %dma_wait3A_15] : memref<1024x128xi32, #tpu.memory_space<hbm>> -> memref<32x128xi32, #tpu.memory_space<hbm>>
      tpu.wait_dma2 semaphore(%run_scoped3A : memref<!tpu.dma_semaphore, #tpu.memory_space<semaphore_mem>>) src(%dma_wait3A_16 : memref<32x128xi32, #tpu.memory_space<hbm>>) dst(%arg5 : memref<32x128xi32, #tpu.memory_space<vmem>>)
      tpu.yield
    }) : () -> ()
    %scan3A = arith.constant 0 : i32
    %scan3A_5 = arith.constant 0 : i32
    %scan3A_6 = arith.constant 4 : i32
    %scan3A_7 = arith.addi %scan3A_5, %scan3A_6 : i32
    %scan3A_8 = arith.constant 1 : i32
    %scan3A_9 = scf.for %scan3A_11 = %scan3A_5 to %scan3A_7 step %scan3A_8 iter_args(%scan3A_12 = %scan3A) -> (i32)  : i32 {
      %mul3A_13 = arith.constant 8 : i32
      %mul3A_14 = arith.muli %scan3A_11, %mul3A_13 : i32
      %add3A_15 = arith.constant 0 : i32
      %add3A_16 = arith.addi %mul3A_14, %add3A_15 : i32
      %dma_start3A = arith.constant 0 : i32
      %dma_start3A_17 = arith.constant 0 : i32
      %dma_start3A_18 = tpu.memref_slice %arg6[%dma_start3A, %dma_start3A_17] : memref<1024x16xf32, #tpu.memory_space<vmem>> -> memref<128x16xf32, #tpu.memory_space<vmem>>
      %dma_start3A_19 = arith.constant 0 : i32
      %dma_start3A_20 = tpu.memref_slice %arg5[%add3A_16, %dma_start3A_19] : memref<32x128xi32, #tpu.memory_space<vmem>> -> memref<1x128xi32, #tpu.memory_space<vmem>>
      %dma_start3A_21 = tpu.memref_squeeze %dma_start3A_20 : memref<1x128xi32, #tpu.memory_space<vmem>> -> memref<128xi32, #tpu.memory_space<vmem>>
      %dma_start3A_22 = arith.constant 0 : i32
      %dma_start3A_23 = arith.constant 0 : i32
      %dma_start3A_24 = tpu.memref_slice %arg2[%dma_start3A_22, %dma_start3A_23] : memref<800000x16xf32, #tpu.memory_space<hbm>> -> memref<800000x16xf32, #tpu.memory_space<hbm>>
      tpu.enqueue_indirect_dma source(%dma_start3A_24 : memref<800000x16xf32, #tpu.memory_space<hbm>>) target(%dma_start3A_18 : memref<128x16xf32, #tpu.memory_space<vmem>>) offsets(%dma_start3A_21 : memref<128xi32, #tpu.memory_space<vmem>>) semaphore(%arg7 : memref<!tpu.dma_semaphore, #tpu.memory_space<semaphore_mem>>)
      %mul3A_25 = arith.constant 8 : i32
      %mul3A_26 = arith.muli %scan3A_11, %mul3A_25 : i32
      %add3A_27 = arith.constant 1 : i32
      %add3A_28 = arith.addi %mul3A_26, %add3A_27 : i32
      %dma_start3A_29 = arith.constant 128 : i32
      %dma_start3A_30 = arith.constant 0 : i32
      %dma_start3A_31 = tpu.memref_slice %arg6[%dma_start3A_29, %dma_start3A_30] : memref<1024x16xf32, #tpu.memory_space<vmem>> -> memref<128x16xf32, #tpu.memory_space<vmem>>
      %dma_start3A_32 = arith.constant 0 : i32
      %dma_start3A_33 = tpu.memref_slice %arg5[%add3A_28, %dma_start3A_32] : memref<32x128xi32, #tpu.memory_space<vmem>> -> memref<1x128xi32, #tpu.memory_space<vmem>>
      %dma_start3A_34 = tpu.memref_squeeze %dma_start3A_33 : memref<1x128xi32, #tpu.memory_space<vmem>> -> memref<128xi32, #tpu.memory_space<vmem>>
      %dma_start3A_35 = arith.constant 0 : i32
      %dma_start3A_36 = arith.constant 0 : i32
      %dma_start3A_37 = tpu.memref_slice %arg2[%dma_start3A_35, %dma_start3A_36] : memref<800000x16xf32, #tpu.memory_space<hbm>> -> memref<800000x16xf32, #tpu.memory_space<hbm>>
      tpu.enqueue_indirect_dma source(%dma_start3A_37 : memref<800000x16xf32, #tpu.memory_space<hbm>>) target(%dma_start3A_31 : memref<128x16xf32, #tpu.memory_space<vmem>>) offsets(%dma_start3A_34 : memref<128xi32, #tpu.memory_space<vmem>>) semaphore(%arg7 : memref<!tpu.dma_semaphore, #tpu.memory_space<semaphore_mem>>)
      %mul3A_38 = arith.constant 8 : i32
      %mul3A_39 = arith.muli %scan3A_11, %mul3A_38 : i32
      %add3A_40 = arith.constant 2 : i32
      %add3A_41 = arith.addi %mul3A_39, %add3A_40 : i32
      %dma_start3A_42 = arith.constant 256 : i32
      %dma_start3A_43 = arith.constant 0 : i32
      %dma_start3A_44 = tpu.memref_slice %arg6[%dma_start3A_42, %dma_start3A_43] : memref<1024x16xf32, #tpu.memory_space<vmem>> -> memref<128x16xf32, #tpu.memory_space<vmem>>
      %dma_start3A_45 = arith.constant 0 : i32
      %dma_start3A_46 = tpu.memref_slice %arg5[%add3A_41, %dma_start3A_45] : memref<32x128xi32, #tpu.memory_space<vmem>> -> memref<1x128xi32, #tpu.memory_space<vmem>>
      %dma_start3A_47 = tpu.memref_squeeze %dma_start3A_46 : memref<1x128xi32, #tpu.memory_space<vmem>> -> memref<128xi32, #tpu.memory_space<vmem>>
      %dma_start3A_48 = arith.constant 0 : i32
      %dma_start3A_49 = arith.constant 0 : i32
      %dma_start3A_50 = tpu.memref_slice %arg2[%dma_start3A_48, %dma_start3A_49] : memref<800000x16xf32, #tpu.memory_space<hbm>> -> memref<800000x16xf32, #tpu.memory_space<hbm>>
      tpu.enqueue_indirect_dma source(%dma_start3A_50 : memref<800000x16xf32, #tpu.memory_space<hbm>>) target(%dma_start3A_44 : memref<128x16xf32, #tpu.memory_space<vmem>>) offsets(%dma_start3A_47 : memref<128xi32, #tpu.memory_space<vmem>>) semaphore(%arg7 : memref<!tpu.dma_semaphore, #tpu.memory_space<semaphore_mem>>)
      %mul3A_51 = arith.constant 8 : i32
      %mul3A_52 = arith.muli %scan3A_11, %mul3A_51 : i32
      %add3A_53 = arith.constant 3 : i32
      %add3A_54 = arith.addi %mul3A_52, %add3A_53 : i32
      %dma_start3A_55 = arith.constant 384 : i32
      %dma_start3A_56 = arith.constant 0 : i32
      %dma_start3A_57 = tpu.memref_slice %arg6[%dma_start3A_55, %dma_start3A_56] : memref<1024x16xf32, #tpu.memory_space<vmem>> -> memref<128x16xf32, #tpu.memory_space<vmem>>
      %dma_start3A_58 = arith.constant 0 : i32
      %dma_start3A_59 = tpu.memref_slice %arg5[%add3A_54, %dma_start3A_58] : memref<32x128xi32, #tpu.memory_space<vmem>> -> memref<1x128xi32, #tpu.memory_space<vmem>>
      %dma_start3A_60 = tpu.memref_squeeze %dma_start3A_59 : memref<1x128xi32, #tpu.memory_space<vmem>> -> memref<128xi32, #tpu.memory_space<vmem>>
      %dma_start3A_61 = arith.constant 0 : i32
      %dma_start3A_62 = arith.constant 0 : i32
      %dma_start3A_63 = tpu.memref_slice %arg2[%dma_start3A_61, %dma_start3A_62] : memref<800000x16xf32, #tpu.memory_space<hbm>> -> memref<800000x16xf32, #tpu.memory_space<hbm>>
      tpu.enqueue_indirect_dma source(%dma_start3A_63 : memref<800000x16xf32, #tpu.memory_space<hbm>>) target(%dma_start3A_57 : memref<128x16xf32, #tpu.memory_space<vmem>>) offsets(%dma_start3A_60 : memref<128xi32, #tpu.memory_space<vmem>>) semaphore(%arg7 : memref<!tpu.dma_semaphore, #tpu.memory_space<semaphore_mem>>)
      %mul3A_64 = arith.constant 8 : i32
      %mul3A_65 = arith.muli %scan3A_11, %mul3A_64 : i32
      %add3A_66 = arith.constant 4 : i32
      %add3A_67 = arith.addi %mul3A_65, %add3A_66 : i32
      %dma_start3A_68 = arith.constant 512 : i32
      %dma_start3A_69 = arith.constant 0 : i32
      %dma_start3A_70 = tpu.memref_slice %arg6[%dma_start3A_68, %dma_start3A_69] : memref<1024x16xf32, #tpu.memory_space<vmem>> -> memref<128x16xf32, #tpu.memory_space<vmem>>
      %dma_start3A_71 = arith.constant 0 : i32
      %dma_start3A_72 = tpu.memref_slice %arg5[%add3A_67, %dma_start3A_71] : memref<32x128xi32, #tpu.memory_space<vmem>> -> memref<1x128xi32, #tpu.memory_space<vmem>>
      %dma_start3A_73 = tpu.memref_squeeze %dma_start3A_72 : memref<1x128xi32, #tpu.memory_space<vmem>> -> memref<128xi32, #tpu.memory_space<vmem>>
      %dma_start3A_74 = arith.constant 0 : i32
      %dma_start3A_75 = arith.constant 0 : i32
      %dma_start3A_76 = tpu.memref_slice %arg2[%dma_start3A_74, %dma_start3A_75] : memref<800000x16xf32, #tpu.memory_space<hbm>> -> memref<800000x16xf32, #tpu.memory_space<hbm>>
      tpu.enqueue_indirect_dma source(%dma_start3A_76 : memref<800000x16xf32, #tpu.memory_space<hbm>>) target(%dma_start3A_70 : memref<128x16xf32, #tpu.memory_space<vmem>>) offsets(%dma_start3A_73 : memref<128xi32, #tpu.memory_space<vmem>>) semaphore(%arg7 : memref<!tpu.dma_semaphore, #tpu.memory_space<semaphore_mem>>)
      %mul3A_77 = arith.constant 8 : i32
      %mul3A_78 = arith.muli %scan3A_11, %mul3A_77 : i32
      %add3A_79 = arith.constant 5 : i32
      %add3A_80 = arith.addi %mul3A_78, %add3A_79 : i32
      %dma_start3A_81 = arith.constant 640 : i32
      %dma_start3A_82 = arith.constant 0 : i32
      %dma_start3A_83 = tpu.memref_slice %arg6[%dma_start3A_81, %dma_start3A_82] : memref<1024x16xf32, #tpu.memory_space<vmem>> -> memref<128x16xf32, #tpu.memory_space<vmem>>
      %dma_start3A_84 = arith.constant 0 : i32
      %dma_start3A_85 = tpu.memref_slice %arg5[%add3A_80, %dma_start3A_84] : memref<32x128xi32, #tpu.memory_space<vmem>> -> memref<1x128xi32, #tpu.memory_space<vmem>>
      %dma_start3A_86 = tpu.memref_squeeze %dma_start3A_85 : memref<1x128xi32, #tpu.memory_space<vmem>> -> memref<128xi32, #tpu.memory_space<vmem>>
      %dma_start3A_87 = arith.constant 0 : i32
      %dma_start3A_88 = arith.constant 0 : i32
      %dma_start3A_89 = tpu.memref_slice %arg2[%dma_start3A_87, %dma_start3A_88] : memref<800000x16xf32, #tpu.memory_space<hbm>> -> memref<800000x16xf32, #tpu.memory_space<hbm>>
      tpu.enqueue_indirect_dma source(%dma_start3A_89 : memref<800000x16xf32, #tpu.memory_space<hbm>>) target(%dma_start3A_83 : memref<128x16xf32, #tpu.memory_space<vmem>>) offsets(%dma_start3A_86 : memref<128xi32, #tpu.memory_space<vmem>>) semaphore(%arg7 : memref<!tpu.dma_semaphore, #tpu.memory_space<semaphore_mem>>)
      %mul3A_90 = arith.constant 8 : i32
      %mul3A_91 = arith.muli %scan3A_11, %mul3A_90 : i32
      %add3A_92 = arith.constant 6 : i32
      %add3A_93 = arith.addi %mul3A_91, %add3A_92 : i32
      %dma_start3A_94 = arith.constant 768 : i32
      %dma_start3A_95 = arith.constant 0 : i32
      %dma_start3A_96 = tpu.memref_slice %arg6[%dma_start3A_94, %dma_start3A_95] : memref<1024x16xf32, #tpu.memory_space<vmem>> -> memref<128x16xf32, #tpu.memory_space<vmem>>
      %dma_start3A_97 = arith.constant 0 : i32
      %dma_start3A_98 = tpu.memref_slice %arg5[%add3A_93, %dma_start3A_97] : memref<32x128xi32, #tpu.memory_space<vmem>> -> memref<1x128xi32, #tpu.memory_space<vmem>>
      %dma_start3A_99 = tpu.memref_squeeze %dma_start3A_98 : memref<1x128xi32, #tpu.memory_space<vmem>> -> memref<128xi32, #tpu.memory_space<vmem>>
      %dma_start3A_100 = arith.constant 0 : i32
      %dma_start3A_101 = arith.constant 0 : i32
      %dma_start3A_102 = tpu.memref_slice %arg2[%dma_start3A_100, %dma_start3A_101] : memref<800000x16xf32, #tpu.memory_space<hbm>> -> memref<800000x16xf32, #tpu.memory_space<hbm>>
      tpu.enqueue_indirect_dma source(%dma_start3A_102 : memref<800000x16xf32, #tpu.memory_space<hbm>>) target(%dma_start3A_96 : memref<128x16xf32, #tpu.memory_space<vmem>>) offsets(%dma_start3A_99 : memref<128xi32, #tpu.memory_space<vmem>>) semaphore(%arg7 : memref<!tpu.dma_semaphore, #tpu.memory_space<semaphore_mem>>)
      %mul3A_103 = arith.constant 8 : i32
      %mul3A_104 = arith.muli %scan3A_11, %mul3A_103 : i32
      %add3A_105 = arith.constant 7 : i32
      %add3A_106 = arith.addi %mul3A_104, %add3A_105 : i32
      %dma_start3A_107 = arith.constant 896 : i32
      %dma_start3A_108 = arith.constant 0 : i32
      %dma_start3A_109 = tpu.memref_slice %arg6[%dma_start3A_107, %dma_start3A_108] : memref<1024x16xf32, #tpu.memory_space<vmem>> -> memref<128x16xf32, #tpu.memory_space<vmem>>
      %dma_start3A_110 = arith.constant 0 : i32
      %dma_start3A_111 = tpu.memref_slice %arg5[%add3A_106, %dma_start3A_110] : memref<32x128xi32, #tpu.memory_space<vmem>> -> memref<1x128xi32, #tpu.memory_space<vmem>>
      %dma_start3A_112 = tpu.memref_squeeze %dma_start3A_111 : memref<1x128xi32, #tpu.memory_space<vmem>> -> memref<128xi32, #tpu.memory_space<vmem>>
      %dma_start3A_113 = arith.constant 0 : i32
      %dma_start3A_114 = arith.constant 0 : i32
      %dma_start3A_115 = tpu.memref_slice %arg2[%dma_start3A_113, %dma_start3A_114] : memref<800000x16xf32, #tpu.memory_space<hbm>> -> memref<800000x16xf32, #tpu.memory_space<hbm>>
      tpu.enqueue_indirect_dma source(%dma_start3A_115 : memref<800000x16xf32, #tpu.memory_space<hbm>>) target(%dma_start3A_109 : memref<128x16xf32, #tpu.memory_space<vmem>>) offsets(%dma_start3A_112 : memref<128xi32, #tpu.memory_space<vmem>>) semaphore(%arg7 : memref<!tpu.dma_semaphore, #tpu.memory_space<semaphore_mem>>)
      %dma_wait3A = arith.constant 0 : i32
      %dma_wait3A_116 = arith.constant 0 : i32
      %dma_wait3A_117 = tpu.memref_slice %arg6[%dma_wait3A, %dma_wait3A_116] : memref<1024x16xf32, #tpu.memory_space<vmem>> -> memref<128x16xf32, #tpu.memory_space<vmem>>
      %dma_wait3A_118 = arith.constant 0 : i32
      %dma_wait3A_119 = tpu.memref_slice %arg5[%add3A_16, %dma_wait3A_118] : memref<32x128xi32, #tpu.memory_space<vmem>> -> memref<1x128xi32, #tpu.memory_space<vmem>>
      %dma_wait3A_120 = tpu.memref_squeeze %dma_wait3A_119 : memref<1x128xi32, #tpu.memory_space<vmem>> -> memref<128xi32, #tpu.memory_space<vmem>>
      %dma_wait3A_121 = arith.constant 0 : i32
      %dma_wait3A_122 = arith.constant 0 : i32
      %dma_wait3A_123 = tpu.memref_slice %arg2[%dma_wait3A_121, %dma_wait3A_122] : memref<800000x16xf32, #tpu.memory_space<hbm>> -> memref<800000x16xf32, #tpu.memory_space<hbm>>
      tpu.wait_indirect_dma semaphore(%arg7 : memref<!tpu.dma_semaphore, #tpu.memory_space<semaphore_mem>>) src(%dma_wait3A_123 : memref<800000x16xf32, #tpu.memory_space<hbm>>) dst(%dma_wait3A_117 : memref<128x16xf32, #tpu.memory_space<vmem>>)
      %dma_wait3A_124 = arith.constant 128 : i32
      %dma_wait3A_125 = arith.constant 0 : i32
      %dma_wait3A_126 = tpu.memref_slice %arg6[%dma_wait3A_124, %dma_wait3A_125] : memref<1024x16xf32, #tpu.memory_space<vmem>> -> memref<128x16xf32, #tpu.memory_space<vmem>>
      %dma_wait3A_127 = arith.constant 0 : i32
      %dma_wait3A_128 = tpu.memref_slice %arg5[%add3A_28, %dma_wait3A_127] : memref<32x128xi32, #tpu.memory_space<vmem>> -> memref<1x128xi32, #tpu.memory_space<vmem>>
      %dma_wait3A_129 = tpu.memref_squeeze %dma_wait3A_128 : memref<1x128xi32, #tpu.memory_space<vmem>> -> memref<128xi32, #tpu.memory_space<vmem>>
      %dma_wait3A_130 = arith.constant 0 : i32
      %dma_wait3A_131 = arith.constant 0 : i32
      %dma_wait3A_132 = tpu.memref_slice %arg2[%dma_wait3A_130, %dma_wait3A_131] : memref<800000x16xf32, #tpu.memory_space<hbm>> -> memref<800000x16xf32, #tpu.memory_space<hbm>>
      tpu.wait_indirect_dma semaphore(%arg7 : memref<!tpu.dma_semaphore, #tpu.memory_space<semaphore_mem>>) src(%dma_wait3A_132 : memref<800000x16xf32, #tpu.memory_space<hbm>>) dst(%dma_wait3A_126 : memref<128x16xf32, #tpu.memory_space<vmem>>)
      %dma_wait3A_133 = arith.constant 256 : i32
      %dma_wait3A_134 = arith.constant 0 : i32
      %dma_wait3A_135 = tpu.memref_slice %arg6[%dma_wait3A_133, %dma_wait3A_134] : memref<1024x16xf32, #tpu.memory_space<vmem>> -> memref<128x16xf32, #tpu.memory_space<vmem>>
      %dma_wait3A_136 = arith.constant 0 : i32
      %dma_wait3A_137 = tpu.memref_slice %arg5[%add3A_41, %dma_wait3A_136] : memref<32x128xi32, #tpu.memory_space<vmem>> -> memref<1x128xi32, #tpu.memory_space<vmem>>
      %dma_wait3A_138 = tpu.memref_squeeze %dma_wait3A_137 : memref<1x128xi32, #tpu.memory_space<vmem>> -> memref<128xi32, #tpu.memory_space<vmem>>
      %dma_wait3A_139 = arith.constant 0 : i32
      %dma_wait3A_140 = arith.constant 0 : i32
      %dma_wait3A_141 = tpu.memref_slice %arg2[%dma_wait3A_139, %dma_wait3A_140] : memref<800000x16xf32, #tpu.memory_space<hbm>> -> memref<800000x16xf32, #tpu.memory_space<hbm>>
      tpu.wait_indirect_dma semaphore(%arg7 : memref<!tpu.dma_semaphore, #tpu.memory_space<semaphore_mem>>) src(%dma_wait3A_141 : memref<800000x16xf32, #tpu.memory_space<hbm>>) dst(%dma_wait3A_135 : memref<128x16xf32, #tpu.memory_space<vmem>>)
      %dma_wait3A_142 = arith.constant 384 : i32
      %dma_wait3A_143 = arith.constant 0 : i32
      %dma_wait3A_144 = tpu.memref_slice %arg6[%dma_wait3A_142, %dma_wait3A_143] : memref<1024x16xf32, #tpu.memory_space<vmem>> -> memref<128x16xf32, #tpu.memory_space<vmem>>
      %dma_wait3A_145 = arith.constant 0 : i32
      %dma_wait3A_146 = tpu.memref_slice %arg5[%add3A_54, %dma_wait3A_145] : memref<32x128xi32, #tpu.memory_space<vmem>> -> memref<1x128xi32, #tpu.memory_space<vmem>>
      %dma_wait3A_147 = tpu.memref_squeeze %dma_wait3A_146 : memref<1x128xi32, #tpu.memory_space<vmem>> -> memref<128xi32, #tpu.memory_space<vmem>>
      %dma_wait3A_148 = arith.constant 0 : i32
      %dma_wait3A_149 = arith.constant 0 : i32
      %dma_wait3A_150 = tpu.memref_slice %arg2[%dma_wait3A_148, %dma_wait3A_149] : memref<800000x16xf32, #tpu.memory_space<hbm>> -> memref<800000x16xf32, #tpu.memory_space<hbm>>
      tpu.wait_indirect_dma semaphore(%arg7 : memref<!tpu.dma_semaphore, #tpu.memory_space<semaphore_mem>>) src(%dma_wait3A_150 : memref<800000x16xf32, #tpu.memory_space<hbm>>) dst(%dma_wait3A_144 : memref<128x16xf32, #tpu.memory_space<vmem>>)
      %dma_wait3A_151 = arith.constant 512 : i32
      %dma_wait3A_152 = arith.constant 0 : i32
      %dma_wait3A_153 = tpu.memref_slice %arg6[%dma_wait3A_151, %dma_wait3A_152] : memref<1024x16xf32, #tpu.memory_space<vmem>> -> memref<128x16xf32, #tpu.memory_space<vmem>>
      %dma_wait3A_154 = arith.constant 0 : i32
      %dma_wait3A_155 = tpu.memref_slice %arg5[%add3A_67, %dma_wait3A_154] : memref<32x128xi32, #tpu.memory_space<vmem>> -> memref<1x128xi32, #tpu.memory_space<vmem>>
      %dma_wait3A_156 = tpu.memref_squeeze %dma_wait3A_155 : memref<1x128xi32, #tpu.memory_space<vmem>> -> memref<128xi32, #tpu.memory_space<vmem>>
      %dma_wait3A_157 = arith.constant 0 : i32
      %dma_wait3A_158 = arith.constant 0 : i32
      %dma_wait3A_159 = tpu.memref_slice %arg2[%dma_wait3A_157, %dma_wait3A_158] : memref<800000x16xf32, #tpu.memory_space<hbm>> -> memref<800000x16xf32, #tpu.memory_space<hbm>>
      tpu.wait_indirect_dma semaphore(%arg7 : memref<!tpu.dma_semaphore, #tpu.memory_space<semaphore_mem>>) src(%dma_wait3A_159 : memref<800000x16xf32, #tpu.memory_space<hbm>>) dst(%dma_wait3A_153 : memref<128x16xf32, #tpu.memory_space<vmem>>)
      %dma_wait3A_160 = arith.constant 640 : i32
      %dma_wait3A_161 = arith.constant 0 : i32
      %dma_wait3A_162 = tpu.memref_slice %arg6[%dma_wait3A_160, %dma_wait3A_161] : memref<1024x16xf32, #tpu.memory_space<vmem>> -> memref<128x16xf32, #tpu.memory_space<vmem>>
      %dma_wait3A_163 = arith.constant 0 : i32
      %dma_wait3A_164 = tpu.memref_slice %arg5[%add3A_80, %dma_wait3A_163] : memref<32x128xi32, #tpu.memory_space<vmem>> -> memref<1x128xi32, #tpu.memory_space<vmem>>
      %dma_wait3A_165 = tpu.memref_squeeze %dma_wait3A_164 : memref<1x128xi32, #tpu.memory_space<vmem>> -> memref<128xi32, #tpu.memory_space<vmem>>
      %dma_wait3A_166 = arith.constant 0 : i32
      %dma_wait3A_167 = arith.constant 0 : i32
      %dma_wait3A_168 = tpu.memref_slice %arg2[%dma_wait3A_166, %dma_wait3A_167] : memref<800000x16xf32, #tpu.memory_space<hbm>> -> memref<800000x16xf32, #tpu.memory_space<hbm>>
      tpu.wait_indirect_dma semaphore(%arg7 : memref<!tpu.dma_semaphore, #tpu.memory_space<semaphore_mem>>) src(%dma_wait3A_168 : memref<800000x16xf32, #tpu.memory_space<hbm>>) dst(%dma_wait3A_162 : memref<128x16xf32, #tpu.memory_space<vmem>>)
      %dma_wait3A_169 = arith.constant 768 : i32
      %dma_wait3A_170 = arith.constant 0 : i32
      %dma_wait3A_171 = tpu.memref_slice %arg6[%dma_wait3A_169, %dma_wait3A_170] : memref<1024x16xf32, #tpu.memory_space<vmem>> -> memref<128x16xf32, #tpu.memory_space<vmem>>
      %dma_wait3A_172 = arith.constant 0 : i32
      %dma_wait3A_173 = tpu.memref_slice %arg5[%add3A_93, %dma_wait3A_172] : memref<32x128xi32, #tpu.memory_space<vmem>> -> memref<1x128xi32, #tpu.memory_space<vmem>>
      %dma_wait3A_174 = tpu.memref_squeeze %dma_wait3A_173 : memref<1x128xi32, #tpu.memory_space<vmem>> -> memref<128xi32, #tpu.memory_space<vmem>>
      %dma_wait3A_175 = arith.constant 0 : i32
      %dma_wait3A_176 = arith.constant 0 : i32
      %dma_wait3A_177 = tpu.memref_slice %arg2[%dma_wait3A_175, %dma_wait3A_176] : memref<800000x16xf32, #tpu.memory_space<hbm>> -> memref<800000x16xf32, #tpu.memory_space<hbm>>
      tpu.wait_indirect_dma semaphore(%arg7 : memref<!tpu.dma_semaphore, #tpu.memory_space<semaphore_mem>>) src(%dma_wait3A_177 : memref<800000x16xf32, #tpu.memory_space<hbm>>) dst(%dma_wait3A_171 : memref<128x16xf32, #tpu.memory_space<vmem>>)
      %dma_wait3A_178 = arith.constant 896 : i32
      %dma_wait3A_179 = arith.constant 0 : i32
      %dma_wait3A_180 = tpu.memref_slice %arg6[%dma_wait3A_178, %dma_wait3A_179] : memref<1024x16xf32, #tpu.memory_space<vmem>> -> memref<128x16xf32, #tpu.memory_space<vmem>>
      %dma_wait3A_181 = arith.constant 0 : i32
      %dma_wait3A_182 = tpu.memref_slice %arg5[%add3A_106, %dma_wait3A_181] : memref<32x128xi32, #tpu.memory_space<vmem>> -> memref<1x128xi32, #tpu.memory_space<vmem>>
      %dma_wait3A_183 = tpu.memref_squeeze %dma_wait3A_182 : memref<1x128xi32, #tpu.memory_space<vmem>> -> memref<128xi32, #tpu.memory_space<vmem>>
      %dma_wait3A_184 = arith.constant 0 : i32
      %dma_wait3A_185 = arith.constant 0 : i32
      %dma_wait3A_186 = tpu.memref_slice %arg2[%dma_wait3A_184, %dma_wait3A_185] : memref<800000x16xf32, #tpu.memory_space<hbm>> -> memref<800000x16xf32, #tpu.memory_space<hbm>>
      tpu.wait_indirect_dma semaphore(%arg7 : memref<!tpu.dma_semaphore, #tpu.memory_space<semaphore_mem>>) src(%dma_wait3A_186 : memref<800000x16xf32, #tpu.memory_space<hbm>>) dst(%dma_wait3A_180 : memref<128x16xf32, #tpu.memory_space<vmem>>)
      %mul3A_187 = arith.constant 1024 : i32
      %mul3A_188 = arith.muli %scan3A_11, %mul3A_187 : i32
      %add3A_189 = arith.addi %mul3A_4, %mul3A_188 : i32
      "tpu.region"() ({
        %run_scoped3A = tpu.sem_alloc : memref<!tpu.dma_semaphore, #tpu.memory_space<semaphore_mem>>
        %dma_start3A_191 = arith.constant 0 : i32
        %dma_start3A_192 = tpu.memref_slice %arg4[%add3A_189, %dma_start3A_191] : memref<131072x16xf32, #tpu.memory_space<hbm>> -> memref<1024x16xf32, #tpu.memory_space<hbm>>
        %dma_start3A_193 = arith.constant 0 : i32
        %dma_start3A_194 = tpu.memref_slice %arg4[%add3A_189, %dma_start3A_193] : memref<131072x16xf32, #tpu.memory_space<hbm>> -> memref<1024x16xf32, #tpu.memory_space<hbm>>
        tpu.enqueue_dma source(%arg6 : memref<1024x16xf32, #tpu.memory_space<vmem>>) target(%dma_start3A_194 : memref<1024x16xf32, #tpu.memory_space<hbm>>) target_semaphore(%run_scoped3A : memref<!tpu.dma_semaphore, #tpu.memory_space<semaphore_mem>>)
        %dma_wait3A_195 = arith.constant 0 : i32
        %dma_wait3A_196 = tpu.memref_slice %arg4[%add3A_189, %dma_wait3A_195] : memref<131072x16xf32, #tpu.memory_space<hbm>> -> memref<1024x16xf32, #tpu.memory_space<hbm>>
        %dma_wait3A_197 = arith.constant 0 : i32
        %dma_wait3A_198 = tpu.memref_slice %arg4[%add3A_189, %dma_wait3A_197] : memref<131072x16xf32, #tpu.memory_space<hbm>> -> memref<1024x16xf32, #tpu.memory_space<hbm>>
        tpu.wait_dma2 semaphore(%run_scoped3A : memref<!tpu.dma_semaphore, #tpu.memory_space<semaphore_mem>>) src(%arg6 : memref<1024x16xf32, #tpu.memory_space<vmem>>) dst(%dma_wait3A_198 : memref<1024x16xf32, #tpu.memory_space<hbm>>)
        tpu.yield
      }) : () -> ()
      %scan3A_190 = arith.constant 0 : i32
      scf.yield %scan3A_190 : i32
    }
    %scan3A_10 = arith.constant 4 : i32
    return
  }
}

module attributes {stable_mosaic.version = 14 : i64} {
  func.func @_transpose_body(%arg0: i32, %arg1: memref<128x16384xf32, #tpu.memory_space<vmem>>, %arg2: memref<16384x128xf32, #tpu.memory_space<vmem>>) attributes {dimension_semantics = [#tpu.dimension_semantics<arbitrary>], iteration_bounds = array<i64: 7>, scalar_prefetch = 0 : i64, scratch_operands = 0 : i64, tpu.core_type = #tpu.core_type<tc>, window_params = [{transform_indices = @transform_0, window_bounds = array<i64: 128, 16384>}, {transform_indices = @transform_1, window_bounds = array<i64: 16384, 128>}]} {
    %get3A = arith.constant 0 : index
    %get3A_0 = arith.constant 0 : index
    %get3A_1 = vector.load %arg1[%get3A, %get3A_0] : memref<128x16384xf32, #tpu.memory_space<vmem>>, vector<128x16384xf32>
    %transpose3A = tpu.transpose %get3A_1, [1, 0] : vector<128x16384xf32> -> vector<16384x128xf32>
    %swap3A = arith.constant 0 : index
    %swap3A_2 = arith.constant 0 : index
    %swap3A_3 = vector.load %arg2[%swap3A, %swap3A_2] : memref<16384x128xf32, #tpu.memory_space<vmem>>, vector<16384x128xf32>
    tpu.vector_store %arg2[%swap3A, %swap3A_2], %transpose3A {strides = array<i32>} : memref<16384x128xf32, #tpu.memory_space<vmem>>, vector<16384x128xf32>,
    return
  }
  func.func @transform_0(%arg0: i32) -> (i32, i32) {
    %c0_i32 = arith.constant 0 : i32
    %c0_i32_0 = arith.constant 0 : i32
    return %c0_i32, %arg0 : i32, i32
  }
  func.func @transform_1(%arg0: i32) -> (i32, i32) {
    %c0_i32 = arith.constant 0 : i32
    %c0_i32_0 = arith.constant 0 : i32
    return %arg0, %c0_i32 : i32, i32
  }
}

module attributes {stable_mosaic.version = 14 : i64} {
  func.func @_transpose_body(%arg0: i32, %arg1: memref<128x16384xf32, #tpu.memory_space<vmem>>, %arg2: memref<16384x128xf32, #tpu.memory_space<vmem>>) attributes {dimension_semantics = [#tpu.dimension_semantics<arbitrary>], iteration_bounds = array<i64: 7>, scalar_prefetch = 0 : i64, scratch_operands = 0 : i64, tpu.core_type = #tpu.core_type<tc>, window_params = [{transform_indices = @transform_0, window_bounds = array<i64: 128, 16384>}, {transform_indices = @transform_1, window_bounds = array<i64: 16384, 128>}]} {
    %get3A = arith.constant 0 : index
    %get3A_0 = arith.constant 0 : index
    %get3A_1 = vector.load %arg1[%get3A, %get3A_0] : memref<128x16384xf32, #tpu.memory_space<vmem>>, vector<128x16384xf32>
    %transpose3A = tpu.transpose %get3A_1, [1, 0] : vector<128x16384xf32> -> vector<16384x128xf32>
    %swap3A = arith.constant 0 : index
    %swap3A_2 = arith.constant 0 : index
    %swap3A_3 = vector.load %arg2[%swap3A, %swap3A_2] : memref<16384x128xf32, #tpu.memory_space<vmem>>, vector<16384x128xf32>
    tpu.vector_store %arg2[%swap3A, %swap3A_2], %transpose3A {strides = array<i32>} : memref<16384x128xf32, #tpu.memory_space<vmem>>, vector<16384x128xf32>,
    return
  }
  func.func @transform_0(%arg0: i32) -> (i32, i32) {
    %c1_i32 = arith.constant 1 : i32
    %c0_i32 = arith.constant 0 : i32
    return %c1_i32, %arg0 : i32, i32
  }
  func.func @transform_1(%arg0: i32) -> (i32, i32) {
    %c0_i32 = arith.constant 0 : i32
    %c0_i32_0 = arith.constant 0 : i32
    return %arg0, %c0_i32 : i32, i32
  }
}

module attributes {stable_mosaic.version = 14 : i64} {
  func.func @_transpose_body(%arg0: i32, %arg1: memref<128x16384xf32, #tpu.memory_space<vmem>>, %arg2: memref<16384x128xf32, #tpu.memory_space<vmem>>) attributes {dimension_semantics = [#tpu.dimension_semantics<arbitrary>], iteration_bounds = array<i64: 7>, scalar_prefetch = 0 : i64, scratch_operands = 0 : i64, tpu.core_type = #tpu.core_type<tc>, window_params = [{transform_indices = @transform_0, window_bounds = array<i64: 128, 16384>}, {transform_indices = @transform_1, window_bounds = array<i64: 16384, 128>}]} {
    %get3A = arith.constant 0 : index
    %get3A_0 = arith.constant 0 : index
    %get3A_1 = vector.load %arg1[%get3A, %get3A_0] : memref<128x16384xf32, #tpu.memory_space<vmem>>, vector<128x16384xf32>
    %transpose3A = tpu.transpose %get3A_1, [1, 0] : vector<128x16384xf32> -> vector<16384x128xf32>
    %swap3A = arith.constant 0 : index
    %swap3A_2 = arith.constant 0 : index
    %swap3A_3 = vector.load %arg2[%swap3A, %swap3A_2] : memref<16384x128xf32, #tpu.memory_space<vmem>>, vector<16384x128xf32>
    tpu.vector_store %arg2[%swap3A, %swap3A_2], %transpose3A {strides = array<i32>} : memref<16384x128xf32, #tpu.memory_space<vmem>>, vector<16384x128xf32>,
    return
  }
  func.func @transform_0(%arg0: i32) -> (i32, i32) {
    %c2_i32 = arith.constant 2 : i32
    %c0_i32 = arith.constant 0 : i32
    return %c2_i32, %arg0 : i32, i32
  }
  func.func @transform_1(%arg0: i32) -> (i32, i32) {
    %c0_i32 = arith.constant 0 : i32
    %c0_i32_0 = arith.constant 0 : i32
    return %arg0, %c0_i32 : i32, i32
  }
}

module attributes {stable_mosaic.version = 14 : i64} {
  func.func @_transpose_body(%arg0: i32, %arg1: memref<128x16384xf32, #tpu.memory_space<vmem>>, %arg2: memref<16384x128xf32, #tpu.memory_space<vmem>>) attributes {dimension_semantics = [#tpu.dimension_semantics<arbitrary>], iteration_bounds = array<i64: 7>, scalar_prefetch = 0 : i64, scratch_operands = 0 : i64, tpu.core_type = #tpu.core_type<tc>, window_params = [{transform_indices = @transform_0, window_bounds = array<i64: 128, 16384>}, {transform_indices = @transform_1, window_bounds = array<i64: 16384, 128>}]} {
    %get3A = arith.constant 0 : index
    %get3A_0 = arith.constant 0 : index
    %get3A_1 = vector.load %arg1[%get3A, %get3A_0] : memref<128x16384xf32, #tpu.memory_space<vmem>>, vector<128x16384xf32>
    %iota3A = tpu.iota {dimensions = array<i32: 0>} : vector<128x16384xi32>
    %lt3A = arith.constant 32 : i32
    %lt3A_2 = vector.broadcast %lt3A : i32 to vector<128x16384xi32>
    %lt3A_3 = arith.cmpi slt, %iota3A, %lt3A_2 : vector<128x16384xi32>
    %jit3A = arith.constant 0.000000e+00 : f32
    %broadcast_in_dim3A = vector.broadcast %jit3A : f32 to vector<128x16384xf32>
    %select_n3A = arith.select %lt3A_3, %get3A_1, %broadcast_in_dim3A : vector<128x16384xi1>, vector<128x16384xf32>
    %transpose3A = tpu.transpose %select_n3A, [1, 0] : vector<128x16384xf32> -> vector<16384x128xf32>
    %swap3A = arith.constant 0 : index
    %swap3A_4 = arith.constant 0 : index
    %swap3A_5 = vector.load %arg2[%swap3A, %swap3A_4] : memref<16384x128xf32, #tpu.memory_space<vmem>>, vector<16384x128xf32>
    tpu.vector_store %arg2[%swap3A, %swap3A_4], %transpose3A {strides = array<i32>} : memref<16384x128xf32, #tpu.memory_space<vmem>>, vector<16384x128xf32>,
    return
  }
  func.func @transform_0(%arg0: i32) -> (i32, i32) {
    %c3_i32 = arith.constant 3 : i32
    %c0_i32 = arith.constant 0 : i32
    return %c3_i32, %arg0 : i32, i32
  }
  func.func @transform_1(%arg0: i32) -> (i32, i32) {
    %c0_i32 = arith.constant 0 : i32
    %c0_i32_0 = arith.constant 0 : i32
    return %arg0, %c0_i32 : i32, i32
  }
}

module attributes {stable_mosaic.version = 14 : i64} {
  func.func @_stats_body(%arg0: i32, %arg1: memref<4096x128xf32, #tpu.memory_space<vmem>>, %arg2: memref<4096x128xf32, #tpu.memory_space<vmem>>, %arg3: memref<4096x128xf32, #tpu.memory_space<vmem>>, %arg4: memref<4096x128xf32, #tpu.memory_space<vmem>>, %arg5: memref<2x512xf32, #tpu.memory_space<vmem>>, %arg6: memref<2x512xf32, #tpu.memory_space<vmem>>) attributes {dimension_semantics = [#tpu.dimension_semantics<arbitrary>], iteration_bounds = array<i64: 4>, scalar_prefetch = 0 : i64, scratch_operands = 1 : i64, tpu.core_type = #tpu.core_type<tc>, window_params = [{transform_indices = @transform_0, window_bounds = array<i64: 4096, 128>}, {transform_indices = @transform_1, window_bounds = array<i64: 4096, 128>}, {transform_indices = @transform_2, window_bounds = array<i64: 4096, 128>}, {transform_indices = @transform_3, window_bounds = array<i64: 4096, 128>}, {pipeline_mode = #tpu.pipeline_mode<synchronous>, transform_indices = @transform_4, window_bounds = array<i64: 2, 512>}]} {
    %eq3A = arith.constant 0 : i32
    %eq3A_0 = arith.cmpi eq, %arg0, %eq3A : i32
    %convert_element_type3A = arith.extui %eq3A_0 : i1 to i32
    %cond3A = arith.constant 0 : i32
    %cond3A_1 = arith.cmpi ne, %convert_element_type3A, %cond3A : i32
    scf.if %cond3A_1 {
      %broadcast_in_dim3A_28 = arith.constant 0.000000e+00 : f32
      %broadcast_in_dim3A_29 = vector.broadcast %broadcast_in_dim3A_28 : f32 to vector<2x512xf32>
      %swap3A_30 = arith.constant 0 : index
      %swap3A_31 = arith.constant 0 : index
      %swap3A_32 = vector.load %arg6[%swap3A_30, %swap3A_31] : memref<2x512xf32, #tpu.memory_space<vmem>>, vector<2x512xf32>
      tpu.vector_store %arg6[%swap3A_30, %swap3A_31], %broadcast_in_dim3A_29 {strides = array<i32>} : memref<2x512xf32, #tpu.memory_space<vmem>>, vector<2x512xf32>,
    } else {
    }
    %get3A = arith.constant 0 : index
    %get3A_2 = arith.constant 0 : index
    %get3A_3 = vector.load %arg1[%get3A, %get3A_2] : memref<4096x128xf32, #tpu.memory_space<vmem>>, vector<4096x128xf32>
    %get3A_4 = arith.constant 0 : index
    %get3A_5 = arith.constant 0 : index
    %get3A_6 = vector.load %arg2[%get3A_4, %get3A_5] : memref<4096x128xf32, #tpu.memory_space<vmem>>, vector<4096x128xf32>
    %get3A_7 = arith.constant 0 : index
    %get3A_8 = arith.constant 0 : index
    %get3A_9 = vector.load %arg3[%get3A_7, %get3A_8] : memref<4096x128xf32, #tpu.memory_space<vmem>>, vector<4096x128xf32>
    %get3A_10 = arith.constant 0 : index
    %get3A_11 = arith.constant 0 : index
    %get3A_12 = vector.load %arg4[%get3A_10, %get3A_11] : memref<4096x128xf32, #tpu.memory_space<vmem>>, vector<4096x128xf32>
    %concatenate3A = tpu.concatenate %get3A_3, %get3A_6, %get3A_9, %get3A_12 in 1 : vector<4096x128xf32>, vector<4096x128xf32>, vector<4096x128xf32>, vector<4096x128xf32> -> vector<4096x512xf32>
    %reduce_sum3A = arith.constant dense<0.000000e+00> : vector<512xf32>
    %reduce_sum3A_13 = vector.multi_reduction <add>, %concatenate3A, %reduce_sum3A [0] : vector<4096x512xf32> to vector<512xf32>
    %broadcast_in_dim3A = vector.shape_cast %reduce_sum3A_13 : vector<512xf32> to vector<1x512xf32>
    %mul3A = arith.mulf %concatenate3A, %concatenate3A : vector<4096x512xf32>
    %reduce_sum3A_14 = arith.constant dense<0.000000e+00> : vector<512xf32>
    %reduce_sum3A_15 = vector.multi_reduction <add>, %mul3A, %reduce_sum3A_14 [0] : vector<4096x512xf32> to vector<512xf32>
    %broadcast_in_dim3A_16 = vector.shape_cast %reduce_sum3A_15 : vector<512xf32> to vector<1x512xf32>
    %get3A_17 = arith.constant 0 : index
    %get3A_18 = arith.constant 0 : index
    %get3A_19 = vector.load %arg6[%get3A_17, %get3A_18] : memref<2x512xf32, #tpu.memory_space<vmem>>, vector<2x512xf32>
    %concatenate3A_20 = tpu.concatenate %broadcast_in_dim3A, %broadcast_in_dim3A_16 in 0 : vector<1x512xf32>, vector<1x512xf32> -> vector<2x512xf32>
    %add3A = arith.addf %get3A_19, %concatenate3A_20 : vector<2x512xf32>
    %swap3A = arith.constant 0 : index
    %swap3A_21 = arith.constant 0 : index
    %swap3A_22 = vector.load %arg6[%swap3A, %swap3A_21] : memref<2x512xf32, #tpu.memory_space<vmem>>, vector<2x512xf32>
    tpu.vector_store %arg6[%swap3A, %swap3A_21], %add3A {strides = array<i32>} : memref<2x512xf32, #tpu.memory_space<vmem>>, vector<2x512xf32>,
    %eq3A_23 = arith.constant 3 : i32
    %eq3A_24 = arith.cmpi eq, %arg0, %eq3A_23 : i32
    %convert_element_type3A_25 = arith.extui %eq3A_24 : i1 to i32
    %cond3A_26 = arith.constant 0 : i32
    %cond3A_27 = arith.cmpi ne, %convert_element_type3A_25, %cond3A_26 : i32
    scf.if %cond3A_27 {
      %get3A_28 = arith.constant 0 : index
      %get3A_29 = arith.constant 0 : index
      %get3A_30 = vector.load %arg6[%get3A_28, %get3A_29] : memref<2x512xf32, #tpu.memory_space<vmem>>, vector<2x512xf32>
      %swap3A_31 = arith.constant 0 : index
      %swap3A_32 = arith.constant 0 : index
      %swap3A_33 = vector.load %arg5[%swap3A_31, %swap3A_32] : memref<2x512xf32, #tpu.memory_space<vmem>>, vector<2x512xf32>
      tpu.vector_store %arg5[%swap3A_31, %swap3A_32], %get3A_30 {strides = array<i32>} : memref<2x512xf32, #tpu.memory_space<vmem>>, vector<2x512xf32>,
    } else {
    }
    return
  }
  func.func @transform_0(%arg0: i32) -> (i32, i32) {
    %c0_i32 = arith.constant 0 : i32
    %c0_i32_0 = arith.constant 0 : i32
    return %arg0, %c0_i32 : i32, i32
  }
  func.func @transform_1(%arg0: i32) -> (i32, i32) {
    %c0_i32 = arith.constant 0 : i32
    %c0_i32_0 = arith.constant 0 : i32
    return %arg0, %c0_i32 : i32, i32
  }
  func.func @transform_2(%arg0: i32) -> (i32, i32) {
    %c0_i32 = arith.constant 0 : i32
    %c0_i32_0 = arith.constant 0 : i32
    return %arg0, %c0_i32 : i32, i32
  }
  func.func @transform_3(%arg0: i32) -> (i32, i32) {
    %c0_i32 = arith.constant 0 : i32
    %c0_i32_0 = arith.constant 0 : i32
    return %arg0, %c0_i32 : i32, i32
  }
  func.func @transform_4(%arg0: i32) -> (i32, i32) {
    %c0_i32 = arith.constant 0 : i32
    %c0_i32_0 = arith.constant 0 : i32
    %c0_i32_1 = arith.constant 0 : i32
    return %c0_i32, %c0_i32_0 : i32, i32
  }
}

module attributes {stable_mosaic.version = 14 : i64} {
  func.func @_layer1_body(%arg0: i32, %arg1: memref<4096x128xf32, #tpu.memory_space<vmem>>, %arg2: memref<4096x128xf32, #tpu.memory_space<vmem>>, %arg3: memref<4096x128xf32, #tpu.memory_space<vmem>>, %arg4: memref<4096x128xf32, #tpu.memory_space<vmem>>, %arg5: memref<2x512xf32, #tpu.memory_space<vmem>>, %arg6: memref<1x512xf32, #tpu.memory_space<vmem>>, %arg7: memref<1x512xf32, #tpu.memory_space<vmem>>, %arg8: memref<512x256xf32, #tpu.memory_space<vmem>>, %arg9: memref<1x256xf32, #tpu.memory_space<vmem>>, %arg10: memref<4096x256xf32, #tpu.memory_space<vmem>>, %arg11: memref<2x256xf32, #tpu.memory_space<vmem>>, %arg12: memref<2x256xf32, #tpu.memory_space<vmem>>) attributes {dimension_semantics = [#tpu.dimension_semantics<arbitrary>], iteration_bounds = array<i64: 4>, scalar_prefetch = 0 : i64, scratch_operands = 1 : i64, tpu.core_type = #tpu.core_type<tc>, window_params = [{transform_indices = @transform_0, window_bounds = array<i64: 4096, 128>}, {transform_indices = @transform_1, window_bounds = array<i64: 4096, 128>}, {transform_indices = @transform_2, window_bounds = array<i64: 4096, 128>}, {transform_indices = @transform_3, window_bounds = array<i64: 4096, 128>}, {pipeline_mode = #tpu.pipeline_mode<synchronous>, transform_indices = @transform_4, window_bounds = array<i64: 2, 512>}, {pipeline_mode = #tpu.pipeline_mode<synchronous>, transform_indices = @transform_5, window_bounds = array<i64: 1, 512>}, {pipeline_mode = #tpu.pipeline_mode<synchronous>, transform_indices = @transform_6, window_bounds = array<i64: 1, 512>}, {pipeline_mode = #tpu.pipeline_mode<synchronous>, transform_indices = @transform_7, window_bounds = array<i64: 512, 256>}, {pipeline_mode = #tpu.pipeline_mode<synchronous>, transform_indices = @transform_8, window_bounds = array<i64: 1, 256>}, {transform_indices = @transform_9, window_bounds = array<i64: 4096, 256>}, {pipeline_mode = #tpu.pipeline_mode<synchronous>, transform_indices = @transform_10, window_bounds = array<i64: 2, 256>}]} {
    %get3A = arith.constant 0 : index
    %get3A_0 = arith.constant 0 : index
    %get3A_1 = vector.load %arg5[%get3A, %get3A_0] : memref<2x512xf32, #tpu.memory_space<vmem>>, vector<1x512xf32>
    %mul3A = arith.constant 6.10351563E-5 : f32
    %mul3A_2 = vector.broadcast %mul3A : f32 to vector<1x512xf32>
    %mul3A_3 = arith.mulf %get3A_1, %mul3A_2 : vector<1x512xf32>
    %get3A_4 = arith.constant 1 : index
    %get3A_5 = arith.constant 0 : index
    %get3A_6 = vector.load %arg5[%get3A_4, %get3A_5] : memref<2x512xf32, #tpu.memory_space<vmem>>, vector<1x512xf32>
    %mul3A_7 = arith.constant 6.10351563E-5 : f32
    %mul3A_8 = vector.broadcast %mul3A_7 : f32 to vector<1x512xf32>
    %mul3A_9 = arith.mulf %get3A_6, %mul3A_8 : vector<1x512xf32>
    %mul3A_10 = arith.mulf %mul3A_3, %mul3A_3 : vector<1x512xf32>
    %sub3A = arith.subf %mul3A_9, %mul3A_10 : vector<1x512xf32>
    %get3A_11 = arith.constant 0 : index
    %get3A_12 = arith.constant 0 : index
    %get3A_13 = vector.load %arg6[%get3A_11, %get3A_12] : memref<1x512xf32, #tpu.memory_space<vmem>>, vector<1x512xf32>
    %add3A = arith.constant 9.99999974E-6 : f32
    %add3A_14 = vector.broadcast %add3A : f32 to vector<1x512xf32>
    %add3A_15 = arith.addf %sub3A, %add3A_14 : vector<1x512xf32>
    %rsqrt3A = math.rsqrt %add3A_15 : vector<1x512xf32>
    %mul3A_16 = arith.mulf %get3A_13, %rsqrt3A : vector<1x512xf32>
    %get3A_17 = arith.constant 0 : index
    %get3A_18 = arith.constant 0 : index
    %get3A_19 = vector.load %arg7[%get3A_17, %get3A_18] : memref<1x512xf32, #tpu.memory_space<vmem>>, vector<1x512xf32>
    %mul3A_20 = arith.mulf %mul3A_3, %mul3A_16 : vector<1x512xf32>
    %sub3A_21 = arith.subf %get3A_19, %mul3A_20 : vector<1x512xf32>
    %get3A_22 = arith.constant 0 : index
    %get3A_23 = arith.constant 0 : index
    %get3A_24 = vector.load %arg1[%get3A_22, %get3A_23] : memref<4096x128xf32, #tpu.memory_space<vmem>>, vector<4096x128xf32>
    %get3A_25 = arith.constant 0 : index
    %get3A_26 = arith.constant 0 : index
    %get3A_27 = vector.load %arg2[%get3A_25, %get3A_26] : memref<4096x128xf32, #tpu.memory_space<vmem>>, vector<4096x128xf32>
    %get3A_28 = arith.constant 0 : index
    %get3A_29 = arith.constant 0 : index
    %get3A_30 = vector.load %arg3[%get3A_28, %get3A_29] : memref<4096x128xf32, #tpu.memory_space<vmem>>, vector<4096x128xf32>
    %get3A_31 = arith.constant 0 : index
    %get3A_32 = arith.constant 0 : index
    %get3A_33 = vector.load %arg4[%get3A_31, %get3A_32] : memref<4096x128xf32, #tpu.memory_space<vmem>>, vector<4096x128xf32>
    %concatenate3A = tpu.concatenate %get3A_24, %get3A_27, %get3A_30, %get3A_33 in 1 : vector<4096x128xf32>, vector<4096x128xf32>, vector<4096x128xf32>, vector<4096x128xf32> -> vector<4096x512xf32>
    %mul3A_34 = vector.broadcast %mul3A_16 : vector<1x512xf32> to vector<4096x512xf32>
    %mul3A_35 = arith.mulf %concatenate3A, %mul3A_34 : vector<4096x512xf32>
    %add3A_36 = vector.broadcast %sub3A_21 : vector<1x512xf32> to vector<4096x512xf32>
    %add3A_37 = arith.addf %mul3A_35, %add3A_36 : vector<4096x512xf32>
    %get3A_38 = arith.constant 0 : index
    %get3A_39 = arith.constant 0 : index
    %get3A_40 = vector.load %arg8[%get3A_38, %get3A_39] : memref<512x256xf32, #tpu.memory_space<vmem>>, vector<512x256xf32>
    %dot_general3A = arith.constant dense<0.000000e+00> : vector<4096x256xf32>
    %dot_general3A_41 = tpu.matmul %add3A_37, %get3A_40, %dot_general3A {dimension_numbers = #tpu.dot_dimension_numbers<[1], [0], [0], [1], [0, 0, 1, 1], [], []>, transpose_lhs_hint = false} : vector<4096x512xf32>, vector<512x256xf32>, vector<4096x256xf32> -> vector<4096x256xf32>
    %get3A_42 = arith.constant 0 : index
    %get3A_43 = arith.constant 0 : index
    %get3A_44 = vector.load %arg9[%get3A_42, %get3A_43] : memref<1x256xf32, #tpu.memory_space<vmem>>, vector<1x256xf32>
    %add3A_45 = vector.broadcast %get3A_44 : vector<1x256xf32> to vector<4096x256xf32>
    %add3A_46 = arith.addf %dot_general3A_41, %add3A_45 : vector<4096x256xf32>
    %max3A = arith.constant 0.000000e+00 : f32
    %max3A_47 = vector.broadcast %max3A : f32 to vector<4096x256xf32>
    %max3A_48 = arith.maximumf %add3A_46, %max3A_47 : vector<4096x256xf32>
    %swap3A = arith.constant 0 : index
    %swap3A_49 = arith.constant 0 : index
    %swap3A_50 = vector.load %arg10[%swap3A, %swap3A_49] : memref<4096x256xf32, #tpu.memory_space<vmem>>, vector<4096x256xf32>
    tpu.vector_store %arg10[%swap3A, %swap3A_49], %max3A_48 {strides = array<i32>} : memref<4096x256xf32, #tpu.memory_space<vmem>>, vector<4096x256xf32>,
    %eq3A = arith.constant 0 : i32
    %eq3A_51 = arith.cmpi eq, %arg0, %eq3A : i32
    %convert_element_type3A = arith.extui %eq3A_51 : i1 to i32
    %cond3A = arith.constant 0 : i32
    %cond3A_52 = arith.cmpi ne, %convert_element_type3A, %cond3A : i32
    scf.if %cond3A_52 {
      %broadcast_in_dim3A_71 = arith.constant 0.000000e+00 : f32
      %broadcast_in_dim3A_72 = vector.broadcast %broadcast_in_dim3A_71 : f32 to vector<2x256xf32>
      %swap3A_73 = arith.constant 0 : index
      %swap3A_74 = arith.constant 0 : index
      %swap3A_75 = vector.load %arg12[%swap3A_73, %swap3A_74] : memref<2x256xf32, #tpu.memory_space<vmem>>, vector<2x256xf32>
      tpu.vector_store %arg12[%swap3A_73, %swap3A_74], %broadcast_in_dim3A_72 {strides = array<i32>} : memref<2x256xf32, #tpu.memory_space<vmem>>, vector<2x256xf32>,
    } else {
    }
    %reduce_sum3A = arith.constant dense<0.000000e+00> : vector<256xf32>
    %reduce_sum3A_53 = vector.multi_reduction <add>, %max3A_48, %reduce_sum3A [0] : vector<4096x256xf32> to vector<256xf32>
    %broadcast_in_dim3A = vector.shape_cast %reduce_sum3A_53 : vector<256xf32> to vector<1x256xf32>
    %mul3A_54 = arith.mulf %max3A_48, %max3A_48 : vector<4096x256xf32>
    %reduce_sum3A_55 = arith.constant dense<0.000000e+00> : vector<256xf32>
    %reduce_sum3A_56 = vector.multi_reduction <add>, %mul3A_54, %reduce_sum3A_55 [0] : vector<4096x256xf32> to vector<256xf32>
    %broadcast_in_dim3A_57 = vector.shape_cast %reduce_sum3A_56 : vector<256xf32> to vector<1x256xf32>
    %get3A_58 = arith.constant 0 : index
    %get3A_59 = arith.constant 0 : index
    %get3A_60 = vector.load %arg12[%get3A_58, %get3A_59] : memref<2x256xf32, #tpu.memory_space<vmem>>, vector<2x256xf32>
    %concatenate3A_61 = tpu.concatenate %broadcast_in_dim3A, %broadcast_in_dim3A_57 in 0 : vector<1x256xf32>, vector<1x256xf32> -> vector<2x256xf32>
    %add3A_62 = arith.addf %get3A_60, %concatenate3A_61 : vector<2x256xf32>
    %swap3A_63 = arith.constant 0 : index
    %swap3A_64 = arith.constant 0 : index
    %swap3A_65 = vector.load %arg12[%swap3A_63, %swap3A_64] : memref<2x256xf32, #tpu.memory_space<vmem>>, vector<2x256xf32>
    tpu.vector_store %arg12[%swap3A_63, %swap3A_64], %add3A_62 {strides = array<i32>} : memref<2x256xf32, #tpu.memory_space<vmem>>, vector<2x256xf32>,
    %eq3A_66 = arith.constant 3 : i32
    %eq3A_67 = arith.cmpi eq, %arg0, %eq3A_66 : i32
    %convert_element_type3A_68 = arith.extui %eq3A_67 : i1 to i32
    %cond3A_69 = arith.constant 0 : i32
    %cond3A_70 = arith.cmpi ne, %convert_element_type3A_68, %cond3A_69 : i32
    scf.if %cond3A_70 {
      %get3A_71 = arith.constant 0 : index
      %get3A_72 = arith.constant 0 : index
      %get3A_73 = vector.load %arg12[%get3A_71, %get3A_72] : memref<2x256xf32, #tpu.memory_space<vmem>>, vector<2x256xf32>
      %swap3A_74 = arith.constant 0 : index
      %swap3A_75 = arith.constant 0 : index
      %swap3A_76 = vector.load %arg11[%swap3A_74, %swap3A_75] : memref<2x256xf32, #tpu.memory_space<vmem>>, vector<2x256xf32>
      tpu.vector_store %arg11[%swap3A_74, %swap3A_75], %get3A_73 {strides = array<i32>} : memref<2x256xf32, #tpu.memory_space<vmem>>, vector<2x256xf32>,
    } else {
    }
    return
  }
  func.func @transform_0(%arg0: i32) -> (i32, i32) {
    %c0_i32 = arith.constant 0 : i32
    %c0_i32_0 = arith.constant 0 : i32
    return %arg0, %c0_i32 : i32, i32
  }
  func.func @transform_1(%arg0: i32) -> (i32, i32) {
    %c0_i32 = arith.constant 0 : i32
    %c0_i32_0 = arith.constant 0 : i32
    return %arg0, %c0_i32 : i32, i32
  }
  func.func @transform_2(%arg0: i32) -> (i32, i32) {
    %c0_i32 = arith.constant 0 : i32
    %c0_i32_0 = arith.constant 0 : i32
    return %arg0, %c0_i32 : i32, i32
  }
  func.func @transform_3(%arg0: i32) -> (i32, i32) {
    %c0_i32 = arith.constant 0 : i32
    %c0_i32_0 = arith.constant 0 : i32
    return %arg0, %c0_i32 : i32, i32
  }
  func.func @transform_4(%arg0: i32) -> (i32, i32) {
    %c0_i32 = arith.constant 0 : i32
    %c0_i32_0 = arith.constant 0 : i32
    %c0_i32_1 = arith.constant 0 : i32
    return %c0_i32, %c0_i32_0 : i32, i32
  }
  func.func @transform_5(%arg0: i32) -> (i32, i32) {
    %c0_i32 = arith.constant 0 : i32
    %c0_i32_0 = arith.constant 0 : i32
    %c0_i32_1 = arith.constant 0 : i32
    return %c0_i32, %c0_i32_0 : i32, i32
  }
  func.func @transform_6(%arg0: i32) -> (i32, i32) {
    %c0_i32 = arith.constant 0 : i32
    %c0_i32_0 = arith.constant 0 : i32
    %c0_i32_1 = arith.constant 0 : i32
    return %c0_i32, %c0_i32_0 : i32, i32
  }
  func.func @transform_7(%arg0: i32) -> (i32, i32) {
    %c0_i32 = arith.constant 0 : i32
    %c0_i32_0 = arith.constant 0 : i32
    %c0_i32_1 = arith.constant 0 : i32
    return %c0_i32, %c0_i32_0 : i32, i32
  }
  func.func @transform_8(%arg0: i32) -> (i32, i32) {
    %c0_i32 = arith.constant 0 : i32
    %c0_i32_0 = arith.constant 0 : i32
    %c0_i32_1 = arith.constant 0 : i32
    return %c0_i32, %c0_i32_0 : i32, i32
  }
  func.func @transform_9(%arg0: i32) -> (i32, i32) {
    %c0_i32 = arith.constant 0 : i32
    %c0_i32_0 = arith.constant 0 : i32
    return %arg0, %c0_i32 : i32, i32
  }
  func.func @transform_10(%arg0: i32) -> (i32, i32) {
    %c0_i32 = arith.constant 0 : i32
    %c0_i32_0 = arith.constant 0 : i32
    %c0_i32_1 = arith.constant 0 : i32
    return %c0_i32, %c0_i32_0 : i32, i32
  }
}

module attributes {stable_mosaic.version = 14 : i64} {
  func.func @_layer_body(%arg0: i32, %arg1: memref<4096x256xf32, #tpu.memory_space<vmem>>, %arg2: memref<2x256xf32, #tpu.memory_space<vmem>>, %arg3: memref<1x256xf32, #tpu.memory_space<vmem>>, %arg4: memref<1x256xf32, #tpu.memory_space<vmem>>, %arg5: memref<256x128xf32, #tpu.memory_space<vmem>>, %arg6: memref<1x128xf32, #tpu.memory_space<vmem>>, %arg7: memref<4096x128xf32, #tpu.memory_space<vmem>>, %arg8: memref<2x128xf32, #tpu.memory_space<vmem>>, %arg9: memref<2x128xf32, #tpu.memory_space<vmem>>) attributes {dimension_semantics = [#tpu.dimension_semantics<arbitrary>], iteration_bounds = array<i64: 4>, scalar_prefetch = 0 : i64, scratch_operands = 1 : i64, tpu.core_type = #tpu.core_type<tc>, window_params = [{transform_indices = @transform_0, window_bounds = array<i64: 4096, 256>}, {pipeline_mode = #tpu.pipeline_mode<synchronous>, transform_indices = @transform_1, window_bounds = array<i64: 2, 256>}, {pipeline_mode = #tpu.pipeline_mode<synchronous>, transform_indices = @transform_2, window_bounds = array<i64: 1, 256>}, {pipeline_mode = #tpu.pipeline_mode<synchronous>, transform_indices = @transform_3, window_bounds = array<i64: 1, 256>}, {pipeline_mode = #tpu.pipeline_mode<synchronous>, transform_indices = @transform_4, window_bounds = array<i64: 256, 128>}, {pipeline_mode = #tpu.pipeline_mode<synchronous>, transform_indices = @transform_5, window_bounds = array<i64: 1, 128>}, {transform_indices = @transform_6, window_bounds = array<i64: 4096, 128>}, {pipeline_mode = #tpu.pipeline_mode<synchronous>, transform_indices = @transform_7, window_bounds = array<i64: 2, 128>}]} {
    %get3A = arith.constant 0 : index
    %get3A_0 = arith.constant 0 : index
    %get3A_1 = vector.load %arg2[%get3A, %get3A_0] : memref<2x256xf32, #tpu.memory_space<vmem>>, vector<1x256xf32>
    %mul3A = arith.constant 6.10351563E-5 : f32
    %mul3A_2 = vector.broadcast %mul3A : f32 to vector<1x256xf32>
    %mul3A_3 = arith.mulf %get3A_1, %mul3A_2 : vector<1x256xf32>
    %get3A_4 = arith.constant 1 : index
    %get3A_5 = arith.constant 0 : index
    %get3A_6 = vector.load %arg2[%get3A_4, %get3A_5] : memref<2x256xf32, #tpu.memory_space<vmem>>, vector<1x256xf32>
    %mul3A_7 = arith.constant 6.10351563E-5 : f32
    %mul3A_8 = vector.broadcast %mul3A_7 : f32 to vector<1x256xf32>
    %mul3A_9 = arith.mulf %get3A_6, %mul3A_8 : vector<1x256xf32>
    %mul3A_10 = arith.mulf %mul3A_3, %mul3A_3 : vector<1x256xf32>
    %sub3A = arith.subf %mul3A_9, %mul3A_10 : vector<1x256xf32>
    %get3A_11 = arith.constant 0 : index
    %get3A_12 = arith.constant 0 : index
    %get3A_13 = vector.load %arg3[%get3A_11, %get3A_12] : memref<1x256xf32, #tpu.memory_space<vmem>>, vector<1x256xf32>
    %add3A = arith.constant 9.99999974E-6 : f32
    %add3A_14 = vector.broadcast %add3A : f32 to vector<1x256xf32>
    %add3A_15 = arith.addf %sub3A, %add3A_14 : vector<1x256xf32>
    %rsqrt3A = math.rsqrt %add3A_15 : vector<1x256xf32>
    %mul3A_16 = arith.mulf %get3A_13, %rsqrt3A : vector<1x256xf32>
    %get3A_17 = arith.constant 0 : index
    %get3A_18 = arith.constant 0 : index
    %get3A_19 = vector.load %arg4[%get3A_17, %get3A_18] : memref<1x256xf32, #tpu.memory_space<vmem>>, vector<1x256xf32>
    %mul3A_20 = arith.mulf %mul3A_3, %mul3A_16 : vector<1x256xf32>
    %sub3A_21 = arith.subf %get3A_19, %mul3A_20 : vector<1x256xf32>
    %get3A_22 = arith.constant 0 : index
    %get3A_23 = arith.constant 0 : index
    %get3A_24 = vector.load %arg1[%get3A_22, %get3A_23] : memref<4096x256xf32, #tpu.memory_space<vmem>>, vector<4096x256xf32>
    %mul3A_25 = vector.broadcast %mul3A_16 : vector<1x256xf32> to vector<4096x256xf32>
    %mul3A_26 = arith.mulf %get3A_24, %mul3A_25 : vector<4096x256xf32>
    %add3A_27 = vector.broadcast %sub3A_21 : vector<1x256xf32> to vector<4096x256xf32>
    %add3A_28 = arith.addf %mul3A_26, %add3A_27 : vector<4096x256xf32>
    %get3A_29 = arith.constant 0 : index
    %get3A_30 = arith.constant 0 : index
    %get3A_31 = vector.load %arg5[%get3A_29, %get3A_30] : memref<256x128xf32, #tpu.memory_space<vmem>>, vector<256x128xf32>
    %dot_general3A = arith.constant dense<0.000000e+00> : vector<4096x128xf32>
    %dot_general3A_32 = tpu.matmul %add3A_28, %get3A_31, %dot_general3A {dimension_numbers = #tpu.dot_dimension_numbers<[1], [0], [0], [1], [0, 0, 1, 1], [], []>, transpose_lhs_hint = false} : vector<4096x256xf32>, vector<256x128xf32>, vector<4096x128xf32> -> vector<4096x128xf32>
    %get3A_33 = arith.constant 0 : index
    %get3A_34 = arith.constant 0 : index
    %get3A_35 = vector.load %arg6[%get3A_33, %get3A_34] : memref<1x128xf32, #tpu.memory_space<vmem>>, vector<1x128xf32>
    %add3A_36 = vector.broadcast %get3A_35 : vector<1x128xf32> to vector<4096x128xf32>
    %add3A_37 = arith.addf %dot_general3A_32, %add3A_36 : vector<4096x128xf32>
    %max3A = arith.constant 0.000000e+00 : f32
    %max3A_38 = vector.broadcast %max3A : f32 to vector<4096x128xf32>
    %max3A_39 = arith.maximumf %add3A_37, %max3A_38 : vector<4096x128xf32>
    %swap3A = arith.constant 0 : index
    %swap3A_40 = arith.constant 0 : index
    %swap3A_41 = vector.load %arg7[%swap3A, %swap3A_40] : memref<4096x128xf32, #tpu.memory_space<vmem>>, vector<4096x128xf32>
    tpu.vector_store %arg7[%swap3A, %swap3A_40], %max3A_39 {strides = array<i32>} : memref<4096x128xf32, #tpu.memory_space<vmem>>, vector<4096x128xf32>,
    %eq3A = arith.constant 0 : i32
    %eq3A_42 = arith.cmpi eq, %arg0, %eq3A : i32
    %convert_element_type3A = arith.extui %eq3A_42 : i1 to i32
    %cond3A = arith.constant 0 : i32
    %cond3A_43 = arith.cmpi ne, %convert_element_type3A, %cond3A : i32
    scf.if %cond3A_43 {
      %broadcast_in_dim3A_61 = arith.constant 0.000000e+00 : f32
      %broadcast_in_dim3A_62 = vector.broadcast %broadcast_in_dim3A_61 : f32 to vector<2x128xf32>
      %swap3A_63 = arith.constant 0 : index
      %swap3A_64 = arith.constant 0 : index
      %swap3A_65 = vector.load %arg9[%swap3A_63, %swap3A_64] : memref<2x128xf32, #tpu.memory_space<vmem>>, vector<2x128xf32>
      tpu.vector_store %arg9[%swap3A_63, %swap3A_64], %broadcast_in_dim3A_62 {strides = array<i32>} : memref<2x128xf32, #tpu.memory_space<vmem>>, vector<2x128xf32>,
    } else {
    }
    %reduce_sum3A = arith.constant dense<0.000000e+00> : vector<128xf32>
    %reduce_sum3A_44 = vector.multi_reduction <add>, %max3A_39, %reduce_sum3A [0] : vector<4096x128xf32> to vector<128xf32>
    %broadcast_in_dim3A = vector.shape_cast %reduce_sum3A_44 : vector<128xf32> to vector<1x128xf32>
    %mul3A_45 = arith.mulf %max3A_39, %max3A_39 : vector<4096x128xf32>
    %reduce_sum3A_46 = arith.constant dense<0.000000e+00> : vector<128xf32>
    %reduce_sum3A_47 = vector.multi_reduction <add>, %mul3A_45, %reduce_sum3A_46 [0] : vector<4096x128xf32> to vector<128xf32>
    %broadcast_in_dim3A_48 = vector.shape_cast %reduce_sum3A_47 : vector<128xf32> to vector<1x128xf32>
    %get3A_49 = arith.constant 0 : index
    %get3A_50 = arith.constant 0 : index
    %get3A_51 = vector.load %arg9[%get3A_49, %get3A_50] : memref<2x128xf32, #tpu.memory_space<vmem>>, vector<2x128xf32>
    %concatenate3A = tpu.concatenate %broadcast_in_dim3A, %broadcast_in_dim3A_48 in 0 : vector<1x128xf32>, vector<1x128xf32> -> vector<2x128xf32>
    %add3A_52 = arith.addf %get3A_51, %concatenate3A : vector<2x128xf32>
    %swap3A_53 = arith.constant 0 : index
    %swap3A_54 = arith.constant 0 : index
    %swap3A_55 = vector.load %arg9[%swap3A_53, %swap3A_54] : memref<2x128xf32, #tpu.memory_space<vmem>>, vector<2x128xf32>
    tpu.vector_store %arg9[%swap3A_53, %swap3A_54], %add3A_52 {strides = array<i32>} : memref<2x128xf32, #tpu.memory_space<vmem>>, vector<2x128xf32>,
    %eq3A_56 = arith.constant 3 : i32
    %eq3A_57 = arith.cmpi eq, %arg0, %eq3A_56 : i32
    %convert_element_type3A_58 = arith.extui %eq3A_57 : i1 to i32
    %cond3A_59 = arith.constant 0 : i32
    %cond3A_60 = arith.cmpi ne, %convert_element_type3A_58, %cond3A_59 : i32
    scf.if %cond3A_60 {
      %get3A_61 = arith.constant 0 : index
      %get3A_62 = arith.constant 0 : index
      %get3A_63 = vector.load %arg9[%get3A_61, %get3A_62] : memref<2x128xf32, #tpu.memory_space<vmem>>, vector<2x128xf32>
      %swap3A_64 = arith.constant 0 : index
      %swap3A_65 = arith.constant 0 : index
      %swap3A_66 = vector.load %arg8[%swap3A_64, %swap3A_65] : memref<2x128xf32, #tpu.memory_space<vmem>>, vector<2x128xf32>
      tpu.vector_store %arg8[%swap3A_64, %swap3A_65], %get3A_63 {strides = array<i32>} : memref<2x128xf32, #tpu.memory_space<vmem>>, vector<2x128xf32>,
    } else {
    }
    return
  }
  func.func @transform_0(%arg0: i32) -> (i32, i32) {
    %c0_i32 = arith.constant 0 : i32
    %c0_i32_0 = arith.constant 0 : i32
    return %arg0, %c0_i32 : i32, i32
  }
  func.func @transform_1(%arg0: i32) -> (i32, i32) {
    %c0_i32 = arith.constant 0 : i32
    %c0_i32_0 = arith.constant 0 : i32
    %c0_i32_1 = arith.constant 0 : i32
    return %c0_i32, %c0_i32_0 : i32, i32
  }
  func.func @transform_2(%arg0: i32) -> (i32, i32) {
    %c0_i32 = arith.constant 0 : i32
    %c0_i32_0 = arith.constant 0 : i32
    %c0_i32_1 = arith.constant 0 : i32
    return %c0_i32, %c0_i32_0 : i32, i32
  }
  func.func @transform_3(%arg0: i32) -> (i32, i32) {
    %c0_i32 = arith.constant 0 : i32
    %c0_i32_0 = arith.constant 0 : i32
    %c0_i32_1 = arith.constant 0 : i32
    return %c0_i32, %c0_i32_0 : i32, i32
  }
  func.func @transform_4(%arg0: i32) -> (i32, i32) {
    %c0_i32 = arith.constant 0 : i32
    %c0_i32_0 = arith.constant 0 : i32
    %c0_i32_1 = arith.constant 0 : i32
    return %c0_i32, %c0_i32_0 : i32, i32
  }
  func.func @transform_5(%arg0: i32) -> (i32, i32) {
    %c0_i32 = arith.constant 0 : i32
    %c0_i32_0 = arith.constant 0 : i32
    %c0_i32_1 = arith.constant 0 : i32
    return %c0_i32, %c0_i32_0 : i32, i32
  }
  func.func @transform_6(%arg0: i32) -> (i32, i32) {
    %c0_i32 = arith.constant 0 : i32
    %c0_i32_0 = arith.constant 0 : i32
    return %arg0, %c0_i32 : i32, i32
  }
  func.func @transform_7(%arg0: i32) -> (i32, i32) {
    %c0_i32 = arith.constant 0 : i32
    %c0_i32_0 = arith.constant 0 : i32
    %c0_i32_1 = arith.constant 0 : i32
    return %c0_i32, %c0_i32_0 : i32, i32
  }
}

module attributes {stable_mosaic.version = 14 : i64} {
  func.func @_final_body(%arg0: i32, %arg1: memref<4096x128xf32, #tpu.memory_space<vmem>>, %arg2: memref<2x128xf32, #tpu.memory_space<vmem>>, %arg3: memref<1x128xf32, #tpu.memory_space<vmem>>, %arg4: memref<1x128xf32, #tpu.memory_space<vmem>>, %arg5: memref<1x128xf32, #tpu.memory_space<vmem>>, %arg6: memref<1x1xf32, #tpu.memory_space<vmem>>, %arg7: memref<4096x1xf32, #tpu.memory_space<vmem>>) attributes {dimension_semantics = [#tpu.dimension_semantics<arbitrary>], iteration_bounds = array<i64: 4>, scalar_prefetch = 0 : i64, scratch_operands = 0 : i64, tpu.core_type = #tpu.core_type<tc>, window_params = [{transform_indices = @transform_0, window_bounds = array<i64: 4096, 128>}, {pipeline_mode = #tpu.pipeline_mode<synchronous>, transform_indices = @transform_1, window_bounds = array<i64: 2, 128>}, {pipeline_mode = #tpu.pipeline_mode<synchronous>, transform_indices = @transform_2, window_bounds = array<i64: 1, 128>}, {pipeline_mode = #tpu.pipeline_mode<synchronous>, transform_indices = @transform_3, window_bounds = array<i64: 1, 128>}, {pipeline_mode = #tpu.pipeline_mode<synchronous>, transform_indices = @transform_4, window_bounds = array<i64: 1, 128>}, {pipeline_mode = #tpu.pipeline_mode<synchronous>, transform_indices = @transform_5, window_bounds = array<i64: 1, 1>}, {transform_indices = @transform_6, window_bounds = array<i64: 4096, 1>}]} {
    %get3A = arith.constant 0 : index
    %get3A_0 = arith.constant 0 : index
    %get3A_1 = vector.load %arg2[%get3A, %get3A_0] : memref<2x128xf32, #tpu.memory_space<vmem>>, vector<1x128xf32>
    %mul3A = arith.constant 6.10351563E-5 : f32
    %mul3A_2 = vector.broadcast %mul3A : f32 to vector<1x128xf32>
    %mul3A_3 = arith.mulf %get3A_1, %mul3A_2 : vector<1x128xf32>
    %get3A_4 = arith.constant 1 : index
    %get3A_5 = arith.constant 0 : index
    %get3A_6 = vector.load %arg2[%get3A_4, %get3A_5] : memref<2x128xf32, #tpu.memory_space<vmem>>, vector<1x128xf32>
    %mul3A_7 = arith.constant 6.10351563E-5 : f32
    %mul3A_8 = vector.broadcast %mul3A_7 : f32 to vector<1x128xf32>
    %mul3A_9 = arith.mulf %get3A_6, %mul3A_8 : vector<1x128xf32>
    %mul3A_10 = arith.mulf %mul3A_3, %mul3A_3 : vector<1x128xf32>
    %sub3A = arith.subf %mul3A_9, %mul3A_10 : vector<1x128xf32>
    %get3A_11 = arith.constant 0 : index
    %get3A_12 = arith.constant 0 : index
    %get3A_13 = vector.load %arg3[%get3A_11, %get3A_12] : memref<1x128xf32, #tpu.memory_space<vmem>>, vector<1x128xf32>
    %add3A = arith.constant 9.99999974E-6 : f32
    %add3A_14 = vector.broadcast %add3A : f32 to vector<1x128xf32>
    %add3A_15 = arith.addf %sub3A, %add3A_14 : vector<1x128xf32>
    %rsqrt3A = math.rsqrt %add3A_15 : vector<1x128xf32>
    %mul3A_16 = arith.mulf %get3A_13, %rsqrt3A : vector<1x128xf32>
    %get3A_17 = arith.constant 0 : index
    %get3A_18 = arith.constant 0 : index
    %get3A_19 = vector.load %arg4[%get3A_17, %get3A_18] : memref<1x128xf32, #tpu.memory_space<vmem>>, vector<1x128xf32>
    %mul3A_20 = arith.mulf %mul3A_3, %mul3A_16 : vector<1x128xf32>
    %sub3A_21 = arith.subf %get3A_19, %mul3A_20 : vector<1x128xf32>
    %get3A_22 = arith.constant 0 : index
    %get3A_23 = arith.constant 0 : index
    %get3A_24 = vector.load %arg1[%get3A_22, %get3A_23] : memref<4096x128xf32, #tpu.memory_space<vmem>>, vector<4096x128xf32>
    %mul3A_25 = vector.broadcast %mul3A_16 : vector<1x128xf32> to vector<4096x128xf32>
    %mul3A_26 = arith.mulf %get3A_24, %mul3A_25 : vector<4096x128xf32>
    %add3A_27 = vector.broadcast %sub3A_21 : vector<1x128xf32> to vector<4096x128xf32>
    %add3A_28 = arith.addf %mul3A_26, %add3A_27 : vector<4096x128xf32>
    %get3A_29 = arith.constant 0 : index
    %get3A_30 = arith.constant 0 : index
    %get3A_31 = vector.load %arg5[%get3A_29, %get3A_30] : memref<1x128xf32, #tpu.memory_space<vmem>>, vector<1x128xf32>
    %mul3A_32 = vector.broadcast %get3A_31 : vector<1x128xf32> to vector<4096x128xf32>
    %mul3A_33 = arith.mulf %add3A_28, %mul3A_32 : vector<4096x128xf32>
    %reduce_sum3A = arith.constant dense<0.000000e+00> : vector<4096xf32>
    %reduce_sum3A_34 = vector.multi_reduction <add>, %mul3A_33, %reduce_sum3A [1] : vector<4096x128xf32> to vector<4096xf32>
    %broadcast_in_dim3A = vector.shape_cast %reduce_sum3A_34 : vector<4096xf32> to vector<4096x1xf32>
    %get3A_35 = arith.constant 0 : index
    %get3A_36 = arith.constant 0 : index
    %get3A_37 = vector.load %arg6[%get3A_35, %get3A_36] : memref<1x1xf32, #tpu.memory_space<vmem>>, vector<1x1xf32>
    %get3A_38 = vector.extract %get3A_37[0, 0] : f32 from vector<1x1xf32>
    %add3A_39 = vector.broadcast %get3A_38 : f32 to vector<4096x1xf32>
    %add3A_40 = arith.addf %broadcast_in_dim3A, %add3A_39 : vector<4096x1xf32>
    %logistic3A = arith.negf %add3A_40 : vector<4096x1xf32>
    %logistic3A_41 = math.exp %logistic3A : vector<4096x1xf32>
    %logistic3A_42 = arith.constant 1.000000e+00 : f32
    %logistic3A_43 = vector.broadcast %logistic3A_42 : f32 to vector<4096x1xf32>
    %logistic3A_44 = arith.addf %logistic3A_43, %logistic3A_41 : vector<4096x1xf32>
    %logistic3A_45 = arith.divf %logistic3A_43, %logistic3A_44 : vector<4096x1xf32>
    %swap3A = arith.constant 0 : index
    %swap3A_46 = arith.constant 0 : index
    %swap3A_47 = vector.load %arg7[%swap3A, %swap3A_46] : memref<4096x1xf32, #tpu.memory_space<vmem>>, vector<4096x1xf32>
    tpu.vector_store %arg7[%swap3A, %swap3A_46], %logistic3A_45 {strides = array<i32>} : memref<4096x1xf32, #tpu.memory_space<vmem>>, vector<4096x1xf32>,
    return
  }
  func.func @transform_0(%arg0: i32) -> (i32, i32) {
    %c0_i32 = arith.constant 0 : i32
    %c0_i32_0 = arith.constant 0 : i32
    return %arg0, %c0_i32 : i32, i32
  }
  func.func @transform_1(%arg0: i32) -> (i32, i32) {
    %c0_i32 = arith.constant 0 : i32
    %c0_i32_0 = arith.constant 0 : i32
    %c0_i32_1 = arith.constant 0 : i32
    return %c0_i32, %c0_i32_0 : i32, i32
  }
  func.func @transform_2(%arg0: i32) -> (i32, i32) {
    %c0_i32 = arith.constant 0 : i32
    %c0_i32_0 = arith.constant 0 : i32
    %c0_i32_1 = arith.constant 0 : i32
    return %c0_i32, %c0_i32_0 : i32, i32
  }
  func.func @transform_3(%arg0: i32) -> (i32, i32) {
    %c0_i32 = arith.constant 0 : i32
    %c0_i32_0 = arith.constant 0 : i32
    %c0_i32_1 = arith.constant 0 : i32
    return %c0_i32, %c0_i32_0 : i32, i32
  }
  func.func @transform_4(%arg0: i32) -> (i32, i32) {
    %c0_i32 = arith.constant 0 : i32
    %c0_i32_0 = arith.constant 0 : i32
    %c0_i32_1 = arith.constant 0 : i32
    return %c0_i32, %c0_i32_0 : i32, i32
  }
  func.func @transform_5(%arg0: i32) -> (i32, i32) {
    %c0_i32 = arith.constant 0 : i32
    %c0_i32_0 = arith.constant 0 : i32
    %c0_i32_1 = arith.constant 0 : i32
    return %c0_i32, %c0_i32_0 : i32, i32
  }
  func.func @transform_6(%arg0: i32) -> (i32, i32) {
    %c0_i32 = arith.constant 0 : i32
    %c0_i32_0 = arith.constant 0 : i32
    return %arg0, %c0_i32 : i32, i32
  }
}

</mosaic_0001>

<sc_bundles>
// kernel: kernel.14.cloned.1.call-start
scs
__scs_entry_jumppad:
0x0: {  	(pc) =	sbr.rel $0x88, $3  }
0x1: {  	(tag) =	ssettag $0x0;
	lr =	simm.s32 $0x1  }
0x2: {  	[smem:$0x3F93] =	sst lr;
	_ =	strace $0xD0000000  }
0x3: {  	_ = 	snop  }
0x4: {  	_ = 	snop  }
0x5: {  	_ = 	snop  }
0x6: {  	_ = 	snop  }
0x7: {  	_ = 	snop  }
__scs_overlays_trampoline_lowered:
0x8: {  	[smem:$0x3FA2] =	sst s0  }
0x9: {  	[smem:$0x3FA3] =	sst s1  }
0xa: {  	[smem:$0x3FA4] =	sst s2  }
0xb: {  	[smem:$0x3FA5] =	sst s3  }
0xc: {  	[smem:$0x3FA6] =	sst s4  }
0xd: {  	[smem:$0x3FA7] =	sst s5  }
0xe: {  	[smem:$0x3FA8] =	sst s6  }
0xf: {  	[smem:$0x3FA9] =	sst s7  }
0x10: {  	[smem:$0x3FAA] =	sst s8  }
0x11: {  	[smem:$0x3FAB] =	sst s9;
	s0 =	simm.s32 @!p0 $0x0  }
0x12: {  	s1 =	sld [smem:$0x3F91];
	s0 =	simm.s32 @p0 $0x1  }
0x13: {  	[smem:$0x3FAC] =	sst s0;
	s0 =	simm.s32 @!p1 $0x0  }
0x14: {  	s2 =	sld [smem:$0x3F90];
	s0 =	simm.s32 @p1 $0x1  }
0x15: {  	[smem:$0x3FAD] =	sst s0;
	s0 =	simm.s32 @!p2 $0x0  }
0x16: {  	s3 =	sld [smem:$0x3FDB];
	s0 =	simm.s32 @p2 $0x1  }
0x17: {  	s4 =	simm.s32 $0x1BF5;
	[smem:$0x3FAF] =	sst s0  }
0x18: {  	s0 =	sld [smem:$0x3F92];
	_ =	swait.ge [sflag:s4], $0x0  }
0x19: {  	s7 =	sld [smem:$0x3F93]  }
0x1a: {  	s8 =	sadd.s32 $0xFFFFE003, lr  }
0x1b: {  	s9 =	sadd.s32 $0xFFFFFEF7, lr;
	s5 =	simm.s32 $0xFFFFFFFF;
	p2 =	slt.u32 s8, $0xFFFFF086  }
0x1c: {  	p1 =	slt.u32 s9, $0xF7A;
	s5 =	simm.s32 @!p2 $0x0  }
0x1d: {  	s5 =	simm.s32 @p1 $0x1;
	p0 =	seq.s32 s7, s2  }
0x1e: {  	s7 =	smul.u32 @!p0 $0xF7A, s2;
	p2 =	seq.s32 @!p0 s5, $0x0  }
0x1f: {  	s9 =	smul.u32 $0xF7A, s1;
	s8 =	simm.s32 @!p0 $0x1BF5;
	p2 =	por !p2, p0  }
0x20: {  	[sflag:s8] =	ssyncset.s32 @!p0 $0xFFFFF086;
	s6 =	sadd.s32 @!p0 s3, s7;
	s7 =	simm.s32 @!p0 $0x108  }
0x21: {  	s3 =	sadd.s32 s3, s9;
	s6 =	sadd.s32 @!p0 $0x88, s6;
	s7 =	simm.s32 @p2 $0x1082  }
0x22: {  	[simem:s7], [sflag:s8] =	dma.local @!p0 [hbm:s6], $0xF7A  }
0x23: {  	s9 =	sor.u32 $0xD0000000, s2;
	s6 =	simm.s32 $0x108;
	_ =	swait.ge @!p0 [sflag:s8], $0x0  }
0x24: {  	s3 =	sadd.s32 $0x88, s3;
	s6 =	simm.s32 @!p1 $0x1082;
	[sflag:s4] =	ssyncset.s32 $0xFFFFF086  }
0x25: {  	[simem:s6], [sflag:s4] =	dma.local [hbm:s3], $0xF7A  }
0x26: {  	[smem:$0x3F93] =	sst s1;
	(tag) =	ssettag s2;
	_ =	strace s9  }
0x27: {  	s1 =	sld [smem:$0x3FA3]  }
0x28: {  	s2 =	sld [smem:$0x3FA4]  }
0x29: {  	s4 =	sld [smem:$0x3FA6]  }
0x2a: {  	p0 =	seq.s32 s5, $0x0;
	s5 =	sld [smem:$0x3FA7]  }
0x2b: {  	s6 =	sld [smem:$0x3FA8]  }
0x2c: {  	s7 =	sld [smem:$0x3FA9]  }
0x2d: {  	s3 =	simm.s32 $0x108;
	s8 =	sld [smem:$0x3FAA]  }
0x2e: {  	s3 =	simm.s32 @!p0 $0x1082;
	s9 =	sld [smem:$0x3FAB]  }
0x2f: {  	lr =	sadd.s32 s0, s3;
	s0 =	sld [smem:$0x3FA2]  }
0x30: {  	s3 =	sld [smem:$0x3FA5]  }
0x31: {  	[smem:$0x3FAE] =	sst s10  }
0x32: {  	s10 =	sld [smem:$0x3FAC];
	_ =	sdelay $0x3  }
0x33: {  	p0 =	seq.s32 s10, $0x1;
	s10 =	sld [smem:$0x3FAE];
	_ =	sdelay $0x3  }
0x34: {  	[smem:$0x3FAE] =	sst s10  }
0x35: {  	s10 =	sld [smem:$0x3FAD];
	_ =	sdelay $0x3  }
0x36: {  	p1 =	seq.s32 s10, $0x1;
	s10 =	sld [smem:$0x3FAE];
	_ =	sdelay $0x3  }
0x37: {  	[smem:$0x3FAE] =	sst s10  }
0x38: {  	s10 =	sld [smem:$0x3FAF]  }
0x39: {  	_ = 	snop;
	(pc) =	sbr.ind lr, $3  }
0x3a: {  	_ = 	snop  }
0x3b: {  	_ = 	snop  }
0x3c: {  	p2 =	seq.s32 s10, $0x1;
	s10 =	sld [smem:$0x3FAE]  }
0x3d: {  	_ =	shalt  }
0x3e: {  	_ =	shalt  }
0x3f: {  	_ =	shalt  }
0x40: {  	_ =	shalt  }
0x41: {  	_ =	shalt  }
0x42: {  	_ =	shalt  }
0x43: {  	_ =	shalt  }
0x44: {  	_ =	shalt  }
0x45: {  	_ =	shalt  }
0x46: {  	_ =	shalt  }
0x47: {  	_ =	shalt  }
0x48: {  	_ =	shalt  }
0x49: {  	_ =	shalt  }
0x4a: {  	_ =	shalt  }
0x4b: {  	_ =	shalt  }
0x4c: {  	_ =	shalt  }
0x4d: {  	_ =	shalt  }
0x4e: {  	_ =	shalt  }
0x4f: {  	_ =	shalt  }
0x50: {  	_ =	shalt  }
0x51: {  	_ =	shalt  }
0x52: {  	_ =	shalt  }
0x53: {  	_ =	shalt  }
0x54: {  	_ =	shalt  }
0x55: {  	_ =	shalt  }
0x56: {  	_ =	shalt  }
0x57: {  	_ =	shalt  }
0x58: {  	_ =	shalt  }
0x59: {  	_ =	shalt  }
0x5a: {  	_ =	shalt  }
0x5b: {  	_ =	shalt  }
0x5c: {  	_ =	shalt  }
0x5d: {  	_ =	shalt  }
0x5e: {  	_ =	shalt  }
0x5f: {  	_ =	shalt  }
0x60: {  	_ =	shalt  }
0x61: {  	_ =	shalt  }
0x62: {  	_ =	shalt  }
0x63: {  	_ =	shalt  }
0x64: {  	_ =	shalt  }
0x65: {  	_ =	shalt  }
0x66: {  	_ =	shalt  }
0x67: {  	_ =	shalt  }
0x68: {  	_ =	shalt  }
0x69: {  	_ =	shalt  }
0x6a: {  	_ =	shalt  }
0x6b: {  	_ =	shalt  }
0x6c: {  	_ =	shalt  }
0x6d: {  	_ =	shalt  }
0x6e: {  	_ =	shalt  }
0x6f: {  	_ =	shalt  }
0x70: {  	_ =	shalt  }
0x71: {  	_ =	shalt  }
0x72: {  	_ =	shalt  }
0x73: {  	_ =	shalt  }
0x74: {  	_ =	shalt  }
0x75: {  	_ =	shalt  }
0x76: {  	_ =	shalt  }
0x77: {  	_ =	shalt  }
0x78: {  	_ =	shalt  }
0x79: {  	_ =	shalt  }
0x7a: {  	_ =	shalt  }
0x7b: {  	_ =	shalt  }
0x7c: {  	_ =	shalt  }
0x7d: {  	_ =	shalt  }
0x7e: {  	_ =	shalt  }
0x7f: {  	_ =	shalt  }
0x80: {  	_ =	shalt  }
0x81: {  	_ =	shalt  }
0x82: {  	_ =	shalt  }
0x83: {  	_ =	shalt  }
0x84: {  	_ =	shalt  }
0x85: {  	_ =	shalt  }
0x86: {  	_ =	shalt  }
0x87: {  	_ =	shalt  }
.Lfunc_end0:
.L_simem_size_0:
called_computation_lowered:
.L_overlay_start_0:
0x88: {  	s2 =	sld [smem:$0x3FD9]  }
0x89: {  	s3 =	sld [smem:$0x3FFE];
	_ =	sdelay $0x1  }
0x8a: {  	s1 =	srdreg.scid  }
0x8b: {  	s0 =	sand.u32 $0x1, s1  }
0x8c: {  	s16 =	sshll.u32 s0, $0xA;
	s2 =	sadd.s32 s3, s2  }
0x8d: {  	s2 =	sadd.s32 s2, s16  }
0x8e: {  	[smem:$0x3FBA] =	sst s2  }
0x8f: {  	_ = 	snop  }
0x90: {  	(tm) =	ssettm $0x1  }
0x91: {  	s17 =	sld [smem:$0x3FFB];
	_ =	sdelay $0x3  }
0x92: {  	_ =	strace s17  }
0x93: {  	s2 =	sld [smem:$0x3FFC];
	_ =	sdelay $0x3  }
0x94: {  	_ =	strace s2  }
0x95: {  	s2 =	sld [smem:$0x3FFD];
	_ =	sdelay $0x3  }
0x96: {  	_ =	strace s2  }
0x97: {  	_ =	strace $0x8FFFFFFF  }
0x98: {  	s18 =	sld [smem:$0x3FDB];
	_ =	sdelay $0x1  }
0x99: {  	s19 =	simm.s32 $_scs_section_size  }
0x9a: {  	s4 =	simm.s32 $_size__tile_overlayer_lowered;
	s5 =	simm.s32 $_tile_overlayer_lowered  }
0x9b: {  	s22 =	simm.s32 $0x1BFF;
	s21 =	sshll.u32 s5, $0x1;
	s2 =	sadd.s32 s19, s18  }
0x9c: {  	s6 =	simm.s32 $0x0;
	s20 =	sshll.u32 s4, $0x1;
	s4 =	sadd.s32 s21, s2  }
0x9d: {  	[timem:s6], [sflag:s22] =	dma.local [hbm:s4], s20  }
0x9e: {  	_ =	swait.ge [sflag:s22], s20  }
0x9f: {  	s3 =	ssub.s32 $0x0, s20;
	[sflag:s22] =	ssyncset.done $0x0  }
0xa0: {  	[sflag:s22] =	ssyncadd.s32 s3;
	_ =	sdelay $0x1  }
0xa1: {  	s23 =	simm.s32 $0x1B8B  }
0xa2: {  	_ =	swait.ge [sflag:s23], $0x1  }
0xa3: {  	[sflag:s23] =	ssyncset.done $0x0  }
0xa4: {  	s25 =	simm.s32 $0x1B8E;
	s24 =	sld [smem:$0x3FFE];
	[sflag:s23] =	ssyncadd.s32 $0xFFFFFFFF  }
0xa5: {  	s26 =	simm.s32 $execute0_lowered;
	[smem:$0x3FD2] =	sst s25  }
0xa6: {  	s4 =	sshll.u32 s26, $0x1;
	_ =	strace $0x80000046;
	[dreg:$0x1] =	wrdreg $0xFFFFFFFF  }
0xa7: {  	s28 =	simm.s32 $_size_execute0_lowered;
	s2 =	sadd.s32 s2, s4;
	[dreg:$0x0] =	wrdreg $0x0  }
0xa8: {  	s4 =	sshll.u32 s28, $0x1;
	[dreg:$0x2] =	wrdreg s2  }
0xa9: {  	[dreg:$0x3] =	wrdreg s4  }
0xaa: {  	[dreg:$0x4] =	wrdreg $0xC0  }
0xab: {  	_ =	task [dreg:s6], $0x5FFFF  }
0xac: {  	[dreg:$0x1] =	wrdreg $0xFFFFFFFF  }
0xad: {  	[dreg:$0x0] =	wrdreg $0x60  }
0xae: {  	[dreg:$0x2] =	wrdreg s24  }
0xaf: {  	[dreg:$0x3] =	wrdreg $0x9  }
0xb0: {  	_ =	task.clear_ibuf [dreg:s6], $0x4FFFF;
	_ =	strace $0x90000046  }
0xb1: {  	s29 =	simm.s32 $0x9;
	_ =	strace $0x80000048  }
0xb2: {  	_ =	swait.ge [sflag:s29], $0x1  }
0xb3: {  	[sflag:s29] =	ssyncadd.s32 $0xFFFFFFFF  }
0xb4: {  	_ =	strace $0x90000048  }
0xb5: {  	_ =	sfence  }
0xb6: {  	s30 =	sld [smem:$0x0];
	_ =	sdelay $0x2  }
0xb7: {  	s31 =	sshll.u32 s1, $0xD;
	s1 =	sshrl.u32 s1, $0x2  }
0xb8: {  	s3 =	sand.u32 $0x4000, s31;
	s1 =	sadd.s32 s1, s30  }
0xb9: {  	s0 =	sor.u32 s3, s0;
	s1 =	sshll.u32 s1, $0x11  }
0xba: {  	s0 =	sor.u32 s1, s0  }
0xbb: {  	s0 =	sadd.s32 $0x8F2B, s0  }
0xbc: {  	[sflag:s0] =	ssyncadd.remote.s32 $0x1  }
0xbd: {  	_ =	sfence.sel $0xFFFF  }
0xbe: {  	[dreg:$0x0] =	wrdreg $0xFFFFFFFF;
	(pc) =	sbr.abs _section_cstart, $3  }
0xbf: {  	[dreg:$0x1] =	wrdreg $0xFFFFFFFF  }
0xc0: {  	_ =	task.clear_ibuf [dreg:s6], $0x2FFFF;
	_ =	strace $0x9FFFFFFF  }
0xc1: {  	(tm) =	ssettm $0x7FFFFFFF  }
tec
execute0_lowered:
.L_overlay_start_1:
0x0: {  	(tag) =	ssettag $0x1  }
0x1: {  	s0 =	srdreg.scid  }
0x2: {  	s15 =	stileid.u32;
	s3 =	rddreg [dreg:$0x0]  }
0x3: {  	s2 =	simm.s32 $0x0;
	s12 =	simm.s32 $0x100;
	s13 =	simm.s32 $0x180  }
0x4: {  	s14 =	simm.s32 $0x200;
	s16 =	simm.s32 $0x280;
	[smem:$0x7FF] =	sst s2  }
0x5: {  	s6 =	simm.s32 $0x80;
	_ =	strace $0x80000047;
	[dreg:$0x7] =	wrdreg s12  }
0x6: {  	s17 =	simm.s32 $0x300;
	s18 =	simm.s32 $0x380;
	[dreg:$0x8] =	wrdreg s13  }
0x7: {  	s19 =	simm.s32 $0x400;
	s20 =	simm.s32 $0x480;
	[dreg:$0x9] =	wrdreg s14  }
0x8: {  	s21 =	simm.s32 $0x500;
	s22 =	simm.s32 $0x580;
	[dreg:$0xa] =	wrdreg s16  }
0x9: {  	s23 =	simm.s32 $0x600;
	s24 =	simm.s32 $0x680;
	[dreg:$0xb] =	wrdreg s17  }
0xa: {  	s25 =	simm.s32 $0x700;
	s7 =	simm.s32 $0x1;
	[dreg:$0xc] =	wrdreg s18  }
0xb: {  	s26 =	simm.s32 $0x780;
	s28 =	simm.s32 $0x980;
	[dreg:$0xd] =	wrdreg s19  }
0xc: {  	s29 =	simm.s32 $0xA00;
	s30 =	simm.s32 $0xA80;
	[dreg:$0xe] =	wrdreg s20  }
0xd: {  	s31 =	simm.s32 $0xB00;
	p0 =	por $0x0, $0x0;
	[dreg:$0xf] =	wrdreg s21  }
0xe: {  	s0 =	sand.u32 $0x1, s0;
	s1 =	sshll.u32 s15, $0x1;
	[dreg:$0x10] =	wrdreg s22  }
0xf: {  	s5 =	sadd.s32 $0x3200, s3;
	s1 =	sor.u32 s0, s1;
	[dreg:$0x11] =	wrdreg s23  }
0x10: {  	s0 =	ssub.s32 $0x2, s0;
	s12 =	simm.s32 $0x3800;
	[dreg:$0x12] =	wrdreg s24  }
0x11: {  	s13 =	simm.s32 $0x4000;
	s14 =	simm.s32 $0x4800;
	[dreg:$0x13] =	wrdreg s25  }
0x12: {  	[dreg:$0x14] =	wrdreg s26;
	s25 =	simm.s32 $0x880;
	s26 =	simm.s32 $0x900  }
0x13: {  	s24 =	simm.s32 $0xB80;
	s16 =	simm.s32 $0xC00;
	s17 =	simm.s32 $0xC80  }
0x14: {  	s18 =	simm.s32 $0xD00;
	s19 =	simm.s32 $0xD80;
	s20 =	simm.s32 $0xE00  }
0x15: {  	s21 =	simm.s32 $0xE80;
	s22 =	simm.s32 $0xF00;
	s4 =	sshll.u32 s1, $0x9  }
0x16: {  	s1 =	sshll.u32 s1, $0xD;
	s11 =	sshrl.u32 s0, $0x1;
	s4 =	sadd.s32 s4, s3  }
0x17: {  	s1 =	sadd.s32 s1, s3;
	s0 =	ssub.s32 s0, s11;
	s4 =	sadd.s32 $0x191C00, s4  }
0x18: {  	s8 =	sadd.s32 $0x195C00, s1;
	s0 =	smax.u32 s0, $0x1;
	[dreg:$0x2] =	wrdreg s4  }
0x19: {  	s9 =	sadd.s32 $0x196400, s1;
	[dreg:$0x3] =	wrdreg s8;
	p1 =	sne.s32 s0, $0x1  }
.Ltmp0:
0x1a: {  	s10 =	sadd.s32 $0x196C00, s1;
	[dreg:$0x4] =	wrdreg s9;
	(pc) =	sbr.rel @!p1 .LBB2_1-.Ltmp0, $4  }
0x1b: {  	s23 =	simm.s32 $0xF80;
	s1 =	sadd.s32 $0x197400, s1;
	[dreg:$0x5] =	wrdreg s10  }
0x1c: {  	s3 =	simm.s32 $0x2;
	s11 =	simm.s32 $0x3000;
	[dreg:$0x6] =	wrdreg s1  }
0x1d: {  	s4 =	simm.s32 $0x1000;
	s8 =	simm.s32 $0x1800;
	s9 =	simm.s32 $0x2000  }
0x1e: {  	s10 =	simm.s32 $0x2800;
	s1 =	sadd.s32 $0xFFFFFFFF, s0;
	s0 =	rddreg [dreg:$0x2]  }
0x1f: {  	[tilespmem:s2], [sflag:$0x2] =	stream.linear.gather [hbm4b:s0+s2], $0x1000, $0x38;
	[tilespmem:$0x5000] =	vst v63  }
0x20: {  	_ =	swait.ge [sflag:s3], $0x1000  }
0x21: {  	[sflag:s3] =	ssyncset.done $0x0  }
0x22: {  	[sflag:s3] =	ssyncadd.s32 $0xFFFFF000  }
0x23: {  	[tilespmem:s4], [sflag:$0x1] =	stream.indirect.gather [hbm4b:s5+s6], $0x10, s2, s6, $0xb8;
	[tilespmem:$0x5000] =	vst v63  }
0x24: {  	_ = 	snop  }
0x25: {  	[tilespmem:s8], [sflag:$0x1] =	stream.indirect.gather [hbm4b:s5+s6], $0x10, s6, s6, $0xb8;
	[tilespmem:$0x5000] =	vst v63  }
0x26: {  	s0 =	rddreg [dreg:$0x7]  }
0x27: {  	[tilespmem:s9], [sflag:$0x1] =	stream.indirect.gather [hbm4b:s5+s6], $0x10, s0, s6, $0xb8;
	[tilespmem:$0x5000] =	vst v63  }
0x28: {  	s15 =	smov.u32 s1;
	s1 =	rddreg [dreg:$0x8]  }
0x29: {  	[tilespmem:s10], [sflag:$0x1] =	stream.indirect.gather [hbm4b:s5+s6], $0x10, s1, s6, $0xb8;
	[tilespmem:$0x5000] =	vst v63  }
0x2a: {  	s0 =	rddreg [dreg:$0x9]  }
0x2b: {  	[tilespmem:s11], [sflag:$0x1] =	stream.indirect.gather [hbm4b:s5+s6], $0x10, s0, s6, $0xb8;
	[tilespmem:$0x5000] =	vst v63  }
0x2c: {  	s1 =	rddreg [dreg:$0xa]  }
0x2d: {  	[tilespmem:s12], [sflag:$0x1] =	stream.indirect.gather [hbm4b:s5+s6], $0x10, s1, s6, $0xb8;
	[tilespmem:$0x5000] =	vst v63  }
0x2e: {  	s0 =	rddreg [dreg:$0xb]  }
0x2f: {  	[tilespmem:s13], [sflag:$0x1] =	stream.indirect.gather [hbm4b:s5+s6], $0x10, s0, s6, $0xb8;
	[tilespmem:$0x5000] =	vst v63  }
0x30: {  	s1 =	rddreg [dreg:$0xc]  }
0x31: {  	[tilespmem:s14], [sflag:$0x1] =	stream.indirect.gather [hbm4b:s5+s6], $0x10, s1, s6, $0xb8;
	[tilespmem:$0x5000] =	vst v63  }
0x32: {  	_ =	swait.ge [sflag:s7], $0x800  }
0x33: {  	[sflag:s7] =	ssyncset.done $0x0  }
0x34: {  	[sflag:s7] =	ssyncadd.s32 $0xFFFFF800  }
0x35: {  	_ =	swait.ge [sflag:s7], $0x800  }
0x36: {  	[sflag:s7] =	ssyncset.done $0x0  }
0x37: {  	[sflag:s7] =	ssyncadd.s32 $0xFFFFF800  }
0x38: {  	_ =	swait.ge [sflag:s7], $0x800  }
0x39: {  	[sflag:s7] =	ssyncset.done $0x0  }
0x3a: {  	[sflag:s7] =	ssyncadd.s32 $0xFFFFF800  }
0x3b: {  	_ =	swait.ge [sflag:s7], $0x800  }
0x3c: {  	[sflag:s7] =	ssyncset.done $0x0  }
0x3d: {  	[sflag:s7] =	ssyncadd.s32 $0xFFFFF800  }
0x3e: {  	_ =	swait.ge [sflag:s7], $0x800  }
0x3f: {  	[sflag:s7] =	ssyncset.done $0x0  }
0x40: {  	[sflag:s7] =	ssyncadd.s32 $0xFFFFF800  }
0x41: {  	_ =	swait.ge [sflag:s7], $0x800  }
0x42: {  	[sflag:s7] =	ssyncset.done $0x0  }
0x43: {  	[sflag:s7] =	ssyncadd.s32 $0xFFFFF800  }
0x44: {  	_ =	swait.ge [sflag:s7], $0x800  }
0x45: {  	[sflag:s7] =	ssyncset.done $0x0  }
0x46: {  	[sflag:s7] =	ssyncadd.s32 $0xFFFFF800  }
0x47: {  	_ =	swait.ge [sflag:s7], $0x800  }
0x48: {  	[sflag:s7] =	ssyncset.done $0x0  }
0x49: {  	s1 =	rddreg [dreg:$0x3];
	[sflag:s7] =	ssyncadd.s32 $0xFFFFF800  }
0x4a: {  	[hbm4b:s1+s2] =	stream.linear.scatter [tilespmem:s4], [sflag:$0x2], $0x4000, $0x38;
	[tilespmem:$0x5000] =	vst v63  }
0x4b: {  	_ =	swait.ge [sflag:s3], $0x4000  }
0x4c: {  	[sflag:s3] =	ssyncset.done $0x0  }
0x4d: {  	s0 =	rddreg [dreg:$0xd];
	[sflag:s3] =	ssyncadd.s32 $0xFFFFC000  }
0x4e: {  	[tilespmem:s4], [sflag:$0x1] =	stream.indirect.gather [hbm4b:s5+s6], $0x10, s0, s6, $0xb8;
	[tilespmem:$0x5000] =	vst v63  }
0x4f: {  	s1 =	rddreg [dreg:$0xe]  }
0x50: {  	[tilespmem:s8], [sflag:$0x1] =	stream.indirect.gather [hbm4b:s5+s6], $0x10, s1, s6, $0xb8;
	[tilespmem:$0x5000] =	vst v63  }
0x51: {  	s0 =	rddreg [dreg:$0xf]  }
0x52: {  	[tilespmem:s9], [sflag:$0x1] =	stream.indirect.gather [hbm4b:s5+s6], $0x10, s0, s6, $0xb8;
	[tilespmem:$0x5000] =	vst v63  }
0x53: {  	s1 =	rddreg [dreg:$0x10]  }
0x54: {  	[tilespmem:s10], [sflag:$0x1] =	stream.indirect.gather [hbm4b:s5+s6], $0x10, s1, s6, $0xb8;
	[tilespmem:$0x5000] =	vst v63  }
0x55: {  	s0 =	rddreg [dreg:$0x11]  }
0x56: {  	[tilespmem:s11], [sflag:$0x1] =	stream.indirect.gather [hbm4b:s5+s6], $0x10, s0, s6, $0xb8;
	[tilespmem:$0x5000] =	vst v63  }
0x57: {  	s1 =	rddreg [dreg:$0x12]  }
0x58: {  	[tilespmem:s12], [sflag:$0x1] =	stream.indirect.gather [hbm4b:s5+s6], $0x10, s1, s6, $0xb8;
	[tilespmem:$0x5000] =	vst v63  }
0x59: {  	s0 =	rddreg [dreg:$0x13]  }
0x5a: {  	[tilespmem:s13], [sflag:$0x1] =	stream.indirect.gather [hbm4b:s5+s6], $0x10, s0, s6, $0xb8;
	[tilespmem:$0x5000] =	vst v63  }
0x5b: {  	s1 =	rddreg [dreg:$0x14]  }
0x5c: {  	[tilespmem:s14], [sflag:$0x1] =	stream.indirect.gather [hbm4b:s5+s6], $0x10, s1, s6, $0xb8;
	[tilespmem:$0x5000] =	vst v63  }
0x5d: {  	_ =	swait.ge [sflag:s7], $0x800  }
0x5e: {  	[sflag:s7] =	ssyncset.done $0x0  }
0x5f: {  	[sflag:s7] =	ssyncadd.s32 $0xFFFFF800  }
0x60: {  	_ =	swait.ge [sflag:s7], $0x800  }
0x61: {  	[sflag:s7] =	ssyncset.done $0x0  }
0x62: {  	[sflag:s7] =	ssyncadd.s32 $0xFFFFF800  }
0x63: {  	_ =	swait.ge [sflag:s7], $0x800  }
0x64: {  	[sflag:s7] =	ssyncset.done $0x0  }
0x65: {  	[sflag:s7] =	ssyncadd.s32 $0xFFFFF800  }
0x66: {  	_ =	swait.ge [sflag:s7], $0x800  }
0x67: {  	[sflag:s7] =	ssyncset.done $0x0  }
0x68: {  	[sflag:s7] =	ssyncadd.s32 $0xFFFFF800  }
0x69: {  	_ =	swait.ge [sflag:s7], $0x800  }
0x6a: {  	[sflag:s7] =	ssyncset.done $0x0  }
0x6b: {  	[sflag:s7] =	ssyncadd.s32 $0xFFFFF800  }
0x6c: {  	_ =	swait.ge [sflag:s7], $0x800  }
0x6d: {  	[sflag:s7] =	ssyncset.done $0x0  }
0x6e: {  	[sflag:s7] =	ssyncadd.s32 $0xFFFFF800  }
0x6f: {  	_ =	swait.ge [sflag:s7], $0x800  }
0x70: {  	[sflag:s7] =	ssyncset.done $0x0  }
0x71: {  	[sflag:s7] =	ssyncadd.s32 $0xFFFFF800  }
0x72: {  	_ =	swait.ge [sflag:s7], $0x800  }
0x73: {  	[sflag:s7] =	ssyncset.done $0x0  }
0x74: {  	s1 =	rddreg [dreg:$0x4];
	[sflag:s7] =	ssyncadd.s32 $0xFFFFF800  }
0x75: {  	[hbm4b:s1+s2] =	stream.linear.scatter [tilespmem:s4], [sflag:$0x2], $0x4000, $0x38;
	[tilespmem:$0x5000] =	vst v63  }
0x76: {  	_ =	swait.ge [sflag:s3], $0x4000  }
0x77: {  	[sflag:s3] =	ssyncset.done $0x0  }
0x78: {  	s1 =	simm.s32 $0x800;
	[sflag:s3] =	ssyncadd.s32 $0xFFFFC000  }
0x79: {  	[tilespmem:s4], [sflag:$0x1] =	stream.indirect.gather [hbm4b:s5+s6], $0x10, s1, s6, $0xb8;
	[tilespmem:$0x5000] =	vst v63  }
0x7a: {  	_ = 	snop  }
0x7b: {  	[tilespmem:s8], [sflag:$0x1] =	stream.indirect.gather [hbm4b:s5+s6], $0x10, s25, s6, $0xb8;
	[tilespmem:$0x5000] =	vst v63  }
0x7c: {  	_ = 	snop  }
0x7d: {  	[tilespmem:s9], [sflag:$0x1] =	stream.indirect.gather [hbm4b:s5+s6], $0x10, s26, s6, $0xb8;
	[tilespmem:$0x5000] =	vst v63  }
0x7e: {  	_ = 	snop  }
0x7f: {  	[tilespmem:s10], [sflag:$0x1] =	stream.indirect.gather [hbm4b:s5+s6], $0x10, s28, s6, $0xb8;
	[tilespmem:$0x5000] =	vst v63  }
0x80: {  	_ = 	snop  }
0x81: {  	[tilespmem:s11], [sflag:$0x1] =	stream.indirect.gather [hbm4b:s5+s6], $0x10, s29, s6, $0xb8;
	[tilespmem:$0x5000] =	vst v63  }
0x82: {  	_ = 	snop  }
0x83: {  	[tilespmem:s12], [sflag:$0x1] =	stream.indirect.gather [hbm4b:s5+s6], $0x10, s30, s6, $0xb8;
	[tilespmem:$0x5000] =	vst v63  }
0x84: {  	_ = 	snop  }
0x85: {  	[tilespmem:s13], [sflag:$0x1] =	stream.indirect.gather [hbm4b:s5+s6], $0x10, s31, s6, $0xb8;
	[tilespmem:$0x5000] =	vst v63  }
0x86: {  	_ = 	snop  }
0x87: {  	[tilespmem:s14], [sflag:$0x1] =	stream.indirect.gather [hbm4b:s5+s6], $0x10, s24, s6, $0xb8;
	[tilespmem:$0x5000] =	vst v63  }
0x88: {  	_ =	swait.ge [sflag:s7], $0x800  }
0x89: {  	[sflag:s7] =	ssyncset.done $0x0  }
0x8a: {  	[sflag:s7] =	ssyncadd.s32 $0xFFFFF800  }
0x8b: {  	_ =	swait.ge [sflag:s7], $0x800  }
0x8c: {  	[sflag:s7] =	ssyncset.done $0x0  }
0x8d: {  	[sflag:s7] =	ssyncadd.s32 $0xFFFFF800  }
0x8e: {  	_ =	swait.ge [sflag:s7], $0x800  }
0x8f: {  	[sflag:s7] =	ssyncset.done $0x0  }
0x90: {  	[sflag:s7] =	ssyncadd.s32 $0xFFFFF800  }
0x91: {  	_ =	swait.ge [sflag:s7], $0x800  }
0x92: {  	[sflag:s7] =	ssyncset.done $0x0  }
0x93: {  	[sflag:s7] =	ssyncadd.s32 $0xFFFFF800  }
0x94: {  	_ =	swait.ge [sflag:s7], $0x800  }
0x95: {  	[sflag:s7] =	ssyncset.done $0x0  }
0x96: {  	[sflag:s7] =	ssyncadd.s32 $0xFFFFF800  }
0x97: {  	_ =	swait.ge [sflag:s7], $0x800  }
0x98: {  	[sflag:s7] =	ssyncset.done $0x0  }
0x99: {  	[sflag:s7] =	ssyncadd.s32 $0xFFFFF800  }
0x9a: {  	_ =	swait.ge [sflag:s7], $0x800  }
0x9b: {  	[sflag:s7] =	ssyncset.done $0x0  }
0x9c: {  	[sflag:s7] =	ssyncadd.s32 $0xFFFFF800  }
0x9d: {  	_ =	swait.ge [sflag:s7], $0x800  }
0x9e: {  	[sflag:s7] =	ssyncset.done $0x0  }
0x9f: {  	s1 =	rddreg [dreg:$0x5];
	[sflag:s7] =	ssyncadd.s32 $0xFFFFF800  }
0xa0: {  	[hbm4b:s1+s2] =	stream.linear.scatter [tilespmem:s4], [sflag:$0x2], $0x4000, $0x38;
	[tilespmem:$0x5000] =	vst v63  }
0xa1: {  	_ =	swait.ge [sflag:s3], $0x4000  }
0xa2: {  	[sflag:s3] =	ssyncset.done $0x0  }
0xa3: {  	[sflag:s3] =	ssyncadd.s32 $0xFFFFC000  }
0xa4: {  	[tilespmem:s4], [sflag:$0x1] =	stream.indirect.gather [hbm4b:s5+s6], $0x10, s16, s6, $0xb8;
	[tilespmem:$0x5000] =	vst v63  }
0xa5: {  	_ = 	snop  }
0xa6: {  	[tilespmem:s8], [sflag:$0x1] =	stream.indirect.gather [hbm4b:s5+s6], $0x10, s17, s6, $0xb8;
	[tilespmem:$0x5000] =	vst v63  }
0xa7: {  	_ = 	snop  }
0xa8: {  	[tilespmem:s9], [sflag:$0x1] =	stream.indirect.gather [hbm4b:s5+s6], $0x10, s18, s6, $0xb8;
	[tilespmem:$0x5000] =	vst v63  }
0xa9: {  	_ = 	snop  }
0xaa: {  	[tilespmem:s10], [sflag:$0x1] =	stream.indirect.gather [hbm4b:s5+s6], $0x10, s19, s6, $0xb8;
	[tilespmem:$0x5000] =	vst v63  }
0xab: {  	_ = 	snop  }
0xac: {  	[tilespmem:s11], [sflag:$0x1] =	stream.indirect.gather [hbm4b:s5+s6], $0x10, s20, s6, $0xb8;
	[tilespmem:$0x5000] =	vst v63  }
0xad: {  	_ = 	snop  }
0xae: {  	[tilespmem:s12], [sflag:$0x1] =	stream.indirect.gather [hbm4b:s5+s6], $0x10, s21, s6, $0xb8;
	[tilespmem:$0x5000] =	vst v63  }
0xaf: {  	_ = 	snop  }
0xb0: {  	[tilespmem:s13], [sflag:$0x1] =	stream.indirect.gather [hbm4b:s5+s6], $0x10, s22, s6, $0xb8;
	[tilespmem:$0x5000] =	vst v63  }
0xb1: {  	_ = 	snop  }
0xb2: {  	[tilespmem:s14], [sflag:$0x1] =	stream.indirect.gather [hbm4b:s5+s6], $0x10, s23, s6, $0xb8;
	[tilespmem:$0x5000] =	vst v63  }
0xb3: {  	_ =	swait.ge [sflag:s7], $0x800  }
0xb4: {  	[sflag:s7] =	ssyncset.done $0x0  }
0xb5: {  	[sflag:s7] =	ssyncadd.s32 $0xFFFFF800  }
0xb6: {  	_ =	swait.ge [sflag:s7], $0x800  }
0xb7: {  	[sflag:s7] =	ssyncset.done $0x0  }
0xb8: {  	[sflag:s7] =	ssyncadd.s32 $0xFFFFF800  }
0xb9: {  	_ =	swait.ge [sflag:s7], $0x800  }
0xba: {  	[sflag:s7] =	ssyncset.done $0x0  }
0xbb: {  	[sflag:s7] =	ssyncadd.s32 $0xFFFFF800  }
0xbc: {  	_ =	swait.ge [sflag:s7], $0x800  }
0xbd: {  	[sflag:s7] =	ssyncset.done $0x0  }
0xbe: {  	[sflag:s7] =	ssyncadd.s32 $0xFFFFF800  }
0xbf: {  	_ =	swait.ge [sflag:s7], $0x800  }
0xc0: {  	[sflag:s7] =	ssyncset.done $0x0  }
0xc1: {  	[sflag:s7] =	ssyncadd.s32 $0xFFFFF800  }
0xc2: {  	_ =	swait.ge [sflag:s7], $0x800  }
0xc3: {  	[sflag:s7] =	ssyncset.done $0x0  }
0xc4: {  	[sflag:s7] =	ssyncadd.s32 $0xFFFFF800  }
0xc5: {  	_ =	swait.ge [sflag:s7], $0x800  }
0xc6: {  	[sflag:s7] =	ssyncset.done $0x0  }
0xc7: {  	[sflag:s7] =	ssyncadd.s32 $0xFFFFF800  }
0xc8: {  	p1 =	sne.s32 s15, $0x1;
	_ =	swait.ge [sflag:s7], $0x800  }
.Ltmp1:
0xc9: {  	[sflag:s7] =	ssyncset.done $0x0;
	(pc) =	sbr.rel @!p1 .LBB2_3-.Ltmp1, $4  }
0xca: {  	s1 =	rddreg [dreg:$0x6];
	[sflag:s7] =	ssyncadd.s32 $0xFFFFF800  }
0xcb: {  	[hbm4b:s1+s2] =	stream.linear.scatter [tilespmem:s4], [sflag:$0x2], $0x4000, $0x38;
	[tilespmem:$0x5000] =	vst v63  }
0xcc: {  	p0 =	por $0x1, $0x1;
	_ =	swait.ge [sflag:s3], $0x4000  }
0xcd: {  	s1 =	sadd.s32 $0xFFFFFFFF, s15;
	s0 =	rddreg [dreg:$0x2];
	[sflag:s3] =	ssyncset.done $0x0  }
.LBB2_4:
0xce: {  	[sflag:s3] =	ssyncadd.s32 $0xFFFFC000  }
0xcf: {  	[tilespmem:s2], [sflag:$0x2] =	stream.linear.gather [hbm4b:s0+s2], $0x1000, $0x38;
	[tilespmem:$0x5000] =	vst v63  }
0xd0: {  	_ =	swait.ge [sflag:s3], $0x1000  }
0xd1: {  	[sflag:s3] =	ssyncset.done $0x0  }
0xd2: {  	[sflag:s3] =	ssyncadd.s32 $0xFFFFF000  }
0xd3: {  	[tilespmem:s4], [sflag:$0x1] =	stream.indirect.gather [hbm4b:s5+s6], $0x10, s2, s6, $0xb8;
	[tilespmem:$0x5000] =	vst v63  }
0xd4: {  	_ = 	snop  }
0xd5: {  	[tilespmem:s8], [sflag:$0x1] =	stream.indirect.gather [hbm4b:s5+s6], $0x10, s6, s6, $0xb8;
	[tilespmem:$0x5000] =	vst v63  }
0xd6: {  	s0 =	rddreg [dreg:$0x7]  }
0xd7: {  	[tilespmem:s9], [sflag:$0x1] =	stream.indirect.gather [hbm4b:s5+s6], $0x10, s0, s6, $0xb8;
	[tilespmem:$0x5000] =	vst v63  }
0xd8: {  	s15 =	rddreg [dreg:$0x8]  }
0xd9: {  	[tilespmem:s10], [sflag:$0x1] =	stream.indirect.gather [hbm4b:s5+s6], $0x10, s15, s6, $0xb8;
	[tilespmem:$0x5000] =	vst v63  }
0xda: {  	s0 =	rddreg [dreg:$0x9]  }
0xdb: {  	[tilespmem:s11], [sflag:$0x1] =	stream.indirect.gather [hbm4b:s5+s6], $0x10, s0, s6, $0xb8;
	[tilespmem:$0x5000] =	vst v63  }
0xdc: {  	s15 =	rddreg [dreg:$0xa]  }
0xdd: {  	[tilespmem:s12], [sflag:$0x1] =	stream.indirect.gather [hbm4b:s5+s6], $0x10, s15, s6, $0xb8;
	[tilespmem:$0x5000] =	vst v63  }
0xde: {  	s0 =	rddreg [dreg:$0xb]  }
0xdf: {  	[tilespmem:s13], [sflag:$0x1] =	stream.indirect.gather [hbm4b:s5+s6], $0x10, s0, s6, $0xb8;
	[tilespmem:$0x5000] =	vst v63  }
0xe0: {  	s15 =	rddreg [dreg:$0xc]  }
0xe1: {  	[tilespmem:s14], [sflag:$0x1] =	stream.indirect.gather [hbm4b:s5+s6], $0x10, s15, s6, $0xb8;
	[tilespmem:$0x5000] =	vst v63  }
0xe2: {  	_ =	swait.ge [sflag:s7], $0x800  }
0xe3: {  	[sflag:s7] =	ssyncset.done $0x0  }
0xe4: {  	[sflag:s7] =	ssyncadd.s32 $0xFFFFF800  }
0xe5: {  	_ =	swait.ge [sflag:s7], $0x800  }
0xe6: {  	[sflag:s7] =	ssyncset.done $0x0  }
0xe7: {  	[sflag:s7] =	ssyncadd.s32 $0xFFFFF800  }
0xe8: {  	_ =	swait.ge [sflag:s7], $0x800  }
0xe9: {  	[sflag:s7] =	ssyncset.done $0x0  }
0xea: {  	[sflag:s7] =	ssyncadd.s32 $0xFFFFF800  }
0xeb: {  	_ =	swait.ge [sflag:s7], $0x800  }
0xec: {  	[sflag:s7] =	ssyncset.done $0x0  }
0xed: {  	[sflag:s7] =	ssyncadd.s32 $0xFFFFF800  }
0xee: {  	_ =	swait.ge [sflag:s7], $0x800  }
0xef: {  	[sflag:s7] =	ssyncset.done $0x0  }
0xf0: {  	[sflag:s7] =	ssyncadd.s32 $0xFFFFF800  }
0xf1: {  	_ =	swait.ge [sflag:s7], $0x800  }
0xf2: {  	[sflag:s7] =	ssyncset.done $0x0  }
0xf3: {  	[sflag:s7] =	ssyncadd.s32 $0xFFFFF800  }
0xf4: {  	_ =	swait.ge [sflag:s7], $0x800  }
0xf5: {  	[sflag:s7] =	ssyncset.done $0x0  }
0xf6: {  	[sflag:s7] =	ssyncadd.s32 $0xFFFFF800  }
0xf7: {  	_ =	swait.ge [sflag:s7], $0x800  }
0xf8: {  	[sflag:s7] =	ssyncset.done $0x0  }
0xf9: {  	s15 =	rddreg [dreg:$0x3];
	[sflag:s7] =	ssyncadd.s32 $0xFFFFF800  }
0xfa: {  	[hbm4b:s15+s2] =	stream.linear.scatter [tilespmem:s4], [sflag:$0x2], $0x4000, $0x38;
	[tilespmem:$0x5000] =	vst v63  }
0xfb: {  	_ =	swait.ge [sflag:s3], $0x4000  }
0xfc: {  	[sflag:s3] =	ssyncset.done $0x0  }
0xfd: {  	s0 =	rddreg [dreg:$0xd];
	[sflag:s3] =	ssyncadd.s32 $0xFFFFC000  }
0xfe: {  	[tilespmem:s4], [sflag:$0x1] =	stream.indirect.gather [hbm4b:s5+s6], $0x10, s0, s6, $0xb8;
	[tilespmem:$0x5000] =	vst v63  }
0xff: {  	s15 =	rddreg [dreg:$0xe]  }
0x100: {  	[tilespmem:s8], [sflag:$0x1] =	stream.indirect.gather [hbm4b:s5+s6], $0x10, s15, s6, $0xb8;
	[tilespmem:$0x5000] =	vst v63  }
0x101: {  	s0 =	rddreg [dreg:$0xf]  }
0x102: {  	[tilespmem:s9], [sflag:$0x1] =	stream.indirect.gather [hbm4b:s5+s6], $0x10, s0, s6, $0xb8;
	[tilespmem:$0x5000] =	vst v63  }
0x103: {  	s15 =	rddreg [dreg:$0x10]  }
0x104: {  	[tilespmem:s10], [sflag:$0x1] =	stream.indirect.gather [hbm4b:s5+s6], $0x10, s15, s6, $0xb8;
	[tilespmem:$0x5000] =	vst v63  }
0x105: {  	s0 =	rddreg [dreg:$0x11]  }
0x106: {  	[tilespmem:s11], [sflag:$0x1] =	stream.indirect.gather [hbm4b:s5+s6], $0x10, s0, s6, $0xb8;
	[tilespmem:$0x5000] =	vst v63  }
0x107: {  	s15 =	rddreg [dreg:$0x12]  }
0x108: {  	[tilespmem:s12], [sflag:$0x1] =	stream.indirect.gather [hbm4b:s5+s6], $0x10, s15, s6, $0xb8;
	[tilespmem:$0x5000] =	vst v63  }
0x109: {  	s0 =	rddreg [dreg:$0x13]  }
0x10a: {  	[tilespmem:s13], [sflag:$0x1] =	stream.indirect.gather [hbm4b:s5+s6], $0x10, s0, s6, $0xb8;
	[tilespmem:$0x5000] =	vst v63  }
0x10b: {  	s15 =	rddreg [dreg:$0x14]  }
0x10c: {  	[tilespmem:s14], [sflag:$0x1] =	stream.indirect.gather [hbm4b:s5+s6], $0x10, s15, s6, $0xb8;
	[tilespmem:$0x5000] =	vst v63  }
0x10d: {  	_ =	swait.ge [sflag:s7], $0x800  }
0x10e: {  	[sflag:s7] =	ssyncset.done $0x0  }
0x10f: {  	[sflag:s7] =	ssyncadd.s32 $0xFFFFF800  }
0x110: {  	_ =	swait.ge [sflag:s7], $0x800  }
0x111: {  	[sflag:s7] =	ssyncset.done $0x0  }
0x112: {  	[sflag:s7] =	ssyncadd.s32 $0xFFFFF800  }
0x113: {  	_ =	swait.ge [sflag:s7], $0x800  }
0x114: {  	[sflag:s7] =	ssyncset.done $0x0  }
0x115: {  	[sflag:s7] =	ssyncadd.s32 $0xFFFFF800  }
0x116: {  	_ =	swait.ge [sflag:s7], $0x800  }
0x117: {  	[sflag:s7] =	ssyncset.done $0x0  }
0x118: {  	[sflag:s7] =	ssyncadd.s32 $0xFFFFF800  }
0x119: {  	_ =	swait.ge [sflag:s7], $0x800  }
0x11a: {  	[sflag:s7] =	ssyncset.done $0x0  }
0x11b: {  	[sflag:s7] =	ssyncadd.s32 $0xFFFFF800  }
0x11c: {  	_ =	swait.ge [sflag:s7], $0x800  }
0x11d: {  	[sflag:s7] =	ssyncset.done $0x0  }
0x11e: {  	[sflag:s7] =	ssyncadd.s32 $0xFFFFF800  }
0x11f: {  	_ =	swait.ge [sflag:s7], $0x800  }
0x120: {  	[sflag:s7] =	ssyncset.done $0x0  }
0x121: {  	[sflag:s7] =	ssyncadd.s32 $0xFFFFF800  }
0x122: {  	_ =	swait.ge [sflag:s7], $0x800  }
0x123: {  	[sflag:s7] =	ssyncset.done $0x0  }
0x124: {  	s15 =	rddreg [dreg:$0x4];
	[sflag:s7] =	ssyncadd.s32 $0xFFFFF800  }
0x125: {  	[hbm4b:s15+s2] =	stream.linear.scatter [tilespmem:s4], [sflag:$0x2], $0x4000, $0x38;
	[tilespmem:$0x5000] =	vst v63  }
0x126: {  	_ =	swait.ge [sflag:s3], $0x4000  }
0x127: {  	[sflag:s3] =	ssyncset.done $0x0  }
0x128: {  	s15 =	simm.s32 $0x800;
	[sflag:s3] =	ssyncadd.s32 $0xFFFFC000  }
0x129: {  	[tilespmem:s4], [sflag:$0x1] =	stream.indirect.gather [hbm4b:s5+s6], $0x10, s15, s6, $0xb8;
	[tilespmem:$0x5000] =	vst v63  }
0x12a: {  	_ = 	snop  }
0x12b: {  	[tilespmem:s8], [sflag:$0x1] =	stream.indirect.gather [hbm4b:s5+s6], $0x10, s25, s6, $0xb8;
	[tilespmem:$0x5000] =	vst v63  }
0x12c: {  	_ = 	snop  }
0x12d: {  	[tilespmem:s9], [sflag:$0x1] =	stream.indirect.gather [hbm4b:s5+s6], $0x10, s26, s6, $0xb8;
	[tilespmem:$0x5000] =	vst v63  }
0x12e: {  	_ = 	snop  }
0x12f: {  	[tilespmem:s10], [sflag:$0x1] =	stream.indirect.gather [hbm4b:s5+s6], $0x10, s28, s6, $0xb8;
	[tilespmem:$0x5000] =	vst v63  }
0x130: {  	_ = 	snop  }
0x131: {  	[tilespmem:s11], [sflag:$0x1] =	stream.indirect.gather [hbm4b:s5+s6], $0x10, s29, s6, $0xb8;
	[tilespmem:$0x5000] =	vst v63  }
0x132: {  	_ = 	snop  }
0x133: {  	[tilespmem:s12], [sflag:$0x1] =	stream.indirect.gather [hbm4b:s5+s6], $0x10, s30, s6, $0xb8;
	[tilespmem:$0x5000] =	vst v63  }
0x134: {  	_ = 	snop  }
0x135: {  	[tilespmem:s13], [sflag:$0x1] =	stream.indirect.gather [hbm4b:s5+s6], $0x10, s31, s6, $0xb8;
	[tilespmem:$0x5000] =	vst v63  }
0x136: {  	_ = 	snop  }
0x137: {  	[tilespmem:s14], [sflag:$0x1] =	stream.indirect.gather [hbm4b:s5+s6], $0x10, s24, s6, $0xb8;
	[tilespmem:$0x5000] =	vst v63  }
0x138: {  	_ =	swait.ge [sflag:s7], $0x800  }
0x139: {  	[sflag:s7] =	ssyncset.done $0x0  }
0x13a: {  	[sflag:s7] =	ssyncadd.s32 $0xFFFFF800  }
0x13b: {  	_ =	swait.ge [sflag:s7], $0x800  }
0x13c: {  	[sflag:s7] =	ssyncset.done $0x0  }
0x13d: {  	[sflag:s7] =	ssyncadd.s32 $0xFFFFF800  }
0x13e: {  	_ =	swait.ge [sflag:s7], $0x800  }
0x13f: {  	[sflag:s7] =	ssyncset.done $0x0  }
0x140: {  	[sflag:s7] =	ssyncadd.s32 $0xFFFFF800  }
0x141: {  	_ =	swait.ge [sflag:s7], $0x800  }
0x142: {  	[sflag:s7] =	ssyncset.done $0x0  }
0x143: {  	[sflag:s7] =	ssyncadd.s32 $0xFFFFF800  }
0x144: {  	_ =	swait.ge [sflag:s7], $0x800  }
0x145: {  	[sflag:s7] =	ssyncset.done $0x0  }
0x146: {  	[sflag:s7] =	ssyncadd.s32 $0xFFFFF800  }
0x147: {  	_ =	swait.ge [sflag:s7], $0x800  }
0x148: {  	[sflag:s7] =	ssyncset.done $0x0  }
0x149: {  	[sflag:s7] =	ssyncadd.s32 $0xFFFFF800  }
0x14a: {  	_ =	swait.ge [sflag:s7], $0x800  }
0x14b: {  	[sflag:s7] =	ssyncset.done $0x0  }
0x14c: {  	[sflag:s7] =	ssyncadd.s32 $0xFFFFF800  }
0x14d: {  	_ =	swait.ge [sflag:s7], $0x800  }
0x14e: {  	[sflag:s7] =	ssyncset.done $0x0  }
0x14f: {  	s15 =	rddreg [dreg:$0x5];
	[sflag:s7] =	ssyncadd.s32 $0xFFFFF800  }
0x150: {  	[hbm4b:s15+s2] =	stream.linear.scatter [tilespmem:s4], [sflag:$0x2], $0x4000, $0x38;
	[tilespmem:$0x5000] =	vst v63  }
0x151: {  	_ =	swait.ge [sflag:s3], $0x4000  }
0x152: {  	[sflag:s3] =	ssyncset.done $0x0  }
0x153: {  	[sflag:s3] =	ssyncadd.s32 $0xFFFFC000  }
0x154: {  	[tilespmem:s4], [sflag:$0x1] =	stream.indirect.gather [hbm4b:s5+s6], $0x10, s16, s6, $0xb8;
	[tilespmem:$0x5000] =	vst v63  }
0x155: {  	_ = 	snop  }
0x156: {  	[tilespmem:s8], [sflag:$0x1] =	stream.indirect.gather [hbm4b:s5+s6], $0x10, s17, s6, $0xb8;
	[tilespmem:$0x5000] =	vst v63  }
0x157: {  	_ = 	snop  }
0x158: {  	[tilespmem:s9], [sflag:$0x1] =	stream.indirect.gather [hbm4b:s5+s6], $0x10, s18, s6, $0xb8;
	[tilespmem:$0x5000] =	vst v63  }
0x159: {  	_ = 	snop  }
0x15a: {  	[tilespmem:s10], [sflag:$0x1] =	stream.indirect.gather [hbm4b:s5+s6], $0x10, s19, s6, $0xb8;
	[tilespmem:$0x5000] =	vst v63  }
0x15b: {  	_ = 	snop  }
0x15c: {  	[tilespmem:s11], [sflag:$0x1] =	stream.indirect.gather [hbm4b:s5+s6], $0x10, s20, s6, $0xb8;
	[tilespmem:$0x5000] =	vst v63  }
0x15d: {  	_ = 	snop  }
0x15e: {  	[tilespmem:s12], [sflag:$0x1] =	stream.indirect.gather [hbm4b:s5+s6], $0x10, s21, s6, $0xb8;
	[tilespmem:$0x5000] =	vst v63  }
0x15f: {  	_ = 	snop  }
0x160: {  	[tilespmem:s13], [sflag:$0x1] =	stream.indirect.gather [hbm4b:s5+s6], $0x10, s22, s6, $0xb8;
	[tilespmem:$0x5000] =	vst v63  }
0x161: {  	_ = 	snop  }
0x162: {  	[tilespmem:s14], [sflag:$0x1] =	stream.indirect.gather [hbm4b:s5+s6], $0x10, s23, s6, $0xb8;
	[tilespmem:$0x5000] =	vst v63  }
0x163: {  	_ =	swait.ge [sflag:s7], $0x800  }
0x164: {  	[sflag:s7] =	ssyncset.done $0x0  }
0x165: {  	[sflag:s7] =	ssyncadd.s32 $0xFFFFF800  }
0x166: {  	_ =	swait.ge [sflag:s7], $0x800  }
0x167: {  	[sflag:s7] =	ssyncset.done $0x0  }
0x168: {  	[sflag:s7] =	ssyncadd.s32 $0xFFFFF800  }
0x169: {  	_ =	swait.ge [sflag:s7], $0x800  }
0x16a: {  	[sflag:s7] =	ssyncset.done $0x0  }
0x16b: {  	[sflag:s7] =	ssyncadd.s32 $0xFFFFF800  }
0x16c: {  	_ =	swait.ge [sflag:s7], $0x800  }
0x16d: {  	[sflag:s7] =	ssyncset.done $0x0  }
0x16e: {  	[sflag:s7] =	ssyncadd.s32 $0xFFFFF800  }
0x16f: {  	_ =	swait.ge [sflag:s7], $0x800  }
0x170: {  	[sflag:s7] =	ssyncset.done $0x0  }
0x171: {  	[sflag:s7] =	ssyncadd.s32 $0xFFFFF800  }
0x172: {  	_ =	swait.ge [sflag:s7], $0x800  }
0x173: {  	[sflag:s7] =	ssyncset.done $0x0  }
0x174: {  	[sflag:s7] =	ssyncadd.s32 $0xFFFFF800  }
0x175: {  	_ =	swait.ge [sflag:s7], $0x800  }
0x176: {  	[sflag:s7] =	ssyncset.done $0x0  }
0x177: {  	[sflag:s7] =	ssyncadd.s32 $0xFFFFF800  }
0x178: {  	p1 =	sne.s32 s1, $0x1;
	_ =	swait.ge [sflag:s7], $0x800  }
.Ltmp2:
0x179: {  	[sflag:s7] =	ssyncset.done $0x0;
	(pc) =	sbr.rel @p1 .LBB2_4-.Ltmp2, $4  }
0x17a: {  	s15 =	rddreg [dreg:$0x6];
	[sflag:s7] =	ssyncadd.s32 $0xFFFFF800  }
0x17b: {  	[hbm4b:s15+s2] =	stream.linear.scatter [tilespmem:s4], [sflag:$0x2], $0x4000, $0x38;
	[tilespmem:$0x5000] =	vst v63  }
0x17c: {  	_ =	swait.ge [sflag:s3], $0x4000  }
0x17d: {  	s1 =	sadd.s32 $0xFFFFFFFF, s1;
	s0 =	rddreg [dreg:$0x2];
	[sflag:s3] =	ssyncset.done $0x0  }
0x17e: {  	s23 =	simm.s32 $0xB80  }
0x17f: {  	s31 =	simm.s32 $0xB00;
	s30 =	simm.s32 $0xA80;
	s29 =	simm.s32 $0xA00  }
0x180: {  	s28 =	simm.s32 $0x980;
	s26 =	simm.s32 $0x900;
	s25 =	simm.s32 $0x880  }
0x181: {  	s24 =	simm.s32 $0x800;
	s22 =	simm.s32 $0xF00;
	s21 =	simm.s32 $0xE80  }
0x182: {  	s20 =	simm.s32 $0xE00;
	s19 =	simm.s32 $0xD80;
	s18 =	simm.s32 $0xD00  }
0x183: {  	s17 =	simm.s32 $0xC80;
	s16 =	simm.s32 $0xC00;
	s15 =	stileid.u32  }
.LBB2_6:
0x184: {  	[sflag:s3] =	ssyncadd.s32 @p0 $0xFFFFC000  }
0x185: {  	[tilespmem:s2], [sflag:$0x2] =	stream.linear.gather [hbm4b:s0+s2], $0x1000, $0x38;
	[tilespmem:$0x5000] =	vst v63  }
0x186: {  	_ =	swait.ge [sflag:s3], $0x1000  }
0x187: {  	[sflag:s3] =	ssyncset.done $0x0  }
0x188: {  	[sflag:s3] =	ssyncadd.s32 $0xFFFFF000  }
0x189: {  	[tilespmem:s4], [sflag:$0x1] =	stream.indirect.gather [hbm4b:s5+s6], $0x10, s2, s6, $0xb8;
	[tilespmem:$0x5000] =	vst v63  }
0x18a: {  	_ = 	snop  }
0x18b: {  	[tilespmem:s8], [sflag:$0x1] =	stream.indirect.gather [hbm4b:s5+s6], $0x10, s6, s6, $0xb8;
	[tilespmem:$0x5000] =	vst v63  }
0x18c: {  	s0 =	rddreg [dreg:$0x7]  }
0x18d: {  	[tilespmem:s9], [sflag:$0x1] =	stream.indirect.gather [hbm4b:s5+s6], $0x10, s0, s6, $0xb8;
	[tilespmem:$0x5000] =	vst v63  }
0x18e: {  	s1 =	rddreg [dreg:$0x8]  }
0x18f: {  	[tilespmem:s10], [sflag:$0x1] =	stream.indirect.gather [hbm4b:s5+s6], $0x10, s1, s6, $0xb8;
	[tilespmem:$0x5000] =	vst v63  }
0x190: {  	s0 =	rddreg [dreg:$0x9]  }
0x191: {  	[tilespmem:s11], [sflag:$0x1] =	stream.indirect.gather [hbm4b:s5+s6], $0x10, s0, s6, $0xb8;
	[tilespmem:$0x5000] =	vst v63  }
0x192: {  	s1 =	rddreg [dreg:$0xa]  }
0x193: {  	[tilespmem:s12], [sflag:$0x1] =	stream.indirect.gather [hbm4b:s5+s6], $0x10, s1, s6, $0xb8;
	[tilespmem:$0x5000] =	vst v63  }
0x194: {  	s0 =	rddreg [dreg:$0xb]  }
0x195: {  	[tilespmem:s13], [sflag:$0x1] =	stream.indirect.gather [hbm4b:s5+s6], $0x10, s0, s6, $0xb8;
	[tilespmem:$0x5000] =	vst v63  }
0x196: {  	s1 =	rddreg [dreg:$0xc]  }
0x197: {  	[tilespmem:s14], [sflag:$0x1] =	stream.indirect.gather [hbm4b:s5+s6], $0x10, s1, s6, $0xb8;
	[tilespmem:$0x5000] =	vst v63  }
0x198: {  	_ =	swait.ge [sflag:s7], $0x800  }
0x199: {  	[sflag:s7] =	ssyncset.done $0x0  }
0x19a: {  	[sflag:s7] =	ssyncadd.s32 $0xFFFFF800  }
0x19b: {  	_ =	swait.ge [sflag:s7], $0x800  }
0x19c: {  	[sflag:s7] =	ssyncset.done $0x0  }
0x19d: {  	[sflag:s7] =	ssyncadd.s32 $0xFFFFF800  }
0x19e: {  	_ =	swait.ge [sflag:s7], $0x800  }
0x19f: {  	[sflag:s7] =	ssyncset.done $0x0  }
0x1a0: {  	[sflag:s7] =	ssyncadd.s32 $0xFFFFF800  }
0x1a1: {  	_ =	swait.ge [sflag:s7], $0x800  }
0x1a2: {  	[sflag:s7] =	ssyncset.done $0x0  }
0x1a3: {  	[sflag:s7] =	ssyncadd.s32 $0xFFFFF800  }
0x1a4: {  	_ =	swait.ge [sflag:s7], $0x800  }
0x1a5: {  	[sflag:s7] =	ssyncset.done $0x0  }
0x1a6: {  	[sflag:s7] =	ssyncadd.s32 $0xFFFFF800  }
0x1a7: {  	_ =	swait.ge [sflag:s7], $0x800  }
0x1a8: {  	[sflag:s7] =	ssyncset.done $0x0  }
0x1a9: {  	[sflag:s7] =	ssyncadd.s32 $0xFFFFF800  }
0x1aa: {  	_ =	swait.ge [sflag:s7], $0x800  }
0x1ab: {  	[sflag:s7] =	ssyncset.done $0x0  }
0x1ac: {  	[sflag:s7] =	ssyncadd.s32 $0xFFFFF800  }
0x1ad: {  	_ =	swait.ge [sflag:s7], $0x800  }
0x1ae: {  	[sflag:s7] =	ssyncset.done $0x0  }
0x1af: {  	s1 =	rddreg [dreg:$0x3];
	[sflag:s7] =	ssyncadd.s32 $0xFFFFF800  }
0x1b0: {  	[hbm4b:s1+s2] =	stream.linear.scatter [tilespmem:s4], [sflag:$0x2], $0x4000, $0x38;
	[tilespmem:$0x5000] =	vst v63  }
0x1b1: {  	_ =	swait.ge [sflag:s3], $0x4000  }
0x1b2: {  	[sflag:s3] =	ssyncset.done $0x0  }
0x1b3: {  	s0 =	rddreg [dreg:$0xd];
	[sflag:s3] =	ssyncadd.s32 $0xFFFFC000  }
0x1b4: {  	[tilespmem:s4], [sflag:$0x1] =	stream.indirect.gather [hbm4b:s5+s6], $0x10, s0, s6, $0xb8;
	[tilespmem:$0x5000] =	vst v63  }
0x1b5: {  	s1 =	rddreg [dreg:$0xe]  }
0x1b6: {  	[tilespmem:s8], [sflag:$0x1] =	stream.indirect.gather [hbm4b:s5+s6], $0x10, s1, s6, $0xb8;
	[tilespmem:$0x5000] =	vst v63  }
0x1b7: {  	s0 =	rddreg [dreg:$0xf]  }
0x1b8: {  	[tilespmem:s9], [sflag:$0x1] =	stream.indirect.gather [hbm4b:s5+s6], $0x10, s0, s6, $0xb8;
	[tilespmem:$0x5000] =	vst v63  }
0x1b9: {  	s1 =	rddreg [dreg:$0x10]  }
0x1ba: {  	[tilespmem:s10], [sflag:$0x1] =	stream.indirect.gather [hbm4b:s5+s6], $0x10, s1, s6, $0xb8;
	[tilespmem:$0x5000] =	vst v63  }
0x1bb: {  	s0 =	rddreg [dreg:$0x11]  }
0x1bc: {  	[tilespmem:s11], [sflag:$0x1] =	stream.indirect.gather [hbm4b:s5+s6], $0x10, s0, s6, $0xb8;
	[tilespmem:$0x5000] =	vst v63  }
0x1bd: {  	s1 =	rddreg [dreg:$0x12]  }
0x1be: {  	[tilespmem:s12], [sflag:$0x1] =	stream.indirect.gather [hbm4b:s5+s6], $0x10, s1, s6, $0xb8;
	[tilespmem:$0x5000] =	vst v63  }
0x1bf: {  	s0 =	rddreg [dreg:$0x13]  }
0x1c0: {  	[tilespmem:s13], [sflag:$0x1] =	stream.indirect.gather [hbm4b:s5+s6], $0x10, s0, s6, $0xb8;
	[tilespmem:$0x5000] =	vst v63  }
0x1c1: {  	s1 =	rddreg [dreg:$0x14]  }
0x1c2: {  	[tilespmem:s14], [sflag:$0x1] =	stream.indirect.gather [hbm4b:s5+s6], $0x10, s1, s6, $0xb8;
	[tilespmem:$0x5000] =	vst v63  }
0x1c3: {  	_ =	swait.ge [sflag:s7], $0x800  }
0x1c4: {  	[sflag:s7] =	ssyncset.done $0x0  }
0x1c5: {  	[sflag:s7] =	ssyncadd.s32 $0xFFFFF800  }
0x1c6: {  	_ =	swait.ge [sflag:s7], $0x800  }
0x1c7: {  	[sflag:s7] =	ssyncset.done $0x0  }
0x1c8: {  	[sflag:s7] =	ssyncadd.s32 $0xFFFFF800  }
0x1c9: {  	_ =	swait.ge [sflag:s7], $0x800  }
0x1ca: {  	[sflag:s7] =	ssyncset.done $0x0  }
0x1cb: {  	[sflag:s7] =	ssyncadd.s32 $0xFFFFF800  }
0x1cc: {  	_ =	swait.ge [sflag:s7], $0x800  }
0x1cd: {  	[sflag:s7] =	ssyncset.done $0x0  }
0x1ce: {  	[sflag:s7] =	ssyncadd.s32 $0xFFFFF800  }
0x1cf: {  	_ =	swait.ge [sflag:s7], $0x800  }
0x1d0: {  	[sflag:s7] =	ssyncset.done $0x0  }
0x1d1: {  	[sflag:s7] =	ssyncadd.s32 $0xFFFFF800  }
0x1d2: {  	_ =	swait.ge [sflag:s7], $0x800  }
0x1d3: {  	[sflag:s7] =	ssyncset.done $0x0  }
0x1d4: {  	[sflag:s7] =	ssyncadd.s32 $0xFFFFF800  }
0x1d5: {  	_ =	swait.ge [sflag:s7], $0x800  }
0x1d6: {  	[sflag:s7] =	ssyncset.done $0x0  }
0x1d7: {  	[sflag:s7] =	ssyncadd.s32 $0xFFFFF800  }
0x1d8: {  	_ =	swait.ge [sflag:s7], $0x800  }
0x1d9: {  	[sflag:s7] =	ssyncset.done $0x0  }
0x1da: {  	s1 =	rddreg [dreg:$0x4];
	[sflag:s7] =	ssyncadd.s32 $0xFFFFF800  }
0x1db: {  	[hbm4b:s1+s2] =	stream.linear.scatter [tilespmem:s4], [sflag:$0x2], $0x4000, $0x38;
	[tilespmem:$0x5000] =	vst v63  }
0x1dc: {  	_ =	swait.ge [sflag:s3], $0x4000  }
0x1dd: {  	[sflag:s3] =	ssyncset.done $0x0  }
0x1de: {  	[sflag:s3] =	ssyncadd.s32 $0xFFFFC000  }
0x1df: {  	[tilespmem:s4], [sflag:$0x1] =	stream.indirect.gather [hbm4b:s5+s6], $0x10, s24, s6, $0xb8;
	[tilespmem:$0x5000] =	vst v63  }
0x1e0: {  	_ = 	snop  }
0x1e1: {  	[tilespmem:s8], [sflag:$0x1] =	stream.indirect.gather [hbm4b:s5+s6], $0x10, s25, s6, $0xb8;
	[tilespmem:$0x5000] =	vst v63  }
0x1e2: {  	_ = 	snop  }
0x1e3: {  	[tilespmem:s9], [sflag:$0x1] =	stream.indirect.gather [hbm4b:s5+s6], $0x10, s26, s6, $0xb8;
	[tilespmem:$0x5000] =	vst v63  }
0x1e4: {  	_ = 	snop  }
0x1e5: {  	[tilespmem:s10], [sflag:$0x1] =	stream.indirect.gather [hbm4b:s5+s6], $0x10, s28, s6, $0xb8;
	[tilespmem:$0x5000] =	vst v63  }
0x1e6: {  	_ = 	snop  }
0x1e7: {  	[tilespmem:s11], [sflag:$0x1] =	stream.indirect.gather [hbm4b:s5+s6], $0x10, s29, s6, $0xb8;
	[tilespmem:$0x5000] =	vst v63  }
0x1e8: {  	_ = 	snop  }
0x1e9: {  	[tilespmem:s12], [sflag:$0x1] =	stream.indirect.gather [hbm4b:s5+s6], $0x10, s30, s6, $0xb8;
	[tilespmem:$0x5000] =	vst v63  }
0x1ea: {  	_ = 	snop  }
0x1eb: {  	[tilespmem:s13], [sflag:$0x1] =	stream.indirect.gather [hbm4b:s5+s6], $0x10, s31, s6, $0xb8;
	[tilespmem:$0x5000] =	vst v63  }
0x1ec: {  	_ = 	snop  }
0x1ed: {  	[tilespmem:s14], [sflag:$0x1] =	stream.indirect.gather [hbm4b:s5+s6], $0x10, s23, s6, $0xb8;
	[tilespmem:$0x5000] =	vst v63  }
0x1ee: {  	_ =	swait.ge [sflag:s7], $0x800  }
0x1ef: {  	[sflag:s7] =	ssyncset.done $0x0  }
0x1f0: {  	[sflag:s7] =	ssyncadd.s32 $0xFFFFF800  }
0x1f1: {  	_ =	swait.ge [sflag:s7], $0x800  }
0x1f2: {  	[sflag:s7] =	ssyncset.done $0x0  }
0x1f3: {  	[sflag:s7] =	ssyncadd.s32 $0xFFFFF800  }
0x1f4: {  	_ =	swait.ge [sflag:s7], $0x800  }
0x1f5: {  	[sflag:s7] =	ssyncset.done $0x0  }
0x1f6: {  	[sflag:s7] =	ssyncadd.s32 $0xFFFFF800  }
0x1f7: {  	_ =	swait.ge [sflag:s7], $0x800  }
0x1f8: {  	[sflag:s7] =	ssyncset.done $0x0  }
0x1f9: {  	[sflag:s7] =	ssyncadd.s32 $0xFFFFF800  }
0x1fa: {  	_ =	swait.ge [sflag:s7], $0x800  }
0x1fb: {  	[sflag:s7] =	ssyncset.done $0x0  }
0x1fc: {  	[sflag:s7] =	ssyncadd.s32 $0xFFFFF800  }
0x1fd: {  	_ =	swait.ge [sflag:s7], $0x800  }
0x1fe: {  	[sflag:s7] =	ssyncset.done $0x0  }
0x1ff: {  	[sflag:s7] =	ssyncadd.s32 $0xFFFFF800  }
0x200: {  	_ =	swait.ge [sflag:s7], $0x800  }
0x201: {  	[sflag:s7] =	ssyncset.done $0x0  }
0x202: {  	[sflag:s7] =	ssyncadd.s32 $0xFFFFF800  }
0x203: {  	_ =	swait.ge [sflag:s7], $0x800  }
0x204: {  	[sflag:s7] =	ssyncset.done $0x0  }
0x205: {  	s29 =	rddreg [dreg:$0x5];
	[sflag:s7] =	ssyncadd.s32 $0xFFFFF800  }
0x206: {  	[hbm4b:s29+s2] =	stream.linear.scatter [tilespmem:s4], [sflag:$0x2], $0x4000, $0x38;
	[tilespmem:$0x5000] =	vst v63  }
0x207: {  	_ =	swait.ge [sflag:s3], $0x4000  }
0x208: {  	[sflag:s3] =	ssyncset.done $0x0  }
0x209: {  	[sflag:s3] =	ssyncadd.s32 $0xFFFFC000  }
0x20a: {  	[tilespmem:s4], [sflag:$0x1] =	stream.indirect.gather [hbm4b:s5+s6], $0x10, s16, s6, $0xb8;
	[tilespmem:$0x5000] =	vst v63  }
0x20b: {  	_ = 	snop  }
0x20c: {  	[tilespmem:s8], [sflag:$0x1] =	stream.indirect.gather [hbm4b:s5+s6], $0x10, s17, s6, $0xb8;
	[tilespmem:$0x5000] =	vst v63  }
0x20d: {  	_ = 	snop  }
0x20e: {  	[tilespmem:s9], [sflag:$0x1] =	stream.indirect.gather [hbm4b:s5+s6], $0x10, s18, s6, $0xb8;
	[tilespmem:$0x5000] =	vst v63  }
0x20f: {  	_ = 	snop  }
0x210: {  	[tilespmem:s10], [sflag:$0x1] =	stream.indirect.gather [hbm4b:s5+s6], $0x10, s19, s6, $0xb8;
	[tilespmem:$0x5000] =	vst v63  }
0x211: {  	_ = 	snop  }
0x212: {  	[tilespmem:s11], [sflag:$0x1] =	stream.indirect.gather [hbm4b:s5+s6], $0x10, s20, s6, $0xb8;
	[tilespmem:$0x5000] =	vst v63  }
0x213: {  	_ = 	snop  }
0x214: {  	[tilespmem:s12], [sflag:$0x1] =	stream.indirect.gather [hbm4b:s5+s6], $0x10, s21, s6, $0xb8;
	[tilespmem:$0x5000] =	vst v63  }
0x215: {  	_ = 	snop  }
0x216: {  	[tilespmem:s13], [sflag:$0x1] =	stream.indirect.gather [hbm4b:s5+s6], $0x10, s22, s6, $0xb8;
	[tilespmem:$0x5000] =	vst v63  }
0x217: {  	s30 =	simm.s32 $0xF80  }
0x218: {  	[tilespmem:s14], [sflag:$0x1] =	stream.indirect.gather [hbm4b:s5+s6], $0x10, s30, s6, $0xb8;
	[tilespmem:$0x5000] =	vst v63  }
0x219: {  	_ =	swait.ge [sflag:s7], $0x800  }
0x21a: {  	[sflag:s7] =	ssyncset.done $0x0  }
0x21b: {  	[sflag:s7] =	ssyncadd.s32 $0xFFFFF800  }
0x21c: {  	_ =	swait.ge [sflag:s7], $0x800  }
0x21d: {  	[sflag:s7] =	ssyncset.done $0x0  }
0x21e: {  	[sflag:s7] =	ssyncadd.s32 $0xFFFFF800  }
0x21f: {  	_ =	swait.ge [sflag:s7], $0x800  }
0x220: {  	[sflag:s7] =	ssyncset.done $0x0  }
0x221: {  	[sflag:s7] =	ssyncadd.s32 $0xFFFFF800  }
0x222: {  	_ =	swait.ge [sflag:s7], $0x800  }
0x223: {  	[sflag:s7] =	ssyncset.done $0x0  }
0x224: {  	[sflag:s7] =	ssyncadd.s32 $0xFFFFF800  }
0x225: {  	_ =	swait.ge [sflag:s7], $0x800  }
0x226: {  	[sflag:s7] =	ssyncset.done $0x0  }
0x227: {  	[sflag:s7] =	ssyncadd.s32 $0xFFFFF800  }
0x228: {  	_ =	swait.ge [sflag:s7], $0x800  }
0x229: {  	[sflag:s7] =	ssyncset.done $0x0  }
0x22a: {  	[sflag:s7] =	ssyncadd.s32 $0xFFFFF800  }
0x22b: {  	_ =	swait.ge [sflag:s7], $0x800  }
0x22c: {  	[sflag:s7] =	ssyncset.done $0x0  }
0x22d: {  	[sflag:s7] =	ssyncadd.s32 $0xFFFFF800  }
0x22e: {  	_ =	swait.ge [sflag:s7], $0x800  }
0x22f: {  	[sflag:s7] =	ssyncset.done $0x0  }
0x230: {  	s31 =	rddreg [dreg:$0x6];
	[sflag:s7] =	ssyncadd.s32 $0xFFFFF800  }
0x231: {  	[hbm4b:s31+s2] =	stream.linear.scatter [tilespmem:s4], [sflag:$0x2], $0x4000, $0x38;
	[tilespmem:$0x5000] =	vst v63  }
0x232: {  	_ =	swait.ge [sflag:s3], $0x4000  }
0x233: {  	[sflag:s3] =	ssyncset.done $0x0  }
0x234: {  	[sflag:s3] =	ssyncadd.s32 $0xFFFFC000  }
0x235: {  	_ =	sfence.sel $0x180000  }
0x236: {  	[bflag:$0x0] =	sbarrier.arrive $0xFFFF  }
0x237: {  	_ =	strace $0x90000047  }
0x238: {  	[bflag:$0x2] =	sbarrier.arrive $0xFFFF  }
0x239: {  	p0 =	sne.s32 s15, $0x0;
	s0 =	rddreg [dreg:$0x1]  }
0x23a: {  	s0 =	sadd.s32 @!p0 $0x100000, s0  }
0x23b: {  	[sflag:s0] =	ssyncadd.tile.s32 @!p0 $0x1;
	_ =	shalt  }
.LBB2_1:
0x23c: {  	s23 =	simm.s32 $0xB80  }
.Ltmp3:
0x23d: {  	s31 =	simm.s32 $0xB00;
	s30 =	simm.s32 $0xA80;
	(pc) =	sbr.rel .LBB2_6-.Ltmp3, $4  }
0x23e: {  	s29 =	simm.s32 $0xA00;
	s28 =	simm.s32 $0x980;
	s26 =	simm.s32 $0x900  }
0x23f: {  	s25 =	simm.s32 $0x880;
	s24 =	simm.s32 $0x800;
	s22 =	simm.s32 $0xF00  }
0x240: {  	s21 =	simm.s32 $0xE80;
	s20 =	simm.s32 $0xE00;
	s19 =	simm.s32 $0xD80  }
0x241: {  	s18 =	simm.s32 $0xD00;
	s17 =	simm.s32 $0xC80;
	s16 =	simm.s32 $0xC00  }
.LBB2_3:
0x242: {  	s23 =	simm.s32 $0xB80;
	s31 =	simm.s32 $0xB00  }
.Ltmp4:
0x243: {  	s30 =	simm.s32 $0xA80;
	s29 =	simm.s32 $0xA00;
	(pc) =	sbr.rel .LBB2_6-.Ltmp4, $4  }
0x244: {  	s28 =	simm.s32 $0x980;
	s26 =	simm.s32 $0x900;
	s25 =	simm.s32 $0x880  }
0x245: {  	s24 =	simm.s32 $0x800;
	s22 =	simm.s32 $0xF00;
	s21 =	simm.s32 $0xE80  }
0x246: {  	s20 =	simm.s32 $0xE00;
	s19 =	simm.s32 $0xD80;
	s18 =	simm.s32 $0xD00  }
0x247: {  	s17 =	simm.s32 $0xC80;
	s16 =	simm.s32 $0xC00;
	s15 =	stileid.u32  }
.Lfunc_end2:
_tile_overlayer_lowered:
.L_overlay_start_2:
0x248: {  	(tag) =	ssettag $0x2  }
0x249: {  	s0 =	rddreg [dreg:$0x0];
	s2 =	stileid.u32  }
0x24a: {  	s1 =	rddreg [dreg:$0x1];
	p0 =	sne.s32 s2, $0x0  }
0x24b: {  	s3 =	rddreg [dreg:$0x2];
	[bflag:$0x3] =	sbarrier.arrive $0xFFFF;
	s2 =	simm.s32 @!p0 $0x1C02  }
0x24c: {  	[timem:s3], [sflag:s2] =	dma.local @!p0 [hbm:s0], s1  }
0x24d: {  	s0 =	simm.s32 @!p0 $0x2  }
0x24e: {  	_ =	swait.ge @!p0 [sflag:s0], s1  }
0x24f: {  	s1 =	ssub.s32 @!p0 $0x0, s1;
	[sflag:s0] =	ssyncset.done @!p0 $0x0  }
0x250: {  	[sflag:s0] =	ssyncadd.s32 @!p0 s1  }
0x251: {  	[bflag:$0x3] =	sbarrier.arrive $0xFFFF  }
0x252: {  	_ =	shalt  }

// kernel: kernel.17.cloned.1.call-start
scs
__scs_entry_jumppad:
0x0: {  	(pc) =	sbr.rel $0x88, $3  }
0x1: {  	(tag) =	ssettag $0x0;
	lr =	simm.s32 $0x1  }
0x2: {  	[smem:$0x3F93] =	sst lr;
	_ =	strace $0xD0000000  }
0x3: {  	_ = 	snop  }
0x4: {  	_ = 	snop  }
0x5: {  	_ = 	snop  }
0x6: {  	_ = 	snop  }
0x7: {  	_ = 	snop  }
__scs_overlays_trampoline_lowered:
0x8: {  	[smem:$0x3FA2] =	sst s0  }
0x9: {  	[smem:$0x3FA3] =	sst s1  }
0xa: {  	[smem:$0x3FA4] =	sst s2  }
0xb: {  	[smem:$0x3FA5] =	sst s3  }
0xc: {  	[smem:$0x3FA6] =	sst s4  }
0xd: {  	[smem:$0x3FA7] =	sst s5  }
0xe: {  	[smem:$0x3FA8] =	sst s6  }
0xf: {  	[smem:$0x3FA9] =	sst s7  }
0x10: {  	[smem:$0x3FAA] =	sst s8  }
0x11: {  	[smem:$0x3FAB] =	sst s9;
	s0 =	simm.s32 @!p0 $0x0  }
0x12: {  	s1 =	sld [smem:$0x3F91];
	s0 =	simm.s32 @p0 $0x1  }
0x13: {  	[smem:$0x3FAC] =	sst s0;
	s0 =	simm.s32 @!p1 $0x0  }
0x14: {  	s2 =	sld [smem:$0x3F90];
	s0 =	simm.s32 @p1 $0x1  }
0x15: {  	[smem:$0x3FAD] =	sst s0;
	s0 =	simm.s32 @!p2 $0x0  }
0x16: {  	s3 =	sld [smem:$0x3FDB];
	s0 =	simm.s32 @p2 $0x1  }
0x17: {  	s4 =	simm.s32 $0x1BF5;
	[smem:$0x3FAF] =	sst s0  }
0x18: {  	s0 =	sld [smem:$0x3F92];
	_ =	swait.ge [sflag:s4], $0x0  }
0x19: {  	s7 =	sld [smem:$0x3F93]  }
0x1a: {  	s8 =	sadd.s32 $0xFFFFE003, lr  }
0x1b: {  	s9 =	sadd.s32 $0xFFFFFEF7, lr;
	s5 =	simm.s32 $0xFFFFFFFF;
	p2 =	slt.u32 s8, $0xFFFFF086  }
0x1c: {  	p1 =	slt.u32 s9, $0xF7A;
	s5 =	simm.s32 @!p2 $0x0  }
0x1d: {  	s5 =	simm.s32 @p1 $0x1;
	p0 =	seq.s32 s7, s2  }
0x1e: {  	s7 =	smul.u32 @!p0 $0xF7A, s2;
	p2 =	seq.s32 @!p0 s5, $0x0  }
0x1f: {  	s9 =	smul.u32 $0xF7A, s1;
	s8 =	simm.s32 @!p0 $0x1BF5;
	p2 =	por !p2, p0  }
0x20: {  	[sflag:s8] =	ssyncset.s32 @!p0 $0xFFFFF086;
	s6 =	sadd.s32 @!p0 s3, s7;
	s7 =	simm.s32 @!p0 $0x108  }
0x21: {  	s3 =	sadd.s32 s3, s9;
	s6 =	sadd.s32 @!p0 $0x88, s6;
	s7 =	simm.s32 @p2 $0x1082  }
0x22: {  	[simem:s7], [sflag:s8] =	dma.local @!p0 [hbm:s6], $0xF7A  }
0x23: {  	s9 =	sor.u32 $0xD0000000, s2;
	s6 =	simm.s32 $0x108;
	_ =	swait.ge @!p0 [sflag:s8], $0x0  }
0x24: {  	s3 =	sadd.s32 $0x88, s3;
	s6 =	simm.s32 @!p1 $0x1082;
	[sflag:s4] =	ssyncset.s32 $0xFFFFF086  }
0x25: {  	[simem:s6], [sflag:s4] =	dma.local [hbm:s3], $0xF7A  }
0x26: {  	[smem:$0x3F93] =	sst s1;
	(tag) =	ssettag s2;
	_ =	strace s9  }
0x27: {  	s1 =	sld [smem:$0x3FA3]  }
0x28: {  	s2 =	sld [smem:$0x3FA4]  }
0x29: {  	s4 =	sld [smem:$0x3FA6]  }
0x2a: {  	p0 =	seq.s32 s5, $0x0;
	s5 =	sld [smem:$0x3FA7]  }
0x2b: {  	s6 =	sld [smem:$0x3FA8]  }
0x2c: {  	s7 =	sld [smem:$0x3FA9]  }
0x2d: {  	s3 =	simm.s32 $0x108;
	s8 =	sld [smem:$0x3FAA]  }
0x2e: {  	s3 =	simm.s32 @!p0 $0x1082;
	s9 =	sld [smem:$0x3FAB]  }
0x2f: {  	lr =	sadd.s32 s0, s3;
	s0 =	sld [smem:$0x3FA2]  }
0x30: {  	s3 =	sld [smem:$0x3FA5]  }
0x31: {  	[smem:$0x3FAE] =	sst s10  }
0x32: {  	s10 =	sld [smem:$0x3FAC];
	_ =	sdelay $0x3  }
0x33: {  	p0 =	seq.s32 s10, $0x1;
	s10 =	sld [smem:$0x3FAE];
	_ =	sdelay $0x3  }
0x34: {  	[smem:$0x3FAE] =	sst s10  }
0x35: {  	s10 =	sld [smem:$0x3FAD];
	_ =	sdelay $0x3  }
0x36: {  	p1 =	seq.s32 s10, $0x1;
	s10 =	sld [smem:$0x3FAE];
	_ =	sdelay $0x3  }
0x37: {  	[smem:$0x3FAE] =	sst s10  }
0x38: {  	s10 =	sld [smem:$0x3FAF]  }
0x39: {  	_ = 	snop;
	(pc) =	sbr.ind lr, $3  }
0x3a: {  	_ = 	snop  }
0x3b: {  	_ = 	snop  }
0x3c: {  	p2 =	seq.s32 s10, $0x1;
	s10 =	sld [smem:$0x3FAE]  }
0x3d: {  	_ =	shalt  }
0x3e: {  	_ =	shalt  }
0x3f: {  	_ =	shalt  }
0x40: {  	_ =	shalt  }
0x41: {  	_ =	shalt  }
0x42: {  	_ =	shalt  }
0x43: {  	_ =	shalt  }
0x44: {  	_ =	shalt  }
0x45: {  	_ =	shalt  }
0x46: {  	_ =	shalt  }
0x47: {  	_ =	shalt  }
0x48: {  	_ =	shalt  }
0x49: {  	_ =	shalt  }
0x4a: {  	_ =	shalt  }
0x4b: {  	_ =	shalt  }
0x4c: {  	_ =	shalt  }
0x4d: {  	_ =	shalt  }
0x4e: {  	_ =	shalt  }
0x4f: {  	_ =	shalt  }
0x50: {  	_ =	shalt  }
0x51: {  	_ =	shalt  }
0x52: {  	_ =	shalt  }
0x53: {  	_ =	shalt  }
0x54: {  	_ =	shalt  }
0x55: {  	_ =	shalt  }
0x56: {  	_ =	shalt  }
0x57: {  	_ =	shalt  }
0x58: {  	_ =	shalt  }
0x59: {  	_ =	shalt  }
0x5a: {  	_ =	shalt  }
0x5b: {  	_ =	shalt  }
0x5c: {  	_ =	shalt  }
0x5d: {  	_ =	shalt  }
0x5e: {  	_ =	shalt  }
0x5f: {  	_ =	shalt  }
0x60: {  	_ =	shalt  }
0x61: {  	_ =	shalt  }
0x62: {  	_ =	shalt  }
0x63: {  	_ =	shalt  }
0x64: {  	_ =	shalt  }
0x65: {  	_ =	shalt  }
0x66: {  	_ =	shalt  }
0x67: {  	_ =	shalt  }
0x68: {  	_ =	shalt  }
0x69: {  	_ =	shalt  }
0x6a: {  	_ =	shalt  }
0x6b: {  	_ =	shalt  }
0x6c: {  	_ =	shalt  }
0x6d: {  	_ =	shalt  }
0x6e: {  	_ =	shalt  }
0x6f: {  	_ =	shalt  }
0x70: {  	_ =	shalt  }
0x71: {  	_ =	shalt  }
0x72: {  	_ =	shalt  }
0x73: {  	_ =	shalt  }
0x74: {  	_ =	shalt  }
0x75: {  	_ =	shalt  }
0x76: {  	_ =	shalt  }
0x77: {  	_ =	shalt  }
0x78: {  	_ =	shalt  }
0x79: {  	_ =	shalt  }
0x7a: {  	_ =	shalt  }
0x7b: {  	_ =	shalt  }
0x7c: {  	_ =	shalt  }
0x7d: {  	_ =	shalt  }
0x7e: {  	_ =	shalt  }
0x7f: {  	_ =	shalt  }
0x80: {  	_ =	shalt  }
0x81: {  	_ =	shalt  }
0x82: {  	_ =	shalt  }
0x83: {  	_ =	shalt  }
0x84: {  	_ =	shalt  }
0x85: {  	_ =	shalt  }
0x86: {  	_ =	shalt  }
0x87: {  	_ =	shalt  }
.Lfunc_end0:
.L_simem_size_0:
called_computation.1_lowered:
.L_overlay_start_0:
0x88: {  	s2 =	sld [smem:$0x3FD9]  }
0x89: {  	s3 =	sld [smem:$0x3FFE];
	_ =	sdelay $0x1  }
0x8a: {  	s1 =	srdreg.scid  }
0x8b: {  	s0 =	sand.u32 $0x1, s1  }
0x8c: {  	s17 =	sshll.u32 s0, $0xA;
	s2 =	sadd.s32 s3, s2  }
0x8d: {  	s2 =	sadd.s32 s2, s17  }
0x8e: {  	[smem:$0x3FBA] =	sst s2  }
0x8f: {  	_ = 	snop  }
0x90: {  	(tm) =	ssettm $0x1  }
0x91: {  	s18 =	sld [smem:$0x3FFB];
	_ =	sdelay $0x3  }
0x92: {  	_ =	strace s18  }
0x93: {  	s2 =	sld [smem:$0x3FFC];
	_ =	sdelay $0x3  }
0x94: {  	_ =	strace s2  }
0x95: {  	s2 =	sld [smem:$0x3FFD];
	_ =	sdelay $0x3  }
0x96: {  	_ =	strace s2  }
0x97: {  	_ =	strace $0x8FFFFFFF  }
0x98: {  	s19 =	sld [smem:$0x3FDB];
	_ =	sdelay $0x1  }
0x99: {  	s20 =	simm.s32 $_scs_section_size  }
0x9a: {  	s4 =	simm.s32 $_size__tile_overlayer_lowered;
	s5 =	simm.s32 $_tile_overlayer_lowered  }
0x9b: {  	s6 =	simm.s32 $0x1BFF;
	s21 =	sshll.u32 s5, $0x1;
	s3 =	sadd.s32 s20, s19  }
0x9c: {  	s22 =	simm.s32 $0x0;
	s4 =	sshll.u32 s4, $0x1;
	s5 =	sadd.s32 s21, s3  }
0x9d: {  	[timem:s22], [sflag:s6] =	dma.local [hbm:s5], s4  }
0x9e: {  	_ =	swait.ge [sflag:s6], s4  }
0x9f: {  	s4 =	ssub.s32 $0x0, s4;
	[sflag:s6] =	ssyncset.done $0x0  }
0xa0: {  	[sflag:s6] =	ssyncadd.s32 s4;
	_ =	sdelay $0x1  }
0xa1: {  	s23 =	simm.s32 $0x1B8B  }
0xa2: {  	_ =	swait.ge [sflag:s23], $0x1  }
0xa3: {  	[sflag:s23] =	ssyncset.done $0x0  }
0xa4: {  	[sflag:s23] =	ssyncadd.s32 $0xFFFFFFFF  }
0xa5: {  	s4 =	sld [smem:$0x0]  }
0xa6: {  	s5 =	sand.u32 $0xFFFFFFFE, s1  }
0xa7: {  	p0 =	sne.s32 s1, s5  }
0xa8: {  	s5 =	sshll.u32 @p0 s5, $0xE  }
0xa9: {  	s5 =	sadd.s32 @p0 $0x11B8D, s5;
	s6 =	sshll.u32 @p0 s4, $0x11  }
0xaa: {  	s5 =	sor.u32 @p0 s6, s5  }
0xab: {  	[sflag:s5] =	ssyncadd.remote.s32 @p0 $0x1;
	_ =	sdelay $0x1  }
0xac: {  	s5 =	simm.s32 @p0 $0x1B8D  }
0xad: {  	_ =	swait.eq @p0 [sflag:s5], $0x1  }
0xae: {  	[sflag:s5] =	ssyncadd.s32 @p0 $0xFFFFFFFF  }
0xaf: {  	s6 =	sshll.u32 @!p0 s1, $0xE  }
0xb0: {  	s6 =	sor.u32 @!p0 $0x4000, s6;
	s5 =	simm.s32 @!p0 $0x1B8D  }
0xb1: {  	s4 =	sshll.u32 @!p0 s4, $0x11;
	s6 =	sadd.s32 @!p0 $0x11B8D, s6;
	_ =	swait.eq @!p0 [sflag:s5], $0x1  }
0xb2: {  	s4 =	sor.u32 @!p0 s4, s6;
	[sflag:s5] =	ssyncadd.s32 @!p0 $0xFFFFFFFF  }
0xb3: {  	s25 =	simm.s32 $0x1B8E;
	s24 =	sld [smem:$0x3FFE];
	[sflag:s4] =	ssyncadd.remote.s32 @!p0 $0x1  }
0xb4: {  	s26 =	simm.s32 $execute0_lowered;
	[smem:$0x3FD2] =	sst s25  }
0xb5: {  	s5 =	sshll.u32 s26, $0x1;
	_ =	strace $0x80000049;
	[dreg:$0x1] =	wrdreg $0xFFFFFFFF  }
0xb6: {  	s28 =	simm.s32 $_size_execute0_lowered;
	s3 =	sadd.s32 s3, s5;
	[dreg:$0x0] =	wrdreg $0x0  }
0xb7: {  	s5 =	sshll.u32 s28, $0x1;
	[dreg:$0x2] =	wrdreg s3  }
0xb8: {  	[dreg:$0x3] =	wrdreg s5  }
0xb9: {  	[dreg:$0x4] =	wrdreg $0xC0  }
0xba: {  	_ =	task [dreg:s22], $0x5FFFF  }
0xbb: {  	[dreg:$0x1] =	wrdreg $0xFFFFFFFF  }
0xbc: {  	[dreg:$0x0] =	wrdreg $0x60  }
0xbd: {  	[dreg:$0x2] =	wrdreg s24  }
0xbe: {  	[dreg:$0x3] =	wrdreg $0xA  }
0xbf: {  	_ =	task.clear_ibuf [dreg:s22], $0x4FFFF;
	_ =	strace $0x90000049  }
0xc0: {  	s29 =	simm.s32 $0xA;
	_ =	strace $0x8000004B  }
0xc1: {  	_ =	swait.ge [sflag:s29], $0x1  }
0xc2: {  	[sflag:s29] =	ssyncadd.s32 $0xFFFFFFFF  }
0xc3: {  	_ =	strace $0x9000004B  }
0xc4: {  	_ =	sfence  }
0xc5: {  	s30 =	sld [smem:$0x0];
	_ =	sdelay $0x2  }
0xc6: {  	s31 =	sshll.u32 s1, $0xD;
	s1 =	sshrl.u32 s1, $0x2  }
0xc7: {  	s4 =	sand.u32 $0x4000, s31;
	s1 =	sadd.s32 s1, s30  }
0xc8: {  	s0 =	sor.u32 s4, s0;
	s1 =	sshll.u32 s1, $0x11  }
0xc9: {  	s0 =	sor.u32 s1, s0  }
0xca: {  	s0 =	sadd.s32 $0x8F2B, s0  }
0xcb: {  	[sflag:s0] =	ssyncadd.remote.s32 $0x1  }
0xcc: {  	_ =	sfence.sel $0xFFFF  }
0xcd: {  	[dreg:$0x0] =	wrdreg $0xFFFFFFFF;
	(pc) =	sbr.abs _section_cstart, $3  }
0xce: {  	[dreg:$0x1] =	wrdreg $0xFFFFFFFF  }
0xcf: {  	_ =	task.clear_ibuf [dreg:s22], $0x2FFFF;
	_ =	strace $0x9FFFFFFF  }
0xd0: {  	(tm) =	ssettm $0x7FFFFFFF  }
0xd1: {  	_ =	shalt  }
tec
execute0_lowered:
.L_overlay_start_1:
0x0: {  	(tag) =	ssettag $0x1  }
0x1: {  	s0 =	srdreg.scid  }
0x2: {  	s15 =	stileid.u32;
	s3 =	rddreg [dreg:$0x0]  }
0x3: {  	s2 =	simm.s32 $0x0;
	s12 =	simm.s32 $0x100;
	s13 =	simm.s32 $0x180  }
0x4: {  	s14 =	simm.s32 $0x200;
	s16 =	simm.s32 $0x280;
	[smem:$0x7FF] =	sst s2  }
0x5: {  	s6 =	simm.s32 $0x80;
	_ =	strace $0x8000004A;
	[dreg:$0x7] =	wrdreg s12  }
0x6: {  	s17 =	simm.s32 $0x300;
	s18 =	simm.s32 $0x380;
	[dreg:$0x8] =	wrdreg s13  }
0x7: {  	s19 =	simm.s32 $0x400;
	s20 =	simm.s32 $0x480;
	[dreg:$0x9] =	wrdreg s14  }
0x8: {  	s21 =	simm.s32 $0x500;
	s22 =	simm.s32 $0x580;
	[dreg:$0xa] =	wrdreg s16  }
0x9: {  	s23 =	simm.s32 $0x600;
	s24 =	simm.s32 $0x680;
	[dreg:$0xb] =	wrdreg s17  }
0xa: {  	s25 =	simm.s32 $0x700;
	s7 =	simm.s32 $0x1;
	[dreg:$0xc] =	wrdreg s18  }
0xb: {  	s26 =	simm.s32 $0x780;
	s28 =	simm.s32 $0x980;
	[dreg:$0xd] =	wrdreg s19  }
0xc: {  	s29 =	simm.s32 $0xA00;
	s30 =	simm.s32 $0xA80;
	[dreg:$0xe] =	wrdreg s20  }
0xd: {  	s31 =	simm.s32 $0xB00;
	p0 =	por $0x0, $0x0;
	[dreg:$0xf] =	wrdreg s21  }
0xe: {  	s0 =	sand.u32 $0x1, s0;
	s1 =	sshll.u32 s15, $0x1;
	[dreg:$0x10] =	wrdreg s22  }
0xf: {  	s5 =	sadd.s32 $0x1D5C00, s3;
	s1 =	sor.u32 s0, s1;
	[dreg:$0x11] =	wrdreg s23  }
0x10: {  	s0 =	ssub.s32 $0x2, s0;
	s12 =	simm.s32 $0x3800;
	[dreg:$0x12] =	wrdreg s24  }
0x11: {  	s13 =	simm.s32 $0x4000;
	s14 =	simm.s32 $0x4800;
	[dreg:$0x13] =	wrdreg s25  }
0x12: {  	[dreg:$0x14] =	wrdreg s26;
	s25 =	simm.s32 $0x880;
	s26 =	simm.s32 $0x900  }
0x13: {  	s24 =	simm.s32 $0xB80;
	s16 =	simm.s32 $0xC00;
	s17 =	simm.s32 $0xC80  }
0x14: {  	s18 =	simm.s32 $0xD00;
	s19 =	simm.s32 $0xD80;
	s20 =	simm.s32 $0xE00  }
0x15: {  	s21 =	simm.s32 $0xE80;
	s22 =	simm.s32 $0xF00;
	s4 =	sshll.u32 s1, $0x9  }
0x16: {  	s1 =	sshll.u32 s1, $0xD;
	s11 =	sshrl.u32 s0, $0x1;
	s4 =	sadd.s32 s4, s3  }
0x17: {  	s1 =	sadd.s32 s1, s3;
	s0 =	ssub.s32 s0, s11;
	s4 =	sadd.s32 $0x35C600, s4  }
0x18: {  	s8 =	sadd.s32 $0x360600, s1;
	s0 =	smax.u32 s0, $0x1;
	[dreg:$0x2] =	wrdreg s4  }
0x19: {  	s9 =	sadd.s32 $0x360E00, s1;
	[dreg:$0x3] =	wrdreg s8;
	p1 =	sne.s32 s0, $0x1  }
.Ltmp0:
0x1a: {  	s10 =	sadd.s32 $0x361600, s1;
	[dreg:$0x4] =	wrdreg s9;
	(pc) =	sbr.rel @!p1 .LBB2_1-.Ltmp0, $4  }
0x1b: {  	s23 =	simm.s32 $0xF80;
	s1 =	sadd.s32 $0x361E00, s1;
	[dreg:$0x5] =	wrdreg s10  }
0x1c: {  	s3 =	simm.s32 $0x2;
	s11 =	simm.s32 $0x3000;
	[dreg:$0x6] =	wrdreg s1  }
0x1d: {  	s4 =	simm.s32 $0x1000;
	s8 =	simm.s32 $0x1800;
	s9 =	simm.s32 $0x2000  }
0x1e: {  	s10 =	simm.s32 $0x2800;
	s1 =	sadd.s32 $0xFFFFFFFF, s0;
	s0 =	rddreg [dreg:$0x2]  }
0x1f: {  	[tilespmem:s2], [sflag:$0x2] =	stream.linear.gather [hbm4b:s0+s2], $0x1000, $0x38;
	[tilespmem:$0x5000] =	vst v63  }
0x20: {  	_ =	swait.ge [sflag:s3], $0x1000  }
0x21: {  	[sflag:s3] =	ssyncset.done $0x0  }
0x22: {  	[sflag:s3] =	ssyncadd.s32 $0xFFFFF000  }
0x23: {  	[tilespmem:s4], [sflag:$0x1] =	stream.indirect.gather [hbm4b:s5+s6], $0x10, s2, s6, $0xb8;
	[tilespmem:$0x5000] =	vst v63  }
0x24: {  	_ = 	snop  }
0x25: {  	[tilespmem:s8], [sflag:$0x1] =	stream.indirect.gather [hbm4b:s5+s6], $0x10, s6, s6, $0xb8;
	[tilespmem:$0x5000] =	vst v63  }
0x26: {  	s0 =	rddreg [dreg:$0x7]  }
0x27: {  	[tilespmem:s9], [sflag:$0x1] =	stream.indirect.gather [hbm4b:s5+s6], $0x10, s0, s6, $0xb8;
	[tilespmem:$0x5000] =	vst v63  }
0x28: {  	s15 =	smov.u32 s1;
	s1 =	rddreg [dreg:$0x8]  }
0x29: {  	[tilespmem:s10], [sflag:$0x1] =	stream.indirect.gather [hbm4b:s5+s6], $0x10, s1, s6, $0xb8;
	[tilespmem:$0x5000] =	vst v63  }
0x2a: {  	s0 =	rddreg [dreg:$0x9]  }
0x2b: {  	[tilespmem:s11], [sflag:$0x1] =	stream.indirect.gather [hbm4b:s5+s6], $0x10, s0, s6, $0xb8;
	[tilespmem:$0x5000] =	vst v63  }
0x2c: {  	s1 =	rddreg [dreg:$0xa]  }
0x2d: {  	[tilespmem:s12], [sflag:$0x1] =	stream.indirect.gather [hbm4b:s5+s6], $0x10, s1, s6, $0xb8;
	[tilespmem:$0x5000] =	vst v63  }
0x2e: {  	s0 =	rddreg [dreg:$0xb]  }
0x2f: {  	[tilespmem:s13], [sflag:$0x1] =	stream.indirect.gather [hbm4b:s5+s6], $0x10, s0, s6, $0xb8;
	[tilespmem:$0x5000] =	vst v63  }
0x30: {  	s1 =	rddreg [dreg:$0xc]  }
0x31: {  	[tilespmem:s14], [sflag:$0x1] =	stream.indirect.gather [hbm4b:s5+s6], $0x10, s1, s6, $0xb8;
	[tilespmem:$0x5000] =	vst v63  }
0x32: {  	_ =	swait.ge [sflag:s7], $0x800  }
0x33: {  	[sflag:s7] =	ssyncset.done $0x0  }
0x34: {  	[sflag:s7] =	ssyncadd.s32 $0xFFFFF800  }
0x35: {  	_ =	swait.ge [sflag:s7], $0x800  }
0x36: {  	[sflag:s7] =	ssyncset.done $0x0  }
0x37: {  	[sflag:s7] =	ssyncadd.s32 $0xFFFFF800  }
0x38: {  	_ =	swait.ge [sflag:s7], $0x800  }
0x39: {  	[sflag:s7] =	ssyncset.done $0x0  }
0x3a: {  	[sflag:s7] =	ssyncadd.s32 $0xFFFFF800  }
0x3b: {  	_ =	swait.ge [sflag:s7], $0x800  }
0x3c: {  	[sflag:s7] =	ssyncset.done $0x0  }
0x3d: {  	[sflag:s7] =	ssyncadd.s32 $0xFFFFF800  }
0x3e: {  	_ =	swait.ge [sflag:s7], $0x800  }
0x3f: {  	[sflag:s7] =	ssyncset.done $0x0  }
0x40: {  	[sflag:s7] =	ssyncadd.s32 $0xFFFFF800  }
0x41: {  	_ =	swait.ge [sflag:s7], $0x800  }
0x42: {  	[sflag:s7] =	ssyncset.done $0x0  }
0x43: {  	[sflag:s7] =	ssyncadd.s32 $0xFFFFF800  }
0x44: {  	_ =	swait.ge [sflag:s7], $0x800  }
0x45: {  	[sflag:s7] =	ssyncset.done $0x0  }
0x46: {  	[sflag:s7] =	ssyncadd.s32 $0xFFFFF800  }
0x47: {  	_ =	swait.ge [sflag:s7], $0x800  }
0x48: {  	[sflag:s7] =	ssyncset.done $0x0  }
0x49: {  	s1 =	rddreg [dreg:$0x3];
	[sflag:s7] =	ssyncadd.s32 $0xFFFFF800  }
0x4a: {  	[hbm4b:s1+s2] =	stream.linear.scatter [tilespmem:s4], [sflag:$0x2], $0x4000, $0x38;
	[tilespmem:$0x5000] =	vst v63  }
0x4b: {  	_ =	swait.ge [sflag:s3], $0x4000  }
0x4c: {  	[sflag:s3] =	ssyncset.done $0x0  }
0x4d: {  	s0 =	rddreg [dreg:$0xd];
	[sflag:s3] =	ssyncadd.s32 $0xFFFFC000  }
0x4e: {  	[tilespmem:s4], [sflag:$0x1] =	stream.indirect.gather [hbm4b:s5+s6], $0x10, s0, s6, $0xb8;
	[tilespmem:$0x5000] =	vst v63  }
0x4f: {  	s1 =	rddreg [dreg:$0xe]  }
0x50: {  	[tilespmem:s8], [sflag:$0x1] =	stream.indirect.gather [hbm4b:s5+s6], $0x10, s1, s6, $0xb8;
	[tilespmem:$0x5000] =	vst v63  }
0x51: {  	s0 =	rddreg [dreg:$0xf]  }
0x52: {  	[tilespmem:s9], [sflag:$0x1] =	stream.indirect.gather [hbm4b:s5+s6], $0x10, s0, s6, $0xb8;
	[tilespmem:$0x5000] =	vst v63  }
0x53: {  	s1 =	rddreg [dreg:$0x10]  }
0x54: {  	[tilespmem:s10], [sflag:$0x1] =	stream.indirect.gather [hbm4b:s5+s6], $0x10, s1, s6, $0xb8;
	[tilespmem:$0x5000] =	vst v63  }
0x55: {  	s0 =	rddreg [dreg:$0x11]  }
0x56: {  	[tilespmem:s11], [sflag:$0x1] =	stream.indirect.gather [hbm4b:s5+s6], $0x10, s0, s6, $0xb8;
	[tilespmem:$0x5000] =	vst v63  }
0x57: {  	s1 =	rddreg [dreg:$0x12]  }
0x58: {  	[tilespmem:s12], [sflag:$0x1] =	stream.indirect.gather [hbm4b:s5+s6], $0x10, s1, s6, $0xb8;
	[tilespmem:$0x5000] =	vst v63  }
0x59: {  	s0 =	rddreg [dreg:$0x13]  }
0x5a: {  	[tilespmem:s13], [sflag:$0x1] =	stream.indirect.gather [hbm4b:s5+s6], $0x10, s0, s6, $0xb8;
	[tilespmem:$0x5000] =	vst v63  }
0x5b: {  	s1 =	rddreg [dreg:$0x14]  }
0x5c: {  	[tilespmem:s14], [sflag:$0x1] =	stream.indirect.gather [hbm4b:s5+s6], $0x10, s1, s6, $0xb8;
	[tilespmem:$0x5000] =	vst v63  }
0x5d: {  	_ =	swait.ge [sflag:s7], $0x800  }
0x5e: {  	[sflag:s7] =	ssyncset.done $0x0  }
0x5f: {  	[sflag:s7] =	ssyncadd.s32 $0xFFFFF800  }
0x60: {  	_ =	swait.ge [sflag:s7], $0x800  }
0x61: {  	[sflag:s7] =	ssyncset.done $0x0  }
0x62: {  	[sflag:s7] =	ssyncadd.s32 $0xFFFFF800  }
0x63: {  	_ =	swait.ge [sflag:s7], $0x800  }
0x64: {  	[sflag:s7] =	ssyncset.done $0x0  }
0x65: {  	[sflag:s7] =	ssyncadd.s32 $0xFFFFF800  }
0x66: {  	_ =	swait.ge [sflag:s7], $0x800  }
0x67: {  	[sflag:s7] =	ssyncset.done $0x0  }
0x68: {  	[sflag:s7] =	ssyncadd.s32 $0xFFFFF800  }
0x69: {  	_ =	swait.ge [sflag:s7], $0x800  }
0x6a: {  	[sflag:s7] =	ssyncset.done $0x0  }
0x6b: {  	[sflag:s7] =	ssyncadd.s32 $0xFFFFF800  }
0x6c: {  	_ =	swait.ge [sflag:s7], $0x800  }
0x6d: {  	[sflag:s7] =	ssyncset.done $0x0  }
0x6e: {  	[sflag:s7] =	ssyncadd.s32 $0xFFFFF800  }
0x6f: {  	_ =	swait.ge [sflag:s7], $0x800  }
0x70: {  	[sflag:s7] =	ssyncset.done $0x0  }
0x71: {  	[sflag:s7] =	ssyncadd.s32 $0xFFFFF800  }
0x72: {  	_ =	swait.ge [sflag:s7], $0x800  }
0x73: {  	[sflag:s7] =	ssyncset.done $0x0  }
0x74: {  	s1 =	rddreg [dreg:$0x4];
	[sflag:s7] =	ssyncadd.s32 $0xFFFFF800  }
0x75: {  	[hbm4b:s1+s2] =	stream.linear.scatter [tilespmem:s4], [sflag:$0x2], $0x4000, $0x38;
	[tilespmem:$0x5000] =	vst v63  }
0x76: {  	_ =	swait.ge [sflag:s3], $0x4000  }
0x77: {  	[sflag:s3] =	ssyncset.done $0x0  }
0x78: {  	s1 =	simm.s32 $0x800;
	[sflag:s3] =	ssyncadd.s32 $0xFFFFC000  }
0x79: {  	[tilespmem:s4], [sflag:$0x1] =	stream.indirect.gather [hbm4b:s5+s6], $0x10, s1, s6, $0xb8;
	[tilespmem:$0x5000] =	vst v63  }
0x7a: {  	_ = 	snop  }
0x7b: {  	[tilespmem:s8], [sflag:$0x1] =	stream.indirect.gather [hbm4b:s5+s6], $0x10, s25, s6, $0xb8;
	[tilespmem:$0x5000] =	vst v63  }
0x7c: {  	_ = 	snop  }
0x7d: {  	[tilespmem:s9], [sflag:$0x1] =	stream.indirect.gather [hbm4b:s5+s6], $0x10, s26, s6, $0xb8;
	[tilespmem:$0x5000] =	vst v63  }
0x7e: {  	_ = 	snop  }
0x7f: {  	[tilespmem:s10], [sflag:$0x1] =	stream.indirect.gather [hbm4b:s5+s6], $0x10, s28, s6, $0xb8;
	[tilespmem:$0x5000] =	vst v63  }
0x80: {  	_ = 	snop  }
0x81: {  	[tilespmem:s11], [sflag:$0x1] =	stream.indirect.gather [hbm4b:s5+s6], $0x10, s29, s6, $0xb8;
	[tilespmem:$0x5000] =	vst v63  }
0x82: {  	_ = 	snop  }
0x83: {  	[tilespmem:s12], [sflag:$0x1] =	stream.indirect.gather [hbm4b:s5+s6], $0x10, s30, s6, $0xb8;
	[tilespmem:$0x5000] =	vst v63  }
0x84: {  	_ = 	snop  }
0x85: {  	[tilespmem:s13], [sflag:$0x1] =	stream.indirect.gather [hbm4b:s5+s6], $0x10, s31, s6, $0xb8;
	[tilespmem:$0x5000] =	vst v63  }
0x86: {  	_ = 	snop  }
0x87: {  	[tilespmem:s14], [sflag:$0x1] =	stream.indirect.gather [hbm4b:s5+s6], $0x10, s24, s6, $0xb8;
	[tilespmem:$0x5000] =	vst v63  }
0x88: {  	_ =	swait.ge [sflag:s7], $0x800  }
0x89: {  	[sflag:s7] =	ssyncset.done $0x0  }
0x8a: {  	[sflag:s7] =	ssyncadd.s32 $0xFFFFF800  }
0x8b: {  	_ =	swait.ge [sflag:s7], $0x800  }
0x8c: {  	[sflag:s7] =	ssyncset.done $0x0  }
0x8d: {  	[sflag:s7] =	ssyncadd.s32 $0xFFFFF800  }
0x8e: {  	_ =	swait.ge [sflag:s7], $0x800  }
0x8f: {  	[sflag:s7] =	ssyncset.done $0x0  }
0x90: {  	[sflag:s7] =	ssyncadd.s32 $0xFFFFF800  }
0x91: {  	_ =	swait.ge [sflag:s7], $0x800  }
0x92: {  	[sflag:s7] =	ssyncset.done $0x0  }
0x93: {  	[sflag:s7] =	ssyncadd.s32 $0xFFFFF800  }
0x94: {  	_ =	swait.ge [sflag:s7], $0x800  }
0x95: {  	[sflag:s7] =	ssyncset.done $0x0  }
0x96: {  	[sflag:s7] =	ssyncadd.s32 $0xFFFFF800  }
0x97: {  	_ =	swait.ge [sflag:s7], $0x800  }
0x98: {  	[sflag:s7] =	ssyncset.done $0x0  }
0x99: {  	[sflag:s7] =	ssyncadd.s32 $0xFFFFF800  }
0x9a: {  	_ =	swait.ge [sflag:s7], $0x800  }
0x9b: {  	[sflag:s7] =	ssyncset.done $0x0  }
0x9c: {  	[sflag:s7] =	ssyncadd.s32 $0xFFFFF800  }
0x9d: {  	_ =	swait.ge [sflag:s7], $0x800  }
0x9e: {  	[sflag:s7] =	ssyncset.done $0x0  }
0x9f: {  	s1 =	rddreg [dreg:$0x5];
	[sflag:s7] =	ssyncadd.s32 $0xFFFFF800  }
0xa0: {  	[hbm4b:s1+s2] =	stream.linear.scatter [tilespmem:s4], [sflag:$0x2], $0x4000, $0x38;
	[tilespmem:$0x5000] =	vst v63  }
0xa1: {  	_ =	swait.ge [sflag:s3], $0x4000  }
0xa2: {  	[sflag:s3] =	ssyncset.done $0x0  }
0xa3: {  	[sflag:s3] =	ssyncadd.s32 $0xFFFFC000  }
0xa4: {  	[tilespmem:s4], [sflag:$0x1] =	stream.indirect.gather [hbm4b:s5+s6], $0x10, s16, s6, $0xb8;
	[tilespmem:$0x5000] =	vst v63  }
0xa5: {  	_ = 	snop  }
0xa6: {  	[tilespmem:s8], [sflag:$0x1] =	stream.indirect.gather [hbm4b:s5+s6], $0x10, s17, s6, $0xb8;
	[tilespmem:$0x5000] =	vst v63  }
0xa7: {  	_ = 	snop  }
0xa8: {  	[tilespmem:s9], [sflag:$0x1] =	stream.indirect.gather [hbm4b:s5+s6], $0x10, s18, s6, $0xb8;
	[tilespmem:$0x5000] =	vst v63  }
0xa9: {  	_ = 	snop  }
0xaa: {  	[tilespmem:s10], [sflag:$0x1] =	stream.indirect.gather [hbm4b:s5+s6], $0x10, s19, s6, $0xb8;
	[tilespmem:$0x5000] =	vst v63  }
0xab: {  	_ = 	snop  }
0xac: {  	[tilespmem:s11], [sflag:$0x1] =	stream.indirect.gather [hbm4b:s5+s6], $0x10, s20, s6, $0xb8;
	[tilespmem:$0x5000] =	vst v63  }
0xad: {  	_ = 	snop  }
0xae: {  	[tilespmem:s12], [sflag:$0x1] =	stream.indirect.gather [hbm4b:s5+s6], $0x10, s21, s6, $0xb8;
	[tilespmem:$0x5000] =	vst v63  }
0xaf: {  	_ = 	snop  }
0xb0: {  	[tilespmem:s13], [sflag:$0x1] =	stream.indirect.gather [hbm4b:s5+s6], $0x10, s22, s6, $0xb8;
	[tilespmem:$0x5000] =	vst v63  }
0xb1: {  	_ = 	snop  }
0xb2: {  	[tilespmem:s14], [sflag:$0x1] =	stream.indirect.gather [hbm4b:s5+s6], $0x10, s23, s6, $0xb8;
	[tilespmem:$0x5000] =	vst v63  }
0xb3: {  	_ =	swait.ge [sflag:s7], $0x800  }
0xb4: {  	[sflag:s7] =	ssyncset.done $0x0  }
0xb5: {  	[sflag:s7] =	ssyncadd.s32 $0xFFFFF800  }
0xb6: {  	_ =	swait.ge [sflag:s7], $0x800  }
0xb7: {  	[sflag:s7] =	ssyncset.done $0x0  }
0xb8: {  	[sflag:s7] =	ssyncadd.s32 $0xFFFFF800  }
0xb9: {  	_ =	swait.ge [sflag:s7], $0x800  }
0xba: {  	[sflag:s7] =	ssyncset.done $0x0  }
0xbb: {  	[sflag:s7] =	ssyncadd.s32 $0xFFFFF800  }
0xbc: {  	_ =	swait.ge [sflag:s7], $0x800  }
0xbd: {  	[sflag:s7] =	ssyncset.done $0x0  }
0xbe: {  	[sflag:s7] =	ssyncadd.s32 $0xFFFFF800  }
0xbf: {  	_ =	swait.ge [sflag:s7], $0x800  }
0xc0: {  	[sflag:s7] =	ssyncset.done $0x0  }
0xc1: {  	[sflag:s7] =	ssyncadd.s32 $0xFFFFF800  }
0xc2: {  	_ =	swait.ge [sflag:s7], $0x800  }
0xc3: {  	[sflag:s7] =	ssyncset.done $0x0  }
0xc4: {  	[sflag:s7] =	ssyncadd.s32 $0xFFFFF800  }
0xc5: {  	_ =	swait.ge [sflag:s7], $0x800  }
0xc6: {  	[sflag:s7] =	ssyncset.done $0x0  }
0xc7: {  	[sflag:s7] =	ssyncadd.s32 $0xFFFFF800  }
0xc8: {  	p1 =	sne.s32 s15, $0x1;
	_ =	swait.ge [sflag:s7], $0x800  }
.Ltmp1:
0xc9: {  	[sflag:s7] =	ssyncset.done $0x0;
	(pc) =	sbr.rel @!p1 .LBB2_3-.Ltmp1, $4  }
0xca: {  	s1 =	rddreg [dreg:$0x6];
	[sflag:s7] =	ssyncadd.s32 $0xFFFFF800  }
0xcb: {  	[hbm4b:s1+s2] =	stream.linear.scatter [tilespmem:s4], [sflag:$0x2], $0x4000, $0x38;
	[tilespmem:$0x5000] =	vst v63  }
0xcc: {  	p0 =	por $0x1, $0x1;
	_ =	swait.ge [sflag:s3], $0x4000  }
0xcd: {  	s1 =	sadd.s32 $0xFFFFFFFF, s15;
	s0 =	rddreg [dreg:$0x2];
	[sflag:s3] =	ssyncset.done $0x0  }
.LBB2_4:
0xce: {  	[sflag:s3] =	ssyncadd.s32 $0xFFFFC000  }
0xcf: {  	[tilespmem:s2], [sflag:$0x2] =	stream.linear.gather [hbm4b:s0+s2], $0x1000, $0x38;
	[tilespmem:$0x5000] =	vst v63  }
0xd0: {  	_ =	swait.ge [sflag:s3], $0x1000  }
0xd1: {  	[sflag:s3] =	ssyncset.done $0x0  }
0xd2: {  	[sflag:s3] =	ssyncadd.s32 $0xFFFFF000  }
0xd3: {  	[tilespmem:s4], [sflag:$0x1] =	stream.indirect.gather [hbm4b:s5+s6], $0x10, s2, s6, $0xb8;
	[tilespmem:$0x5000] =	vst v63  }
0xd4: {  	_ = 	snop  }
0xd5: {  	[tilespmem:s8], [sflag:$0x1] =	stream.indirect.gather [hbm4b:s5+s6], $0x10, s6, s6, $0xb8;
	[tilespmem:$0x5000] =	vst v63  }
0xd6: {  	s0 =	rddreg [dreg:$0x7]  }
0xd7: {  	[tilespmem:s9], [sflag:$0x1] =	stream.indirect.gather [hbm4b:s5+s6], $0x10, s0, s6, $0xb8;
	[tilespmem:$0x5000] =	vst v63  }
0xd8: {  	s15 =	rddreg [dreg:$0x8]  }
0xd9: {  	[tilespmem:s10], [sflag:$0x1] =	stream.indirect.gather [hbm4b:s5+s6], $0x10, s15, s6, $0xb8;
	[tilespmem:$0x5000] =	vst v63  }
0xda: {  	s0 =	rddreg [dreg:$0x9]  }
0xdb: {  	[tilespmem:s11], [sflag:$0x1] =	stream.indirect.gather [hbm4b:s5+s6], $0x10, s0, s6, $0xb8;
	[tilespmem:$0x5000] =	vst v63  }
0xdc: {  	s15 =	rddreg [dreg:$0xa]  }
0xdd: {  	[tilespmem:s12], [sflag:$0x1] =	stream.indirect.gather [hbm4b:s5+s6], $0x10, s15, s6, $0xb8;
	[tilespmem:$0x5000] =	vst v63  }
0xde: {  	s0 =	rddreg [dreg:$0xb]  }
0xdf: {  	[tilespmem:s13], [sflag:$0x1] =	stream.indirect.gather [hbm4b:s5+s6], $0x10, s0, s6, $0xb8;
	[tilespmem:$0x5000] =	vst v63  }
0xe0: {  	s15 =	rddreg [dreg:$0xc]  }
0xe1: {  	[tilespmem:s14], [sflag:$0x1] =	stream.indirect.gather [hbm4b:s5+s6], $0x10, s15, s6, $0xb8;
	[tilespmem:$0x5000] =	vst v63  }
0xe2: {  	_ =	swait.ge [sflag:s7], $0x800  }
0xe3: {  	[sflag:s7] =	ssyncset.done $0x0  }
0xe4: {  	[sflag:s7] =	ssyncadd.s32 $0xFFFFF800  }
0xe5: {  	_ =	swait.ge [sflag:s7], $0x800  }
0xe6: {  	[sflag:s7] =	ssyncset.done $0x0  }
0xe7: {  	[sflag:s7] =	ssyncadd.s32 $0xFFFFF800  }
0xe8: {  	_ =	swait.ge [sflag:s7], $0x800  }
0xe9: {  	[sflag:s7] =	ssyncset.done $0x0  }
0xea: {  	[sflag:s7] =	ssyncadd.s32 $0xFFFFF800  }
0xeb: {  	_ =	swait.ge [sflag:s7], $0x800  }
0xec: {  	[sflag:s7] =	ssyncset.done $0x0  }
0xed: {  	[sflag:s7] =	ssyncadd.s32 $0xFFFFF800  }
0xee: {  	_ =	swait.ge [sflag:s7], $0x800  }
0xef: {  	[sflag:s7] =	ssyncset.done $0x0  }
0xf0: {  	[sflag:s7] =	ssyncadd.s32 $0xFFFFF800  }
0xf1: {  	_ =	swait.ge [sflag:s7], $0x800  }
0xf2: {  	[sflag:s7] =	ssyncset.done $0x0  }
0xf3: {  	[sflag:s7] =	ssyncadd.s32 $0xFFFFF800  }
0xf4: {  	_ =	swait.ge [sflag:s7], $0x800  }
0xf5: {  	[sflag:s7] =	ssyncset.done $0x0  }
0xf6: {  	[sflag:s7] =	ssyncadd.s32 $0xFFFFF800  }
0xf7: {  	_ =	swait.ge [sflag:s7], $0x800  }
0xf8: {  	[sflag:s7] =	ssyncset.done $0x0  }
0xf9: {  	s15 =	rddreg [dreg:$0x3];
	[sflag:s7] =	ssyncadd.s32 $0xFFFFF800  }
0xfa: {  	[hbm4b:s15+s2] =	stream.linear.scatter [tilespmem:s4], [sflag:$0x2], $0x4000, $0x38;
	[tilespmem:$0x5000] =	vst v63  }
0xfb: {  	_ =	swait.ge [sflag:s3], $0x4000  }
0xfc: {  	[sflag:s3] =	ssyncset.done $0x0  }
0xfd: {  	s0 =	rddreg [dreg:$0xd];
	[sflag:s3] =	ssyncadd.s32 $0xFFFFC000  }
0xfe: {  	[tilespmem:s4], [sflag:$0x1] =	stream.indirect.gather [hbm4b:s5+s6], $0x10, s0, s6, $0xb8;
	[tilespmem:$0x5000] =	vst v63  }
0xff: {  	s15 =	rddreg [dreg:$0xe]  }
0x100: {  	[tilespmem:s8], [sflag:$0x1] =	stream.indirect.gather [hbm4b:s5+s6], $0x10, s15, s6, $0xb8;
	[tilespmem:$0x5000] =	vst v63  }
0x101: {  	s0 =	rddreg [dreg:$0xf]  }
0x102: {  	[tilespmem:s9], [sflag:$0x1] =	stream.indirect.gather [hbm4b:s5+s6], $0x10, s0, s6, $0xb8;
	[tilespmem:$0x5000] =	vst v63  }
0x103: {  	s15 =	rddreg [dreg:$0x10]  }
0x104: {  	[tilespmem:s10], [sflag:$0x1] =	stream.indirect.gather [hbm4b:s5+s6], $0x10, s15, s6, $0xb8;
	[tilespmem:$0x5000] =	vst v63  }
0x105: {  	s0 =	rddreg [dreg:$0x11]  }
0x106: {  	[tilespmem:s11], [sflag:$0x1] =	stream.indirect.gather [hbm4b:s5+s6], $0x10, s0, s6, $0xb8;
	[tilespmem:$0x5000] =	vst v63  }
0x107: {  	s15 =	rddreg [dreg:$0x12]  }
0x108: {  	[tilespmem:s12], [sflag:$0x1] =	stream.indirect.gather [hbm4b:s5+s6], $0x10, s15, s6, $0xb8;
	[tilespmem:$0x5000] =	vst v63  }
0x109: {  	s0 =	rddreg [dreg:$0x13]  }
0x10a: {  	[tilespmem:s13], [sflag:$0x1] =	stream.indirect.gather [hbm4b:s5+s6], $0x10, s0, s6, $0xb8;
	[tilespmem:$0x5000] =	vst v63  }
0x10b: {  	s15 =	rddreg [dreg:$0x14]  }
0x10c: {  	[tilespmem:s14], [sflag:$0x1] =	stream.indirect.gather [hbm4b:s5+s6], $0x10, s15, s6, $0xb8;
	[tilespmem:$0x5000] =	vst v63  }
0x10d: {  	_ =	swait.ge [sflag:s7], $0x800  }
0x10e: {  	[sflag:s7] =	ssyncset.done $0x0  }
0x10f: {  	[sflag:s7] =	ssyncadd.s32 $0xFFFFF800  }
0x110: {  	_ =	swait.ge [sflag:s7], $0x800  }
0x111: {  	[sflag:s7] =	ssyncset.done $0x0  }
0x112: {  	[sflag:s7] =	ssyncadd.s32 $0xFFFFF800  }
0x113: {  	_ =	swait.ge [sflag:s7], $0x800  }
0x114: {  	[sflag:s7] =	ssyncset.done $0x0  }
0x115: {  	[sflag:s7] =	ssyncadd.s32 $0xFFFFF800  }
0x116: {  	_ =	swait.ge [sflag:s7], $0x800  }
0x117: {  	[sflag:s7] =	ssyncset.done $0x0  }
0x118: {  	[sflag:s7] =	ssyncadd.s32 $0xFFFFF800  }
0x119: {  	_ =	swait.ge [sflag:s7], $0x800  }
0x11a: {  	[sflag:s7] =	ssyncset.done $0x0  }
0x11b: {  	[sflag:s7] =	ssyncadd.s32 $0xFFFFF800  }
0x11c: {  	_ =	swait.ge [sflag:s7], $0x800  }
0x11d: {  	[sflag:s7] =	ssyncset.done $0x0  }
0x11e: {  	[sflag:s7] =	ssyncadd.s32 $0xFFFFF800  }
0x11f: {  	_ =	swait.ge [sflag:s7], $0x800  }
0x120: {  	[sflag:s7] =	ssyncset.done $0x0  }
0x121: {  	[sflag:s7] =	ssyncadd.s32 $0xFFFFF800  }
0x122: {  	_ =	swait.ge [sflag:s7], $0x800  }
0x123: {  	[sflag:s7] =	ssyncset.done $0x0  }
0x124: {  	s15 =	rddreg [dreg:$0x4];
	[sflag:s7] =	ssyncadd.s32 $0xFFFFF800  }
0x125: {  	[hbm4b:s15+s2] =	stream.linear.scatter [tilespmem:s4], [sflag:$0x2], $0x4000, $0x38;
	[tilespmem:$0x5000] =	vst v63  }
0x126: {  	_ =	swait.ge [sflag:s3], $0x4000  }
0x127: {  	[sflag:s3] =	ssyncset.done $0x0  }
0x128: {  	s15 =	simm.s32 $0x800;
	[sflag:s3] =	ssyncadd.s32 $0xFFFFC000  }
0x129: {  	[tilespmem:s4], [sflag:$0x1] =	stream.indirect.gather [hbm4b:s5+s6], $0x10, s15, s6, $0xb8;
	[tilespmem:$0x5000] =	vst v63  }
0x12a: {  	_ = 	snop  }
0x12b: {  	[tilespmem:s8], [sflag:$0x1] =	stream.indirect.gather [hbm4b:s5+s6], $0x10, s25, s6, $0xb8;
	[tilespmem:$0x5000] =	vst v63  }
0x12c: {  	_ = 	snop  }
0x12d: {  	[tilespmem:s9], [sflag:$0x1] =	stream.indirect.gather [hbm4b:s5+s6], $0x10, s26, s6, $0xb8;
	[tilespmem:$0x5000] =	vst v63  }
0x12e: {  	_ = 	snop  }
0x12f: {  	[tilespmem:s10], [sflag:$0x1] =	stream.indirect.gather [hbm4b:s5+s6], $0x10, s28, s6, $0xb8;
	[tilespmem:$0x5000] =	vst v63  }
0x130: {  	_ = 	snop  }
0x131: {  	[tilespmem:s11], [sflag:$0x1] =	stream.indirect.gather [hbm4b:s5+s6], $0x10, s29, s6, $0xb8;
	[tilespmem:$0x5000] =	vst v63  }
0x132: {  	_ = 	snop  }
0x133: {  	[tilespmem:s12], [sflag:$0x1] =	stream.indirect.gather [hbm4b:s5+s6], $0x10, s30, s6, $0xb8;
	[tilespmem:$0x5000] =	vst v63  }
0x134: {  	_ = 	snop  }
0x135: {  	[tilespmem:s13], [sflag:$0x1] =	stream.indirect.gather [hbm4b:s5+s6], $0x10, s31, s6, $0xb8;
	[tilespmem:$0x5000] =	vst v63  }
0x136: {  	_ = 	snop  }
0x137: {  	[tilespmem:s14], [sflag:$0x1] =	stream.indirect.gather [hbm4b:s5+s6], $0x10, s24, s6, $0xb8;
	[tilespmem:$0x5000] =	vst v63  }
0x138: {  	_ =	swait.ge [sflag:s7], $0x800  }
0x139: {  	[sflag:s7] =	ssyncset.done $0x0  }
0x13a: {  	[sflag:s7] =	ssyncadd.s32 $0xFFFFF800  }
0x13b: {  	_ =	swait.ge [sflag:s7], $0x800  }
0x13c: {  	[sflag:s7] =	ssyncset.done $0x0  }
0x13d: {  	[sflag:s7] =	ssyncadd.s32 $0xFFFFF800  }
0x13e: {  	_ =	swait.ge [sflag:s7], $0x800  }
0x13f: {  	[sflag:s7] =	ssyncset.done $0x0  }
0x140: {  	[sflag:s7] =	ssyncadd.s32 $0xFFFFF800  }
0x141: {  	_ =	swait.ge [sflag:s7], $0x800  }
0x142: {  	[sflag:s7] =	ssyncset.done $0x0  }
0x143: {  	[sflag:s7] =	ssyncadd.s32 $0xFFFFF800  }
0x144: {  	_ =	swait.ge [sflag:s7], $0x800  }
0x145: {  	[sflag:s7] =	ssyncset.done $0x0  }
0x146: {  	[sflag:s7] =	ssyncadd.s32 $0xFFFFF800  }
0x147: {  	_ =	swait.ge [sflag:s7], $0x800  }
0x148: {  	[sflag:s7] =	ssyncset.done $0x0  }
0x149: {  	[sflag:s7] =	ssyncadd.s32 $0xFFFFF800  }
0x14a: {  	_ =	swait.ge [sflag:s7], $0x800  }
0x14b: {  	[sflag:s7] =	ssyncset.done $0x0  }
0x14c: {  	[sflag:s7] =	ssyncadd.s32 $0xFFFFF800  }
0x14d: {  	_ =	swait.ge [sflag:s7], $0x800  }
0x14e: {  	[sflag:s7] =	ssyncset.done $0x0  }
0x14f: {  	s15 =	rddreg [dreg:$0x5];
	[sflag:s7] =	ssyncadd.s32 $0xFFFFF800  }
0x150: {  	[hbm4b:s15+s2] =	stream.linear.scatter [tilespmem:s4], [sflag:$0x2], $0x4000, $0x38;
	[tilespmem:$0x5000] =	vst v63  }
0x151: {  	_ =	swait.ge [sflag:s3], $0x4000  }
0x152: {  	[sflag:s3] =	ssyncset.done $0x0  }
0x153: {  	[sflag:s3] =	ssyncadd.s32 $0xFFFFC000  }
0x154: {  	[tilespmem:s4], [sflag:$0x1] =	stream.indirect.gather [hbm4b:s5+s6], $0x10, s16, s6, $0xb8;
	[tilespmem:$0x5000] =	vst v63  }
0x155: {  	_ = 	snop  }
0x156: {  	[tilespmem:s8], [sflag:$0x1] =	stream.indirect.gather [hbm4b:s5+s6], $0x10, s17, s6, $0xb8;
	[tilespmem:$0x5000] =	vst v63  }
0x157: {  	_ = 	snop  }
0x158: {  	[tilespmem:s9], [sflag:$0x1] =	stream.indirect.gather [hbm4b:s5+s6], $0x10, s18, s6, $0xb8;
	[tilespmem:$0x5000] =	vst v63  }
0x159: {  	_ = 	snop  }
0x15a: {  	[tilespmem:s10], [sflag:$0x1] =	stream.indirect.gather [hbm4b:s5+s6], $0x10, s19, s6, $0xb8;
	[tilespmem:$0x5000] =	vst v63  }
0x15b: {  	_ = 	snop  }
0x15c: {  	[tilespmem:s11], [sflag:$0x1] =	stream.indirect.gather [hbm4b:s5+s6], $0x10, s20, s6, $0xb8;
	[tilespmem:$0x5000] =	vst v63  }
0x15d: {  	_ = 	snop  }
0x15e: {  	[tilespmem:s12], [sflag:$0x1] =	stream.indirect.gather [hbm4b:s5+s6], $0x10, s21, s6, $0xb8;
	[tilespmem:$0x5000] =	vst v63  }
0x15f: {  	_ = 	snop  }
0x160: {  	[tilespmem:s13], [sflag:$0x1] =	stream.indirect.gather [hbm4b:s5+s6], $0x10, s22, s6, $0xb8;
	[tilespmem:$0x5000] =	vst v63  }
0x161: {  	_ = 	snop  }
0x162: {  	[tilespmem:s14], [sflag:$0x1] =	stream.indirect.gather [hbm4b:s5+s6], $0x10, s23, s6, $0xb8;
	[tilespmem:$0x5000] =	vst v63  }
0x163: {  	_ =	swait.ge [sflag:s7], $0x800  }
0x164: {  	[sflag:s7] =	ssyncset.done $0x0  }
0x165: {  	[sflag:s7] =	ssyncadd.s32 $0xFFFFF800  }
0x166: {  	_ =	swait.ge [sflag:s7], $0x800  }
0x167: {  	[sflag:s7] =	ssyncset.done $0x0  }
0x168: {  	[sflag:s7] =	ssyncadd.s32 $0xFFFFF800  }
0x169: {  	_ =	swait.ge [sflag:s7], $0x800  }
0x16a: {  	[sflag:s7] =	ssyncset.done $0x0  }
0x16b: {  	[sflag:s7] =	ssyncadd.s32 $0xFFFFF800  }
0x16c: {  	_ =	swait.ge [sflag:s7], $0x800  }
0x16d: {  	[sflag:s7] =	ssyncset.done $0x0  }
0x16e: {  	[sflag:s7] =	ssyncadd.s32 $0xFFFFF800  }
0x16f: {  	_ =	swait.ge [sflag:s7], $0x800  }
0x170: {  	[sflag:s7] =	ssyncset.done $0x0  }
0x171: {  	[sflag:s7] =	ssyncadd.s32 $0xFFFFF800  }
0x172: {  	_ =	swait.ge [sflag:s7], $0x800  }
0x173: {  	[sflag:s7] =	ssyncset.done $0x0  }
0x174: {  	[sflag:s7] =	ssyncadd.s32 $0xFFFFF800  }
0x175: {  	_ =	swait.ge [sflag:s7], $0x800  }
0x176: {  	[sflag:s7] =	ssyncset.done $0x0  }
0x177: {  	[sflag:s7] =	ssyncadd.s32 $0xFFFFF800  }
0x178: {  	p1 =	sne.s32 s1, $0x1;
	_ =	swait.ge [sflag:s7], $0x800  }
.Ltmp2:
0x179: {  	[sflag:s7] =	ssyncset.done $0x0;
	(pc) =	sbr.rel @p1 .LBB2_4-.Ltmp2, $4  }
0x17a: {  	s15 =	rddreg [dreg:$0x6];
	[sflag:s7] =	ssyncadd.s32 $0xFFFFF800  }
0x17b: {  	[hbm4b:s15+s2] =	stream.linear.scatter [tilespmem:s4], [sflag:$0x2], $0x4000, $0x38;
	[tilespmem:$0x5000] =	vst v63  }
0x17c: {  	_ =	swait.ge [sflag:s3], $0x4000  }
0x17d: {  	s1 =	sadd.s32 $0xFFFFFFFF, s1;
	s0 =	rddreg [dreg:$0x2];
	[sflag:s3] =	ssyncset.done $0x0  }
0x17e: {  	s23 =	simm.s32 $0xB80  }
0x17f: {  	s31 =	simm.s32 $0xB00;
	s30 =	simm.s32 $0xA80;
	s29 =	simm.s32 $0xA00  }
0x180: {  	s28 =	simm.s32 $0x980;
	s26 =	simm.s32 $0x900;
	s25 =	simm.s32 $0x880  }
0x181: {  	s24 =	simm.s32 $0x800;
	s22 =	simm.s32 $0xF00;
	s21 =	simm.s32 $0xE80  }
0x182: {  	s20 =	simm.s32 $0xE00;
	s19 =	simm.s32 $0xD80;
	s18 =	simm.s32 $0xD00  }
0x183: {  	s17 =	simm.s32 $0xC80;
	s16 =	simm.s32 $0xC00;
	s15 =	stileid.u32  }
.LBB2_6:
0x184: {  	[sflag:s3] =	ssyncadd.s32 @p0 $0xFFFFC000  }
0x185: {  	[tilespmem:s2], [sflag:$0x2] =	stream.linear.gather [hbm4b:s0+s2], $0x1000, $0x38;
	[tilespmem:$0x5000] =	vst v63  }
0x186: {  	_ =	swait.ge [sflag:s3], $0x1000  }
0x187: {  	[sflag:s3] =	ssyncset.done $0x0  }
0x188: {  	[sflag:s3] =	ssyncadd.s32 $0xFFFFF000  }
0x189: {  	[tilespmem:s4], [sflag:$0x1] =	stream.indirect.gather [hbm4b:s5+s6], $0x10, s2, s6, $0xb8;
	[tilespmem:$0x5000] =	vst v63  }
0x18a: {  	_ = 	snop  }
0x18b: {  	[tilespmem:s8], [sflag:$0x1] =	stream.indirect.gather [hbm4b:s5+s6], $0x10, s6, s6, $0xb8;
	[tilespmem:$0x5000] =	vst v63  }
0x18c: {  	s0 =	rddreg [dreg:$0x7]  }
0x18d: {  	[tilespmem:s9], [sflag:$0x1] =	stream.indirect.gather [hbm4b:s5+s6], $0x10, s0, s6, $0xb8;
	[tilespmem:$0x5000] =	vst v63  }
0x18e: {  	s1 =	rddreg [dreg:$0x8]  }
0x18f: {  	[tilespmem:s10], [sflag:$0x1] =	stream.indirect.gather [hbm4b:s5+s6], $0x10, s1, s6, $0xb8;
	[tilespmem:$0x5000] =	vst v63  }
0x190: {  	s0 =	rddreg [dreg:$0x9]  }
0x191: {  	[tilespmem:s11], [sflag:$0x1] =	stream.indirect.gather [hbm4b:s5+s6], $0x10, s0, s6, $0xb8;
	[tilespmem:$0x5000] =	vst v63  }
0x192: {  	s1 =	rddreg [dreg:$0xa]  }
0x193: {  	[tilespmem:s12], [sflag:$0x1] =	stream.indirect.gather [hbm4b:s5+s6], $0x10, s1, s6, $0xb8;
	[tilespmem:$0x5000] =	vst v63  }
0x194: {  	s0 =	rddreg [dreg:$0xb]  }
0x195: {  	[tilespmem:s13], [sflag:$0x1] =	stream.indirect.gather [hbm4b:s5+s6], $0x10, s0, s6, $0xb8;
	[tilespmem:$0x5000] =	vst v63  }
0x196: {  	s1 =	rddreg [dreg:$0xc]  }
0x197: {  	[tilespmem:s14], [sflag:$0x1] =	stream.indirect.gather [hbm4b:s5+s6], $0x10, s1, s6, $0xb8;
	[tilespmem:$0x5000] =	vst v63  }
0x198: {  	_ =	swait.ge [sflag:s7], $0x800  }
0x199: {  	[sflag:s7] =	ssyncset.done $0x0  }
0x19a: {  	[sflag:s7] =	ssyncadd.s32 $0xFFFFF800  }
0x19b: {  	_ =	swait.ge [sflag:s7], $0x800  }
0x19c: {  	[sflag:s7] =	ssyncset.done $0x0  }
0x19d: {  	[sflag:s7] =	ssyncadd.s32 $0xFFFFF800  }
0x19e: {  	_ =	swait.ge [sflag:s7], $0x800  }
0x19f: {  	[sflag:s7] =	ssyncset.done $0x0  }
0x1a0: {  	[sflag:s7] =	ssyncadd.s32 $0xFFFFF800  }
0x1a1: {  	_ =	swait.ge [sflag:s7], $0x800  }
0x1a2: {  	[sflag:s7] =	ssyncset.done $0x0  }
0x1a3: {  	[sflag:s7] =	ssyncadd.s32 $0xFFFFF800  }
0x1a4: {  	_ =	swait.ge [sflag:s7], $0x800  }
0x1a5: {  	[sflag:s7] =	ssyncset.done $0x0  }
0x1a6: {  	[sflag:s7] =	ssyncadd.s32 $0xFFFFF800  }
0x1a7: {  	_ =	swait.ge [sflag:s7], $0x800  }
0x1a8: {  	[sflag:s7] =	ssyncset.done $0x0  }
0x1a9: {  	[sflag:s7] =	ssyncadd.s32 $0xFFFFF800  }
0x1aa: {  	_ =	swait.ge [sflag:s7], $0x800  }
0x1ab: {  	[sflag:s7] =	ssyncset.done $0x0  }
0x1ac: {  	[sflag:s7] =	ssyncadd.s32 $0xFFFFF800  }
0x1ad: {  	_ =	swait.ge [sflag:s7], $0x800  }
0x1ae: {  	[sflag:s7] =	ssyncset.done $0x0  }
0x1af: {  	s1 =	rddreg [dreg:$0x3];
	[sflag:s7] =	ssyncadd.s32 $0xFFFFF800  }
0x1b0: {  	[hbm4b:s1+s2] =	stream.linear.scatter [tilespmem:s4], [sflag:$0x2], $0x4000, $0x38;
	[tilespmem:$0x5000] =	vst v63  }
0x1b1: {  	_ =	swait.ge [sflag:s3], $0x4000  }
0x1b2: {  	[sflag:s3] =	ssyncset.done $0x0  }
0x1b3: {  	s0 =	rddreg [dreg:$0xd];
	[sflag:s3] =	ssyncadd.s32 $0xFFFFC000  }
0x1b4: {  	[tilespmem:s4], [sflag:$0x1] =	stream.indirect.gather [hbm4b:s5+s6], $0x10, s0, s6, $0xb8;
	[tilespmem:$0x5000] =	vst v63  }
0x1b5: {  	s1 =	rddreg [dreg:$0xe]  }
0x1b6: {  	[tilespmem:s8], [sflag:$0x1] =	stream.indirect.gather [hbm4b:s5+s6], $0x10, s1, s6, $0xb8;
	[tilespmem:$0x5000] =	vst v63  }
0x1b7: {  	s0 =	rddreg [dreg:$0xf]  }
0x1b8: {  	[tilespmem:s9], [sflag:$0x1] =	stream.indirect.gather [hbm4b:s5+s6], $0x10, s0, s6, $0xb8;
	[tilespmem:$0x5000] =	vst v63  }
0x1b9: {  	s1 =	rddreg [dreg:$0x10]  }
0x1ba: {  	[tilespmem:s10], [sflag:$0x1] =	stream.indirect.gather [hbm4b:s5+s6], $0x10, s1, s6, $0xb8;
	[tilespmem:$0x5000] =	vst v63  }
0x1bb: {  	s0 =	rddreg [dreg:$0x11]  }
0x1bc: {  	[tilespmem:s11], [sflag:$0x1] =	stream.indirect.gather [hbm4b:s5+s6], $0x10, s0, s6, $0xb8;
	[tilespmem:$0x5000] =	vst v63  }
0x1bd: {  	s1 =	rddreg [dreg:$0x12]  }
0x1be: {  	[tilespmem:s12], [sflag:$0x1] =	stream.indirect.gather [hbm4b:s5+s6], $0x10, s1, s6, $0xb8;
	[tilespmem:$0x5000] =	vst v63  }
0x1bf: {  	s0 =	rddreg [dreg:$0x13]  }
0x1c0: {  	[tilespmem:s13], [sflag:$0x1] =	stream.indirect.gather [hbm4b:s5+s6], $0x10, s0, s6, $0xb8;
	[tilespmem:$0x5000] =	vst v63  }
0x1c1: {  	s1 =	rddreg [dreg:$0x14]  }
0x1c2: {  	[tilespmem:s14], [sflag:$0x1] =	stream.indirect.gather [hbm4b:s5+s6], $0x10, s1, s6, $0xb8;
	[tilespmem:$0x5000] =	vst v63  }
0x1c3: {  	_ =	swait.ge [sflag:s7], $0x800  }
0x1c4: {  	[sflag:s7] =	ssyncset.done $0x0  }
0x1c5: {  	[sflag:s7] =	ssyncadd.s32 $0xFFFFF800  }
0x1c6: {  	_ =	swait.ge [sflag:s7], $0x800  }
0x1c7: {  	[sflag:s7] =	ssyncset.done $0x0  }
0x1c8: {  	[sflag:s7] =	ssyncadd.s32 $0xFFFFF800  }
0x1c9: {  	_ =	swait.ge [sflag:s7], $0x800  }
0x1ca: {  	[sflag:s7] =	ssyncset.done $0x0  }
0x1cb: {  	[sflag:s7] =	ssyncadd.s32 $0xFFFFF800  }
0x1cc: {  	_ =	swait.ge [sflag:s7], $0x800  }
0x1cd: {  	[sflag:s7] =	ssyncset.done $0x0  }
0x1ce: {  	[sflag:s7] =	ssyncadd.s32 $0xFFFFF800  }
0x1cf: {  	_ =	swait.ge [sflag:s7], $0x800  }
0x1d0: {  	[sflag:s7] =	ssyncset.done $0x0  }
0x1d1: {  	[sflag:s7] =	ssyncadd.s32 $0xFFFFF800  }
0x1d2: {  	_ =	swait.ge [sflag:s7], $0x800  }
0x1d3: {  	[sflag:s7] =	ssyncset.done $0x0  }
0x1d4: {  	[sflag:s7] =	ssyncadd.s32 $0xFFFFF800  }
0x1d5: {  	_ =	swait.ge [sflag:s7], $0x800  }
0x1d6: {  	[sflag:s7] =	ssyncset.done $0x0  }
0x1d7: {  	[sflag:s7] =	ssyncadd.s32 $0xFFFFF800  }
0x1d8: {  	_ =	swait.ge [sflag:s7], $0x800  }
0x1d9: {  	[sflag:s7] =	ssyncset.done $0x0  }
0x1da: {  	s1 =	rddreg [dreg:$0x4];
	[sflag:s7] =	ssyncadd.s32 $0xFFFFF800  }
0x1db: {  	[hbm4b:s1+s2] =	stream.linear.scatter [tilespmem:s4], [sflag:$0x2], $0x4000, $0x38;
	[tilespmem:$0x5000] =	vst v63  }
0x1dc: {  	_ =	swait.ge [sflag:s3], $0x4000  }
0x1dd: {  	[sflag:s3] =	ssyncset.done $0x0  }
0x1de: {  	[sflag:s3] =	ssyncadd.s32 $0xFFFFC000  }
0x1df: {  	[tilespmem:s4], [sflag:$0x1] =	stream.indirect.gather [hbm4b:s5+s6], $0x10, s24, s6, $0xb8;
	[tilespmem:$0x5000] =	vst v63  }
0x1e0: {  	_ = 	snop  }
0x1e1: {  	[tilespmem:s8], [sflag:$0x1] =	stream.indirect.gather [hbm4b:s5+s6], $0x10, s25, s6, $0xb8;
	[tilespmem:$0x5000] =	vst v63  }
0x1e2: {  	_ = 	snop  }
0x1e3: {  	[tilespmem:s9], [sflag:$0x1] =	stream.indirect.gather [hbm4b:s5+s6], $0x10, s26, s6, $0xb8;
	[tilespmem:$0x5000] =	vst v63  }
0x1e4: {  	_ = 	snop  }
0x1e5: {  	[tilespmem:s10], [sflag:$0x1] =	stream.indirect.gather [hbm4b:s5+s6], $0x10, s28, s6, $0xb8;
	[tilespmem:$0x5000] =	vst v63  }
0x1e6: {  	_ = 	snop  }
0x1e7: {  	[tilespmem:s11], [sflag:$0x1] =	stream.indirect.gather [hbm4b:s5+s6], $0x10, s29, s6, $0xb8;
	[tilespmem:$0x5000] =	vst v63  }
0x1e8: {  	_ = 	snop  }
0x1e9: {  	[tilespmem:s12], [sflag:$0x1] =	stream.indirect.gather [hbm4b:s5+s6], $0x10, s30, s6, $0xb8;
	[tilespmem:$0x5000] =	vst v63  }
0x1ea: {  	_ = 	snop  }
0x1eb: {  	[tilespmem:s13], [sflag:$0x1] =	stream.indirect.gather [hbm4b:s5+s6], $0x10, s31, s6, $0xb8;
	[tilespmem:$0x5000] =	vst v63  }
0x1ec: {  	_ = 	snop  }
0x1ed: {  	[tilespmem:s14], [sflag:$0x1] =	stream.indirect.gather [hbm4b:s5+s6], $0x10, s23, s6, $0xb8;
	[tilespmem:$0x5000] =	vst v63  }
0x1ee: {  	_ =	swait.ge [sflag:s7], $0x800  }
0x1ef: {  	[sflag:s7] =	ssyncset.done $0x0  }
0x1f0: {  	[sflag:s7] =	ssyncadd.s32 $0xFFFFF800  }
0x1f1: {  	_ =	swait.ge [sflag:s7], $0x800  }
0x1f2: {  	[sflag:s7] =	ssyncset.done $0x0  }
0x1f3: {  	[sflag:s7] =	ssyncadd.s32 $0xFFFFF800  }
0x1f4: {  	_ =	swait.ge [sflag:s7], $0x800  }
0x1f5: {  	[sflag:s7] =	ssyncset.done $0x0  }
0x1f6: {  	[sflag:s7] =	ssyncadd.s32 $0xFFFFF800  }
0x1f7: {  	_ =	swait.ge [sflag:s7], $0x800  }
0x1f8: {  	[sflag:s7] =	ssyncset.done $0x0  }
0x1f9: {  	[sflag:s7] =	ssyncadd.s32 $0xFFFFF800  }
0x1fa: {  	_ =	swait.ge [sflag:s7], $0x800  }
0x1fb: {  	[sflag:s7] =	ssyncset.done $0x0  }
0x1fc: {  	[sflag:s7] =	ssyncadd.s32 $0xFFFFF800  }
0x1fd: {  	_ =	swait.ge [sflag:s7], $0x800  }
0x1fe: {  	[sflag:s7] =	ssyncset.done $0x0  }
0x1ff: {  	[sflag:s7] =	ssyncadd.s32 $0xFFFFF800  }
0x200: {  	_ =	swait.ge [sflag:s7], $0x800  }
0x201: {  	[sflag:s7] =	ssyncset.done $0x0  }
0x202: {  	[sflag:s7] =	ssyncadd.s32 $0xFFFFF800  }
0x203: {  	_ =	swait.ge [sflag:s7], $0x800  }
0x204: {  	[sflag:s7] =	ssyncset.done $0x0  }
0x205: {  	s29 =	rddreg [dreg:$0x5];
	[sflag:s7] =	ssyncadd.s32 $0xFFFFF800  }
0x206: {  	[hbm4b:s29+s2] =	stream.linear.scatter [tilespmem:s4], [sflag:$0x2], $0x4000, $0x38;
	[tilespmem:$0x5000] =	vst v63  }
0x207: {  	_ =	swait.ge [sflag:s3], $0x4000  }
0x208: {  	[sflag:s3] =	ssyncset.done $0x0  }
0x209: {  	[sflag:s3] =	ssyncadd.s32 $0xFFFFC000  }
0x20a: {  	[tilespmem:s4], [sflag:$0x1] =	stream.indirect.gather [hbm4b:s5+s6], $0x10, s16, s6, $0xb8;
	[tilespmem:$0x5000] =	vst v63  }
0x20b: {  	_ = 	snop  }
0x20c: {  	[tilespmem:s8], [sflag:$0x1] =	stream.indirect.gather [hbm4b:s5+s6], $0x10, s17, s6, $0xb8;
	[tilespmem:$0x5000] =	vst v63  }
0x20d: {  	_ = 	snop  }
0x20e: {  	[tilespmem:s9], [sflag:$0x1] =	stream.indirect.gather [hbm4b:s5+s6], $0x10, s18, s6, $0xb8;
	[tilespmem:$0x5000] =	vst v63  }
0x20f: {  	_ = 	snop  }
0x210: {  	[tilespmem:s10], [sflag:$0x1] =	stream.indirect.gather [hbm4b:s5+s6], $0x10, s19, s6, $0xb8;
	[tilespmem:$0x5000] =	vst v63  }
0x211: {  	_ = 	snop  }
0x212: {  	[tilespmem:s11], [sflag:$0x1] =	stream.indirect.gather [hbm4b:s5+s6], $0x10, s20, s6, $0xb8;
	[tilespmem:$0x5000] =	vst v63  }
0x213: {  	_ = 	snop  }
0x214: {  	[tilespmem:s12], [sflag:$0x1] =	stream.indirect.gather [hbm4b:s5+s6], $0x10, s21, s6, $0xb8;
	[tilespmem:$0x5000] =	vst v63  }
0x215: {  	_ = 	snop  }
0x216: {  	[tilespmem:s13], [sflag:$0x1] =	stream.indirect.gather [hbm4b:s5+s6], $0x10, s22, s6, $0xb8;
	[tilespmem:$0x5000] =	vst v63  }
0x217: {  	s30 =	simm.s32 $0xF80  }
0x218: {  	[tilespmem:s14], [sflag:$0x1] =	stream.indirect.gather [hbm4b:s5+s6], $0x10, s30, s6, $0xb8;
	[tilespmem:$0x5000] =	vst v63  }
0x219: {  	_ =	swait.ge [sflag:s7], $0x800  }
0x21a: {  	[sflag:s7] =	ssyncset.done $0x0  }
0x21b: {  	[sflag:s7] =	ssyncadd.s32 $0xFFFFF800  }
0x21c: {  	_ =	swait.ge [sflag:s7], $0x800  }
0x21d: {  	[sflag:s7] =	ssyncset.done $0x0  }
0x21e: {  	[sflag:s7] =	ssyncadd.s32 $0xFFFFF800  }
0x21f: {  	_ =	swait.ge [sflag:s7], $0x800  }
0x220: {  	[sflag:s7] =	ssyncset.done $0x0  }
0x221: {  	[sflag:s7] =	ssyncadd.s32 $0xFFFFF800  }
0x222: {  	_ =	swait.ge [sflag:s7], $0x800  }
0x223: {  	[sflag:s7] =	ssyncset.done $0x0  }
0x224: {  	[sflag:s7] =	ssyncadd.s32 $0xFFFFF800  }
0x225: {  	_ =	swait.ge [sflag:s7], $0x800  }
0x226: {  	[sflag:s7] =	ssyncset.done $0x0  }
0x227: {  	[sflag:s7] =	ssyncadd.s32 $0xFFFFF800  }
0x228: {  	_ =	swait.ge [sflag:s7], $0x800  }
0x229: {  	[sflag:s7] =	ssyncset.done $0x0  }
0x22a: {  	[sflag:s7] =	ssyncadd.s32 $0xFFFFF800  }
0x22b: {  	_ =	swait.ge [sflag:s7], $0x800  }
0x22c: {  	[sflag:s7] =	ssyncset.done $0x0  }
0x22d: {  	[sflag:s7] =	ssyncadd.s32 $0xFFFFF800  }
0x22e: {  	_ =	swait.ge [sflag:s7], $0x800  }
0x22f: {  	[sflag:s7] =	ssyncset.done $0x0  }
0x230: {  	s31 =	rddreg [dreg:$0x6];
	[sflag:s7] =	ssyncadd.s32 $0xFFFFF800  }
0x231: {  	[hbm4b:s31+s2] =	stream.linear.scatter [tilespmem:s4], [sflag:$0x2], $0x4000, $0x38;
	[tilespmem:$0x5000] =	vst v63  }
0x232: {  	_ =	swait.ge [sflag:s3], $0x4000  }
0x233: {  	[sflag:s3] =	ssyncset.done $0x0  }
0x234: {  	[sflag:s3] =	ssyncadd.s32 $0xFFFFC000  }
0x235: {  	_ =	sfence.sel $0x180000  }
0x236: {  	[bflag:$0x0] =	sbarrier.arrive $0xFFFF  }
0x237: {  	_ =	strace $0x9000004A  }
0x238: {  	[bflag:$0x2] =	sbarrier.arrive $0xFFFF  }
0x239: {  	p0 =	sne.s32 s15, $0x0;
	s0 =	rddreg [dreg:$0x1]  }
0x23a: {  	s0 =	sadd.s32 @!p0 $0x100000, s0  }
0x23b: {  	[sflag:s0] =	ssyncadd.tile.s32 @!p0 $0x1;
	_ =	shalt  }
.LBB2_1:
0x23c: {  	s23 =	simm.s32 $0xB80  }
.Ltmp3:
0x23d: {  	s31 =	simm.s32 $0xB00;
	s30 =	simm.s32 $0xA80;
	(pc) =	sbr.rel .LBB2_6-.Ltmp3, $4  }
0x23e: {  	s29 =	simm.s32 $0xA00;
	s28 =	simm.s32 $0x980;
	s26 =	simm.s32 $0x900  }
0x23f: {  	s25 =	simm.s32 $0x880;
	s24 =	simm.s32 $0x800;
	s22 =	simm.s32 $0xF00  }
0x240: {  	s21 =	simm.s32 $0xE80;
	s20 =	simm.s32 $0xE00;
	s19 =	simm.s32 $0xD80  }
0x241: {  	s18 =	simm.s32 $0xD00;
	s17 =	simm.s32 $0xC80;
	s16 =	simm.s32 $0xC00  }
.LBB2_3:
0x242: {  	s23 =	simm.s32 $0xB80;
	s31 =	simm.s32 $0xB00  }
.Ltmp4:
0x243: {  	s30 =	simm.s32 $0xA80;
	s29 =	simm.s32 $0xA00;
	(pc) =	sbr.rel .LBB2_6-.Ltmp4, $4  }
0x244: {  	s28 =	simm.s32 $0x980;
	s26 =	simm.s32 $0x900;
	s25 =	simm.s32 $0x880  }
0x245: {  	s24 =	simm.s32 $0x800;
	s22 =	simm.s32 $0xF00;
	s21 =	simm.s32 $0xE80  }
0x246: {  	s20 =	simm.s32 $0xE00;
	s19 =	simm.s32 $0xD80;
	s18 =	simm.s32 $0xD00  }
0x247: {  	s17 =	simm.s32 $0xC80;
	s16 =	simm.s32 $0xC00;
	s15 =	stileid.u32  }
.Lfunc_end2:
_tile_overlayer_lowered:
.L_overlay_start_2:
0x248: {  	(tag) =	ssettag $0x2  }
0x249: {  	s0 =	rddreg [dreg:$0x0];
	s2 =	stileid.u32  }
0x24a: {  	s1 =	rddreg [dreg:$0x1];
	p0 =	sne.s32 s2, $0x0  }
0x24b: {  	s3 =	rddreg [dreg:$0x2];
	[bflag:$0x3] =	sbarrier.arrive $0xFFFF;
	s2 =	simm.s32 @!p0 $0x1C02  }
0x24c: {  	[timem:s3], [sflag:s2] =	dma.local @!p0 [hbm:s0], s1  }
0x24d: {  	s0 =	simm.s32 @!p0 $0x2  }
0x24e: {  	_ =	swait.ge @!p0 [sflag:s0], s1  }
0x24f: {  	s1 =	ssub.s32 @!p0 $0x0, s1;
	[sflag:s0] =	ssyncset.done @!p0 $0x0  }
0x250: {  	[sflag:s0] =	ssyncadd.s32 @!p0 s1  }
0x251: {  	[bflag:$0x3] =	sbarrier.arrive $0xFFFF  }
0x252: {  	_ =	shalt  }

// kernel: kernel.20.cloned.1.call-start
scs
__scs_entry_jumppad:
0x0: {  	(pc) =	sbr.rel $0x88, $3  }
0x1: {  	(tag) =	ssettag $0x0;
	lr =	simm.s32 $0x1  }
0x2: {  	[smem:$0x3F93] =	sst lr;
	_ =	strace $0xD0000000  }
0x3: {  	_ = 	snop  }
0x4: {  	_ = 	snop  }
0x5: {  	_ = 	snop  }
0x6: {  	_ = 	snop  }
0x7: {  	_ = 	snop  }
__scs_overlays_trampoline_lowered:
0x8: {  	[smem:$0x3FA2] =	sst s0  }
0x9: {  	[smem:$0x3FA3] =	sst s1  }
0xa: {  	[smem:$0x3FA4] =	sst s2  }
0xb: {  	[smem:$0x3FA5] =	sst s3  }
0xc: {  	[smem:$0x3FA6] =	sst s4  }
0xd: {  	[smem:$0x3FA7] =	sst s5  }
0xe: {  	[smem:$0x3FA8] =	sst s6  }
0xf: {  	[smem:$0x3FA9] =	sst s7  }
0x10: {  	[smem:$0x3FAA] =	sst s8  }
0x11: {  	[smem:$0x3FAB] =	sst s9;
	s0 =	simm.s32 @!p0 $0x0  }
0x12: {  	s1 =	sld [smem:$0x3F91];
	s0 =	simm.s32 @p0 $0x1  }
0x13: {  	[smem:$0x3FAC] =	sst s0;
	s0 =	simm.s32 @!p1 $0x0  }
0x14: {  	s2 =	sld [smem:$0x3F90];
	s0 =	simm.s32 @p1 $0x1  }
0x15: {  	[smem:$0x3FAD] =	sst s0;
	s0 =	simm.s32 @!p2 $0x0  }
0x16: {  	s3 =	sld [smem:$0x3FDB];
	s0 =	simm.s32 @p2 $0x1  }
0x17: {  	s4 =	simm.s32 $0x1BF5;
	[smem:$0x3FAF] =	sst s0  }
0x18: {  	s0 =	sld [smem:$0x3F92];
	_ =	swait.ge [sflag:s4], $0x0  }
0x19: {  	s7 =	sld [smem:$0x3F93]  }
0x1a: {  	s8 =	sadd.s32 $0xFFFFE003, lr  }
0x1b: {  	s9 =	sadd.s32 $0xFFFFFEF7, lr;
	s5 =	simm.s32 $0xFFFFFFFF;
	p2 =	slt.u32 s8, $0xFFFFF086  }
0x1c: {  	p1 =	slt.u32 s9, $0xF7A;
	s5 =	simm.s32 @!p2 $0x0  }
0x1d: {  	s5 =	simm.s32 @p1 $0x1;
	p0 =	seq.s32 s7, s2  }
0x1e: {  	s7 =	smul.u32 @!p0 $0xF7A, s2;
	p2 =	seq.s32 @!p0 s5, $0x0  }
0x1f: {  	s9 =	smul.u32 $0xF7A, s1;
	s8 =	simm.s32 @!p0 $0x1BF5;
	p2 =	por !p2, p0  }
0x20: {  	[sflag:s8] =	ssyncset.s32 @!p0 $0xFFFFF086;
	s6 =	sadd.s32 @!p0 s3, s7;
	s7 =	simm.s32 @!p0 $0x108  }
0x21: {  	s3 =	sadd.s32 s3, s9;
	s6 =	sadd.s32 @!p0 $0x88, s6;
	s7 =	simm.s32 @p2 $0x1082  }
0x22: {  	[simem:s7], [sflag:s8] =	dma.local @!p0 [hbm:s6], $0xF7A  }
0x23: {  	s9 =	sor.u32 $0xD0000000, s2;
	s6 =	simm.s32 $0x108;
	_ =	swait.ge @!p0 [sflag:s8], $0x0  }
0x24: {  	s3 =	sadd.s32 $0x88, s3;
	s6 =	simm.s32 @!p1 $0x1082;
	[sflag:s4] =	ssyncset.s32 $0xFFFFF086  }
0x25: {  	[simem:s6], [sflag:s4] =	dma.local [hbm:s3], $0xF7A  }
0x26: {  	[smem:$0x3F93] =	sst s1;
	(tag) =	ssettag s2;
	_ =	strace s9  }
0x27: {  	s1 =	sld [smem:$0x3FA3]  }
0x28: {  	s2 =	sld [smem:$0x3FA4]  }
0x29: {  	s4 =	sld [smem:$0x3FA6]  }
0x2a: {  	p0 =	seq.s32 s5, $0x0;
	s5 =	sld [smem:$0x3FA7]  }
0x2b: {  	s6 =	sld [smem:$0x3FA8]  }
0x2c: {  	s7 =	sld [smem:$0x3FA9]  }
0x2d: {  	s3 =	simm.s32 $0x108;
	s8 =	sld [smem:$0x3FAA]  }
0x2e: {  	s3 =	simm.s32 @!p0 $0x1082;
	s9 =	sld [smem:$0x3FAB]  }
0x2f: {  	lr =	sadd.s32 s0, s3;
	s0 =	sld [smem:$0x3FA2]  }
0x30: {  	s3 =	sld [smem:$0x3FA5]  }
0x31: {  	[smem:$0x3FAE] =	sst s10  }
0x32: {  	s10 =	sld [smem:$0x3FAC];
	_ =	sdelay $0x3  }
0x33: {  	p0 =	seq.s32 s10, $0x1;
	s10 =	sld [smem:$0x3FAE];
	_ =	sdelay $0x3  }
0x34: {  	[smem:$0x3FAE] =	sst s10  }
0x35: {  	s10 =	sld [smem:$0x3FAD];
	_ =	sdelay $0x3  }
0x36: {  	p1 =	seq.s32 s10, $0x1;
	s10 =	sld [smem:$0x3FAE];
	_ =	sdelay $0x3  }
0x37: {  	[smem:$0x3FAE] =	sst s10  }
0x38: {  	s10 =	sld [smem:$0x3FAF]  }
0x39: {  	_ = 	snop;
	(pc) =	sbr.ind lr, $3  }
0x3a: {  	_ = 	snop  }
0x3b: {  	_ = 	snop  }
0x3c: {  	p2 =	seq.s32 s10, $0x1;
	s10 =	sld [smem:$0x3FAE]  }
0x3d: {  	_ =	shalt  }
0x3e: {  	_ =	shalt  }
0x3f: {  	_ =	shalt  }
0x40: {  	_ =	shalt  }
0x41: {  	_ =	shalt  }
0x42: {  	_ =	shalt  }
0x43: {  	_ =	shalt  }
0x44: {  	_ =	shalt  }
0x45: {  	_ =	shalt  }
0x46: {  	_ =	shalt  }
0x47: {  	_ =	shalt  }
0x48: {  	_ =	shalt  }
0x49: {  	_ =	shalt  }
0x4a: {  	_ =	shalt  }
0x4b: {  	_ =	shalt  }
0x4c: {  	_ =	shalt  }
0x4d: {  	_ =	shalt  }
0x4e: {  	_ =	shalt  }
0x4f: {  	_ =	shalt  }
0x50: {  	_ =	shalt  }
0x51: {  	_ =	shalt  }
0x52: {  	_ =	shalt  }
0x53: {  	_ =	shalt  }
0x54: {  	_ =	shalt  }
0x55: {  	_ =	shalt  }
0x56: {  	_ =	shalt  }
0x57: {  	_ =	shalt  }
0x58: {  	_ =	shalt  }
0x59: {  	_ =	shalt  }
0x5a: {  	_ =	shalt  }
0x5b: {  	_ =	shalt  }
0x5c: {  	_ =	shalt  }
0x5d: {  	_ =	shalt  }
0x5e: {  	_ =	shalt  }
0x5f: {  	_ =	shalt  }
0x60: {  	_ =	shalt  }
0x61: {  	_ =	shalt  }
0x62: {  	_ =	shalt  }
0x63: {  	_ =	shalt  }
0x64: {  	_ =	shalt  }
0x65: {  	_ =	shalt  }
0x66: {  	_ =	shalt  }
0x67: {  	_ =	shalt  }
0x68: {  	_ =	shalt  }
0x69: {  	_ =	shalt  }
0x6a: {  	_ =	shalt  }
0x6b: {  	_ =	shalt  }
0x6c: {  	_ =	shalt  }
0x6d: {  	_ =	shalt  }
0x6e: {  	_ =	shalt  }
0x6f: {  	_ =	shalt  }
0x70: {  	_ =	shalt  }
0x71: {  	_ =	shalt  }
0x72: {  	_ =	shalt  }
0x73: {  	_ =	shalt  }
0x74: {  	_ =	shalt  }
0x75: {  	_ =	shalt  }
0x76: {  	_ =	shalt  }
0x77: {  	_ =	shalt  }
0x78: {  	_ =	shalt  }
0x79: {  	_ =	shalt  }
0x7a: {  	_ =	shalt  }
0x7b: {  	_ =	shalt  }
0x7c: {  	_ =	shalt  }
0x7d: {  	_ =	shalt  }
0x7e: {  	_ =	shalt  }
0x7f: {  	_ =	shalt  }
0x80: {  	_ =	shalt  }
0x81: {  	_ =	shalt  }
0x82: {  	_ =	shalt  }
0x83: {  	_ =	shalt  }
0x84: {  	_ =	shalt  }
0x85: {  	_ =	shalt  }
0x86: {  	_ =	shalt  }
0x87: {  	_ =	shalt  }
.Lfunc_end0:
.L_simem_size_0:
called_computation.2_lowered:
.L_overlay_start_0:
0x88: {  	s2 =	sld [smem:$0x3FD9]  }
0x89: {  	s3 =	sld [smem:$0x3FFE];
	_ =	sdelay $0x1  }
0x8a: {  	s1 =	srdreg.scid  }
0x8b: {  	s0 =	sand.u32 $0x1, s1  }
0x8c: {  	s17 =	sshll.u32 s0, $0xA;
	s2 =	sadd.s32 s3, s2  }
0x8d: {  	s2 =	sadd.s32 s2, s17  }
0x8e: {  	[smem:$0x3FBA] =	sst s2  }
0x8f: {  	_ = 	snop  }
0x90: {  	(tm) =	ssettm $0x1  }
0x91: {  	s18 =	sld [smem:$0x3FFB];
	_ =	sdelay $0x3  }
0x92: {  	_ =	strace s18  }
0x93: {  	s2 =	sld [smem:$0x3FFC];
	_ =	sdelay $0x3  }
0x94: {  	_ =	strace s2  }
0x95: {  	s2 =	sld [smem:$0x3FFD];
	_ =	sdelay $0x3  }
0x96: {  	_ =	strace s2  }
0x97: {  	_ =	strace $0x8FFFFFFF  }
0x98: {  	s19 =	sld [smem:$0x3FDB];
	_ =	sdelay $0x1  }
0x99: {  	s20 =	simm.s32 $_scs_section_size  }
0x9a: {  	s4 =	simm.s32 $_size__tile_overlayer_lowered;
	s5 =	simm.s32 $_tile_overlayer_lowered  }
0x9b: {  	s6 =	simm.s32 $0x1BFF;
	s21 =	sshll.u32 s5, $0x1;
	s3 =	sadd.s32 s20, s19  }
0x9c: {  	s22 =	simm.s32 $0x0;
	s4 =	sshll.u32 s4, $0x1;
	s5 =	sadd.s32 s21, s3  }
0x9d: {  	[timem:s22], [sflag:s6] =	dma.local [hbm:s5], s4  }
0x9e: {  	_ =	swait.ge [sflag:s6], s4  }
0x9f: {  	s4 =	ssub.s32 $0x0, s4;
	[sflag:s6] =	ssyncset.done $0x0  }
0xa0: {  	[sflag:s6] =	ssyncadd.s32 s4;
	_ =	sdelay $0x1  }
0xa1: {  	s23 =	simm.s32 $0x1B8B  }
0xa2: {  	_ =	swait.ge [sflag:s23], $0x1  }
0xa3: {  	[sflag:s23] =	ssyncset.done $0x0  }
0xa4: {  	[sflag:s23] =	ssyncadd.s32 $0xFFFFFFFF  }
0xa5: {  	s4 =	sld [smem:$0x0]  }
0xa6: {  	s5 =	sand.u32 $0xFFFFFFFE, s1  }
0xa7: {  	p0 =	sne.s32 s1, s5  }
0xa8: {  	s5 =	sshll.u32 @p0 s5, $0xE  }
0xa9: {  	s5 =	sadd.s32 @p0 $0x11B8D, s5;
	s6 =	sshll.u32 @p0 s4, $0x11  }
0xaa: {  	s5 =	sor.u32 @p0 s6, s5  }
0xab: {  	[sflag:s5] =	ssyncadd.remote.s32 @p0 $0x1;
	_ =	sdelay $0x1  }
0xac: {  	s5 =	simm.s32 @p0 $0x1B8D  }
0xad: {  	_ =	swait.eq @p0 [sflag:s5], $0x1  }
0xae: {  	[sflag:s5] =	ssyncadd.s32 @p0 $0xFFFFFFFF  }
0xaf: {  	s6 =	sshll.u32 @!p0 s1, $0xE  }
0xb0: {  	s6 =	sor.u32 @!p0 $0x4000, s6;
	s5 =	simm.s32 @!p0 $0x1B8D  }
0xb1: {  	s4 =	sshll.u32 @!p0 s4, $0x11;
	s6 =	sadd.s32 @!p0 $0x11B8D, s6;
	_ =	swait.eq @!p0 [sflag:s5], $0x1  }
0xb2: {  	s4 =	sor.u32 @!p0 s4, s6;
	[sflag:s5] =	ssyncadd.s32 @!p0 $0xFFFFFFFF  }
0xb3: {  	s25 =	simm.s32 $0x1B8E;
	s24 =	sld [smem:$0x3FFE];
	[sflag:s4] =	ssyncadd.remote.s32 @!p0 $0x1  }
0xb4: {  	s26 =	simm.s32 $execute0_lowered;
	[smem:$0x3FD2] =	sst s25  }
0xb5: {  	s5 =	sshll.u32 s26, $0x1;
	_ =	strace $0x8000004C;
	[dreg:$0x1] =	wrdreg $0xFFFFFFFF  }
0xb6: {  	s28 =	simm.s32 $_size_execute0_lowered;
	s3 =	sadd.s32 s3, s5;
	[dreg:$0x0] =	wrdreg $0x0  }
0xb7: {  	s5 =	sshll.u32 s28, $0x1;
	[dreg:$0x2] =	wrdreg s3  }
0xb8: {  	[dreg:$0x3] =	wrdreg s5  }
0xb9: {  	[dreg:$0x4] =	wrdreg $0xC0  }
0xba: {  	_ =	task [dreg:s22], $0x5FFFF  }
0xbb: {  	[dreg:$0x1] =	wrdreg $0xFFFFFFFF  }
0xbc: {  	[dreg:$0x0] =	wrdreg $0x60  }
0xbd: {  	[dreg:$0x2] =	wrdreg s24  }
0xbe: {  	[dreg:$0x3] =	wrdreg $0xB  }
0xbf: {  	_ =	task.clear_ibuf [dreg:s22], $0x4FFFF;
	_ =	strace $0x9000004C  }
0xc0: {  	s29 =	simm.s32 $0xB;
	_ =	strace $0x8000004E  }
0xc1: {  	_ =	swait.ge [sflag:s29], $0x1  }
0xc2: {  	[sflag:s29] =	ssyncadd.s32 $0xFFFFFFFF  }
0xc3: {  	_ =	strace $0x9000004E  }
0xc4: {  	_ =	sfence  }
0xc5: {  	s30 =	sld [smem:$0x0];
	_ =	sdelay $0x2  }
0xc6: {  	s31 =	sshll.u32 s1, $0xD;
	s1 =	sshrl.u32 s1, $0x2  }
0xc7: {  	s4 =	sand.u32 $0x4000, s31;
	s1 =	sadd.s32 s1, s30  }
0xc8: {  	s0 =	sor.u32 s4, s0;
	s1 =	sshll.u32 s1, $0x11  }
0xc9: {  	s0 =	sor.u32 s1, s0  }
0xca: {  	s0 =	sadd.s32 $0x8F2B, s0  }
0xcb: {  	[sflag:s0] =	ssyncadd.remote.s32 $0x1  }
0xcc: {  	_ =	sfence.sel $0xFFFF  }
0xcd: {  	[dreg:$0x0] =	wrdreg $0xFFFFFFFF;
	(pc) =	sbr.abs _section_cstart, $3  }
0xce: {  	[dreg:$0x1] =	wrdreg $0xFFFFFFFF  }
0xcf: {  	_ =	task.clear_ibuf [dreg:s22], $0x2FFFF;
	_ =	strace $0x9FFFFFFF  }
0xd0: {  	(tm) =	ssettm $0x7FFFFFFF  }
0xd1: {  	_ =	shalt  }
tec
execute0_lowered:
.L_overlay_start_1:
0x0: {  	(tag) =	ssettag $0x1  }
0x1: {  	s0 =	srdreg.scid  }
0x2: {  	s15 =	stileid.u32;
	s3 =	rddreg [dreg:$0x0]  }
0x3: {  	s2 =	simm.s32 $0x0;
	s12 =	simm.s32 $0x100;
	s13 =	simm.s32 $0x180  }
0x4: {  	s14 =	simm.s32 $0x200;
	s16 =	simm.s32 $0x280;
	[smem:$0x7FF] =	sst s2  }
0x5: {  	s6 =	simm.s32 $0x80;
	_ =	strace $0x8000004D;
	[dreg:$0x7] =	wrdreg s12  }
0x6: {  	s17 =	simm.s32 $0x300;
	s18 =	simm.s32 $0x380;
	[dreg:$0x8] =	wrdreg s13  }
0x7: {  	s19 =	simm.s32 $0x400;
	s20 =	simm.s32 $0x480;
	[dreg:$0x9] =	wrdreg s14  }
0x8: {  	s21 =	simm.s32 $0x500;
	s22 =	simm.s32 $0x580;
	[dreg:$0xa] =	wrdreg s16  }
0x9: {  	s23 =	simm.s32 $0x600;
	s24 =	simm.s32 $0x680;
	[dreg:$0xb] =	wrdreg s17  }
0xa: {  	s25 =	simm.s32 $0x700;
	s7 =	simm.s32 $0x1;
	[dreg:$0xc] =	wrdreg s18  }
0xb: {  	s26 =	simm.s32 $0x780;
	s28 =	simm.s32 $0x980;
	[dreg:$0xd] =	wrdreg s19  }
0xc: {  	s29 =	simm.s32 $0xA00;
	s30 =	simm.s32 $0xA80;
	[dreg:$0xe] =	wrdreg s20  }
0xd: {  	s31 =	simm.s32 $0xB00;
	p0 =	por $0x0, $0x0;
	[dreg:$0xf] =	wrdreg s21  }
0xe: {  	s0 =	sand.u32 $0x1, s0;
	s1 =	sshll.u32 s15, $0x1;
	[dreg:$0x10] =	wrdreg s22  }
0xf: {  	s5 =	sadd.s32 $0x3A0600, s3;
	s1 =	sor.u32 s0, s1;
	[dreg:$0x11] =	wrdreg s23  }
0x10: {  	s0 =	ssub.s32 $0x2, s0;
	s12 =	simm.s32 $0x3800;
	[dreg:$0x12] =	wrdreg s24  }
0x11: {  	s13 =	simm.s32 $0x4000;
	s14 =	simm.s32 $0x4800;
	[dreg:$0x13] =	wrdreg s25  }
0x12: {  	[dreg:$0x14] =	wrdreg s26;
	s25 =	simm.s32 $0x880;
	s26 =	simm.s32 $0x900  }
0x13: {  	s24 =	simm.s32 $0xB80;
	s16 =	simm.s32 $0xC00;
	s17 =	simm.s32 $0xC80  }
0x14: {  	s18 =	simm.s32 $0xD00;
	s19 =	simm.s32 $0xD80;
	s20 =	simm.s32 $0xE00  }
0x15: {  	s21 =	simm.s32 $0xE80;
	s22 =	simm.s32 $0xF00;
	s4 =	sshll.u32 s1, $0x9  }
0x16: {  	s1 =	sshll.u32 s1, $0xD;
	s11 =	sshrl.u32 s0, $0x1;
	s4 =	sadd.s32 s4, s3  }
0x17: {  	s1 =	sadd.s32 s1, s3;
	s0 =	ssub.s32 s0, s11;
	s4 =	sadd.s32 $0x189C00, s4  }
0x18: {  	s8 =	sadd.s32 $0x527000, s1;
	s0 =	smax.u32 s0, $0x1;
	[dreg:$0x2] =	wrdreg s4  }
0x19: {  	s9 =	sadd.s32 $0x527800, s1;
	[dreg:$0x3] =	wrdreg s8;
	p1 =	sne.s32 s0, $0x1  }
.Ltmp0:
0x1a: {  	s10 =	sadd.s32 $0x528000, s1;
	[dreg:$0x4] =	wrdreg s9;
	(pc) =	sbr.rel @!p1 .LBB2_1-.Ltmp0, $4  }
0x1b: {  	s23 =	simm.s32 $0xF80;
	s1 =	sadd.s32 $0x528800, s1;
	[dreg:$0x5] =	wrdreg s10  }
0x1c: {  	s3 =	simm.s32 $0x2;
	s11 =	simm.s32 $0x3000;
	[dreg:$0x6] =	wrdreg s1  }
0x1d: {  	s4 =	simm.s32 $0x1000;
	s8 =	simm.s32 $0x1800;
	s9 =	simm.s32 $0x2000  }
0x1e: {  	s10 =	simm.s32 $0x2800;
	s1 =	sadd.s32 $0xFFFFFFFF, s0;
	s0 =	rddreg [dreg:$0x2]  }
0x1f: {  	[tilespmem:s2], [sflag:$0x2] =	stream.linear.gather [hbm4b:s0+s2], $0x1000, $0x38;
	[tilespmem:$0x5000] =	vst v63  }
0x20: {  	_ =	swait.ge [sflag:s3], $0x1000  }
0x21: {  	[sflag:s3] =	ssyncset.done $0x0  }
0x22: {  	[sflag:s3] =	ssyncadd.s32 $0xFFFFF000  }
0x23: {  	[tilespmem:s4], [sflag:$0x1] =	stream.indirect.gather [hbm4b:s5+s6], $0x10, s2, s6, $0xb8;
	[tilespmem:$0x5000] =	vst v63  }
0x24: {  	_ = 	snop  }
0x25: {  	[tilespmem:s8], [sflag:$0x1] =	stream.indirect.gather [hbm4b:s5+s6], $0x10, s6, s6, $0xb8;
	[tilespmem:$0x5000] =	vst v63  }
0x26: {  	s0 =	rddreg [dreg:$0x7]  }
0x27: {  	[tilespmem:s9], [sflag:$0x1] =	stream.indirect.gather [hbm4b:s5+s6], $0x10, s0, s6, $0xb8;
	[tilespmem:$0x5000] =	vst v63  }
0x28: {  	s15 =	smov.u32 s1;
	s1 =	rddreg [dreg:$0x8]  }
0x29: {  	[tilespmem:s10], [sflag:$0x1] =	stream.indirect.gather [hbm4b:s5+s6], $0x10, s1, s6, $0xb8;
	[tilespmem:$0x5000] =	vst v63  }
0x2a: {  	s0 =	rddreg [dreg:$0x9]  }
0x2b: {  	[tilespmem:s11], [sflag:$0x1] =	stream.indirect.gather [hbm4b:s5+s6], $0x10, s0, s6, $0xb8;
	[tilespmem:$0x5000] =	vst v63  }
0x2c: {  	s1 =	rddreg [dreg:$0xa]  }
0x2d: {  	[tilespmem:s12], [sflag:$0x1] =	stream.indirect.gather [hbm4b:s5+s6], $0x10, s1, s6, $0xb8;
	[tilespmem:$0x5000] =	vst v63  }
0x2e: {  	s0 =	rddreg [dreg:$0xb]  }
0x2f: {  	[tilespmem:s13], [sflag:$0x1] =	stream.indirect.gather [hbm4b:s5+s6], $0x10, s0, s6, $0xb8;
	[tilespmem:$0x5000] =	vst v63  }
0x30: {  	s1 =	rddreg [dreg:$0xc]  }
0x31: {  	[tilespmem:s14], [sflag:$0x1] =	stream.indirect.gather [hbm4b:s5+s6], $0x10, s1, s6, $0xb8;
	[tilespmem:$0x5000] =	vst v63  }
0x32: {  	_ =	swait.ge [sflag:s7], $0x800  }
0x33: {  	[sflag:s7] =	ssyncset.done $0x0  }
0x34: {  	[sflag:s7] =	ssyncadd.s32 $0xFFFFF800  }
0x35: {  	_ =	swait.ge [sflag:s7], $0x800  }
0x36: {  	[sflag:s7] =	ssyncset.done $0x0  }
0x37: {  	[sflag:s7] =	ssyncadd.s32 $0xFFFFF800  }
0x38: {  	_ =	swait.ge [sflag:s7], $0x800  }
0x39: {  	[sflag:s7] =	ssyncset.done $0x0  }
0x3a: {  	[sflag:s7] =	ssyncadd.s32 $0xFFFFF800  }
0x3b: {  	_ =	swait.ge [sflag:s7], $0x800  }
0x3c: {  	[sflag:s7] =	ssyncset.done $0x0  }
0x3d: {  	[sflag:s7] =	ssyncadd.s32 $0xFFFFF800  }
0x3e: {  	_ =	swait.ge [sflag:s7], $0x800  }
0x3f: {  	[sflag:s7] =	ssyncset.done $0x0  }
0x40: {  	[sflag:s7] =	ssyncadd.s32 $0xFFFFF800  }
0x41: {  	_ =	swait.ge [sflag:s7], $0x800  }
0x42: {  	[sflag:s7] =	ssyncset.done $0x0  }
0x43: {  	[sflag:s7] =	ssyncadd.s32 $0xFFFFF800  }
0x44: {  	_ =	swait.ge [sflag:s7], $0x800  }
0x45: {  	[sflag:s7] =	ssyncset.done $0x0  }
0x46: {  	[sflag:s7] =	ssyncadd.s32 $0xFFFFF800  }
0x47: {  	_ =	swait.ge [sflag:s7], $0x800  }
0x48: {  	[sflag:s7] =	ssyncset.done $0x0  }
0x49: {  	s1 =	rddreg [dreg:$0x3];
	[sflag:s7] =	ssyncadd.s32 $0xFFFFF800  }
0x4a: {  	[hbm4b:s1+s2] =	stream.linear.scatter [tilespmem:s4], [sflag:$0x2], $0x4000, $0x38;
	[tilespmem:$0x5000] =	vst v63  }
0x4b: {  	_ =	swait.ge [sflag:s3], $0x4000  }
0x4c: {  	[sflag:s3] =	ssyncset.done $0x0  }
0x4d: {  	s0 =	rddreg [dreg:$0xd];
	[sflag:s3] =	ssyncadd.s32 $0xFFFFC000  }
0x4e: {  	[tilespmem:s4], [sflag:$0x1] =	stream.indirect.gather [hbm4b:s5+s6], $0x10, s0, s6, $0xb8;
	[tilespmem:$0x5000] =	vst v63  }
0x4f: {  	s1 =	rddreg [dreg:$0xe]  }
0x50: {  	[tilespmem:s8], [sflag:$0x1] =	stream.indirect.gather [hbm4b:s5+s6], $0x10, s1, s6, $0xb8;
	[tilespmem:$0x5000] =	vst v63  }
0x51: {  	s0 =	rddreg [dreg:$0xf]  }
0x52: {  	[tilespmem:s9], [sflag:$0x1] =	stream.indirect.gather [hbm4b:s5+s6], $0x10, s0, s6, $0xb8;
	[tilespmem:$0x5000] =	vst v63  }
0x53: {  	s1 =	rddreg [dreg:$0x10]  }
0x54: {  	[tilespmem:s10], [sflag:$0x1] =	stream.indirect.gather [hbm4b:s5+s6], $0x10, s1, s6, $0xb8;
	[tilespmem:$0x5000] =	vst v63  }
0x55: {  	s0 =	rddreg [dreg:$0x11]  }
0x56: {  	[tilespmem:s11], [sflag:$0x1] =	stream.indirect.gather [hbm4b:s5+s6], $0x10, s0, s6, $0xb8;
	[tilespmem:$0x5000] =	vst v63  }
0x57: {  	s1 =	rddreg [dreg:$0x12]  }
0x58: {  	[tilespmem:s12], [sflag:$0x1] =	stream.indirect.gather [hbm4b:s5+s6], $0x10, s1, s6, $0xb8;
	[tilespmem:$0x5000] =	vst v63  }
0x59: {  	s0 =	rddreg [dreg:$0x13]  }
0x5a: {  	[tilespmem:s13], [sflag:$0x1] =	stream.indirect.gather [hbm4b:s5+s6], $0x10, s0, s6, $0xb8;
	[tilespmem:$0x5000] =	vst v63  }
0x5b: {  	s1 =	rddreg [dreg:$0x14]  }
0x5c: {  	[tilespmem:s14], [sflag:$0x1] =	stream.indirect.gather [hbm4b:s5+s6], $0x10, s1, s6, $0xb8;
	[tilespmem:$0x5000] =	vst v63  }
0x5d: {  	_ =	swait.ge [sflag:s7], $0x800  }
0x5e: {  	[sflag:s7] =	ssyncset.done $0x0  }
0x5f: {  	[sflag:s7] =	ssyncadd.s32 $0xFFFFF800  }
0x60: {  	_ =	swait.ge [sflag:s7], $0x800  }
0x61: {  	[sflag:s7] =	ssyncset.done $0x0  }
0x62: {  	[sflag:s7] =	ssyncadd.s32 $0xFFFFF800  }
0x63: {  	_ =	swait.ge [sflag:s7], $0x800  }
0x64: {  	[sflag:s7] =	ssyncset.done $0x0  }
0x65: {  	[sflag:s7] =	ssyncadd.s32 $0xFFFFF800  }
0x66: {  	_ =	swait.ge [sflag:s7], $0x800  }
0x67: {  	[sflag:s7] =	ssyncset.done $0x0  }
0x68: {  	[sflag:s7] =	ssyncadd.s32 $0xFFFFF800  }
0x69: {  	_ =	swait.ge [sflag:s7], $0x800  }
0x6a: {  	[sflag:s7] =	ssyncset.done $0x0  }
0x6b: {  	[sflag:s7] =	ssyncadd.s32 $0xFFFFF800  }
0x6c: {  	_ =	swait.ge [sflag:s7], $0x800  }
0x6d: {  	[sflag:s7] =	ssyncset.done $0x0  }
0x6e: {  	[sflag:s7] =	ssyncadd.s32 $0xFFFFF800  }
0x6f: {  	_ =	swait.ge [sflag:s7], $0x800  }
0x70: {  	[sflag:s7] =	ssyncset.done $0x0  }
0x71: {  	[sflag:s7] =	ssyncadd.s32 $0xFFFFF800  }
0x72: {  	_ =	swait.ge [sflag:s7], $0x800  }
0x73: {  	[sflag:s7] =	ssyncset.done $0x0  }
0x74: {  	s1 =	rddreg [dreg:$0x4];
	[sflag:s7] =	ssyncadd.s32 $0xFFFFF800  }
0x75: {  	[hbm4b:s1+s2] =	stream.linear.scatter [tilespmem:s4], [sflag:$0x2], $0x4000, $0x38;
	[tilespmem:$0x5000] =	vst v63  }
0x76: {  	_ =	swait.ge [sflag:s3], $0x4000  }
0x77: {  	[sflag:s3] =	ssyncset.done $0x0  }
0x78: {  	s1 =	simm.s32 $0x800;
	[sflag:s3] =	ssyncadd.s32 $0xFFFFC000  }
0x79: {  	[tilespmem:s4], [sflag:$0x1] =	stream.indirect.gather [hbm4b:s5+s6], $0x10, s1, s6, $0xb8;
	[tilespmem:$0x5000] =	vst v63  }
0x7a: {  	_ = 	snop  }
0x7b: {  	[tilespmem:s8], [sflag:$0x1] =	stream.indirect.gather [hbm4b:s5+s6], $0x10, s25, s6, $0xb8;
	[tilespmem:$0x5000] =	vst v63  }
0x7c: {  	_ = 	snop  }
0x7d: {  	[tilespmem:s9], [sflag:$0x1] =	stream.indirect.gather [hbm4b:s5+s6], $0x10, s26, s6, $0xb8;
	[tilespmem:$0x5000] =	vst v63  }
0x7e: {  	_ = 	snop  }
0x7f: {  	[tilespmem:s10], [sflag:$0x1] =	stream.indirect.gather [hbm4b:s5+s6], $0x10, s28, s6, $0xb8;
	[tilespmem:$0x5000] =	vst v63  }
0x80: {  	_ = 	snop  }
0x81: {  	[tilespmem:s11], [sflag:$0x1] =	stream.indirect.gather [hbm4b:s5+s6], $0x10, s29, s6, $0xb8;
	[tilespmem:$0x5000] =	vst v63  }
0x82: {  	_ = 	snop  }
0x83: {  	[tilespmem:s12], [sflag:$0x1] =	stream.indirect.gather [hbm4b:s5+s6], $0x10, s30, s6, $0xb8;
	[tilespmem:$0x5000] =	vst v63  }
0x84: {  	_ = 	snop  }
0x85: {  	[tilespmem:s13], [sflag:$0x1] =	stream.indirect.gather [hbm4b:s5+s6], $0x10, s31, s6, $0xb8;
	[tilespmem:$0x5000] =	vst v63  }
0x86: {  	_ = 	snop  }
0x87: {  	[tilespmem:s14], [sflag:$0x1] =	stream.indirect.gather [hbm4b:s5+s6], $0x10, s24, s6, $0xb8;
	[tilespmem:$0x5000] =	vst v63  }
0x88: {  	_ =	swait.ge [sflag:s7], $0x800  }
0x89: {  	[sflag:s7] =	ssyncset.done $0x0  }
0x8a: {  	[sflag:s7] =	ssyncadd.s32 $0xFFFFF800  }
0x8b: {  	_ =	swait.ge [sflag:s7], $0x800  }
0x8c: {  	[sflag:s7] =	ssyncset.done $0x0  }
0x8d: {  	[sflag:s7] =	ssyncadd.s32 $0xFFFFF800  }
0x8e: {  	_ =	swait.ge [sflag:s7], $0x800  }
0x8f: {  	[sflag:s7] =	ssyncset.done $0x0  }
0x90: {  	[sflag:s7] =	ssyncadd.s32 $0xFFFFF800  }
0x91: {  	_ =	swait.ge [sflag:s7], $0x800  }
0x92: {  	[sflag:s7] =	ssyncset.done $0x0  }
0x93: {  	[sflag:s7] =	ssyncadd.s32 $0xFFFFF800  }
0x94: {  	_ =	swait.ge [sflag:s7], $0x800  }
0x95: {  	[sflag:s7] =	ssyncset.done $0x0  }
0x96: {  	[sflag:s7] =	ssyncadd.s32 $0xFFFFF800  }
0x97: {  	_ =	swait.ge [sflag:s7], $0x800  }
0x98: {  	[sflag:s7] =	ssyncset.done $0x0  }
0x99: {  	[sflag:s7] =	ssyncadd.s32 $0xFFFFF800  }
0x9a: {  	_ =	swait.ge [sflag:s7], $0x800  }
0x9b: {  	[sflag:s7] =	ssyncset.done $0x0  }
0x9c: {  	[sflag:s7] =	ssyncadd.s32 $0xFFFFF800  }
0x9d: {  	_ =	swait.ge [sflag:s7], $0x800  }
0x9e: {  	[sflag:s7] =	ssyncset.done $0x0  }
0x9f: {  	s1 =	rddreg [dreg:$0x5];
	[sflag:s7] =	ssyncadd.s32 $0xFFFFF800  }
0xa0: {  	[hbm4b:s1+s2] =	stream.linear.scatter [tilespmem:s4], [sflag:$0x2], $0x4000, $0x38;
	[tilespmem:$0x5000] =	vst v63  }
0xa1: {  	_ =	swait.ge [sflag:s3], $0x4000  }
0xa2: {  	[sflag:s3] =	ssyncset.done $0x0  }
0xa3: {  	[sflag:s3] =	ssyncadd.s32 $0xFFFFC000  }
0xa4: {  	[tilespmem:s4], [sflag:$0x1] =	stream.indirect.gather [hbm4b:s5+s6], $0x10, s16, s6, $0xb8;
	[tilespmem:$0x5000] =	vst v63  }
0xa5: {  	_ = 	snop  }
0xa6: {  	[tilespmem:s8], [sflag:$0x1] =	stream.indirect.gather [hbm4b:s5+s6], $0x10, s17, s6, $0xb8;
	[tilespmem:$0x5000] =	vst v63  }
0xa7: {  	_ = 	snop  }
0xa8: {  	[tilespmem:s9], [sflag:$0x1] =	stream.indirect.gather [hbm4b:s5+s6], $0x10, s18, s6, $0xb8;
	[tilespmem:$0x5000] =	vst v63  }
0xa9: {  	_ = 	snop  }
0xaa: {  	[tilespmem:s10], [sflag:$0x1] =	stream.indirect.gather [hbm4b:s5+s6], $0x10, s19, s6, $0xb8;
	[tilespmem:$0x5000] =	vst v63  }
0xab: {  	_ = 	snop  }
0xac: {  	[tilespmem:s11], [sflag:$0x1] =	stream.indirect.gather [hbm4b:s5+s6], $0x10, s20, s6, $0xb8;
	[tilespmem:$0x5000] =	vst v63  }
0xad: {  	_ = 	snop  }
0xae: {  	[tilespmem:s12], [sflag:$0x1] =	stream.indirect.gather [hbm4b:s5+s6], $0x10, s21, s6, $0xb8;
	[tilespmem:$0x5000] =	vst v63  }
0xaf: {  	_ = 	snop  }
0xb0: {  	[tilespmem:s13], [sflag:$0x1] =	stream.indirect.gather [hbm4b:s5+s6], $0x10, s22, s6, $0xb8;
	[tilespmem:$0x5000] =	vst v63  }
0xb1: {  	_ = 	snop  }
0xb2: {  	[tilespmem:s14], [sflag:$0x1] =	stream.indirect.gather [hbm4b:s5+s6], $0x10, s23, s6, $0xb8;
	[tilespmem:$0x5000] =	vst v63  }
0xb3: {  	_ =	swait.ge [sflag:s7], $0x800  }
0xb4: {  	[sflag:s7] =	ssyncset.done $0x0  }
0xb5: {  	[sflag:s7] =	ssyncadd.s32 $0xFFFFF800  }
0xb6: {  	_ =	swait.ge [sflag:s7], $0x800  }
0xb7: {  	[sflag:s7] =	ssyncset.done $0x0  }
0xb8: {  	[sflag:s7] =	ssyncadd.s32 $0xFFFFF800  }
0xb9: {  	_ =	swait.ge [sflag:s7], $0x800  }
0xba: {  	[sflag:s7] =	ssyncset.done $0x0  }
0xbb: {  	[sflag:s7] =	ssyncadd.s32 $0xFFFFF800  }
0xbc: {  	_ =	swait.ge [sflag:s7], $0x800  }
0xbd: {  	[sflag:s7] =	ssyncset.done $0x0  }
0xbe: {  	[sflag:s7] =	ssyncadd.s32 $0xFFFFF800  }
0xbf: {  	_ =	swait.ge [sflag:s7], $0x800  }
0xc0: {  	[sflag:s7] =	ssyncset.done $0x0  }
0xc1: {  	[sflag:s7] =	ssyncadd.s32 $0xFFFFF800  }
0xc2: {  	_ =	swait.ge [sflag:s7], $0x800  }
0xc3: {  	[sflag:s7] =	ssyncset.done $0x0  }
0xc4: {  	[sflag:s7] =	ssyncadd.s32 $0xFFFFF800  }
0xc5: {  	_ =	swait.ge [sflag:s7], $0x800  }
0xc6: {  	[sflag:s7] =	ssyncset.done $0x0  }
0xc7: {  	[sflag:s7] =	ssyncadd.s32 $0xFFFFF800  }
0xc8: {  	p1 =	sne.s32 s15, $0x1;
	_ =	swait.ge [sflag:s7], $0x800  }
.Ltmp1:
0xc9: {  	[sflag:s7] =	ssyncset.done $0x0;
	(pc) =	sbr.rel @!p1 .LBB2_3-.Ltmp1, $4  }
0xca: {  	s1 =	rddreg [dreg:$0x6];
	[sflag:s7] =	ssyncadd.s32 $0xFFFFF800  }
0xcb: {  	[hbm4b:s1+s2] =	stream.linear.scatter [tilespmem:s4], [sflag:$0x2], $0x4000, $0x38;
	[tilespmem:$0x5000] =	vst v63  }
0xcc: {  	p0 =	por $0x1, $0x1;
	_ =	swait.ge [sflag:s3], $0x4000  }
0xcd: {  	s1 =	sadd.s32 $0xFFFFFFFF, s15;
	s0 =	rddreg [dreg:$0x2];
	[sflag:s3] =	ssyncset.done $0x0  }
.LBB2_4:
0xce: {  	[sflag:s3] =	ssyncadd.s32 $0xFFFFC000  }
0xcf: {  	[tilespmem:s2], [sflag:$0x2] =	stream.linear.gather [hbm4b:s0+s2], $0x1000, $0x38;
	[tilespmem:$0x5000] =	vst v63  }
0xd0: {  	_ =	swait.ge [sflag:s3], $0x1000  }
0xd1: {  	[sflag:s3] =	ssyncset.done $0x0  }
0xd2: {  	[sflag:s3] =	ssyncadd.s32 $0xFFFFF000  }
0xd3: {  	[tilespmem:s4], [sflag:$0x1] =	stream.indirect.gather [hbm4b:s5+s6], $0x10, s2, s6, $0xb8;
	[tilespmem:$0x5000] =	vst v63  }
0xd4: {  	_ = 	snop  }
0xd5: {  	[tilespmem:s8], [sflag:$0x1] =	stream.indirect.gather [hbm4b:s5+s6], $0x10, s6, s6, $0xb8;
	[tilespmem:$0x5000] =	vst v63  }
0xd6: {  	s0 =	rddreg [dreg:$0x7]  }
0xd7: {  	[tilespmem:s9], [sflag:$0x1] =	stream.indirect.gather [hbm4b:s5+s6], $0x10, s0, s6, $0xb8;
	[tilespmem:$0x5000] =	vst v63  }
0xd8: {  	s15 =	rddreg [dreg:$0x8]  }
0xd9: {  	[tilespmem:s10], [sflag:$0x1] =	stream.indirect.gather [hbm4b:s5+s6], $0x10, s15, s6, $0xb8;
	[tilespmem:$0x5000] =	vst v63  }
0xda: {  	s0 =	rddreg [dreg:$0x9]  }
0xdb: {  	[tilespmem:s11], [sflag:$0x1] =	stream.indirect.gather [hbm4b:s5+s6], $0x10, s0, s6, $0xb8;
	[tilespmem:$0x5000] =	vst v63  }
0xdc: {  	s15 =	rddreg [dreg:$0xa]  }
0xdd: {  	[tilespmem:s12], [sflag:$0x1] =	stream.indirect.gather [hbm4b:s5+s6], $0x10, s15, s6, $0xb8;
	[tilespmem:$0x5000] =	vst v63  }
0xde: {  	s0 =	rddreg [dreg:$0xb]  }
0xdf: {  	[tilespmem:s13], [sflag:$0x1] =	stream.indirect.gather [hbm4b:s5+s6], $0x10, s0, s6, $0xb8;
	[tilespmem:$0x5000] =	vst v63  }
0xe0: {  	s15 =	rddreg [dreg:$0xc]  }
0xe1: {  	[tilespmem:s14], [sflag:$0x1] =	stream.indirect.gather [hbm4b:s5+s6], $0x10, s15, s6, $0xb8;
	[tilespmem:$0x5000] =	vst v63  }
0xe2: {  	_ =	swait.ge [sflag:s7], $0x800  }
0xe3: {  	[sflag:s7] =	ssyncset.done $0x0  }
0xe4: {  	[sflag:s7] =	ssyncadd.s32 $0xFFFFF800  }
0xe5: {  	_ =	swait.ge [sflag:s7], $0x800  }
0xe6: {  	[sflag:s7] =	ssyncset.done $0x0  }
0xe7: {  	[sflag:s7] =	ssyncadd.s32 $0xFFFFF800  }
0xe8: {  	_ =	swait.ge [sflag:s7], $0x800  }
0xe9: {  	[sflag:s7] =	ssyncset.done $0x0  }
0xea: {  	[sflag:s7] =	ssyncadd.s32 $0xFFFFF800  }
0xeb: {  	_ =	swait.ge [sflag:s7], $0x800  }
0xec: {  	[sflag:s7] =	ssyncset.done $0x0  }
0xed: {  	[sflag:s7] =	ssyncadd.s32 $0xFFFFF800  }
0xee: {  	_ =	swait.ge [sflag:s7], $0x800  }
0xef: {  	[sflag:s7] =	ssyncset.done $0x0  }
0xf0: {  	[sflag:s7] =	ssyncadd.s32 $0xFFFFF800  }
0xf1: {  	_ =	swait.ge [sflag:s7], $0x800  }
0xf2: {  	[sflag:s7] =	ssyncset.done $0x0  }
0xf3: {  	[sflag:s7] =	ssyncadd.s32 $0xFFFFF800  }
0xf4: {  	_ =	swait.ge [sflag:s7], $0x800  }
0xf5: {  	[sflag:s7] =	ssyncset.done $0x0  }
0xf6: {  	[sflag:s7] =	ssyncadd.s32 $0xFFFFF800  }
0xf7: {  	_ =	swait.ge [sflag:s7], $0x800  }
0xf8: {  	[sflag:s7] =	ssyncset.done $0x0  }
0xf9: {  	s15 =	rddreg [dreg:$0x3];
	[sflag:s7] =	ssyncadd.s32 $0xFFFFF800  }
0xfa: {  	[hbm4b:s15+s2] =	stream.linear.scatter [tilespmem:s4], [sflag:$0x2], $0x4000, $0x38;
	[tilespmem:$0x5000] =	vst v63  }
0xfb: {  	_ =	swait.ge [sflag:s3], $0x4000  }
0xfc: {  	[sflag:s3] =	ssyncset.done $0x0  }
0xfd: {  	s0 =	rddreg [dreg:$0xd];
	[sflag:s3] =	ssyncadd.s32 $0xFFFFC000  }
0xfe: {  	[tilespmem:s4], [sflag:$0x1] =	stream.indirect.gather [hbm4b:s5+s6], $0x10, s0, s6, $0xb8;
	[tilespmem:$0x5000] =	vst v63  }
0xff: {  	s15 =	rddreg [dreg:$0xe]  }
0x100: {  	[tilespmem:s8], [sflag:$0x1] =	stream.indirect.gather [hbm4b:s5+s6], $0x10, s15, s6, $0xb8;
	[tilespmem:$0x5000] =	vst v63  }
0x101: {  	s0 =	rddreg [dreg:$0xf]  }
0x102: {  	[tilespmem:s9], [sflag:$0x1] =	stream.indirect.gather [hbm4b:s5+s6], $0x10, s0, s6, $0xb8;
	[tilespmem:$0x5000] =	vst v63  }
0x103: {  	s15 =	rddreg [dreg:$0x10]  }
0x104: {  	[tilespmem:s10], [sflag:$0x1] =	stream.indirect.gather [hbm4b:s5+s6], $0x10, s15, s6, $0xb8;
	[tilespmem:$0x5000] =	vst v63  }
0x105: {  	s0 =	rddreg [dreg:$0x11]  }
0x106: {  	[tilespmem:s11], [sflag:$0x1] =	stream.indirect.gather [hbm4b:s5+s6], $0x10, s0, s6, $0xb8;
	[tilespmem:$0x5000] =	vst v63  }
0x107: {  	s15 =	rddreg [dreg:$0x12]  }
0x108: {  	[tilespmem:s12], [sflag:$0x1] =	stream.indirect.gather [hbm4b:s5+s6], $0x10, s15, s6, $0xb8;
	[tilespmem:$0x5000] =	vst v63  }
0x109: {  	s0 =	rddreg [dreg:$0x13]  }
0x10a: {  	[tilespmem:s13], [sflag:$0x1] =	stream.indirect.gather [hbm4b:s5+s6], $0x10, s0, s6, $0xb8;
	[tilespmem:$0x5000] =	vst v63  }
0x10b: {  	s15 =	rddreg [dreg:$0x14]  }
0x10c: {  	[tilespmem:s14], [sflag:$0x1] =	stream.indirect.gather [hbm4b:s5+s6], $0x10, s15, s6, $0xb8;
	[tilespmem:$0x5000] =	vst v63  }
0x10d: {  	_ =	swait.ge [sflag:s7], $0x800  }
0x10e: {  	[sflag:s7] =	ssyncset.done $0x0  }
0x10f: {  	[sflag:s7] =	ssyncadd.s32 $0xFFFFF800  }
0x110: {  	_ =	swait.ge [sflag:s7], $0x800  }
0x111: {  	[sflag:s7] =	ssyncset.done $0x0  }
0x112: {  	[sflag:s7] =	ssyncadd.s32 $0xFFFFF800  }
0x113: {  	_ =	swait.ge [sflag:s7], $0x800  }
0x114: {  	[sflag:s7] =	ssyncset.done $0x0  }
0x115: {  	[sflag:s7] =	ssyncadd.s32 $0xFFFFF800  }
0x116: {  	_ =	swait.ge [sflag:s7], $0x800  }
0x117: {  	[sflag:s7] =	ssyncset.done $0x0  }
0x118: {  	[sflag:s7] =	ssyncadd.s32 $0xFFFFF800  }
0x119: {  	_ =	swait.ge [sflag:s7], $0x800  }
0x11a: {  	[sflag:s7] =	ssyncset.done $0x0  }
0x11b: {  	[sflag:s7] =	ssyncadd.s32 $0xFFFFF800  }
0x11c: {  	_ =	swait.ge [sflag:s7], $0x800  }
0x11d: {  	[sflag:s7] =	ssyncset.done $0x0  }
0x11e: {  	[sflag:s7] =	ssyncadd.s32 $0xFFFFF800  }
0x11f: {  	_ =	swait.ge [sflag:s7], $0x800  }
0x120: {  	[sflag:s7] =	ssyncset.done $0x0  }
0x121: {  	[sflag:s7] =	ssyncadd.s32 $0xFFFFF800  }
0x122: {  	_ =	swait.ge [sflag:s7], $0x800  }
0x123: {  	[sflag:s7] =	ssyncset.done $0x0  }
0x124: {  	s15 =	rddreg [dreg:$0x4];
	[sflag:s7] =	ssyncadd.s32 $0xFFFFF800  }
0x125: {  	[hbm4b:s15+s2] =	stream.linear.scatter [tilespmem:s4], [sflag:$0x2], $0x4000, $0x38;
	[tilespmem:$0x5000] =	vst v63  }
0x126: {  	_ =	swait.ge [sflag:s3], $0x4000  }
0x127: {  	[sflag:s3] =	ssyncset.done $0x0  }
0x128: {  	s15 =	simm.s32 $0x800;
	[sflag:s3] =	ssyncadd.s32 $0xFFFFC000  }
0x129: {  	[tilespmem:s4], [sflag:$0x1] =	stream.indirect.gather [hbm4b:s5+s6], $0x10, s15, s6, $0xb8;
	[tilespmem:$0x5000] =	vst v63  }
0x12a: {  	_ = 	snop  }
0x12b: {  	[tilespmem:s8], [sflag:$0x1] =	stream.indirect.gather [hbm4b:s5+s6], $0x10, s25, s6, $0xb8;
	[tilespmem:$0x5000] =	vst v63  }
0x12c: {  	_ = 	snop  }
0x12d: {  	[tilespmem:s9], [sflag:$0x1] =	stream.indirect.gather [hbm4b:s5+s6], $0x10, s26, s6, $0xb8;
	[tilespmem:$0x5000] =	vst v63  }
0x12e: {  	_ = 	snop  }
0x12f: {  	[tilespmem:s10], [sflag:$0x1] =	stream.indirect.gather [hbm4b:s5+s6], $0x10, s28, s6, $0xb8;
	[tilespmem:$0x5000] =	vst v63  }
0x130: {  	_ = 	snop  }
0x131: {  	[tilespmem:s11], [sflag:$0x1] =	stream.indirect.gather [hbm4b:s5+s6], $0x10, s29, s6, $0xb8;
	[tilespmem:$0x5000] =	vst v63  }
0x132: {  	_ = 	snop  }
0x133: {  	[tilespmem:s12], [sflag:$0x1] =	stream.indirect.gather [hbm4b:s5+s6], $0x10, s30, s6, $0xb8;
	[tilespmem:$0x5000] =	vst v63  }
0x134: {  	_ = 	snop  }
0x135: {  	[tilespmem:s13], [sflag:$0x1] =	stream.indirect.gather [hbm4b:s5+s6], $0x10, s31, s6, $0xb8;
	[tilespmem:$0x5000] =	vst v63  }
0x136: {  	_ = 	snop  }
0x137: {  	[tilespmem:s14], [sflag:$0x1] =	stream.indirect.gather [hbm4b:s5+s6], $0x10, s24, s6, $0xb8;
	[tilespmem:$0x5000] =	vst v63  }
0x138: {  	_ =	swait.ge [sflag:s7], $0x800  }
0x139: {  	[sflag:s7] =	ssyncset.done $0x0  }
0x13a: {  	[sflag:s7] =	ssyncadd.s32 $0xFFFFF800  }
0x13b: {  	_ =	swait.ge [sflag:s7], $0x800  }
0x13c: {  	[sflag:s7] =	ssyncset.done $0x0  }
0x13d: {  	[sflag:s7] =	ssyncadd.s32 $0xFFFFF800  }
0x13e: {  	_ =	swait.ge [sflag:s7], $0x800  }
0x13f: {  	[sflag:s7] =	ssyncset.done $0x0  }
0x140: {  	[sflag:s7] =	ssyncadd.s32 $0xFFFFF800  }
0x141: {  	_ =	swait.ge [sflag:s7], $0x800  }
0x142: {  	[sflag:s7] =	ssyncset.done $0x0  }
0x143: {  	[sflag:s7] =	ssyncadd.s32 $0xFFFFF800  }
0x144: {  	_ =	swait.ge [sflag:s7], $0x800  }
0x145: {  	[sflag:s7] =	ssyncset.done $0x0  }
0x146: {  	[sflag:s7] =	ssyncadd.s32 $0xFFFFF800  }
0x147: {  	_ =	swait.ge [sflag:s7], $0x800  }
0x148: {  	[sflag:s7] =	ssyncset.done $0x0  }
0x149: {  	[sflag:s7] =	ssyncadd.s32 $0xFFFFF800  }
0x14a: {  	_ =	swait.ge [sflag:s7], $0x800  }
0x14b: {  	[sflag:s7] =	ssyncset.done $0x0  }
0x14c: {  	[sflag:s7] =	ssyncadd.s32 $0xFFFFF800  }
0x14d: {  	_ =	swait.ge [sflag:s7], $0x800  }
0x14e: {  	[sflag:s7] =	ssyncset.done $0x0  }
0x14f: {  	s15 =	rddreg [dreg:$0x5];
	[sflag:s7] =	ssyncadd.s32 $0xFFFFF800  }
0x150: {  	[hbm4b:s15+s2] =	stream.linear.scatter [tilespmem:s4], [sflag:$0x2], $0x4000, $0x38;
	[tilespmem:$0x5000] =	vst v63  }
0x151: {  	_ =	swait.ge [sflag:s3], $0x4000  }
0x152: {  	[sflag:s3] =	ssyncset.done $0x0  }
0x153: {  	[sflag:s3] =	ssyncadd.s32 $0xFFFFC000  }
0x154: {  	[tilespmem:s4], [sflag:$0x1] =	stream.indirect.gather [hbm4b:s5+s6], $0x10, s16, s6, $0xb8;
	[tilespmem:$0x5000] =	vst v63  }
0x155: {  	_ = 	snop  }
0x156: {  	[tilespmem:s8], [sflag:$0x1] =	stream.indirect.gather [hbm4b:s5+s6], $0x10, s17, s6, $0xb8;
	[tilespmem:$0x5000] =	vst v63  }
0x157: {  	_ = 	snop  }
0x158: {  	[tilespmem:s9], [sflag:$0x1] =	stream.indirect.gather [hbm4b:s5+s6], $0x10, s18, s6, $0xb8;
	[tilespmem:$0x5000] =	vst v63  }
0x159: {  	_ = 	snop  }
0x15a: {  	[tilespmem:s10], [sflag:$0x1] =	stream.indirect.gather [hbm4b:s5+s6], $0x10, s19, s6, $0xb8;
	[tilespmem:$0x5000] =	vst v63  }
0x15b: {  	_ = 	snop  }
0x15c: {  	[tilespmem:s11], [sflag:$0x1] =	stream.indirect.gather [hbm4b:s5+s6], $0x10, s20, s6, $0xb8;
	[tilespmem:$0x5000] =	vst v63  }
0x15d: {  	_ = 	snop  }
0x15e: {  	[tilespmem:s12], [sflag:$0x1] =	stream.indirect.gather [hbm4b:s5+s6], $0x10, s21, s6, $0xb8;
	[tilespmem:$0x5000] =	vst v63  }
0x15f: {  	_ = 	snop  }
0x160: {  	[tilespmem:s13], [sflag:$0x1] =	stream.indirect.gather [hbm4b:s5+s6], $0x10, s22, s6, $0xb8;
	[tilespmem:$0x5000] =	vst v63  }
0x161: {  	_ = 	snop  }
0x162: {  	[tilespmem:s14], [sflag:$0x1] =	stream.indirect.gather [hbm4b:s5+s6], $0x10, s23, s6, $0xb8;
	[tilespmem:$0x5000] =	vst v63  }
0x163: {  	_ =	swait.ge [sflag:s7], $0x800  }
0x164: {  	[sflag:s7] =	ssyncset.done $0x0  }
0x165: {  	[sflag:s7] =	ssyncadd.s32 $0xFFFFF800  }
0x166: {  	_ =	swait.ge [sflag:s7], $0x800  }
0x167: {  	[sflag:s7] =	ssyncset.done $0x0  }
0x168: {  	[sflag:s7] =	ssyncadd.s32 $0xFFFFF800  }
0x169: {  	_ =	swait.ge [sflag:s7], $0x800  }
0x16a: {  	[sflag:s7] =	ssyncset.done $0x0  }
0x16b: {  	[sflag:s7] =	ssyncadd.s32 $0xFFFFF800  }
0x16c: {  	_ =	swait.ge [sflag:s7], $0x800  }
0x16d: {  	[sflag:s7] =	ssyncset.done $0x0  }
0x16e: {  	[sflag:s7] =	ssyncadd.s32 $0xFFFFF800  }
0x16f: {  	_ =	swait.ge [sflag:s7], $0x800  }
0x170: {  	[sflag:s7] =	ssyncset.done $0x0  }
0x171: {  	[sflag:s7] =	ssyncadd.s32 $0xFFFFF800  }
0x172: {  	_ =	swait.ge [sflag:s7], $0x800  }
0x173: {  	[sflag:s7] =	ssyncset.done $0x0  }
0x174: {  	[sflag:s7] =	ssyncadd.s32 $0xFFFFF800  }
0x175: {  	_ =	swait.ge [sflag:s7], $0x800  }
0x176: {  	[sflag:s7] =	ssyncset.done $0x0  }
0x177: {  	[sflag:s7] =	ssyncadd.s32 $0xFFFFF800  }
0x178: {  	p1 =	sne.s32 s1, $0x1;
	_ =	swait.ge [sflag:s7], $0x800  }
.Ltmp2:
0x179: {  	[sflag:s7] =	ssyncset.done $0x0;
	(pc) =	sbr.rel @p1 .LBB2_4-.Ltmp2, $4  }
0x17a: {  	s15 =	rddreg [dreg:$0x6];
	[sflag:s7] =	ssyncadd.s32 $0xFFFFF800  }
0x17b: {  	[hbm4b:s15+s2] =	stream.linear.scatter [tilespmem:s4], [sflag:$0x2], $0x4000, $0x38;
	[tilespmem:$0x5000] =	vst v63  }
0x17c: {  	_ =	swait.ge [sflag:s3], $0x4000  }
0x17d: {  	s1 =	sadd.s32 $0xFFFFFFFF, s1;
	s0 =	rddreg [dreg:$0x2];
	[sflag:s3] =	ssyncset.done $0x0  }
0x17e: {  	s23 =	simm.s32 $0xB80  }
0x17f: {  	s31 =	simm.s32 $0xB00;
	s30 =	simm.s32 $0xA80;
	s29 =	simm.s32 $0xA00  }
0x180: {  	s28 =	simm.s32 $0x980;
	s26 =	simm.s32 $0x900;
	s25 =	simm.s32 $0x880  }
0x181: {  	s24 =	simm.s32 $0x800;
	s22 =	simm.s32 $0xF00;
	s21 =	simm.s32 $0xE80  }
0x182: {  	s20 =	simm.s32 $0xE00;
	s19 =	simm.s32 $0xD80;
	s18 =	simm.s32 $0xD00  }
0x183: {  	s17 =	simm.s32 $0xC80;
	s16 =	simm.s32 $0xC00;
	s15 =	stileid.u32  }
.LBB2_6:
0x184: {  	[sflag:s3] =	ssyncadd.s32 @p0 $0xFFFFC000  }
0x185: {  	[tilespmem:s2], [sflag:$0x2] =	stream.linear.gather [hbm4b:s0+s2], $0x1000, $0x38;
	[tilespmem:$0x5000] =	vst v63  }
0x186: {  	_ =	swait.ge [sflag:s3], $0x1000  }
0x187: {  	[sflag:s3] =	ssyncset.done $0x0  }
0x188: {  	[sflag:s3] =	ssyncadd.s32 $0xFFFFF000  }
0x189: {  	[tilespmem:s4], [sflag:$0x1] =	stream.indirect.gather [hbm4b:s5+s6], $0x10, s2, s6, $0xb8;
	[tilespmem:$0x5000] =	vst v63  }
0x18a: {  	_ = 	snop  }
0x18b: {  	[tilespmem:s8], [sflag:$0x1] =	stream.indirect.gather [hbm4b:s5+s6], $0x10, s6, s6, $0xb8;
	[tilespmem:$0x5000] =	vst v63  }
0x18c: {  	s0 =	rddreg [dreg:$0x7]  }
0x18d: {  	[tilespmem:s9], [sflag:$0x1] =	stream.indirect.gather [hbm4b:s5+s6], $0x10, s0, s6, $0xb8;
	[tilespmem:$0x5000] =	vst v63  }
0x18e: {  	s1 =	rddreg [dreg:$0x8]  }
0x18f: {  	[tilespmem:s10], [sflag:$0x1] =	stream.indirect.gather [hbm4b:s5+s6], $0x10, s1, s6, $0xb8;
	[tilespmem:$0x5000] =	vst v63  }
0x190: {  	s0 =	rddreg [dreg:$0x9]  }
0x191: {  	[tilespmem:s11], [sflag:$0x1] =	stream.indirect.gather [hbm4b:s5+s6], $0x10, s0, s6, $0xb8;
	[tilespmem:$0x5000] =	vst v63  }
0x192: {  	s1 =	rddreg [dreg:$0xa]  }
0x193: {  	[tilespmem:s12], [sflag:$0x1] =	stream.indirect.gather [hbm4b:s5+s6], $0x10, s1, s6, $0xb8;
	[tilespmem:$0x5000] =	vst v63  }
0x194: {  	s0 =	rddreg [dreg:$0xb]  }
0x195: {  	[tilespmem:s13], [sflag:$0x1] =	stream.indirect.gather [hbm4b:s5+s6], $0x10, s0, s6, $0xb8;
	[tilespmem:$0x5000] =	vst v63  }
0x196: {  	s1 =	rddreg [dreg:$0xc]  }
0x197: {  	[tilespmem:s14], [sflag:$0x1] =	stream.indirect.gather [hbm4b:s5+s6], $0x10, s1, s6, $0xb8;
	[tilespmem:$0x5000] =	vst v63  }
0x198: {  	_ =	swait.ge [sflag:s7], $0x800  }
0x199: {  	[sflag:s7] =	ssyncset.done $0x0  }
0x19a: {  	[sflag:s7] =	ssyncadd.s32 $0xFFFFF800  }
0x19b: {  	_ =	swait.ge [sflag:s7], $0x800  }
0x19c: {  	[sflag:s7] =	ssyncset.done $0x0  }
0x19d: {  	[sflag:s7] =	ssyncadd.s32 $0xFFFFF800  }
0x19e: {  	_ =	swait.ge [sflag:s7], $0x800  }
0x19f: {  	[sflag:s7] =	ssyncset.done $0x0  }
0x1a0: {  	[sflag:s7] =	ssyncadd.s32 $0xFFFFF800  }
0x1a1: {  	_ =	swait.ge [sflag:s7], $0x800  }
0x1a2: {  	[sflag:s7] =	ssyncset.done $0x0  }
0x1a3: {  	[sflag:s7] =	ssyncadd.s32 $0xFFFFF800  }
0x1a4: {  	_ =	swait.ge [sflag:s7], $0x800  }
0x1a5: {  	[sflag:s7] =	ssyncset.done $0x0  }
0x1a6: {  	[sflag:s7] =	ssyncadd.s32 $0xFFFFF800  }
0x1a7: {  	_ =	swait.ge [sflag:s7], $0x800  }
0x1a8: {  	[sflag:s7] =	ssyncset.done $0x0  }
0x1a9: {  	[sflag:s7] =	ssyncadd.s32 $0xFFFFF800  }
0x1aa: {  	_ =	swait.ge [sflag:s7], $0x800  }
0x1ab: {  	[sflag:s7] =	ssyncset.done $0x0  }
0x1ac: {  	[sflag:s7] =	ssyncadd.s32 $0xFFFFF800  }
0x1ad: {  	_ =	swait.ge [sflag:s7], $0x800  }
0x1ae: {  	[sflag:s7] =	ssyncset.done $0x0  }
0x1af: {  	s1 =	rddreg [dreg:$0x3];
	[sflag:s7] =	ssyncadd.s32 $0xFFFFF800  }
0x1b0: {  	[hbm4b:s1+s2] =	stream.linear.scatter [tilespmem:s4], [sflag:$0x2], $0x4000, $0x38;
	[tilespmem:$0x5000] =	vst v63  }
0x1b1: {  	_ =	swait.ge [sflag:s3], $0x4000  }
0x1b2: {  	[sflag:s3] =	ssyncset.done $0x0  }
0x1b3: {  	s0 =	rddreg [dreg:$0xd];
	[sflag:s3] =	ssyncadd.s32 $0xFFFFC000  }
0x1b4: {  	[tilespmem:s4], [sflag:$0x1] =	stream.indirect.gather [hbm4b:s5+s6], $0x10, s0, s6, $0xb8;
	[tilespmem:$0x5000] =	vst v63  }
0x1b5: {  	s1 =	rddreg [dreg:$0xe]  }
0x1b6: {  	[tilespmem:s8], [sflag:$0x1] =	stream.indirect.gather [hbm4b:s5+s6], $0x10, s1, s6, $0xb8;
	[tilespmem:$0x5000] =	vst v63  }
0x1b7: {  	s0 =	rddreg [dreg:$0xf]  }
0x1b8: {  	[tilespmem:s9], [sflag:$0x1] =	stream.indirect.gather [hbm4b:s5+s6], $0x10, s0, s6, $0xb8;
	[tilespmem:$0x5000] =	vst v63  }
0x1b9: {  	s1 =	rddreg [dreg:$0x10]  }
0x1ba: {  	[tilespmem:s10], [sflag:$0x1] =	stream.indirect.gather [hbm4b:s5+s6], $0x10, s1, s6, $0xb8;
	[tilespmem:$0x5000] =	vst v63  }
0x1bb: {  	s0 =	rddreg [dreg:$0x11]  }
0x1bc: {  	[tilespmem:s11], [sflag:$0x1] =	stream.indirect.gather [hbm4b:s5+s6], $0x10, s0, s6, $0xb8;
	[tilespmem:$0x5000] =	vst v63  }
0x1bd: {  	s1 =	rddreg [dreg:$0x12]  }
0x1be: {  	[tilespmem:s12], [sflag:$0x1] =	stream.indirect.gather [hbm4b:s5+s6], $0x10, s1, s6, $0xb8;
	[tilespmem:$0x5000] =	vst v63  }
0x1bf: {  	s0 =	rddreg [dreg:$0x13]  }
0x1c0: {  	[tilespmem:s13], [sflag:$0x1] =	stream.indirect.gather [hbm4b:s5+s6], $0x10, s0, s6, $0xb8;
	[tilespmem:$0x5000] =	vst v63  }
0x1c1: {  	s1 =	rddreg [dreg:$0x14]  }
0x1c2: {  	[tilespmem:s14], [sflag:$0x1] =	stream.indirect.gather [hbm4b:s5+s6], $0x10, s1, s6, $0xb8;
	[tilespmem:$0x5000] =	vst v63  }
0x1c3: {  	_ =	swait.ge [sflag:s7], $0x800  }
0x1c4: {  	[sflag:s7] =	ssyncset.done $0x0  }
0x1c5: {  	[sflag:s7] =	ssyncadd.s32 $0xFFFFF800  }
0x1c6: {  	_ =	swait.ge [sflag:s7], $0x800  }
0x1c7: {  	[sflag:s7] =	ssyncset.done $0x0  }
0x1c8: {  	[sflag:s7] =	ssyncadd.s32 $0xFFFFF800  }
0x1c9: {  	_ =	swait.ge [sflag:s7], $0x800  }
0x1ca: {  	[sflag:s7] =	ssyncset.done $0x0  }
0x1cb: {  	[sflag:s7] =	ssyncadd.s32 $0xFFFFF800  }
0x1cc: {  	_ =	swait.ge [sflag:s7], $0x800  }
0x1cd: {  	[sflag:s7] =	ssyncset.done $0x0  }
0x1ce: {  	[sflag:s7] =	ssyncadd.s32 $0xFFFFF800  }
0x1cf: {  	_ =	swait.ge [sflag:s7], $0x800  }
0x1d0: {  	[sflag:s7] =	ssyncset.done $0x0  }
0x1d1: {  	[sflag:s7] =	ssyncadd.s32 $0xFFFFF800  }
0x1d2: {  	_ =	swait.ge [sflag:s7], $0x800  }
0x1d3: {  	[sflag:s7] =	ssyncset.done $0x0  }
0x1d4: {  	[sflag:s7] =	ssyncadd.s32 $0xFFFFF800  }
0x1d5: {  	_ =	swait.ge [sflag:s7], $0x800  }
0x1d6: {  	[sflag:s7] =	ssyncset.done $0x0  }
0x1d7: {  	[sflag:s7] =	ssyncadd.s32 $0xFFFFF800  }
0x1d8: {  	_ =	swait.ge [sflag:s7], $0x800  }
0x1d9: {  	[sflag:s7] =	ssyncset.done $0x0  }
0x1da: {  	s1 =	rddreg [dreg:$0x4];
	[sflag:s7] =	ssyncadd.s32 $0xFFFFF800  }
0x1db: {  	[hbm4b:s1+s2] =	stream.linear.scatter [tilespmem:s4], [sflag:$0x2], $0x4000, $0x38;
	[tilespmem:$0x5000] =	vst v63  }
0x1dc: {  	_ =	swait.ge [sflag:s3], $0x4000  }
0x1dd: {  	[sflag:s3] =	ssyncset.done $0x0  }
0x1de: {  	[sflag:s3] =	ssyncadd.s32 $0xFFFFC000  }
0x1df: {  	[tilespmem:s4], [sflag:$0x1] =	stream.indirect.gather [hbm4b:s5+s6], $0x10, s24, s6, $0xb8;
	[tilespmem:$0x5000] =	vst v63  }
0x1e0: {  	_ = 	snop  }
0x1e1: {  	[tilespmem:s8], [sflag:$0x1] =	stream.indirect.gather [hbm4b:s5+s6], $0x10, s25, s6, $0xb8;
	[tilespmem:$0x5000] =	vst v63  }
0x1e2: {  	_ = 	snop  }
0x1e3: {  	[tilespmem:s9], [sflag:$0x1] =	stream.indirect.gather [hbm4b:s5+s6], $0x10, s26, s6, $0xb8;
	[tilespmem:$0x5000] =	vst v63  }
0x1e4: {  	_ = 	snop  }
0x1e5: {  	[tilespmem:s10], [sflag:$0x1] =	stream.indirect.gather [hbm4b:s5+s6], $0x10, s28, s6, $0xb8;
	[tilespmem:$0x5000] =	vst v63  }
0x1e6: {  	_ = 	snop  }
0x1e7: {  	[tilespmem:s11], [sflag:$0x1] =	stream.indirect.gather [hbm4b:s5+s6], $0x10, s29, s6, $0xb8;
	[tilespmem:$0x5000] =	vst v63  }
0x1e8: {  	_ = 	snop  }
0x1e9: {  	[tilespmem:s12], [sflag:$0x1] =	stream.indirect.gather [hbm4b:s5+s6], $0x10, s30, s6, $0xb8;
	[tilespmem:$0x5000] =	vst v63  }
0x1ea: {  	_ = 	snop  }
0x1eb: {  	[tilespmem:s13], [sflag:$0x1] =	stream.indirect.gather [hbm4b:s5+s6], $0x10, s31, s6, $0xb8;
	[tilespmem:$0x5000] =	vst v63  }
0x1ec: {  	_ = 	snop  }
0x1ed: {  	[tilespmem:s14], [sflag:$0x1] =	stream.indirect.gather [hbm4b:s5+s6], $0x10, s23, s6, $0xb8;
	[tilespmem:$0x5000] =	vst v63  }
0x1ee: {  	_ =	swait.ge [sflag:s7], $0x800  }
0x1ef: {  	[sflag:s7] =	ssyncset.done $0x0  }
0x1f0: {  	[sflag:s7] =	ssyncadd.s32 $0xFFFFF800  }
0x1f1: {  	_ =	swait.ge [sflag:s7], $0x800  }
0x1f2: {  	[sflag:s7] =	ssyncset.done $0x0  }
0x1f3: {  	[sflag:s7] =	ssyncadd.s32 $0xFFFFF800  }
0x1f4: {  	_ =	swait.ge [sflag:s7], $0x800  }
0x1f5: {  	[sflag:s7] =	ssyncset.done $0x0  }
0x1f6: {  	[sflag:s7] =	ssyncadd.s32 $0xFFFFF800  }
0x1f7: {  	_ =	swait.ge [sflag:s7], $0x800  }
0x1f8: {  	[sflag:s7] =	ssyncset.done $0x0  }
0x1f9: {  	[sflag:s7] =	ssyncadd.s32 $0xFFFFF800  }
0x1fa: {  	_ =	swait.ge [sflag:s7], $0x800  }
0x1fb: {  	[sflag:s7] =	ssyncset.done $0x0  }
0x1fc: {  	[sflag:s7] =	ssyncadd.s32 $0xFFFFF800  }
0x1fd: {  	_ =	swait.ge [sflag:s7], $0x800  }
0x1fe: {  	[sflag:s7] =	ssyncset.done $0x0  }
0x1ff: {  	[sflag:s7] =	ssyncadd.s32 $0xFFFFF800  }
0x200: {  	_ =	swait.ge [sflag:s7], $0x800  }
0x201: {  	[sflag:s7] =	ssyncset.done $0x0  }
0x202: {  	[sflag:s7] =	ssyncadd.s32 $0xFFFFF800  }
0x203: {  	_ =	swait.ge [sflag:s7], $0x800  }
0x204: {  	[sflag:s7] =	ssyncset.done $0x0  }
0x205: {  	s29 =	rddreg [dreg:$0x5];
	[sflag:s7] =	ssyncadd.s32 $0xFFFFF800  }
0x206: {  	[hbm4b:s29+s2] =	stream.linear.scatter [tilespmem:s4], [sflag:$0x2], $0x4000, $0x38;
	[tilespmem:$0x5000] =	vst v63  }
0x207: {  	_ =	swait.ge [sflag:s3], $0x4000  }
0x208: {  	[sflag:s3] =	ssyncset.done $0x0  }
0x209: {  	[sflag:s3] =	ssyncadd.s32 $0xFFFFC000  }
0x20a: {  	[tilespmem:s4], [sflag:$0x1] =	stream.indirect.gather [hbm4b:s5+s6], $0x10, s16, s6, $0xb8;
	[tilespmem:$0x5000] =	vst v63  }
0x20b: {  	_ = 	snop  }
0x20c: {  	[tilespmem:s8], [sflag:$0x1] =	stream.indirect.gather [hbm4b:s5+s6], $0x10, s17, s6, $0xb8;
	[tilespmem:$0x5000] =	vst v63  }
0x20d: {  	_ = 	snop  }
0x20e: {  	[tilespmem:s9], [sflag:$0x1] =	stream.indirect.gather [hbm4b:s5+s6], $0x10, s18, s6, $0xb8;
	[tilespmem:$0x5000] =	vst v63  }
0x20f: {  	_ = 	snop  }
0x210: {  	[tilespmem:s10], [sflag:$0x1] =	stream.indirect.gather [hbm4b:s5+s6], $0x10, s19, s6, $0xb8;
	[tilespmem:$0x5000] =	vst v63  }
0x211: {  	_ = 	snop  }
0x212: {  	[tilespmem:s11], [sflag:$0x1] =	stream.indirect.gather [hbm4b:s5+s6], $0x10, s20, s6, $0xb8;
	[tilespmem:$0x5000] =	vst v63  }
0x213: {  	_ = 	snop  }
0x214: {  	[tilespmem:s12], [sflag:$0x1] =	stream.indirect.gather [hbm4b:s5+s6], $0x10, s21, s6, $0xb8;
	[tilespmem:$0x5000] =	vst v63  }
0x215: {  	_ = 	snop  }
0x216: {  	[tilespmem:s13], [sflag:$0x1] =	stream.indirect.gather [hbm4b:s5+s6], $0x10, s22, s6, $0xb8;
	[tilespmem:$0x5000] =	vst v63  }
0x217: {  	s30 =	simm.s32 $0xF80  }
0x218: {  	[tilespmem:s14], [sflag:$0x1] =	stream.indirect.gather [hbm4b:s5+s6], $0x10, s30, s6, $0xb8;
	[tilespmem:$0x5000] =	vst v63  }
0x219: {  	_ =	swait.ge [sflag:s7], $0x800  }
0x21a: {  	[sflag:s7] =	ssyncset.done $0x0  }
0x21b: {  	[sflag:s7] =	ssyncadd.s32 $0xFFFFF800  }
0x21c: {  	_ =	swait.ge [sflag:s7], $0x800  }
0x21d: {  	[sflag:s7] =	ssyncset.done $0x0  }
0x21e: {  	[sflag:s7] =	ssyncadd.s32 $0xFFFFF800  }
0x21f: {  	_ =	swait.ge [sflag:s7], $0x800  }
0x220: {  	[sflag:s7] =	ssyncset.done $0x0  }
0x221: {  	[sflag:s7] =	ssyncadd.s32 $0xFFFFF800  }
0x222: {  	_ =	swait.ge [sflag:s7], $0x800  }
0x223: {  	[sflag:s7] =	ssyncset.done $0x0  }
0x224: {  	[sflag:s7] =	ssyncadd.s32 $0xFFFFF800  }
0x225: {  	_ =	swait.ge [sflag:s7], $0x800  }
0x226: {  	[sflag:s7] =	ssyncset.done $0x0  }
0x227: {  	[sflag:s7] =	ssyncadd.s32 $0xFFFFF800  }
0x228: {  	_ =	swait.ge [sflag:s7], $0x800  }
0x229: {  	[sflag:s7] =	ssyncset.done $0x0  }
0x22a: {  	[sflag:s7] =	ssyncadd.s32 $0xFFFFF800  }
0x22b: {  	_ =	swait.ge [sflag:s7], $0x800  }
0x22c: {  	[sflag:s7] =	ssyncset.done $0x0  }
0x22d: {  	[sflag:s7] =	ssyncadd.s32 $0xFFFFF800  }
0x22e: {  	_ =	swait.ge [sflag:s7], $0x800  }
0x22f: {  	[sflag:s7] =	ssyncset.done $0x0  }
0x230: {  	s31 =	rddreg [dreg:$0x6];
	[sflag:s7] =	ssyncadd.s32 $0xFFFFF800  }
0x231: {  	[hbm4b:s31+s2] =	stream.linear.scatter [tilespmem:s4], [sflag:$0x2], $0x4000, $0x38;
	[tilespmem:$0x5000] =	vst v63  }
0x232: {  	_ =	swait.ge [sflag:s3], $0x4000  }
0x233: {  	[sflag:s3] =	ssyncset.done $0x0  }
0x234: {  	[sflag:s3] =	ssyncadd.s32 $0xFFFFC000  }
0x235: {  	_ =	sfence.sel $0x180000  }
0x236: {  	[bflag:$0x0] =	sbarrier.arrive $0xFFFF  }
0x237: {  	_ =	strace $0x9000004D  }
0x238: {  	[bflag:$0x2] =	sbarrier.arrive $0xFFFF  }
0x239: {  	p0 =	sne.s32 s15, $0x0;
	s0 =	rddreg [dreg:$0x1]  }
0x23a: {  	s0 =	sadd.s32 @!p0 $0x100000, s0  }
0x23b: {  	[sflag:s0] =	ssyncadd.tile.s32 @!p0 $0x1;
	_ =	shalt  }
.LBB2_1:
0x23c: {  	s23 =	simm.s32 $0xB80  }
.Ltmp3:
0x23d: {  	s31 =	simm.s32 $0xB00;
	s30 =	simm.s32 $0xA80;
	(pc) =	sbr.rel .LBB2_6-.Ltmp3, $4  }
0x23e: {  	s29 =	simm.s32 $0xA00;
	s28 =	simm.s32 $0x980;
	s26 =	simm.s32 $0x900  }
0x23f: {  	s25 =	simm.s32 $0x880;
	s24 =	simm.s32 $0x800;
	s22 =	simm.s32 $0xF00  }
0x240: {  	s21 =	simm.s32 $0xE80;
	s20 =	simm.s32 $0xE00;
	s19 =	simm.s32 $0xD80  }
0x241: {  	s18 =	simm.s32 $0xD00;
	s17 =	simm.s32 $0xC80;
	s16 =	simm.s32 $0xC00  }
.LBB2_3:
0x242: {  	s23 =	simm.s32 $0xB80;
	s31 =	simm.s32 $0xB00  }
.Ltmp4:
0x243: {  	s30 =	simm.s32 $0xA80;
	s29 =	simm.s32 $0xA00;
	(pc) =	sbr.rel .LBB2_6-.Ltmp4, $4  }
0x244: {  	s28 =	simm.s32 $0x980;
	s26 =	simm.s32 $0x900;
	s25 =	simm.s32 $0x880  }
0x245: {  	s24 =	simm.s32 $0x800;
	s22 =	simm.s32 $0xF00;
	s21 =	simm.s32 $0xE80  }
0x246: {  	s20 =	simm.s32 $0xE00;
	s19 =	simm.s32 $0xD80;
	s18 =	simm.s32 $0xD00  }
0x247: {  	s17 =	simm.s32 $0xC80;
	s16 =	simm.s32 $0xC00;
	s15 =	stileid.u32  }
.Lfunc_end2:
_tile_overlayer_lowered:
.L_overlay_start_2:
0x248: {  	(tag) =	ssettag $0x2  }
0x249: {  	s0 =	rddreg [dreg:$0x0];
	s2 =	stileid.u32  }
0x24a: {  	s1 =	rddreg [dreg:$0x1];
	p0 =	sne.s32 s2, $0x0  }
0x24b: {  	s3 =	rddreg [dreg:$0x2];
	[bflag:$0x3] =	sbarrier.arrive $0xFFFF;
	s2 =	simm.s32 @!p0 $0x1C02  }
0x24c: {  	[timem:s3], [sflag:s2] =	dma.local @!p0 [hbm:s0], s1  }
0x24d: {  	s0 =	simm.s32 @!p0 $0x2  }
0x24e: {  	_ =	swait.ge @!p0 [sflag:s0], s1  }
0x24f: {  	s1 =	ssub.s32 @!p0 $0x0, s1;
	[sflag:s0] =	ssyncset.done @!p0 $0x0  }
0x250: {  	[sflag:s0] =	ssyncadd.s32 @!p0 s1  }
0x251: {  	[bflag:$0x3] =	sbarrier.arrive $0xFFFF  }
0x252: {  	_ =	shalt  }

// kernel: kernel.23.cloned.1.call-start
scs
__scs_entry_jumppad:
0x0: {  	(pc) =	sbr.rel $0x88, $3  }
0x1: {  	(tag) =	ssettag $0x0;
	lr =	simm.s32 $0x1  }
0x2: {  	[smem:$0x3F93] =	sst lr;
	_ =	strace $0xD0000000  }
0x3: {  	_ = 	snop  }
0x4: {  	_ = 	snop  }
0x5: {  	_ = 	snop  }
0x6: {  	_ = 	snop  }
0x7: {  	_ = 	snop  }
__scs_overlays_trampoline_lowered:
0x8: {  	[smem:$0x3FA2] =	sst s0  }
0x9: {  	[smem:$0x3FA3] =	sst s1  }
0xa: {  	[smem:$0x3FA4] =	sst s2  }
0xb: {  	[smem:$0x3FA5] =	sst s3  }
0xc: {  	[smem:$0x3FA6] =	sst s4  }
0xd: {  	[smem:$0x3FA7] =	sst s5  }
0xe: {  	[smem:$0x3FA8] =	sst s6  }
0xf: {  	[smem:$0x3FA9] =	sst s7  }
0x10: {  	[smem:$0x3FAA] =	sst s8  }
0x11: {  	[smem:$0x3FAB] =	sst s9;
	s0 =	simm.s32 @!p0 $0x0  }
0x12: {  	s1 =	sld [smem:$0x3F91];
	s0 =	simm.s32 @p0 $0x1  }
0x13: {  	[smem:$0x3FAC] =	sst s0;
	s0 =	simm.s32 @!p1 $0x0  }
0x14: {  	s2 =	sld [smem:$0x3F90];
	s0 =	simm.s32 @p1 $0x1  }
0x15: {  	[smem:$0x3FAD] =	sst s0;
	s0 =	simm.s32 @!p2 $0x0  }
0x16: {  	s3 =	sld [smem:$0x3FDB];
	s0 =	simm.s32 @p2 $0x1  }
0x17: {  	s4 =	simm.s32 $0x1BF5;
	[smem:$0x3FAF] =	sst s0  }
0x18: {  	s0 =	sld [smem:$0x3F92];
	_ =	swait.ge [sflag:s4], $0x0  }
0x19: {  	s7 =	sld [smem:$0x3F93]  }
0x1a: {  	s8 =	sadd.s32 $0xFFFFE003, lr  }
0x1b: {  	s9 =	sadd.s32 $0xFFFFFEF7, lr;
	s5 =	simm.s32 $0xFFFFFFFF;
	p2 =	slt.u32 s8, $0xFFFFF086  }
0x1c: {  	p1 =	slt.u32 s9, $0xF7A;
	s5 =	simm.s32 @!p2 $0x0  }
0x1d: {  	s5 =	simm.s32 @p1 $0x1;
	p0 =	seq.s32 s7, s2  }
0x1e: {  	s7 =	smul.u32 @!p0 $0xF7A, s2;
	p2 =	seq.s32 @!p0 s5, $0x0  }
0x1f: {  	s9 =	smul.u32 $0xF7A, s1;
	s8 =	simm.s32 @!p0 $0x1BF5;
	p2 =	por !p2, p0  }
0x20: {  	[sflag:s8] =	ssyncset.s32 @!p0 $0xFFFFF086;
	s6 =	sadd.s32 @!p0 s3, s7;
	s7 =	simm.s32 @!p0 $0x108  }
0x21: {  	s3 =	sadd.s32 s3, s9;
	s6 =	sadd.s32 @!p0 $0x88, s6;
	s7 =	simm.s32 @p2 $0x1082  }
0x22: {  	[simem:s7], [sflag:s8] =	dma.local @!p0 [hbm:s6], $0xF7A  }
0x23: {  	s9 =	sor.u32 $0xD0000000, s2;
	s6 =	simm.s32 $0x108;
	_ =	swait.ge @!p0 [sflag:s8], $0x0  }
0x24: {  	s3 =	sadd.s32 $0x88, s3;
	s6 =	simm.s32 @!p1 $0x1082;
	[sflag:s4] =	ssyncset.s32 $0xFFFFF086  }
0x25: {  	[simem:s6], [sflag:s4] =	dma.local [hbm:s3], $0xF7A  }
0x26: {  	[smem:$0x3F93] =	sst s1;
	(tag) =	ssettag s2;
	_ =	strace s9  }
0x27: {  	s1 =	sld [smem:$0x3FA3]  }
0x28: {  	s2 =	sld [smem:$0x3FA4]  }
0x29: {  	s4 =	sld [smem:$0x3FA6]  }
0x2a: {  	p0 =	seq.s32 s5, $0x0;
	s5 =	sld [smem:$0x3FA7]  }
0x2b: {  	s6 =	sld [smem:$0x3FA8]  }
0x2c: {  	s7 =	sld [smem:$0x3FA9]  }
0x2d: {  	s3 =	simm.s32 $0x108;
	s8 =	sld [smem:$0x3FAA]  }
0x2e: {  	s3 =	simm.s32 @!p0 $0x1082;
	s9 =	sld [smem:$0x3FAB]  }
0x2f: {  	lr =	sadd.s32 s0, s3;
	s0 =	sld [smem:$0x3FA2]  }
0x30: {  	s3 =	sld [smem:$0x3FA5]  }
0x31: {  	[smem:$0x3FAE] =	sst s10  }
0x32: {  	s10 =	sld [smem:$0x3FAC];
	_ =	sdelay $0x3  }
0x33: {  	p0 =	seq.s32 s10, $0x1;
	s10 =	sld [smem:$0x3FAE];
	_ =	sdelay $0x3  }
0x34: {  	[smem:$0x3FAE] =	sst s10  }
0x35: {  	s10 =	sld [smem:$0x3FAD];
	_ =	sdelay $0x3  }
0x36: {  	p1 =	seq.s32 s10, $0x1;
	s10 =	sld [smem:$0x3FAE];
	_ =	sdelay $0x3  }
0x37: {  	[smem:$0x3FAE] =	sst s10  }
0x38: {  	s10 =	sld [smem:$0x3FAF]  }
0x39: {  	_ = 	snop;
	(pc) =	sbr.ind lr, $3  }
0x3a: {  	_ = 	snop  }
0x3b: {  	_ = 	snop  }
0x3c: {  	p2 =	seq.s32 s10, $0x1;
	s10 =	sld [smem:$0x3FAE]  }
0x3d: {  	_ =	shalt  }
0x3e: {  	_ =	shalt  }
0x3f: {  	_ =	shalt  }
0x40: {  	_ =	shalt  }
0x41: {  	_ =	shalt  }
0x42: {  	_ =	shalt  }
0x43: {  	_ =	shalt  }
0x44: {  	_ =	shalt  }
0x45: {  	_ =	shalt  }
0x46: {  	_ =	shalt  }
0x47: {  	_ =	shalt  }
0x48: {  	_ =	shalt  }
0x49: {  	_ =	shalt  }
0x4a: {  	_ =	shalt  }
0x4b: {  	_ =	shalt  }
0x4c: {  	_ =	shalt  }
0x4d: {  	_ =	shalt  }
0x4e: {  	_ =	shalt  }
0x4f: {  	_ =	shalt  }
0x50: {  	_ =	shalt  }
0x51: {  	_ =	shalt  }
0x52: {  	_ =	shalt  }
0x53: {  	_ =	shalt  }
0x54: {  	_ =	shalt  }
0x55: {  	_ =	shalt  }
0x56: {  	_ =	shalt  }
0x57: {  	_ =	shalt  }
0x58: {  	_ =	shalt  }
0x59: {  	_ =	shalt  }
0x5a: {  	_ =	shalt  }
0x5b: {  	_ =	shalt  }
0x5c: {  	_ =	shalt  }
0x5d: {  	_ =	shalt  }
0x5e: {  	_ =	shalt  }
0x5f: {  	_ =	shalt  }
0x60: {  	_ =	shalt  }
0x61: {  	_ =	shalt  }
0x62: {  	_ =	shalt  }
0x63: {  	_ =	shalt  }
0x64: {  	_ =	shalt  }
0x65: {  	_ =	shalt  }
0x66: {  	_ =	shalt  }
0x67: {  	_ =	shalt  }
0x68: {  	_ =	shalt  }
0x69: {  	_ =	shalt  }
0x6a: {  	_ =	shalt  }
0x6b: {  	_ =	shalt  }
0x6c: {  	_ =	shalt  }
0x6d: {  	_ =	shalt  }
0x6e: {  	_ =	shalt  }
0x6f: {  	_ =	shalt  }
0x70: {  	_ =	shalt  }
0x71: {  	_ =	shalt  }
0x72: {  	_ =	shalt  }
0x73: {  	_ =	shalt  }
0x74: {  	_ =	shalt  }
0x75: {  	_ =	shalt  }
0x76: {  	_ =	shalt  }
0x77: {  	_ =	shalt  }
0x78: {  	_ =	shalt  }
0x79: {  	_ =	shalt  }
0x7a: {  	_ =	shalt  }
0x7b: {  	_ =	shalt  }
0x7c: {  	_ =	shalt  }
0x7d: {  	_ =	shalt  }
0x7e: {  	_ =	shalt  }
0x7f: {  	_ =	shalt  }
0x80: {  	_ =	shalt  }
0x81: {  	_ =	shalt  }
0x82: {  	_ =	shalt  }
0x83: {  	_ =	shalt  }
0x84: {  	_ =	shalt  }
0x85: {  	_ =	shalt  }
0x86: {  	_ =	shalt  }
0x87: {  	_ =	shalt  }
.Lfunc_end0:
.L_simem_size_0:
called_computation.3_lowered:
.L_overlay_start_0:
0x88: {  	s2 =	sld [smem:$0x3FD9]  }
0x89: {  	s3 =	sld [smem:$0x3FFE];
	_ =	sdelay $0x1  }
0x8a: {  	s1 =	srdreg.scid  }
0x8b: {  	s0 =	sand.u32 $0x1, s1  }
0x8c: {  	s17 =	sshll.u32 s0, $0xA;
	s2 =	sadd.s32 s3, s2  }
0x8d: {  	s2 =	sadd.s32 s2, s17  }
0x8e: {  	[smem:$0x3FBA] =	sst s2  }
0x8f: {  	_ = 	snop  }
0x90: {  	(tm) =	ssettm $0x1  }
0x91: {  	s18 =	sld [smem:$0x3FFB];
	_ =	sdelay $0x3  }
0x92: {  	_ =	strace s18  }
0x93: {  	s2 =	sld [smem:$0x3FFC];
	_ =	sdelay $0x3  }
0x94: {  	_ =	strace s2  }
0x95: {  	s2 =	sld [smem:$0x3FFD];
	_ =	sdelay $0x3  }
0x96: {  	_ =	strace s2  }
0x97: {  	_ =	strace $0x8FFFFFFF  }
0x98: {  	s19 =	sld [smem:$0x3FDB];
	_ =	sdelay $0x1  }
0x99: {  	s20 =	simm.s32 $_scs_section_size  }
0x9a: {  	s4 =	simm.s32 $_size__tile_overlayer_lowered;
	s5 =	simm.s32 $_tile_overlayer_lowered  }
0x9b: {  	s6 =	simm.s32 $0x1BFF;
	s21 =	sshll.u32 s5, $0x1;
	s3 =	sadd.s32 s20, s19  }
0x9c: {  	s22 =	simm.s32 $0x0;
	s4 =	sshll.u32 s4, $0x1;
	s5 =	sadd.s32 s21, s3  }
0x9d: {  	[timem:s22], [sflag:s6] =	dma.local [hbm:s5], s4  }
0x9e: {  	_ =	swait.ge [sflag:s6], s4  }
0x9f: {  	s4 =	ssub.s32 $0x0, s4;
	[sflag:s6] =	ssyncset.done $0x0  }
0xa0: {  	[sflag:s6] =	ssyncadd.s32 s4;
	_ =	sdelay $0x1  }
0xa1: {  	s23 =	simm.s32 $0x1B8B  }
0xa2: {  	_ =	swait.ge [sflag:s23], $0x1  }
0xa3: {  	[sflag:s23] =	ssyncset.done $0x0  }
0xa4: {  	[sflag:s23] =	ssyncadd.s32 $0xFFFFFFFF  }
0xa5: {  	s4 =	sld [smem:$0x0]  }
0xa6: {  	s5 =	sand.u32 $0xFFFFFFFE, s1  }
0xa7: {  	p0 =	sne.s32 s1, s5  }
0xa8: {  	s5 =	sshll.u32 @p0 s5, $0xE  }
0xa9: {  	s5 =	sadd.s32 @p0 $0x11B8D, s5;
	s6 =	sshll.u32 @p0 s4, $0x11  }
0xaa: {  	s5 =	sor.u32 @p0 s6, s5  }
0xab: {  	[sflag:s5] =	ssyncadd.remote.s32 @p0 $0x1;
	_ =	sdelay $0x1  }
0xac: {  	s5 =	simm.s32 @p0 $0x1B8D  }
0xad: {  	_ =	swait.eq @p0 [sflag:s5], $0x1  }
0xae: {  	[sflag:s5] =	ssyncadd.s32 @p0 $0xFFFFFFFF  }
0xaf: {  	s6 =	sshll.u32 @!p0 s1, $0xE  }
0xb0: {  	s6 =	sor.u32 @!p0 $0x4000, s6;
	s5 =	simm.s32 @!p0 $0x1B8D  }
0xb1: {  	s4 =	sshll.u32 @!p0 s4, $0x11;
	s6 =	sadd.s32 @!p0 $0x11B8D, s6;
	_ =	swait.eq @!p0 [sflag:s5], $0x1  }
0xb2: {  	s4 =	sor.u32 @!p0 s4, s6;
	[sflag:s5] =	ssyncadd.s32 @!p0 $0xFFFFFFFF  }
0xb3: {  	s25 =	simm.s32 $0x1B8E;
	s24 =	sld [smem:$0x3FFE];
	[sflag:s4] =	ssyncadd.remote.s32 @!p0 $0x1  }
0xb4: {  	s26 =	simm.s32 $execute0_lowered;
	[smem:$0x3FD2] =	sst s25  }
0xb5: {  	s5 =	sshll.u32 s26, $0x1;
	_ =	strace $0x8000004F;
	[dreg:$0x1] =	wrdreg $0xFFFFFFFF  }
0xb6: {  	s28 =	simm.s32 $_size_execute0_lowered;
	s3 =	sadd.s32 s3, s5;
	[dreg:$0x0] =	wrdreg $0x0  }
0xb7: {  	s5 =	sshll.u32 s28, $0x1;
	[dreg:$0x2] =	wrdreg s3  }
0xb8: {  	[dreg:$0x3] =	wrdreg s5  }
0xb9: {  	[dreg:$0x4] =	wrdreg $0xC0  }
0xba: {  	_ =	task [dreg:s22], $0x5FFFF  }
0xbb: {  	[dreg:$0x1] =	wrdreg $0xFFFFFFFF  }
0xbc: {  	[dreg:$0x0] =	wrdreg $0x60  }
0xbd: {  	[dreg:$0x2] =	wrdreg s24  }
0xbe: {  	[dreg:$0x3] =	wrdreg $0xC  }
0xbf: {  	_ =	task.clear_ibuf [dreg:s22], $0x4FFFF;
	_ =	strace $0x9000004F  }
0xc0: {  	s29 =	simm.s32 $0xC;
	_ =	strace $0x80000051  }
0xc1: {  	_ =	swait.ge [sflag:s29], $0x1  }
0xc2: {  	[sflag:s29] =	ssyncadd.s32 $0xFFFFFFFF  }
0xc3: {  	_ =	strace $0x90000051  }
0xc4: {  	_ =	sfence  }
0xc5: {  	s30 =	sld [smem:$0x0];
	_ =	sdelay $0x2  }
0xc6: {  	s31 =	sshll.u32 s1, $0xD;
	s1 =	sshrl.u32 s1, $0x2  }
0xc7: {  	s4 =	sand.u32 $0x4000, s31;
	s1 =	sadd.s32 s1, s30  }
0xc8: {  	s0 =	sor.u32 s4, s0;
	s1 =	sshll.u32 s1, $0x11  }
0xc9: {  	s0 =	sor.u32 s1, s0  }
0xca: {  	s0 =	sadd.s32 $0x8F2B, s0  }
0xcb: {  	[sflag:s0] =	ssyncadd.remote.s32 $0x1  }
0xcc: {  	_ =	sfence.sel $0xFFFF  }
0xcd: {  	[dreg:$0x0] =	wrdreg $0xFFFFFFFF;
	(pc) =	sbr.abs _section_cstart, $3  }
0xce: {  	[dreg:$0x1] =	wrdreg $0xFFFFFFFF  }
0xcf: {  	_ =	task.clear_ibuf [dreg:s22], $0x2FFFF;
	_ =	strace $0x9FFFFFFF  }
0xd0: {  	(tm) =	ssettm $0x7FFFFFFF  }
0xd1: {  	_ =	shalt  }
tec
execute0_lowered:
.L_overlay_start_1:
0x0: {  	(tag) =	ssettag $0x1  }
0x1: {  	s0 =	srdreg.scid  }
0x2: {  	s15 =	stileid.u32;
	s3 =	rddreg [dreg:$0x0]  }
0x3: {  	s2 =	simm.s32 $0x0;
	s12 =	simm.s32 $0x100;
	s13 =	simm.s32 $0x180  }
0x4: {  	s14 =	simm.s32 $0x200;
	s16 =	simm.s32 $0x280;
	[smem:$0x7FF] =	sst s2  }
0x5: {  	s6 =	simm.s32 $0x80;
	_ =	strace $0x80000050;
	[dreg:$0x7] =	wrdreg s12  }
0x6: {  	s17 =	simm.s32 $0x300;
	s18 =	simm.s32 $0x380;
	[dreg:$0x8] =	wrdreg s13  }
0x7: {  	s19 =	simm.s32 $0x400;
	s20 =	simm.s32 $0x480;
	[dreg:$0x9] =	wrdreg s14  }
0x8: {  	s21 =	simm.s32 $0x500;
	s22 =	simm.s32 $0x580;
	[dreg:$0xa] =	wrdreg s16  }
0x9: {  	s23 =	simm.s32 $0x600;
	s24 =	simm.s32 $0x680;
	[dreg:$0xb] =	wrdreg s17  }
0xa: {  	s25 =	simm.s32 $0x700;
	s7 =	simm.s32 $0x1;
	[dreg:$0xc] =	wrdreg s18  }
0xb: {  	s26 =	simm.s32 $0x780;
	s28 =	simm.s32 $0x980;
	[dreg:$0xd] =	wrdreg s19  }
0xc: {  	s29 =	simm.s32 $0xA00;
	s30 =	simm.s32 $0xA80;
	[dreg:$0xe] =	wrdreg s20  }
0xd: {  	s31 =	simm.s32 $0xB00;
	p0 =	por $0x0, $0x0;
	[dreg:$0xf] =	wrdreg s21  }
0xe: {  	s0 =	sand.u32 $0x1, s0;
	s1 =	sshll.u32 s15, $0x1;
	[dreg:$0x10] =	wrdreg s22  }
0xf: {  	s5 =	sadd.s32 $0x567000, s3;
	s1 =	sor.u32 s0, s1;
	[dreg:$0x11] =	wrdreg s23  }
0x10: {  	s0 =	ssub.s32 $0x2, s0;
	s12 =	simm.s32 $0x3800;
	[dreg:$0x12] =	wrdreg s24  }
0x11: {  	s13 =	simm.s32 $0x4000;
	s14 =	simm.s32 $0x4800;
	[dreg:$0x13] =	wrdreg s25  }
0x12: {  	[dreg:$0x14] =	wrdreg s26;
	s25 =	simm.s32 $0x880;
	s26 =	simm.s32 $0x900  }
0x13: {  	s24 =	simm.s32 $0xB80;
	s16 =	simm.s32 $0xC00;
	s17 =	simm.s32 $0xC80  }
0x14: {  	s18 =	simm.s32 $0xD00;
	s19 =	simm.s32 $0xD80;
	s20 =	simm.s32 $0xE00  }
0x15: {  	s21 =	simm.s32 $0xE80;
	s22 =	simm.s32 $0xF00;
	s4 =	sshll.u32 s1, $0x9  }
0x16: {  	s1 =	sshll.u32 s1, $0xD;
	s11 =	sshrl.u32 s0, $0x1;
	s4 =	sadd.s32 s4, s3  }
0x17: {  	s1 =	sadd.s32 s1, s3;
	s0 =	ssub.s32 s0, s11;
	s4 =	sadd.s32 $0x18DC00, s4  }
0x18: {  	s8 =	sadd.s32 $0x6EDA00, s1;
	s0 =	smax.u32 s0, $0x1;
	[dreg:$0x2] =	wrdreg s4  }
0x19: {  	s9 =	sadd.s32 $0x6EE200, s1;
	[dreg:$0x3] =	wrdreg s8;
	p1 =	sne.s32 s0, $0x1  }
.Ltmp0:
0x1a: {  	s10 =	sadd.s32 $0x6EEA00, s1;
	[dreg:$0x4] =	wrdreg s9;
	(pc) =	sbr.rel @!p1 .LBB2_1-.Ltmp0, $4  }
0x1b: {  	s23 =	simm.s32 $0xF80;
	s1 =	sadd.s32 $0x6EF200, s1;
	[dreg:$0x5] =	wrdreg s10  }
0x1c: {  	s3 =	simm.s32 $0x2;
	s11 =	simm.s32 $0x3000;
	[dreg:$0x6] =	wrdreg s1  }
0x1d: {  	s4 =	simm.s32 $0x1000;
	s8 =	simm.s32 $0x1800;
	s9 =	simm.s32 $0x2000  }
0x1e: {  	s10 =	simm.s32 $0x2800;
	s1 =	sadd.s32 $0xFFFFFFFF, s0;
	s0 =	rddreg [dreg:$0x2]  }
0x1f: {  	[tilespmem:s2], [sflag:$0x2] =	stream.linear.gather [hbm4b:s0+s2], $0x1000, $0x38;
	[tilespmem:$0x5000] =	vst v63  }
0x20: {  	_ =	swait.ge [sflag:s3], $0x1000  }
0x21: {  	[sflag:s3] =	ssyncset.done $0x0  }
0x22: {  	[sflag:s3] =	ssyncadd.s32 $0xFFFFF000  }
0x23: {  	[tilespmem:s4], [sflag:$0x1] =	stream.indirect.gather [hbm4b:s5+s6], $0x10, s2, s6, $0xb8;
	[tilespmem:$0x5000] =	vst v63  }
0x24: {  	_ = 	snop  }
0x25: {  	[tilespmem:s8], [sflag:$0x1] =	stream.indirect.gather [hbm4b:s5+s6], $0x10, s6, s6, $0xb8;
	[tilespmem:$0x5000] =	vst v63  }
0x26: {  	s0 =	rddreg [dreg:$0x7]  }
0x27: {  	[tilespmem:s9], [sflag:$0x1] =	stream.indirect.gather [hbm4b:s5+s6], $0x10, s0, s6, $0xb8;
	[tilespmem:$0x5000] =	vst v63  }
0x28: {  	s15 =	smov.u32 s1;
	s1 =	rddreg [dreg:$0x8]  }
0x29: {  	[tilespmem:s10], [sflag:$0x1] =	stream.indirect.gather [hbm4b:s5+s6], $0x10, s1, s6, $0xb8;
	[tilespmem:$0x5000] =	vst v63  }
0x2a: {  	s0 =	rddreg [dreg:$0x9]  }
0x2b: {  	[tilespmem:s11], [sflag:$0x1] =	stream.indirect.gather [hbm4b:s5+s6], $0x10, s0, s6, $0xb8;
	[tilespmem:$0x5000] =	vst v63  }
0x2c: {  	s1 =	rddreg [dreg:$0xa]  }
0x2d: {  	[tilespmem:s12], [sflag:$0x1] =	stream.indirect.gather [hbm4b:s5+s6], $0x10, s1, s6, $0xb8;
	[tilespmem:$0x5000] =	vst v63  }
0x2e: {  	s0 =	rddreg [dreg:$0xb]  }
0x2f: {  	[tilespmem:s13], [sflag:$0x1] =	stream.indirect.gather [hbm4b:s5+s6], $0x10, s0, s6, $0xb8;
	[tilespmem:$0x5000] =	vst v63  }
0x30: {  	s1 =	rddreg [dreg:$0xc]  }
0x31: {  	[tilespmem:s14], [sflag:$0x1] =	stream.indirect.gather [hbm4b:s5+s6], $0x10, s1, s6, $0xb8;
	[tilespmem:$0x5000] =	vst v63  }
0x32: {  	_ =	swait.ge [sflag:s7], $0x800  }
0x33: {  	[sflag:s7] =	ssyncset.done $0x0  }
0x34: {  	[sflag:s7] =	ssyncadd.s32 $0xFFFFF800  }
0x35: {  	_ =	swait.ge [sflag:s7], $0x800  }
0x36: {  	[sflag:s7] =	ssyncset.done $0x0  }
0x37: {  	[sflag:s7] =	ssyncadd.s32 $0xFFFFF800  }
0x38: {  	_ =	swait.ge [sflag:s7], $0x800  }
0x39: {  	[sflag:s7] =	ssyncset.done $0x0  }
0x3a: {  	[sflag:s7] =	ssyncadd.s32 $0xFFFFF800  }
0x3b: {  	_ =	swait.ge [sflag:s7], $0x800  }
0x3c: {  	[sflag:s7] =	ssyncset.done $0x0  }
0x3d: {  	[sflag:s7] =	ssyncadd.s32 $0xFFFFF800  }
0x3e: {  	_ =	swait.ge [sflag:s7], $0x800  }
0x3f: {  	[sflag:s7] =	ssyncset.done $0x0  }
0x40: {  	[sflag:s7] =	ssyncadd.s32 $0xFFFFF800  }
0x41: {  	_ =	swait.ge [sflag:s7], $0x800  }
0x42: {  	[sflag:s7] =	ssyncset.done $0x0  }
0x43: {  	[sflag:s7] =	ssyncadd.s32 $0xFFFFF800  }
0x44: {  	_ =	swait.ge [sflag:s7], $0x800  }
0x45: {  	[sflag:s7] =	ssyncset.done $0x0  }
0x46: {  	[sflag:s7] =	ssyncadd.s32 $0xFFFFF800  }
0x47: {  	_ =	swait.ge [sflag:s7], $0x800  }
0x48: {  	[sflag:s7] =	ssyncset.done $0x0  }
0x49: {  	s1 =	rddreg [dreg:$0x3];
	[sflag:s7] =	ssyncadd.s32 $0xFFFFF800  }
0x4a: {  	[hbm4b:s1+s2] =	stream.linear.scatter [tilespmem:s4], [sflag:$0x2], $0x4000, $0x38;
	[tilespmem:$0x5000] =	vst v63  }
0x4b: {  	_ =	swait.ge [sflag:s3], $0x4000  }
0x4c: {  	[sflag:s3] =	ssyncset.done $0x0  }
0x4d: {  	s0 =	rddreg [dreg:$0xd];
	[sflag:s3] =	ssyncadd.s32 $0xFFFFC000  }
0x4e: {  	[tilespmem:s4], [sflag:$0x1] =	stream.indirect.gather [hbm4b:s5+s6], $0x10, s0, s6, $0xb8;
	[tilespmem:$0x5000] =	vst v63  }
0x4f: {  	s1 =	rddreg [dreg:$0xe]  }
0x50: {  	[tilespmem:s8], [sflag:$0x1] =	stream.indirect.gather [hbm4b:s5+s6], $0x10, s1, s6, $0xb8;
	[tilespmem:$0x5000] =	vst v63  }
0x51: {  	s0 =	rddreg [dreg:$0xf]  }
0x52: {  	[tilespmem:s9], [sflag:$0x1] =	stream.indirect.gather [hbm4b:s5+s6], $0x10, s0, s6, $0xb8;
	[tilespmem:$0x5000] =	vst v63  }
0x53: {  	s1 =	rddreg [dreg:$0x10]  }
0x54: {  	[tilespmem:s10], [sflag:$0x1] =	stream.indirect.gather [hbm4b:s5+s6], $0x10, s1, s6, $0xb8;
	[tilespmem:$0x5000] =	vst v63  }
0x55: {  	s0 =	rddreg [dreg:$0x11]  }
0x56: {  	[tilespmem:s11], [sflag:$0x1] =	stream.indirect.gather [hbm4b:s5+s6], $0x10, s0, s6, $0xb8;
	[tilespmem:$0x5000] =	vst v63  }
0x57: {  	s1 =	rddreg [dreg:$0x12]  }
0x58: {  	[tilespmem:s12], [sflag:$0x1] =	stream.indirect.gather [hbm4b:s5+s6], $0x10, s1, s6, $0xb8;
	[tilespmem:$0x5000] =	vst v63  }
0x59: {  	s0 =	rddreg [dreg:$0x13]  }
0x5a: {  	[tilespmem:s13], [sflag:$0x1] =	stream.indirect.gather [hbm4b:s5+s6], $0x10, s0, s6, $0xb8;
	[tilespmem:$0x5000] =	vst v63  }
0x5b: {  	s1 =	rddreg [dreg:$0x14]  }
0x5c: {  	[tilespmem:s14], [sflag:$0x1] =	stream.indirect.gather [hbm4b:s5+s6], $0x10, s1, s6, $0xb8;
	[tilespmem:$0x5000] =	vst v63  }
0x5d: {  	_ =	swait.ge [sflag:s7], $0x800  }
0x5e: {  	[sflag:s7] =	ssyncset.done $0x0  }
0x5f: {  	[sflag:s7] =	ssyncadd.s32 $0xFFFFF800  }
0x60: {  	_ =	swait.ge [sflag:s7], $0x800  }
0x61: {  	[sflag:s7] =	ssyncset.done $0x0  }
0x62: {  	[sflag:s7] =	ssyncadd.s32 $0xFFFFF800  }
0x63: {  	_ =	swait.ge [sflag:s7], $0x800  }
0x64: {  	[sflag:s7] =	ssyncset.done $0x0  }
0x65: {  	[sflag:s7] =	ssyncadd.s32 $0xFFFFF800  }
0x66: {  	_ =	swait.ge [sflag:s7], $0x800  }
0x67: {  	[sflag:s7] =	ssyncset.done $0x0  }
0x68: {  	[sflag:s7] =	ssyncadd.s32 $0xFFFFF800  }
0x69: {  	_ =	swait.ge [sflag:s7], $0x800  }
0x6a: {  	[sflag:s7] =	ssyncset.done $0x0  }
0x6b: {  	[sflag:s7] =	ssyncadd.s32 $0xFFFFF800  }
0x6c: {  	_ =	swait.ge [sflag:s7], $0x800  }
0x6d: {  	[sflag:s7] =	ssyncset.done $0x0  }
0x6e: {  	[sflag:s7] =	ssyncadd.s32 $0xFFFFF800  }
0x6f: {  	_ =	swait.ge [sflag:s7], $0x800  }
0x70: {  	[sflag:s7] =	ssyncset.done $0x0  }
0x71: {  	[sflag:s7] =	ssyncadd.s32 $0xFFFFF800  }
0x72: {  	_ =	swait.ge [sflag:s7], $0x800  }
0x73: {  	[sflag:s7] =	ssyncset.done $0x0  }
0x74: {  	s1 =	rddreg [dreg:$0x4];
	[sflag:s7] =	ssyncadd.s32 $0xFFFFF800  }
0x75: {  	[hbm4b:s1+s2] =	stream.linear.scatter [tilespmem:s4], [sflag:$0x2], $0x4000, $0x38;
	[tilespmem:$0x5000] =	vst v63  }
0x76: {  	_ =	swait.ge [sflag:s3], $0x4000  }
0x77: {  	[sflag:s3] =	ssyncset.done $0x0  }
0x78: {  	s1 =	simm.s32 $0x800;
	[sflag:s3] =	ssyncadd.s32 $0xFFFFC000  }
0x79: {  	[tilespmem:s4], [sflag:$0x1] =	stream.indirect.gather [hbm4b:s5+s6], $0x10, s1, s6, $0xb8;
	[tilespmem:$0x5000] =	vst v63  }
0x7a: {  	_ = 	snop  }
0x7b: {  	[tilespmem:s8], [sflag:$0x1] =	stream.indirect.gather [hbm4b:s5+s6], $0x10, s25, s6, $0xb8;
	[tilespmem:$0x5000] =	vst v63  }
0x7c: {  	_ = 	snop  }
0x7d: {  	[tilespmem:s9], [sflag:$0x1] =	stream.indirect.gather [hbm4b:s5+s6], $0x10, s26, s6, $0xb8;
	[tilespmem:$0x5000] =	vst v63  }
0x7e: {  	_ = 	snop  }
0x7f: {  	[tilespmem:s10], [sflag:$0x1] =	stream.indirect.gather [hbm4b:s5+s6], $0x10, s28, s6, $0xb8;
	[tilespmem:$0x5000] =	vst v63  }
0x80: {  	_ = 	snop  }
0x81: {  	[tilespmem:s11], [sflag:$0x1] =	stream.indirect.gather [hbm4b:s5+s6], $0x10, s29, s6, $0xb8;
	[tilespmem:$0x5000] =	vst v63  }
0x82: {  	_ = 	snop  }
0x83: {  	[tilespmem:s12], [sflag:$0x1] =	stream.indirect.gather [hbm4b:s5+s6], $0x10, s30, s6, $0xb8;
	[tilespmem:$0x5000] =	vst v63  }
0x84: {  	_ = 	snop  }
0x85: {  	[tilespmem:s13], [sflag:$0x1] =	stream.indirect.gather [hbm4b:s5+s6], $0x10, s31, s6, $0xb8;
	[tilespmem:$0x5000] =	vst v63  }
0x86: {  	_ = 	snop  }
0x87: {  	[tilespmem:s14], [sflag:$0x1] =	stream.indirect.gather [hbm4b:s5+s6], $0x10, s24, s6, $0xb8;
	[tilespmem:$0x5000] =	vst v63  }
0x88: {  	_ =	swait.ge [sflag:s7], $0x800  }
0x89: {  	[sflag:s7] =	ssyncset.done $0x0  }
0x8a: {  	[sflag:s7] =	ssyncadd.s32 $0xFFFFF800  }
0x8b: {  	_ =	swait.ge [sflag:s7], $0x800  }
0x8c: {  	[sflag:s7] =	ssyncset.done $0x0  }
0x8d: {  	[sflag:s7] =	ssyncadd.s32 $0xFFFFF800  }
0x8e: {  	_ =	swait.ge [sflag:s7], $0x800  }
0x8f: {  	[sflag:s7] =	ssyncset.done $0x0  }
0x90: {  	[sflag:s7] =	ssyncadd.s32 $0xFFFFF800  }
0x91: {  	_ =	swait.ge [sflag:s7], $0x800  }
0x92: {  	[sflag:s7] =	ssyncset.done $0x0  }
0x93: {  	[sflag:s7] =	ssyncadd.s32 $0xFFFFF800  }
0x94: {  	_ =	swait.ge [sflag:s7], $0x800  }
0x95: {  	[sflag:s7] =	ssyncset.done $0x0  }
0x96: {  	[sflag:s7] =	ssyncadd.s32 $0xFFFFF800  }
0x97: {  	_ =	swait.ge [sflag:s7], $0x800  }
0x98: {  	[sflag:s7] =	ssyncset.done $0x0  }
0x99: {  	[sflag:s7] =	ssyncadd.s32 $0xFFFFF800  }
0x9a: {  	_ =	swait.ge [sflag:s7], $0x800  }
0x9b: {  	[sflag:s7] =	ssyncset.done $0x0  }
0x9c: {  	[sflag:s7] =	ssyncadd.s32 $0xFFFFF800  }
0x9d: {  	_ =	swait.ge [sflag:s7], $0x800  }
0x9e: {  	[sflag:s7] =	ssyncset.done $0x0  }
0x9f: {  	s1 =	rddreg [dreg:$0x5];
	[sflag:s7] =	ssyncadd.s32 $0xFFFFF800  }
0xa0: {  	[hbm4b:s1+s2] =	stream.linear.scatter [tilespmem:s4], [sflag:$0x2], $0x4000, $0x38;
	[tilespmem:$0x5000] =	vst v63  }
0xa1: {  	_ =	swait.ge [sflag:s3], $0x4000  }
0xa2: {  	[sflag:s3] =	ssyncset.done $0x0  }
0xa3: {  	[sflag:s3] =	ssyncadd.s32 $0xFFFFC000  }
0xa4: {  	[tilespmem:s4], [sflag:$0x1] =	stream.indirect.gather [hbm4b:s5+s6], $0x10, s16, s6, $0xb8;
	[tilespmem:$0x5000] =	vst v63  }
0xa5: {  	_ = 	snop  }
0xa6: {  	[tilespmem:s8], [sflag:$0x1] =	stream.indirect.gather [hbm4b:s5+s6], $0x10, s17, s6, $0xb8;
	[tilespmem:$0x5000] =	vst v63  }
0xa7: {  	_ = 	snop  }
0xa8: {  	[tilespmem:s9], [sflag:$0x1] =	stream.indirect.gather [hbm4b:s5+s6], $0x10, s18, s6, $0xb8;
	[tilespmem:$0x5000] =	vst v63  }
0xa9: {  	_ = 	snop  }
0xaa: {  	[tilespmem:s10], [sflag:$0x1] =	stream.indirect.gather [hbm4b:s5+s6], $0x10, s19, s6, $0xb8;
	[tilespmem:$0x5000] =	vst v63  }
0xab: {  	_ = 	snop  }
0xac: {  	[tilespmem:s11], [sflag:$0x1] =	stream.indirect.gather [hbm4b:s5+s6], $0x10, s20, s6, $0xb8;
	[tilespmem:$0x5000] =	vst v63  }
0xad: {  	_ = 	snop  }
0xae: {  	[tilespmem:s12], [sflag:$0x1] =	stream.indirect.gather [hbm4b:s5+s6], $0x10, s21, s6, $0xb8;
	[tilespmem:$0x5000] =	vst v63  }
0xaf: {  	_ = 	snop  }
0xb0: {  	[tilespmem:s13], [sflag:$0x1] =	stream.indirect.gather [hbm4b:s5+s6], $0x10, s22, s6, $0xb8;
	[tilespmem:$0x5000] =	vst v63  }
0xb1: {  	_ = 	snop  }
0xb2: {  	[tilespmem:s14], [sflag:$0x1] =	stream.indirect.gather [hbm4b:s5+s6], $0x10, s23, s6, $0xb8;
	[tilespmem:$0x5000] =	vst v63  }
0xb3: {  	_ =	swait.ge [sflag:s7], $0x800  }
0xb4: {  	[sflag:s7] =	ssyncset.done $0x0  }
0xb5: {  	[sflag:s7] =	ssyncadd.s32 $0xFFFFF800  }
0xb6: {  	_ =	swait.ge [sflag:s7], $0x800  }
0xb7: {  	[sflag:s7] =	ssyncset.done $0x0  }
0xb8: {  	[sflag:s7] =	ssyncadd.s32 $0xFFFFF800  }
0xb9: {  	_ =	swait.ge [sflag:s7], $0x800  }
0xba: {  	[sflag:s7] =	ssyncset.done $0x0  }
0xbb: {  	[sflag:s7] =	ssyncadd.s32 $0xFFFFF800  }
0xbc: {  	_ =	swait.ge [sflag:s7], $0x800  }
0xbd: {  	[sflag:s7] =	ssyncset.done $0x0  }
0xbe: {  	[sflag:s7] =	ssyncadd.s32 $0xFFFFF800  }
0xbf: {  	_ =	swait.ge [sflag:s7], $0x800  }
0xc0: {  	[sflag:s7] =	ssyncset.done $0x0  }
0xc1: {  	[sflag:s7] =	ssyncadd.s32 $0xFFFFF800  }
0xc2: {  	_ =	swait.ge [sflag:s7], $0x800  }
0xc3: {  	[sflag:s7] =	ssyncset.done $0x0  }
0xc4: {  	[sflag:s7] =	ssyncadd.s32 $0xFFFFF800  }
0xc5: {  	_ =	swait.ge [sflag:s7], $0x800  }
0xc6: {  	[sflag:s7] =	ssyncset.done $0x0  }
0xc7: {  	[sflag:s7] =	ssyncadd.s32 $0xFFFFF800  }
0xc8: {  	p1 =	sne.s32 s15, $0x1;
	_ =	swait.ge [sflag:s7], $0x800  }
.Ltmp1:
0xc9: {  	[sflag:s7] =	ssyncset.done $0x0;
	(pc) =	sbr.rel @!p1 .LBB2_3-.Ltmp1, $4  }
0xca: {  	s1 =	rddreg [dreg:$0x6];
	[sflag:s7] =	ssyncadd.s32 $0xFFFFF800  }
0xcb: {  	[hbm4b:s1+s2] =	stream.linear.scatter [tilespmem:s4], [sflag:$0x2], $0x4000, $0x38;
	[tilespmem:$0x5000] =	vst v63  }
0xcc: {  	p0 =	por $0x1, $0x1;
	_ =	swait.ge [sflag:s3], $0x4000  }
0xcd: {  	s1 =	sadd.s32 $0xFFFFFFFF, s15;
	s0 =	rddreg [dreg:$0x2];
	[sflag:s3] =	ssyncset.done $0x0  }
.LBB2_4:
0xce: {  	[sflag:s3] =	ssyncadd.s32 $0xFFFFC000  }
0xcf: {  	[tilespmem:s2], [sflag:$0x2] =	stream.linear.gather [hbm4b:s0+s2], $0x1000, $0x38;
	[tilespmem:$0x5000] =	vst v63  }
0xd0: {  	_ =	swait.ge [sflag:s3], $0x1000  }
0xd1: {  	[sflag:s3] =	ssyncset.done $0x0  }
0xd2: {  	[sflag:s3] =	ssyncadd.s32 $0xFFFFF000  }
0xd3: {  	[tilespmem:s4], [sflag:$0x1] =	stream.indirect.gather [hbm4b:s5+s6], $0x10, s2, s6, $0xb8;
	[tilespmem:$0x5000] =	vst v63  }
0xd4: {  	_ = 	snop  }
0xd5: {  	[tilespmem:s8], [sflag:$0x1] =	stream.indirect.gather [hbm4b:s5+s6], $0x10, s6, s6, $0xb8;
	[tilespmem:$0x5000] =	vst v63  }
0xd6: {  	s0 =	rddreg [dreg:$0x7]  }
0xd7: {  	[tilespmem:s9], [sflag:$0x1] =	stream.indirect.gather [hbm4b:s5+s6], $0x10, s0, s6, $0xb8;
	[tilespmem:$0x5000] =	vst v63  }
0xd8: {  	s15 =	rddreg [dreg:$0x8]  }
0xd9: {  	[tilespmem:s10], [sflag:$0x1] =	stream.indirect.gather [hbm4b:s5+s6], $0x10, s15, s6, $0xb8;
	[tilespmem:$0x5000] =	vst v63  }
0xda: {  	s0 =	rddreg [dreg:$0x9]  }
0xdb: {  	[tilespmem:s11], [sflag:$0x1] =	stream.indirect.gather [hbm4b:s5+s6], $0x10, s0, s6, $0xb8;
	[tilespmem:$0x5000] =	vst v63  }
0xdc: {  	s15 =	rddreg [dreg:$0xa]  }
0xdd: {  	[tilespmem:s12], [sflag:$0x1] =	stream.indirect.gather [hbm4b:s5+s6], $0x10, s15, s6, $0xb8;
	[tilespmem:$0x5000] =	vst v63  }
0xde: {  	s0 =	rddreg [dreg:$0xb]  }
0xdf: {  	[tilespmem:s13], [sflag:$0x1] =	stream.indirect.gather [hbm4b:s5+s6], $0x10, s0, s6, $0xb8;
	[tilespmem:$0x5000] =	vst v63  }
0xe0: {  	s15 =	rddreg [dreg:$0xc]  }
0xe1: {  	[tilespmem:s14], [sflag:$0x1] =	stream.indirect.gather [hbm4b:s5+s6], $0x10, s15, s6, $0xb8;
	[tilespmem:$0x5000] =	vst v63  }
0xe2: {  	_ =	swait.ge [sflag:s7], $0x800  }
0xe3: {  	[sflag:s7] =	ssyncset.done $0x0  }
0xe4: {  	[sflag:s7] =	ssyncadd.s32 $0xFFFFF800  }
0xe5: {  	_ =	swait.ge [sflag:s7], $0x800  }
0xe6: {  	[sflag:s7] =	ssyncset.done $0x0  }
0xe7: {  	[sflag:s7] =	ssyncadd.s32 $0xFFFFF800  }
0xe8: {  	_ =	swait.ge [sflag:s7], $0x800  }
0xe9: {  	[sflag:s7] =	ssyncset.done $0x0  }
0xea: {  	[sflag:s7] =	ssyncadd.s32 $0xFFFFF800  }
0xeb: {  	_ =	swait.ge [sflag:s7], $0x800  }
0xec: {  	[sflag:s7] =	ssyncset.done $0x0  }
0xed: {  	[sflag:s7] =	ssyncadd.s32 $0xFFFFF800  }
0xee: {  	_ =	swait.ge [sflag:s7], $0x800  }
0xef: {  	[sflag:s7] =	ssyncset.done $0x0  }
0xf0: {  	[sflag:s7] =	ssyncadd.s32 $0xFFFFF800  }
0xf1: {  	_ =	swait.ge [sflag:s7], $0x800  }
0xf2: {  	[sflag:s7] =	ssyncset.done $0x0  }
0xf3: {  	[sflag:s7] =	ssyncadd.s32 $0xFFFFF800  }
0xf4: {  	_ =	swait.ge [sflag:s7], $0x800  }
0xf5: {  	[sflag:s7] =	ssyncset.done $0x0  }
0xf6: {  	[sflag:s7] =	ssyncadd.s32 $0xFFFFF800  }
0xf7: {  	_ =	swait.ge [sflag:s7], $0x800  }
0xf8: {  	[sflag:s7] =	ssyncset.done $0x0  }
0xf9: {  	s15 =	rddreg [dreg:$0x3];
	[sflag:s7] =	ssyncadd.s32 $0xFFFFF800  }
0xfa: {  	[hbm4b:s15+s2] =	stream.linear.scatter [tilespmem:s4], [sflag:$0x2], $0x4000, $0x38;
	[tilespmem:$0x5000] =	vst v63  }
0xfb: {  	_ =	swait.ge [sflag:s3], $0x4000  }
0xfc: {  	[sflag:s3] =	ssyncset.done $0x0  }
0xfd: {  	s0 =	rddreg [dreg:$0xd];
	[sflag:s3] =	ssyncadd.s32 $0xFFFFC000  }
0xfe: {  	[tilespmem:s4], [sflag:$0x1] =	stream.indirect.gather [hbm4b:s5+s6], $0x10, s0, s6, $0xb8;
	[tilespmem:$0x5000] =	vst v63  }
0xff: {  	s15 =	rddreg [dreg:$0xe]  }
0x100: {  	[tilespmem:s8], [sflag:$0x1] =	stream.indirect.gather [hbm4b:s5+s6], $0x10, s15, s6, $0xb8;
	[tilespmem:$0x5000] =	vst v63  }
0x101: {  	s0 =	rddreg [dreg:$0xf]  }
0x102: {  	[tilespmem:s9], [sflag:$0x1] =	stream.indirect.gather [hbm4b:s5+s6], $0x10, s0, s6, $0xb8;
	[tilespmem:$0x5000] =	vst v63  }
0x103: {  	s15 =	rddreg [dreg:$0x10]  }
0x104: {  	[tilespmem:s10], [sflag:$0x1] =	stream.indirect.gather [hbm4b:s5+s6], $0x10, s15, s6, $0xb8;
	[tilespmem:$0x5000] =	vst v63  }
0x105: {  	s0 =	rddreg [dreg:$0x11]  }
0x106: {  	[tilespmem:s11], [sflag:$0x1] =	stream.indirect.gather [hbm4b:s5+s6], $0x10, s0, s6, $0xb8;
	[tilespmem:$0x5000] =	vst v63  }
0x107: {  	s15 =	rddreg [dreg:$0x12]  }
0x108: {  	[tilespmem:s12], [sflag:$0x1] =	stream.indirect.gather [hbm4b:s5+s6], $0x10, s15, s6, $0xb8;
	[tilespmem:$0x5000] =	vst v63  }
0x109: {  	s0 =	rddreg [dreg:$0x13]  }
0x10a: {  	[tilespmem:s13], [sflag:$0x1] =	stream.indirect.gather [hbm4b:s5+s6], $0x10, s0, s6, $0xb8;
	[tilespmem:$0x5000] =	vst v63  }
0x10b: {  	s15 =	rddreg [dreg:$0x14]  }
0x10c: {  	[tilespmem:s14], [sflag:$0x1] =	stream.indirect.gather [hbm4b:s5+s6], $0x10, s15, s6, $0xb8;
	[tilespmem:$0x5000] =	vst v63  }
0x10d: {  	_ =	swait.ge [sflag:s7], $0x800  }
0x10e: {  	[sflag:s7] =	ssyncset.done $0x0  }
0x10f: {  	[sflag:s7] =	ssyncadd.s32 $0xFFFFF800  }
0x110: {  	_ =	swait.ge [sflag:s7], $0x800  }
0x111: {  	[sflag:s7] =	ssyncset.done $0x0  }
0x112: {  	[sflag:s7] =	ssyncadd.s32 $0xFFFFF800  }
0x113: {  	_ =	swait.ge [sflag:s7], $0x800  }
0x114: {  	[sflag:s7] =	ssyncset.done $0x0  }
0x115: {  	[sflag:s7] =	ssyncadd.s32 $0xFFFFF800  }
0x116: {  	_ =	swait.ge [sflag:s7], $0x800  }
0x117: {  	[sflag:s7] =	ssyncset.done $0x0  }
0x118: {  	[sflag:s7] =	ssyncadd.s32 $0xFFFFF800  }
0x119: {  	_ =	swait.ge [sflag:s7], $0x800  }
0x11a: {  	[sflag:s7] =	ssyncset.done $0x0  }
0x11b: {  	[sflag:s7] =	ssyncadd.s32 $0xFFFFF800  }
0x11c: {  	_ =	swait.ge [sflag:s7], $0x800  }
0x11d: {  	[sflag:s7] =	ssyncset.done $0x0  }
0x11e: {  	[sflag:s7] =	ssyncadd.s32 $0xFFFFF800  }
0x11f: {  	_ =	swait.ge [sflag:s7], $0x800  }
0x120: {  	[sflag:s7] =	ssyncset.done $0x0  }
0x121: {  	[sflag:s7] =	ssyncadd.s32 $0xFFFFF800  }
0x122: {  	_ =	swait.ge [sflag:s7], $0x800  }
0x123: {  	[sflag:s7] =	ssyncset.done $0x0  }
0x124: {  	s15 =	rddreg [dreg:$0x4];
	[sflag:s7] =	ssyncadd.s32 $0xFFFFF800  }
0x125: {  	[hbm4b:s15+s2] =	stream.linear.scatter [tilespmem:s4], [sflag:$0x2], $0x4000, $0x38;
	[tilespmem:$0x5000] =	vst v63  }
0x126: {  	_ =	swait.ge [sflag:s3], $0x4000  }
0x127: {  	[sflag:s3] =	ssyncset.done $0x0  }
0x128: {  	s15 =	simm.s32 $0x800;
	[sflag:s3] =	ssyncadd.s32 $0xFFFFC000  }
0x129: {  	[tilespmem:s4], [sflag:$0x1] =	stream.indirect.gather [hbm4b:s5+s6], $0x10, s15, s6, $0xb8;
	[tilespmem:$0x5000] =	vst v63  }
0x12a: {  	_ = 	snop  }
0x12b: {  	[tilespmem:s8], [sflag:$0x1] =	stream.indirect.gather [hbm4b:s5+s6], $0x10, s25, s6, $0xb8;
	[tilespmem:$0x5000] =	vst v63  }
0x12c: {  	_ = 	snop  }
0x12d: {  	[tilespmem:s9], [sflag:$0x1] =	stream.indirect.gather [hbm4b:s5+s6], $0x10, s26, s6, $0xb8;
	[tilespmem:$0x5000] =	vst v63  }
0x12e: {  	_ = 	snop  }
0x12f: {  	[tilespmem:s10], [sflag:$0x1] =	stream.indirect.gather [hbm4b:s5+s6], $0x10, s28, s6, $0xb8;
	[tilespmem:$0x5000] =	vst v63  }
0x130: {  	_ = 	snop  }
0x131: {  	[tilespmem:s11], [sflag:$0x1] =	stream.indirect.gather [hbm4b:s5+s6], $0x10, s29, s6, $0xb8;
	[tilespmem:$0x5000] =	vst v63  }
0x132: {  	_ = 	snop  }
0x133: {  	[tilespmem:s12], [sflag:$0x1] =	stream.indirect.gather [hbm4b:s5+s6], $0x10, s30, s6, $0xb8;
	[tilespmem:$0x5000] =	vst v63  }
0x134: {  	_ = 	snop  }
0x135: {  	[tilespmem:s13], [sflag:$0x1] =	stream.indirect.gather [hbm4b:s5+s6], $0x10, s31, s6, $0xb8;
	[tilespmem:$0x5000] =	vst v63  }
0x136: {  	_ = 	snop  }
0x137: {  	[tilespmem:s14], [sflag:$0x1] =	stream.indirect.gather [hbm4b:s5+s6], $0x10, s24, s6, $0xb8;
	[tilespmem:$0x5000] =	vst v63  }
0x138: {  	_ =	swait.ge [sflag:s7], $0x800  }
0x139: {  	[sflag:s7] =	ssyncset.done $0x0  }
0x13a: {  	[sflag:s7] =	ssyncadd.s32 $0xFFFFF800  }
0x13b: {  	_ =	swait.ge [sflag:s7], $0x800  }
0x13c: {  	[sflag:s7] =	ssyncset.done $0x0  }
0x13d: {  	[sflag:s7] =	ssyncadd.s32 $0xFFFFF800  }
0x13e: {  	_ =	swait.ge [sflag:s7], $0x800  }
0x13f: {  	[sflag:s7] =	ssyncset.done $0x0  }
0x140: {  	[sflag:s7] =	ssyncadd.s32 $0xFFFFF800  }
0x141: {  	_ =	swait.ge [sflag:s7], $0x800  }
0x142: {  	[sflag:s7] =	ssyncset.done $0x0  }
0x143: {  	[sflag:s7] =	ssyncadd.s32 $0xFFFFF800  }
0x144: {  	_ =	swait.ge [sflag:s7], $0x800  }
0x145: {  	[sflag:s7] =	ssyncset.done $0x0  }
0x146: {  	[sflag:s7] =	ssyncadd.s32 $0xFFFFF800  }
0x147: {  	_ =	swait.ge [sflag:s7], $0x800  }
0x148: {  	[sflag:s7] =	ssyncset.done $0x0  }
0x149: {  	[sflag:s7] =	ssyncadd.s32 $0xFFFFF800  }
0x14a: {  	_ =	swait.ge [sflag:s7], $0x800  }
0x14b: {  	[sflag:s7] =	ssyncset.done $0x0  }
0x14c: {  	[sflag:s7] =	ssyncadd.s32 $0xFFFFF800  }
0x14d: {  	_ =	swait.ge [sflag:s7], $0x800  }
0x14e: {  	[sflag:s7] =	ssyncset.done $0x0  }
0x14f: {  	s15 =	rddreg [dreg:$0x5];
	[sflag:s7] =	ssyncadd.s32 $0xFFFFF800  }
0x150: {  	[hbm4b:s15+s2] =	stream.linear.scatter [tilespmem:s4], [sflag:$0x2], $0x4000, $0x38;
	[tilespmem:$0x5000] =	vst v63  }
0x151: {  	_ =	swait.ge [sflag:s3], $0x4000  }
0x152: {  	[sflag:s3] =	ssyncset.done $0x0  }
0x153: {  	[sflag:s3] =	ssyncadd.s32 $0xFFFFC000  }
0x154: {  	[tilespmem:s4], [sflag:$0x1] =	stream.indirect.gather [hbm4b:s5+s6], $0x10, s16, s6, $0xb8;
	[tilespmem:$0x5000] =	vst v63  }
0x155: {  	_ = 	snop  }
0x156: {  	[tilespmem:s8], [sflag:$0x1] =	stream.indirect.gather [hbm4b:s5+s6], $0x10, s17, s6, $0xb8;
	[tilespmem:$0x5000] =	vst v63  }
0x157: {  	_ = 	snop  }
0x158: {  	[tilespmem:s9], [sflag:$0x1] =	stream.indirect.gather [hbm4b:s5+s6], $0x10, s18, s6, $0xb8;
	[tilespmem:$0x5000] =	vst v63  }
0x159: {  	_ = 	snop  }
0x15a: {  	[tilespmem:s10], [sflag:$0x1] =	stream.indirect.gather [hbm4b:s5+s6], $0x10, s19, s6, $0xb8;
	[tilespmem:$0x5000] =	vst v63  }
0x15b: {  	_ = 	snop  }
0x15c: {  	[tilespmem:s11], [sflag:$0x1] =	stream.indirect.gather [hbm4b:s5+s6], $0x10, s20, s6, $0xb8;
	[tilespmem:$0x5000] =	vst v63  }
0x15d: {  	_ = 	snop  }
0x15e: {  	[tilespmem:s12], [sflag:$0x1] =	stream.indirect.gather [hbm4b:s5+s6], $0x10, s21, s6, $0xb8;
	[tilespmem:$0x5000] =	vst v63  }
0x15f: {  	_ = 	snop  }
0x160: {  	[tilespmem:s13], [sflag:$0x1] =	stream.indirect.gather [hbm4b:s5+s6], $0x10, s22, s6, $0xb8;
	[tilespmem:$0x5000] =	vst v63  }
0x161: {  	_ = 	snop  }
0x162: {  	[tilespmem:s14], [sflag:$0x1] =	stream.indirect.gather [hbm4b:s5+s6], $0x10, s23, s6, $0xb8;
	[tilespmem:$0x5000] =	vst v63  }
0x163: {  	_ =	swait.ge [sflag:s7], $0x800  }
0x164: {  	[sflag:s7] =	ssyncset.done $0x0  }
0x165: {  	[sflag:s7] =	ssyncadd.s32 $0xFFFFF800  }
0x166: {  	_ =	swait.ge [sflag:s7], $0x800  }
0x167: {  	[sflag:s7] =	ssyncset.done $0x0  }
0x168: {  	[sflag:s7] =	ssyncadd.s32 $0xFFFFF800  }
0x169: {  	_ =	swait.ge [sflag:s7], $0x800  }
0x16a: {  	[sflag:s7] =	ssyncset.done $0x0  }
0x16b: {  	[sflag:s7] =	ssyncadd.s32 $0xFFFFF800  }
0x16c: {  	_ =	swait.ge [sflag:s7], $0x800  }
0x16d: {  	[sflag:s7] =	ssyncset.done $0x0  }
0x16e: {  	[sflag:s7] =	ssyncadd.s32 $0xFFFFF800  }
0x16f: {  	_ =	swait.ge [sflag:s7], $0x800  }
0x170: {  	[sflag:s7] =	ssyncset.done $0x0  }
0x171: {  	[sflag:s7] =	ssyncadd.s32 $0xFFFFF800  }
0x172: {  	_ =	swait.ge [sflag:s7], $0x800  }
0x173: {  	[sflag:s7] =	ssyncset.done $0x0  }
0x174: {  	[sflag:s7] =	ssyncadd.s32 $0xFFFFF800  }
0x175: {  	_ =	swait.ge [sflag:s7], $0x800  }
0x176: {  	[sflag:s7] =	ssyncset.done $0x0  }
0x177: {  	[sflag:s7] =	ssyncadd.s32 $0xFFFFF800  }
0x178: {  	p1 =	sne.s32 s1, $0x1;
	_ =	swait.ge [sflag:s7], $0x800  }
.Ltmp2:
0x179: {  	[sflag:s7] =	ssyncset.done $0x0;
	(pc) =	sbr.rel @p1 .LBB2_4-.Ltmp2, $4  }
0x17a: {  	s15 =	rddreg [dreg:$0x6];
	[sflag:s7] =	ssyncadd.s32 $0xFFFFF800  }
0x17b: {  	[hbm4b:s15+s2] =	stream.linear.scatter [tilespmem:s4], [sflag:$0x2], $0x4000, $0x38;
	[tilespmem:$0x5000] =	vst v63  }
0x17c: {  	_ =	swait.ge [sflag:s3], $0x4000  }
0x17d: {  	s1 =	sadd.s32 $0xFFFFFFFF, s1;
	s0 =	rddreg [dreg:$0x2];
	[sflag:s3] =	ssyncset.done $0x0  }
0x17e: {  	s23 =	simm.s32 $0xB80  }
0x17f: {  	s31 =	simm.s32 $0xB00;
	s30 =	simm.s32 $0xA80;
	s29 =	simm.s32 $0xA00  }
0x180: {  	s28 =	simm.s32 $0x980;
	s26 =	simm.s32 $0x900;
	s25 =	simm.s32 $0x880  }
0x181: {  	s24 =	simm.s32 $0x800;
	s22 =	simm.s32 $0xF00;
	s21 =	simm.s32 $0xE80  }
0x182: {  	s20 =	simm.s32 $0xE00;
	s19 =	simm.s32 $0xD80;
	s18 =	simm.s32 $0xD00  }
0x183: {  	s17 =	simm.s32 $0xC80;
	s16 =	simm.s32 $0xC00;
	s15 =	stileid.u32  }
.LBB2_6:
0x184: {  	[sflag:s3] =	ssyncadd.s32 @p0 $0xFFFFC000  }
0x185: {  	[tilespmem:s2], [sflag:$0x2] =	stream.linear.gather [hbm4b:s0+s2], $0x1000, $0x38;
	[tilespmem:$0x5000] =	vst v63  }
0x186: {  	_ =	swait.ge [sflag:s3], $0x1000  }
0x187: {  	[sflag:s3] =	ssyncset.done $0x0  }
0x188: {  	[sflag:s3] =	ssyncadd.s32 $0xFFFFF000  }
0x189: {  	[tilespmem:s4], [sflag:$0x1] =	stream.indirect.gather [hbm4b:s5+s6], $0x10, s2, s6, $0xb8;
	[tilespmem:$0x5000] =	vst v63  }
0x18a: {  	_ = 	snop  }
0x18b: {  	[tilespmem:s8], [sflag:$0x1] =	stream.indirect.gather [hbm4b:s5+s6], $0x10, s6, s6, $0xb8;
	[tilespmem:$0x5000] =	vst v63  }
0x18c: {  	s0 =	rddreg [dreg:$0x7]  }
0x18d: {  	[tilespmem:s9], [sflag:$0x1] =	stream.indirect.gather [hbm4b:s5+s6], $0x10, s0, s6, $0xb8;
	[tilespmem:$0x5000] =	vst v63  }
0x18e: {  	s1 =	rddreg [dreg:$0x8]  }
0x18f: {  	[tilespmem:s10], [sflag:$0x1] =	stream.indirect.gather [hbm4b:s5+s6], $0x10, s1, s6, $0xb8;
	[tilespmem:$0x5000] =	vst v63  }
0x190: {  	s0 =	rddreg [dreg:$0x9]  }
0x191: {  	[tilespmem:s11], [sflag:$0x1] =	stream.indirect.gather [hbm4b:s5+s6], $0x10, s0, s6, $0xb8;
	[tilespmem:$0x5000] =	vst v63  }
0x192: {  	s1 =	rddreg [dreg:$0xa]  }
0x193: {  	[tilespmem:s12], [sflag:$0x1] =	stream.indirect.gather [hbm4b:s5+s6], $0x10, s1, s6, $0xb8;
	[tilespmem:$0x5000] =	vst v63  }
0x194: {  	s0 =	rddreg [dreg:$0xb]  }
0x195: {  	[tilespmem:s13], [sflag:$0x1] =	stream.indirect.gather [hbm4b:s5+s6], $0x10, s0, s6, $0xb8;
	[tilespmem:$0x5000] =	vst v63  }
0x196: {  	s1 =	rddreg [dreg:$0xc]  }
0x197: {  	[tilespmem:s14], [sflag:$0x1] =	stream.indirect.gather [hbm4b:s5+s6], $0x10, s1, s6, $0xb8;
	[tilespmem:$0x5000] =	vst v63  }
0x198: {  	_ =	swait.ge [sflag:s7], $0x800  }
0x199: {  	[sflag:s7] =	ssyncset.done $0x0  }
0x19a: {  	[sflag:s7] =	ssyncadd.s32 $0xFFFFF800  }
0x19b: {  	_ =	swait.ge [sflag:s7], $0x800  }
0x19c: {  	[sflag:s7] =	ssyncset.done $0x0  }
0x19d: {  	[sflag:s7] =	ssyncadd.s32 $0xFFFFF800  }
0x19e: {  	_ =	swait.ge [sflag:s7], $0x800  }
0x19f: {  	[sflag:s7] =	ssyncset.done $0x0  }
0x1a0: {  	[sflag:s7] =	ssyncadd.s32 $0xFFFFF800  }
0x1a1: {  	_ =	swait.ge [sflag:s7], $0x800  }
0x1a2: {  	[sflag:s7] =	ssyncset.done $0x0  }
0x1a3: {  	[sflag:s7] =	ssyncadd.s32 $0xFFFFF800  }
0x1a4: {  	_ =	swait.ge [sflag:s7], $0x800  }
0x1a5: {  	[sflag:s7] =	ssyncset.done $0x0  }
0x1a6: {  	[sflag:s7] =	ssyncadd.s32 $0xFFFFF800  }
0x1a7: {  	_ =	swait.ge [sflag:s7], $0x800  }
0x1a8: {  	[sflag:s7] =	ssyncset.done $0x0  }
0x1a9: {  	[sflag:s7] =	ssyncadd.s32 $0xFFFFF800  }
0x1aa: {  	_ =	swait.ge [sflag:s7], $0x800  }
0x1ab: {  	[sflag:s7] =	ssyncset.done $0x0  }
0x1ac: {  	[sflag:s7] =	ssyncadd.s32 $0xFFFFF800  }
0x1ad: {  	_ =	swait.ge [sflag:s7], $0x800  }
0x1ae: {  	[sflag:s7] =	ssyncset.done $0x0  }
0x1af: {  	s1 =	rddreg [dreg:$0x3];
	[sflag:s7] =	ssyncadd.s32 $0xFFFFF800  }
0x1b0: {  	[hbm4b:s1+s2] =	stream.linear.scatter [tilespmem:s4], [sflag:$0x2], $0x4000, $0x38;
	[tilespmem:$0x5000] =	vst v63  }
0x1b1: {  	_ =	swait.ge [sflag:s3], $0x4000  }
0x1b2: {  	[sflag:s3] =	ssyncset.done $0x0  }
0x1b3: {  	s0 =	rddreg [dreg:$0xd];
	[sflag:s3] =	ssyncadd.s32 $0xFFFFC000  }
0x1b4: {  	[tilespmem:s4], [sflag:$0x1] =	stream.indirect.gather [hbm4b:s5+s6], $0x10, s0, s6, $0xb8;
	[tilespmem:$0x5000] =	vst v63  }
0x1b5: {  	s1 =	rddreg [dreg:$0xe]  }
0x1b6: {  	[tilespmem:s8], [sflag:$0x1] =	stream.indirect.gather [hbm4b:s5+s6], $0x10, s1, s6, $0xb8;
	[tilespmem:$0x5000] =	vst v63  }
0x1b7: {  	s0 =	rddreg [dreg:$0xf]  }
0x1b8: {  	[tilespmem:s9], [sflag:$0x1] =	stream.indirect.gather [hbm4b:s5+s6], $0x10, s0, s6, $0xb8;
	[tilespmem:$0x5000] =	vst v63  }
0x1b9: {  	s1 =	rddreg [dreg:$0x10]  }
0x1ba: {  	[tilespmem:s10], [sflag:$0x1] =	stream.indirect.gather [hbm4b:s5+s6], $0x10, s1, s6, $0xb8;
	[tilespmem:$0x5000] =	vst v63  }
0x1bb: {  	s0 =	rddreg [dreg:$0x11]  }
0x1bc: {  	[tilespmem:s11], [sflag:$0x1] =	stream.indirect.gather [hbm4b:s5+s6], $0x10, s0, s6, $0xb8;
	[tilespmem:$0x5000] =	vst v63  }
0x1bd: {  	s1 =	rddreg [dreg:$0x12]  }
0x1be: {  	[tilespmem:s12], [sflag:$0x1] =	stream.indirect.gather [hbm4b:s5+s6], $0x10, s1, s6, $0xb8;
	[tilespmem:$0x5000] =	vst v63  }
0x1bf: {  	s0 =	rddreg [dreg:$0x13]  }
0x1c0: {  	[tilespmem:s13], [sflag:$0x1] =	stream.indirect.gather [hbm4b:s5+s6], $0x10, s0, s6, $0xb8;
	[tilespmem:$0x5000] =	vst v63  }
0x1c1: {  	s1 =	rddreg [dreg:$0x14]  }
0x1c2: {  	[tilespmem:s14], [sflag:$0x1] =	stream.indirect.gather [hbm4b:s5+s6], $0x10, s1, s6, $0xb8;
	[tilespmem:$0x5000] =	vst v63  }
0x1c3: {  	_ =	swait.ge [sflag:s7], $0x800  }
0x1c4: {  	[sflag:s7] =	ssyncset.done $0x0  }
0x1c5: {  	[sflag:s7] =	ssyncadd.s32 $0xFFFFF800  }
0x1c6: {  	_ =	swait.ge [sflag:s7], $0x800  }
0x1c7: {  	[sflag:s7] =	ssyncset.done $0x0  }
0x1c8: {  	[sflag:s7] =	ssyncadd.s32 $0xFFFFF800  }
0x1c9: {  	_ =	swait.ge [sflag:s7], $0x800  }
0x1ca: {  	[sflag:s7] =	ssyncset.done $0x0  }
0x1cb: {  	[sflag:s7] =	ssyncadd.s32 $0xFFFFF800  }
0x1cc: {  	_ =	swait.ge [sflag:s7], $0x800  }
0x1cd: {  	[sflag:s7] =	ssyncset.done $0x0  }
0x1ce: {  	[sflag:s7] =	ssyncadd.s32 $0xFFFFF800  }
0x1cf: {  	_ =	swait.ge [sflag:s7], $0x800  }
0x1d0: {  	[sflag:s7] =	ssyncset.done $0x0  }
0x1d1: {  	[sflag:s7] =	ssyncadd.s32 $0xFFFFF800  }
0x1d2: {  	_ =	swait.ge [sflag:s7], $0x800  }
0x1d3: {  	[sflag:s7] =	ssyncset.done $0x0  }
0x1d4: {  	[sflag:s7] =	ssyncadd.s32 $0xFFFFF800  }
0x1d5: {  	_ =	swait.ge [sflag:s7], $0x800  }
0x1d6: {  	[sflag:s7] =	ssyncset.done $0x0  }
0x1d7: {  	[sflag:s7] =	ssyncadd.s32 $0xFFFFF800  }
0x1d8: {  	_ =	swait.ge [sflag:s7], $0x800  }
0x1d9: {  	[sflag:s7] =	ssyncset.done $0x0  }
0x1da: {  	s1 =	rddreg [dreg:$0x4];
	[sflag:s7] =	ssyncadd.s32 $0xFFFFF800  }
0x1db: {  	[hbm4b:s1+s2] =	stream.linear.scatter [tilespmem:s4], [sflag:$0x2], $0x4000, $0x38;
	[tilespmem:$0x5000] =	vst v63  }
0x1dc: {  	_ =	swait.ge [sflag:s3], $0x4000  }
0x1dd: {  	[sflag:s3] =	ssyncset.done $0x0  }
0x1de: {  	[sflag:s3] =	ssyncadd.s32 $0xFFFFC000  }
0x1df: {  	[tilespmem:s4], [sflag:$0x1] =	stream.indirect.gather [hbm4b:s5+s6], $0x10, s24, s6, $0xb8;
	[tilespmem:$0x5000] =	vst v63  }
0x1e0: {  	_ = 	snop  }
0x1e1: {  	[tilespmem:s8], [sflag:$0x1] =	stream.indirect.gather [hbm4b:s5+s6], $0x10, s25, s6, $0xb8;
	[tilespmem:$0x5000] =	vst v63  }
0x1e2: {  	_ = 	snop  }
0x1e3: {  	[tilespmem:s9], [sflag:$0x1] =	stream.indirect.gather [hbm4b:s5+s6], $0x10, s26, s6, $0xb8;
	[tilespmem:$0x5000] =	vst v63  }
0x1e4: {  	_ = 	snop  }
0x1e5: {  	[tilespmem:s10], [sflag:$0x1] =	stream.indirect.gather [hbm4b:s5+s6], $0x10, s28, s6, $0xb8;
	[tilespmem:$0x5000] =	vst v63  }
0x1e6: {  	_ = 	snop  }
0x1e7: {  	[tilespmem:s11], [sflag:$0x1] =	stream.indirect.gather [hbm4b:s5+s6], $0x10, s29, s6, $0xb8;
	[tilespmem:$0x5000] =	vst v63  }
0x1e8: {  	_ = 	snop  }
0x1e9: {  	[tilespmem:s12], [sflag:$0x1] =	stream.indirect.gather [hbm4b:s5+s6], $0x10, s30, s6, $0xb8;
	[tilespmem:$0x5000] =	vst v63  }
0x1ea: {  	_ = 	snop  }
0x1eb: {  	[tilespmem:s13], [sflag:$0x1] =	stream.indirect.gather [hbm4b:s5+s6], $0x10, s31, s6, $0xb8;
	[tilespmem:$0x5000] =	vst v63  }
0x1ec: {  	_ = 	snop  }
0x1ed: {  	[tilespmem:s14], [sflag:$0x1] =	stream.indirect.gather [hbm4b:s5+s6], $0x10, s23, s6, $0xb8;
	[tilespmem:$0x5000] =	vst v63  }
0x1ee: {  	_ =	swait.ge [sflag:s7], $0x800  }
0x1ef: {  	[sflag:s7] =	ssyncset.done $0x0  }
0x1f0: {  	[sflag:s7] =	ssyncadd.s32 $0xFFFFF800  }
0x1f1: {  	_ =	swait.ge [sflag:s7], $0x800  }
0x1f2: {  	[sflag:s7] =	ssyncset.done $0x0  }
0x1f3: {  	[sflag:s7] =	ssyncadd.s32 $0xFFFFF800  }
0x1f4: {  	_ =	swait.ge [sflag:s7], $0x800  }
0x1f5: {  	[sflag:s7] =	ssyncset.done $0x0  }
0x1f6: {  	[sflag:s7] =	ssyncadd.s32 $0xFFFFF800  }
0x1f7: {  	_ =	swait.ge [sflag:s7], $0x800  }
0x1f8: {  	[sflag:s7] =	ssyncset.done $0x0  }
0x1f9: {  	[sflag:s7] =	ssyncadd.s32 $0xFFFFF800  }
0x1fa: {  	_ =	swait.ge [sflag:s7], $0x800  }
0x1fb: {  	[sflag:s7] =	ssyncset.done $0x0  }
0x1fc: {  	[sflag:s7] =	ssyncadd.s32 $0xFFFFF800  }
0x1fd: {  	_ =	swait.ge [sflag:s7], $0x800  }
0x1fe: {  	[sflag:s7] =	ssyncset.done $0x0  }
0x1ff: {  	[sflag:s7] =	ssyncadd.s32 $0xFFFFF800  }
0x200: {  	_ =	swait.ge [sflag:s7], $0x800  }
0x201: {  	[sflag:s7] =	ssyncset.done $0x0  }
0x202: {  	[sflag:s7] =	ssyncadd.s32 $0xFFFFF800  }
0x203: {  	_ =	swait.ge [sflag:s7], $0x800  }
0x204: {  	[sflag:s7] =	ssyncset.done $0x0  }
0x205: {  	s29 =	rddreg [dreg:$0x5];
	[sflag:s7] =	ssyncadd.s32 $0xFFFFF800  }
0x206: {  	[hbm4b:s29+s2] =	stream.linear.scatter [tilespmem:s4], [sflag:$0x2], $0x4000, $0x38;
	[tilespmem:$0x5000] =	vst v63  }
0x207: {  	_ =	swait.ge [sflag:s3], $0x4000  }
0x208: {  	[sflag:s3] =	ssyncset.done $0x0  }
0x209: {  	[sflag:s3] =	ssyncadd.s32 $0xFFFFC000  }
0x20a: {  	[tilespmem:s4], [sflag:$0x1] =	stream.indirect.gather [hbm4b:s5+s6], $0x10, s16, s6, $0xb8;
	[tilespmem:$0x5000] =	vst v63  }
0x20b: {  	_ = 	snop  }
0x20c: {  	[tilespmem:s8], [sflag:$0x1] =	stream.indirect.gather [hbm4b:s5+s6], $0x10, s17, s6, $0xb8;
	[tilespmem:$0x5000] =	vst v63  }
0x20d: {  	_ = 	snop  }
0x20e: {  	[tilespmem:s9], [sflag:$0x1] =	stream.indirect.gather [hbm4b:s5+s6], $0x10, s18, s6, $0xb8;
	[tilespmem:$0x5000] =	vst v63  }
0x20f: {  	_ = 	snop  }
0x210: {  	[tilespmem:s10], [sflag:$0x1] =	stream.indirect.gather [hbm4b:s5+s6], $0x10, s19, s6, $0xb8;
	[tilespmem:$0x5000] =	vst v63  }
0x211: {  	_ = 	snop  }
0x212: {  	[tilespmem:s11], [sflag:$0x1] =	stream.indirect.gather [hbm4b:s5+s6], $0x10, s20, s6, $0xb8;
	[tilespmem:$0x5000] =	vst v63  }
0x213: {  	_ = 	snop  }
0x214: {  	[tilespmem:s12], [sflag:$0x1] =	stream.indirect.gather [hbm4b:s5+s6], $0x10, s21, s6, $0xb8;
	[tilespmem:$0x5000] =	vst v63  }
0x215: {  	_ = 	snop  }
0x216: {  	[tilespmem:s13], [sflag:$0x1] =	stream.indirect.gather [hbm4b:s5+s6], $0x10, s22, s6, $0xb8;
	[tilespmem:$0x5000] =	vst v63  }
0x217: {  	s30 =	simm.s32 $0xF80  }
0x218: {  	[tilespmem:s14], [sflag:$0x1] =	stream.indirect.gather [hbm4b:s5+s6], $0x10, s30, s6, $0xb8;
	[tilespmem:$0x5000] =	vst v63  }
0x219: {  	_ =	swait.ge [sflag:s7], $0x800  }
0x21a: {  	[sflag:s7] =	ssyncset.done $0x0  }
0x21b: {  	[sflag:s7] =	ssyncadd.s32 $0xFFFFF800  }
0x21c: {  	_ =	swait.ge [sflag:s7], $0x800  }
0x21d: {  	[sflag:s7] =	ssyncset.done $0x0  }
0x21e: {  	[sflag:s7] =	ssyncadd.s32 $0xFFFFF800  }
0x21f: {  	_ =	swait.ge [sflag:s7], $0x800  }
0x220: {  	[sflag:s7] =	ssyncset.done $0x0  }
0x221: {  	[sflag:s7] =	ssyncadd.s32 $0xFFFFF800  }
0x222: {  	_ =	swait.ge [sflag:s7], $0x800  }
0x223: {  	[sflag:s7] =	ssyncset.done $0x0  }
0x224: {  	[sflag:s7] =	ssyncadd.s32 $0xFFFFF800  }
0x225: {  	_ =	swait.ge [sflag:s7], $0x800  }
0x226: {  	[sflag:s7] =	ssyncset.done $0x0  }
0x227: {  	[sflag:s7] =	ssyncadd.s32 $0xFFFFF800  }
0x228: {  	_ =	swait.ge [sflag:s7], $0x800  }
0x229: {  	[sflag:s7] =	ssyncset.done $0x0  }
0x22a: {  	[sflag:s7] =	ssyncadd.s32 $0xFFFFF800  }
0x22b: {  	_ =	swait.ge [sflag:s7], $0x800  }
0x22c: {  	[sflag:s7] =	ssyncset.done $0x0  }
0x22d: {  	[sflag:s7] =	ssyncadd.s32 $0xFFFFF800  }
0x22e: {  	_ =	swait.ge [sflag:s7], $0x800  }
0x22f: {  	[sflag:s7] =	ssyncset.done $0x0  }
0x230: {  	s31 =	rddreg [dreg:$0x6];
	[sflag:s7] =	ssyncadd.s32 $0xFFFFF800  }
0x231: {  	[hbm4b:s31+s2] =	stream.linear.scatter [tilespmem:s4], [sflag:$0x2], $0x4000, $0x38;
	[tilespmem:$0x5000] =	vst v63  }
0x232: {  	_ =	swait.ge [sflag:s3], $0x4000  }
0x233: {  	[sflag:s3] =	ssyncset.done $0x0  }
0x234: {  	[sflag:s3] =	ssyncadd.s32 $0xFFFFC000  }
0x235: {  	_ =	sfence.sel $0x180000  }
0x236: {  	[bflag:$0x0] =	sbarrier.arrive $0xFFFF  }
0x237: {  	_ =	strace $0x90000050  }
0x238: {  	[bflag:$0x2] =	sbarrier.arrive $0xFFFF  }
0x239: {  	p0 =	sne.s32 s15, $0x0;
	s0 =	rddreg [dreg:$0x1]  }
0x23a: {  	s0 =	sadd.s32 @!p0 $0x100000, s0  }
0x23b: {  	[sflag:s0] =	ssyncadd.tile.s32 @!p0 $0x1;
	_ =	shalt  }
.LBB2_1:
0x23c: {  	s23 =	simm.s32 $0xB80  }
.Ltmp3:
0x23d: {  	s31 =	simm.s32 $0xB00;
	s30 =	simm.s32 $0xA80;
	(pc) =	sbr.rel .LBB2_6-.Ltmp3, $4  }
0x23e: {  	s29 =	simm.s32 $0xA00;
	s28 =	simm.s32 $0x980;
	s26 =	simm.s32 $0x900  }
0x23f: {  	s25 =	simm.s32 $0x880;
	s24 =	simm.s32 $0x800;
	s22 =	simm.s32 $0xF00  }
0x240: {  	s21 =	simm.s32 $0xE80;
	s20 =	simm.s32 $0xE00;
	s19 =	simm.s32 $0xD80  }
0x241: {  	s18 =	simm.s32 $0xD00;
	s17 =	simm.s32 $0xC80;
	s16 =	simm.s32 $0xC00  }
.LBB2_3:
0x242: {  	s23 =	simm.s32 $0xB80;
	s31 =	simm.s32 $0xB00  }
.Ltmp4:
0x243: {  	s30 =	simm.s32 $0xA80;
	s29 =	simm.s32 $0xA00;
	(pc) =	sbr.rel .LBB2_6-.Ltmp4, $4  }
0x244: {  	s28 =	simm.s32 $0x980;
	s26 =	simm.s32 $0x900;
	s25 =	simm.s32 $0x880  }
0x245: {  	s24 =	simm.s32 $0x800;
	s22 =	simm.s32 $0xF00;
	s21 =	simm.s32 $0xE80  }
0x246: {  	s20 =	simm.s32 $0xE00;
	s19 =	simm.s32 $0xD80;
	s18 =	simm.s32 $0xD00  }
0x247: {  	s17 =	simm.s32 $0xC80;
	s16 =	simm.s32 $0xC00;
	s15 =	stileid.u32  }
.Lfunc_end2:
_tile_overlayer_lowered:
.L_overlay_start_2:
0x248: {  	(tag) =	ssettag $0x2  }
0x249: {  	s0 =	rddreg [dreg:$0x0];
	s2 =	stileid.u32  }
0x24a: {  	s1 =	rddreg [dreg:$0x1];
	p0 =	sne.s32 s2, $0x0  }
0x24b: {  	s3 =	rddreg [dreg:$0x2];
	[bflag:$0x3] =	sbarrier.arrive $0xFFFF;
	s2 =	simm.s32 @!p0 $0x1C02  }
0x24c: {  	[timem:s3], [sflag:s2] =	dma.local @!p0 [hbm:s0], s1  }
0x24d: {  	s0 =	simm.s32 @!p0 $0x2  }
0x24e: {  	_ =	swait.ge @!p0 [sflag:s0], s1  }
0x24f: {  	s1 =	ssub.s32 @!p0 $0x0, s1;
	[sflag:s0] =	ssyncset.done @!p0 $0x0  }
0x250: {  	[sflag:s0] =	ssyncadd.s32 @!p0 s1  }
0x251: {  	[bflag:$0x3] =	sbarrier.arrive $0xFFFF  }
0x252: {  	_ =	shalt  }

</sc_bundles>
